<compile_context>
chip_gen: v7x
topology: tpu7x:2x2x1
jax: 0.10.2.dev20260603
libtpu: 0.0.44.dev20260713+nightly
codegen_flags: <defaults>
</compile_context>

<pallas_src>
import math

import jax
import jax.numpy as jnp
from jax import lax
from jax.experimental import pallas as pl
from jax.experimental.pallas import tpu as pltpu
from jax.experimental.pallas import tpu_sc as plsc

NUM_WAYS = 2
NUM_STEPS = 3
N_TILES = 16
CHUNK = 512
SUBG = 128
NSUBG = CHUNK // SUBG
SUBS = 64
NSUBS = CHUNK // SUBS
NSLOT = 4


def _relmix_body(q_ref, qwh_ref, mask_ref, Wm_ref, bm_ref, Wst_ref, bst_ref,
                 Wrel_ref, brel_ref, imp_ref, temp_ref, qmT_ref, wr16_ref):
    q = q_ref[...]
    qwh = qwh_ref[...]
    mask = mask_ref[...]
    temp = temp_ref[0, 0]
    qmT_ref[...] = (q @ Wm_ref[...] + bm_ref[...]).T
    W = Wst_ref[0, 0]
    b = bst_ref[0, 0]
    cq = jnp.tanh(q @ W + b)
    ql = jnp.sum(cq[:, None, :] * qwh, axis=2) / temp
    qd = jax.nn.softmax(ql, axis=1) * mask
    qd = qd / (jnp.sum(qd, axis=1, keepdims=True) + 1e-6)
    ctx = jnp.sum(qd[:, :, None] * qwh, axis=1)
    rl = ctx @ Wrel_ref[0] + brel_ref[0]
    rd = jax.nn.softmax(rl, axis=1)
    wr = rd * imp_ref[...]
    wrt = wr.T
    wr16_ref[0, 0] = jnp.concatenate([wrt, wrt], axis=1)


def _direct_body(emb_ref, qmT_ref, headsT_ref, enh16_ref, sums_ref):
    k = pl.program_id(0)
    d = emb_ref.shape[1]
    z = (emb_ref[...] @ qmT_ref[...]) * (1.0 / math.sqrt(d))
    dt = jax.nn.sigmoid(z)
    enh = headsT_ref[...] * (1.0 + 0.3 * dt)
    e16 = jnp.concatenate([enh, enh], axis=1)
    enh16_ref[...] = e16

    @pl.when(k == 0)
    def _():
        sums_ref[...] = jnp.zeros_like(sums_ref)

    sums_ref[...] += jnp.sum(e16, axis=0, keepdims=True)


def _combine_body(probs_ref, q_ref, Whop_ref, bhop_ref, outT_ref):
    q = q_ref[...]
    h0 = jax.nn.softmax(q @ Whop_ref[0] + bhop_ref[0], axis=1)
    h1 = jax.nn.softmax(q @ Whop_ref[1] + bhop_ref[1], axis=1)
    wgt = 0.5 * jnp.concatenate([h0.T, h1.T], axis=0)
    p = probs_ref[...]
    p8 = jnp.concatenate([p[1:4], p[5:8]], axis=0)[:, :, :8]
    outT_ref[...] = jnp.sum(p8 * wgt[:, None, :], axis=0)


def _make_sc_kernel(E, T, R):
    rp = E // N_TILES
    tpt = T // N_TILES
    nch = tpt // CHUNK

    def body(enh16_h, sums_h, wr3_h, subj_h, rel3_h, obj2_h, eall_h,
             acc_tab, wr_tab, mx_tab, idx_s, idx_o, idx_r, egbuf,
             rgbuf, nbuf, stage8, sumbuf, mxall, isem, gsem, ssem):
        c = lax.axis_index("c")
        s = lax.axis_index("s")
        row0 = pl.multiple_of(s * rp, 8)
        tri0 = pl.multiple_of(s * tpt, 8)
        zval = jnp.zeros((16,), jnp.float32)

        @pl.when(s == 0)
        def _():
            pltpu.sync_copy(wr3_h.at[c], wr_tab)

        pltpu.sync_copy(sums_h, sumbuf)
        hs = sumbuf[0, :]
        hs = jnp.where(hs > 0.0, hs, 1.0)
        hinv = 1.0 / hs
        pltpu.sync_copy(enh16_h.at[pl.ds(row0, rp)], nbuf)

        @plsc.parallel_loop(0, rp, unroll=8)
        def scale0(j):
            nbuf[j, :] = nbuf[j, :] * hinv
        e0_off = pl.multiple_of(c * NSLOT * E + row0, 8)
        pltpu.sync_copy(nbuf, eall_h.at[pl.ds(e0_off, rp)])

        def zero_nbuf():
            @plsc.parallel_loop(0, rp, unroll=8)
            def zero(j):
                nbuf[j, :] = zval

        zero_nbuf()
        pltpu.sync_copy(nbuf, acc_tab.at[pl.ds(row0, rp)])
        plsc.subcore_barrier()

        nvec = CHUNK // 16
        for t in range(NUM_STEPS):

            def chunk(g, _):
                t0 = pl.multiple_of(tri0 + g * CHUNK, 8)
                di = [
                    pltpu.async_copy(subj_h.at[pl.ds(t0, CHUNK)], idx_s,
                                     isem),
                    pltpu.async_copy(rel3_h.at[pl.ds(t * T + t0, CHUNK)],
                                     idx_r, isem),
                    pltpu.async_copy(
                        obj2_h.at[pl.ds(pl.multiple_of(t0 // SUBS, 8),
                                        NSUBS)], idx_o, isem),
                ]
                for d in di:
                    d.wait()
                src_base = (c * NSLOT + t) * E

                @plsc.parallel_loop(0, nvec, unroll=4)
                def shift(i):
                    sl = pl.ds(pl.multiple_of(i * 16, 8), 16)
                    idx_s[sl] = idx_s[sl] + src_base
                dg = []
                for j in range(NSUBG):
                    dg.append(pltpu.async_copy(
                        eall_h.at[idx_s.at[pl.ds(j * SUBG, SUBG)]],
                        egbuf.at[pl.ds(j * SUBG, SUBG)], gsem))
                for j in range(NSUBG):
                    pltpu.sync_copy(wr_tab.at[idx_r.at[pl.ds(j * SUBG, SUBG)]],
                                    rgbuf.at[pl.ds(j * SUBG, SUBG)])
                for d in dg:
                    d.wait()

                @plsc.parallel_loop(0, CHUNK, unroll=8)
                def mul(m):
                    egbuf[m, :] = egbuf[m, :] * rgbuf[m, :]
                ds_ = []
                for j in range(NSUBS):
                    ds_.append(pltpu.async_copy(
                        egbuf.at[pl.ds(j * SUBS, SUBS)],
                        acc_tab.at[idx_o.at[j]], ssem, add=True))
                for d in ds_:
                    d.wait()
                return 0

            lax.fori_loop(0, nch, chunk, 0)
            plsc.subcore_barrier()

            pltpu.sync_copy(acc_tab.at[pl.ds(row0, rp)], nbuf)

            @plsc.parallel_loop(0, rp, unroll=8, carry=zval)
            def clipmax(j, mx):
                v = nbuf[j, :]
                v = jnp.minimum(jnp.maximum(v, 0.0), 1.0)
                nbuf[j, :] = v
                return jnp.maximum(mx, v)

            mx = clipmax
            stage8[0, :] = mx
            pltpu.sync_copy(stage8,
                            mx_tab.at[pl.ds(pl.multiple_of(s * 8, 8), 8)])
            plsc.subcore_barrier()
            pltpu.sync_copy(mx_tab, mxall)

            def red(j, m):
                return jnp.maximum(m, mxall[j * 8, :])

            gmx = lax.fori_loop(0, N_TILES, red, zval)
            gmx = jnp.where(gmx > 0.0, gmx, 1.0)
            ginv = 1.0 / gmx

            @plsc.parallel_loop(0, rp, unroll=8)
            def scale(j):
                nbuf[j, :] = nbuf[j, :] * ginv

            out_off = pl.multiple_of((c * NSLOT + 1 + t) * E + row0, 8)
            pltpu.sync_copy(nbuf, eall_h.at[pl.ds(out_off, rp)])
            if t < NUM_STEPS - 1:
                zero_nbuf()
                pltpu.sync_copy(nbuf, acc_tab.at[pl.ds(row0, rp)])
            plsc.subcore_barrier()

    mesh = plsc.VectorSubcoreMesh(core_axis_name="c", subcore_axis_name="s",
                                  num_cores=NUM_WAYS, num_subcores=N_TILES)
    return pl.kernel(
        body,
        out_type=jax.ShapeDtypeStruct((NUM_WAYS * NSLOT * E, 16),
                                      jnp.float32),
        mesh=mesh,
        compiler_params=pltpu.CompilerParams(use_tc_tiling_on_sc=False),
        scratch_types=[
            pltpu.VMEM_SHARED((E, 16), jnp.float32),
            pltpu.VMEM_SHARED((NUM_STEPS * R, 16), jnp.float32),
            pltpu.VMEM_SHARED((N_TILES * 8, 16), jnp.float32),
            pltpu.VMEM((CHUNK,), jnp.int32),
            pltpu.VMEM((NSUBS, SUBS), jnp.int32),
            pltpu.VMEM((CHUNK,), jnp.int32),
            pltpu.VMEM((CHUNK, 16), jnp.float32),
            pltpu.VMEM((CHUNK, 16), jnp.float32),
            pltpu.VMEM((E // N_TILES, 16), jnp.float32),
            pltpu.VMEM((8, 16), jnp.float32),
            pltpu.VMEM((1, 16), jnp.float32),
            pltpu.VMEM((N_TILES * 8, 16), jnp.float32),
            pltpu.SemaphoreType.DMA,
            pltpu.SemaphoreType.DMA,
            pltpu.SemaphoreType.DMA,
        ],
    )


def kernel(heads, q_embeddings, q_word_h, attention_mask, entity_emb,
           W_match, b_match, W_steps, b_steps, W_rel, b_rel, W_hop, b_hop,
           relation_importance, temperature,
           triples_subj, triples_rel, triples_obj):
    E, D = entity_emb.shape
    B = heads.shape[0]
    L = q_word_h.shape[1]
    R = W_rel.shape[2]
    T = triples_subj.shape[0]
    EB = 1000

    f32 = jnp.float32
    imp2 = relation_importance.reshape(1, R).astype(f32)
    temp2 = jnp.asarray(temperature, f32).reshape(1, 1)
    bm2 = b_match.reshape(1, D)

    qmT, wr16 = pl.pallas_call(
        _relmix_body,
        grid=(NUM_WAYS, NUM_STEPS),
        in_specs=[
            pl.BlockSpec((B, D), lambda w, t: (0, 0)),
            pl.BlockSpec((B, L, D), lambda w, t: (0, 0, 0)),
            pl.BlockSpec((B, L), lambda w, t: (0, 0)),
            pl.BlockSpec((D, D), lambda w, t: (0, 0)),
            pl.BlockSpec((1, D), lambda w, t: (0, 0)),
            pl.BlockSpec((1, 1, D, D), lambda w, t: (w, t, 0, 0)),
            pl.BlockSpec((1, 1, D), lambda w, t: (w * NUM_STEPS + t, 0, 0)),
            pl.BlockSpec((1, D, R), lambda w, t: (w, 0, 0)),
            pl.BlockSpec((1, 1, R), lambda w, t: (w, 0, 0)),
            pl.BlockSpec((1, R), lambda w, t: (0, 0)),
            pl.BlockSpec((1, 1), lambda w, t: (0, 0)),
        ],
        out_specs=[
            pl.BlockSpec((D, B), lambda w, t: (0, 0)),
            pl.BlockSpec((1, 1, R, 16), lambda w, t: (w, t, 0, 0)),
        ],
        out_shape=[
            jax.ShapeDtypeStruct((D, B), f32),
            jax.ShapeDtypeStruct((NUM_WAYS, NUM_STEPS, R, 16), f32),
        ],
    )(q_embeddings, q_word_h, attention_mask, W_match, bm2, W_steps,
      b_steps.reshape(NUM_WAYS * NUM_STEPS, 1, D),
      W_rel, b_rel.reshape(NUM_WAYS, 1, R), imp2, temp2)

    headsT = heads.T
    enh16, sums = pl.pallas_call(
        _direct_body,
        grid=(E // EB,),
        in_specs=[
            pl.BlockSpec((EB, D), lambda k: (k, 0)),
            pl.BlockSpec((D, B), lambda k: (0, 0)),
            pl.BlockSpec((EB, B), lambda k: (k, 0)),
        ],
        out_specs=[
            pl.BlockSpec((EB, 16), lambda k: (k, 0)),
            pl.BlockSpec((1, 16), lambda k: (0, 0)),
        ],
        out_shape=[
            jax.ShapeDtypeStruct((E, 16), f32),
            jax.ShapeDtypeStruct((1, 16), f32),
        ],
    )(entity_emb, qmT, headsT)

    EP = -(-E // (8 * N_TILES)) * (8 * N_TILES)
    tpt_p = -(-(T // N_TILES) // CHUNK) * CHUNK
    TP = tpt_p * N_TILES
    i32 = jnp.int32
    subjp = jnp.concatenate(
        [triples_subj, jnp.full((TP - T,), E, i32)])
    relp = jnp.concatenate([triples_rel, jnp.zeros((TP - T,), i32)])
    objp = jnp.concatenate([triples_obj, jnp.full((TP - T,), E, i32)])
    wr3 = wr16.reshape(NUM_WAYS, NUM_STEPS * R, 16)
    rel3 = (relp[None, :]
            + (jnp.arange(NUM_STEPS, dtype=i32) * R)[:, None]).reshape(-1)
    obj2 = objp.reshape(TP // SUBS, SUBS)
    enh16p = jnp.concatenate(
        [enh16, jnp.zeros((EP - E, 16), f32)], axis=0)
    eall = _make_sc_kernel(EP, TP, R)(enh16p, sums, wr3, subjp, rel3, obj2)

    probs3 = eall.reshape(NUM_WAYS * NSLOT, EP, 16)
    outT = pl.pallas_call(
        _combine_body,
        grid=(E // EB,),
        in_specs=[
            pl.BlockSpec((NUM_WAYS * NSLOT, EB, 16), lambda k: (0, k, 0)),
            pl.BlockSpec((B, D), lambda k: (0, 0)),
            pl.BlockSpec((NUM_WAYS, D, NUM_STEPS), lambda k: (0, 0, 0)),
            pl.BlockSpec((NUM_WAYS, NUM_STEPS), lambda k: (0, 0)),
        ],
        out_specs=pl.BlockSpec((EB, B), lambda k: (k, 0)),
        out_shape=jax.ShapeDtypeStruct((E, B), f32),
    )(probs3, q_embeddings, W_hop, b_hop)

    return outT.T

# --- scband reference (transcript-rebuilt; emitter-appended) ---
"""Pipeline reference for scband-graph-reasoning-model-67293547594153 (READ-ONLY COPY).

The authoritative reference and input builder live on the scoring server;
editing this copy changes nothing except your own understanding.
"""

import jax, jax.numpy as jnp
import numpy as np

E = 50000
T = 800000
R = 100
D = 768
B = 8
L = 32
NUM_WAYS = 2
NUM_STEPS = 3

def setup_inputs(seed: int = 0) -> dict:
    key = jax.random.key(seed)
    ks = jax.random.split(key, 16)
    heads = jax.random.uniform(ks[0], (B, E), dtype=jnp.float32)
    heads = heads / jnp.sum(heads, axis=1, keepdims=True)
    q_embeddings = jax.random.normal(ks[1], (B, D), dtype=jnp.float32)
    q_word_h = jax.random.normal(ks[2], (B, L, D), dtype=jnp.float32)
    attention_mask = jnp.ones((B, L), dtype=jnp.float32)
    triples_subj = jax.random.randint(ks[3], (T,), 0, E, dtype=jnp.int32)
    triples_rel = jax.random.randint(ks[4], (T,), 0, R, dtype=jnp.int32)
    triples_obj = jax.random.randint(ks[5], (T,), 0, E, dtype=jnp.int32)
    entity_emb = jax.random.normal(ks[6], (E, D), dtype=jnp.float32) * 0.02
    W_match = jax.random.normal(ks[7], (D, D), dtype=jnp.float32) * 0.02
    b_match = jnp.zeros((D,), dtype=jnp.float32)
    W_steps = jax.random.normal(ks[8], (NUM_WAYS, NUM_STEPS, D, D), dtype=jnp.float32) * 0.02
    b_steps = jnp.zeros((NUM_WAYS, NUM_STEPS, D), dtype=jnp.float32)
    W_rel = jax.random.normal(ks[9], (NUM_WAYS, D, R), dtype=jnp.float32) * 0.02
    b_rel = jnp.zeros((NUM_WAYS, R), dtype=jnp.float32)
    W_hop = jax.random.normal(ks[10], (NUM_WAYS, D, NUM_STEPS), dtype=jnp.float32) * 0.02
    b_hop = jnp.zeros((NUM_WAYS, NUM_STEPS), dtype=jnp.float32)
    relation_importance = jnp.ones((R,), dtype=jnp.float32)
    temperature = jnp.array(1.0, dtype=jnp.float32)
    return {
        'heads': heads, 'q_embeddings': q_embeddings, 'q_word_h': q_word_h,
        'attention_mask': attention_mask, 'entity_emb': entity_emb,
        'W_match': W_match, 'b_match': b_match, 'W_steps': W_steps, 'b_steps': b_steps,
        'W_rel': W_rel, 'b_rel': b_rel, 'W_hop': W_hop, 'b_hop': b_hop,
        'relation_importance': relation_importance, 'temperature': temperature,
        'triples_subj': triples_subj, 'triples_rel': triples_rel, 'triples_obj': triples_obj,
    }

def reference(heads, q_embeddings, q_word_h, attention_mask, entity_emb,
              W_match, b_match, W_steps, b_steps, W_rel, b_rel, W_hop, b_hop,
              relation_importance, temperature,
              triples_subj, triples_rel, triples_obj):
    E_ = entity_emb.shape[0]
    D_ = q_embeddings.shape[-1]

    def follow(e, r):
        # equivalent of Mobj^T @ ((Msubj @ e^T) * (Mrel @ (r*imp)^T)) done per-triple
        weighted_r = r * relation_importance[None, :]
        eg = jnp.take(e, triples_subj, axis=1)            # gather [B, T]
        rg = jnp.take(weighted_r, triples_rel, axis=1)    # gather [B, T]
        x = eg * rg
        res = jax.ops.segment_sum(x.T, triples_obj, num_segments=E_).T  # scatter-add [B, E]
        res = jnp.clip(res, 0.0, 1.0)
        mx = jnp.max(res, axis=1, keepdims=True)
        mx = jnp.where(mx > 0, mx, jnp.ones_like(mx))
        return res / mx

    # direct entity matching (entity embedding table)
    qm = q_embeddings @ W_match + b_match
    direct = jax.nn.sigmoid((qm @ entity_emb.T) / jnp.sqrt(jnp.asarray(D_, jnp.float32)))
    enhanced = heads * (1.0 + direct * 0.3)
    hs = jnp.sum(enhanced, axis=1, keepdims=True)
    hs = jnp.where(hs > 0, hs, jnp.ones_like(hs))
    enhanced = enhanced / hs

    way_scores = []
    for w in range(NUM_WAYS):
        last_e = enhanced
        ent_probs = []
        for t in range(NUM_STEPS):
            cq = jnp.tanh(q_embeddings @ W_steps[w, t] + b_steps[w, t])
            q_logits = jnp.sum(cq[:, None, :] * q_word_h, axis=2) / temperature
            q_dist = jax.nn.softmax(q_logits, axis=1)
            q_dist = q_dist * attention_mask
            q_dist = q_dist / (jnp.sum(q_dist, axis=1, keepdims=True) + 1e-6)
            ctx = jnp.einsum('bl,bld->bd', q_dist, q_word_h)
            rel_logit = ctx @ W_rel[w] + b_rel[w]
            rel_dist = jax.nn.softmax(rel_logit, axis=1)
            last_e = follow(last_e, rel_dist)
            ent_probs.append(last_e)
        hop_attn = jax.nn.softmax(q_embeddings @ W_hop[w] + b_hop[w], axis=1)
        e_score = sum(hop_attn[:, t:t + 1] * ent_probs[t] for t in range(NUM_STEPS))
        way_scores.append(e_score)
    return sum(way_scores) / float(NUM_WAYS)

if __name__ == "__main__":
    import jax
    _d = setup_inputs()
    print(jax.jit(kernel)(*tuple(_d.values())))

</pallas_src>

<mosaic_0001>
#map = affine_map<(d0, d1) -> (0, 0)>
#map1 = affine_map<(d0, d1) -> (0, 0, 0)>
#map2 = affine_map<(d0, d1) -> (0)>
module attributes {stable_mosaic.version = 14 : i64} {
  func.func @body(%arg0: i32, %arg1: i32, %arg2: memref<50048x16xf32, #tpu.memory_space<hbm>>, %arg3: memref<1x16xf32, #tpu.memory_space<hbm>>, %arg4: memref<2x300x16xf32, #tpu.memory_space<hbm>>, %arg5: memref<802816xi32, #tpu.memory_space<hbm>>, %arg6: memref<2408448xi32, #tpu.memory_space<hbm>>, %arg7: memref<12544x64xi32, #tpu.memory_space<hbm>>, %arg8: memref<400384x16xf32, #tpu.memory_space<hbm>>, %arg9: memref<50048x16xf32, #tpu.memory_space<vmem_shared>>, %arg10: memref<300x16xf32, #tpu.memory_space<vmem_shared>>, %arg11: memref<128x16xf32, #tpu.memory_space<vmem_shared>>, %arg12: memref<512xi32, #tpu.memory_space<vmem>>, %arg13: memref<8x64xi32, #tpu.memory_space<vmem>>, %arg14: memref<512xi32, #tpu.memory_space<vmem>>, %arg15: memref<512x16xf32, #tpu.memory_space<vmem>>, %arg16: memref<512x16xf32, #tpu.memory_space<vmem>>, %arg17: memref<3128x16xf32, #tpu.memory_space<vmem>>, %arg18: memref<8x16xf32, #tpu.memory_space<vmem>>, %arg19: memref<1x16xf32, #tpu.memory_space<vmem>>, %arg20: memref<128x16xf32, #tpu.memory_space<vmem>>, %arg21: memref<!tpu.dma_semaphore, #tpu.memory_space<semaphore_mem>>, %arg22: memref<!tpu.dma_semaphore, #tpu.memory_space<semaphore_mem>>, %arg23: memref<!tpu.dma_semaphore, #tpu.memory_space<semaphore_mem>>) attributes {dimension_semantics = [#tpu.dimension_semantics<core_parallel>, #tpu.dimension_semantics<subcore_parallel>], iteration_bounds = array<i64: 2, 16>, scalar_prefetch = 0 : i64, scratch_operands = 15 : i64, tpu.core_type = #tpu.core_type<sc_vector_subcore>, window_params = [{transform_indices = #map}, {transform_indices = #map}, {transform_indices = #map1}, {transform_indices = #map2}, {transform_indices = #map2}, {transform_indices = #map}, {transform_indices = #map}]} {
    %mul3A = arith.constant 3128 : i32
    %mul3A_0 = arith.muli %arg1, %mul3A : i32
    %multiple_of3A = tpu.assume_multiple %mul3A_0, 8 : i32
    %mul3A_1 = arith.constant 50176 : i32
    %mul3A_2 = arith.muli %arg1, %mul3A_1 : i32
    %multiple_of3A_3 = tpu.assume_multiple %mul3A_2, 8 : i32
    %broadcast_in_dim3A = arith.constant 0.000000e+00 : f32
    %broadcast_in_dim3A_4 = vector.broadcast %broadcast_in_dim3A : f32 to vector<16xf32>
    %eq3A = arith.constant 0 : i32
    %eq3A_5 = arith.cmpi eq, %arg1, %eq3A : i32
    %convert_element_type3A = arith.extui %eq3A_5 : i1 to i32
    %cond3A = arith.constant 0 : i32
    %cond3A_6 = arith.cmpi ne, %convert_element_type3A, %cond3A : i32
    scf.if %cond3A_6 {
      "tpu.region"() ({
        %run_scoped3A = tpu.sem_alloc : memref<!tpu.dma_semaphore, #tpu.memory_space<semaphore_mem>>
        %dma_start3A = arith.constant 0 : i32
        %dma_start3A_183 = arith.constant 0 : i32
        %dma_start3A_184 = tpu.memref_slice %arg4[%arg0, %dma_start3A, %dma_start3A_183] : memref<2x300x16xf32, #tpu.memory_space<hbm>> -> memref<1x300x16xf32, #tpu.memory_space<hbm>>
        %dma_start3A_185 = tpu.memref_squeeze %dma_start3A_184 : memref<1x300x16xf32, #tpu.memory_space<hbm>> -> memref<300x16xf32, #tpu.memory_space<hbm>>
        tpu.enqueue_dma source(%dma_start3A_185 : memref<300x16xf32, #tpu.memory_space<hbm>>) target(%arg10 : memref<300x16xf32, #tpu.memory_space<vmem_shared>>) target_semaphore(%run_scoped3A : memref<!tpu.dma_semaphore, #tpu.memory_space<semaphore_mem>>)
        %dma_wait3A = arith.constant 0 : i32
        %dma_wait3A_186 = arith.constant 0 : i32
        %dma_wait3A_187 = tpu.memref_slice %arg4[%arg0, %dma_wait3A, %dma_wait3A_186] : memref<2x300x16xf32, #tpu.memory_space<hbm>> -> memref<1x300x16xf32, #tpu.memory_space<hbm>>
        %dma_wait3A_188 = tpu.memref_squeeze %dma_wait3A_187 : memref<1x300x16xf32, #tpu.memory_space<hbm>> -> memref<300x16xf32, #tpu.memory_space<hbm>>
        tpu.wait_dma2 semaphore(%run_scoped3A : memref<!tpu.dma_semaphore, #tpu.memory_space<semaphore_mem>>) src(%dma_wait3A_188 : memref<300x16xf32, #tpu.memory_space<hbm>>) dst(%arg10 : memref<300x16xf32, #tpu.memory_space<vmem_shared>>)
        tpu.yield
      }) : () -> ()
    } else {
    }
    "tpu.region"() ({
      %run_scoped3A = tpu.sem_alloc : memref<!tpu.dma_semaphore, #tpu.memory_space<semaphore_mem>>
      tpu.enqueue_dma source(%arg3 : memref<1x16xf32, #tpu.memory_space<hbm>>) target(%arg19 : memref<1x16xf32, #tpu.memory_space<vmem>>) target_semaphore(%run_scoped3A : memref<!tpu.dma_semaphore, #tpu.memory_space<semaphore_mem>>)
      tpu.wait_dma2 semaphore(%run_scoped3A : memref<!tpu.dma_semaphore, #tpu.memory_space<semaphore_mem>>) src(%arg3 : memref<1x16xf32, #tpu.memory_space<hbm>>) dst(%arg19 : memref<1x16xf32, #tpu.memory_space<vmem>>)
      tpu.yield
    }) : () -> ()
    %get3A = arith.constant 0 : i32
    %get3A_7 = arith.index_cast %get3A : i32 to index
    %get3A_8 = arith.constant 0 : index
    %get3A_9 = tpu.vector_load %arg19[%get3A_7, %get3A_8] {strides = array<i32>} : memref<1x16xf32, #tpu.memory_space<vmem>>, vector<1x16xf32>,
    %get3A_10 = vector.shape_cast %get3A_9 : vector<1x16xf32> to vector<16xf32>
    %gt3A = arith.constant 0.000000e+00 : f32
    %gt3A_11 = vector.broadcast %gt3A : f32 to vector<16xf32>
    %gt3A_12 = arith.cmpf ogt, %get3A_10, %gt3A_11 : vector<16xf32>
    %jit3A = arith.constant 1.000000e+00 : f32
    %broadcast_in_dim3A_13 = vector.broadcast %jit3A : f32 to vector<16xf32>
    %select_n3A = arith.select %gt3A_12, %get3A_10, %broadcast_in_dim3A_13 : vector<16xi1>, vector<16xf32>
    %div3A = arith.constant 1.000000e+00 : f32
    %div3A_14 = vector.broadcast %div3A : f32 to vector<16xf32>
    %div3A_15 = arith.divf %div3A_14, %select_n3A : vector<16xf32>
    "tpu.region"() ({
      %run_scoped3A = tpu.sem_alloc : memref<!tpu.dma_semaphore, #tpu.memory_space<semaphore_mem>>
      %dma_start3A = arith.constant 0 : i32
      %dma_start3A_183 = tpu.memref_slice %arg2[%multiple_of3A, %dma_start3A] : memref<50048x16xf32, #tpu.memory_space<hbm>> -> memref<3128x16xf32, #tpu.memory_space<hbm>>
      %dma_start3A_184 = arith.constant 0 : i32
      %dma_start3A_185 = tpu.memref_slice %arg2[%multiple_of3A, %dma_start3A_184] : memref<50048x16xf32, #tpu.memory_space<hbm>> -> memref<3128x16xf32, #tpu.memory_space<hbm>>
      tpu.enqueue_dma source(%dma_start3A_185 : memref<3128x16xf32, #tpu.memory_space<hbm>>) target(%arg17 : memref<3128x16xf32, #tpu.memory_space<vmem>>) target_semaphore(%run_scoped3A : memref<!tpu.dma_semaphore, #tpu.memory_space<semaphore_mem>>)
      %dma_wait3A = arith.constant 0 : i32
      %dma_wait3A_186 = tpu.memref_slice %arg2[%multiple_of3A, %dma_wait3A] : memref<50048x16xf32, #tpu.memory_space<hbm>> -> memref<3128x16xf32, #tpu.memory_space<hbm>>
      %dma_wait3A_187 = arith.constant 0 : i32
      %dma_wait3A_188 = tpu.memref_slice %arg2[%multiple_of3A, %dma_wait3A_187] : memref<50048x16xf32, #tpu.memory_space<hbm>> -> memref<3128x16xf32, #tpu.memory_space<hbm>>
      tpu.wait_dma2 semaphore(%run_scoped3A : memref<!tpu.dma_semaphore, #tpu.memory_space<semaphore_mem>>) src(%dma_wait3A_188 : memref<3128x16xf32, #tpu.memory_space<hbm>>) dst(%arg17 : memref<3128x16xf32, #tpu.memory_space<vmem>>)
      tpu.yield
    }) : () -> ()
    %parallel_loop3A = arith.constant 0 : i32
    %parallel_loop3A_16 = arith.constant 3128 : i32
    %parallel_loop3A_17 = arith.constant 1 : i32
    scf.for %parallel_loop3A_183 = %parallel_loop3A to %parallel_loop3A_16 step %parallel_loop3A_17  : i32 {
      %parallel_loop3A_184 = arith.index_cast %parallel_loop3A_183 : i32 to index
      %parallel_loop3A_185 = arith.constant 0 : index
      %parallel_loop3A_186 = tpu.vector_load %arg17[%parallel_loop3A_184, %parallel_loop3A_185] {strides = array<i32>} : memref<3128x16xf32, #tpu.memory_space<vmem>>, vector<1x16xf32>,
      %parallel_loop3A_187 = vector.shape_cast %parallel_loop3A_186 : vector<1x16xf32> to vector<16xf32>
      %parallel_loop3A_188 = arith.mulf %parallel_loop3A_187, %div3A_15 : vector<16xf32>
      %parallel_loop3A_189 = arith.index_cast %parallel_loop3A_183 : i32 to index
      %parallel_loop3A_190 = arith.constant 0 : index
      %parallel_loop3A_191 = tpu.vector_load %arg17[%parallel_loop3A_189, %parallel_loop3A_190] {strides = array<i32>} : memref<3128x16xf32, #tpu.memory_space<vmem>>, vector<1x16xf32>,
      %parallel_loop3A_192 = vector.shape_cast %parallel_loop3A_191 : vector<1x16xf32> to vector<16xf32>
      %parallel_loop3A_193 = vector.shape_cast %parallel_loop3A_188 : vector<16xf32> to vector<1x16xf32>
      tpu.vector_store %arg17[%parallel_loop3A_189, %parallel_loop3A_190], %parallel_loop3A_193 {strides = array<i32>} : memref<3128x16xf32, #tpu.memory_space<vmem>>, vector<1x16xf32>,
    } {sc.loop_unroll_factor = 8 : i64, sc.parallel_access}
    %mul3A_18 = arith.constant 4 : i32
    %mul3A_19 = arith.muli %arg0, %mul3A_18 : i32
    %mul3A_20 = arith.constant 50048 : i32
    %mul3A_21 = arith.muli %mul3A_19, %mul3A_20 : i32
    %add3A = arith.addi %mul3A_21, %multiple_of3A : i32
    %multiple_of3A_22 = tpu.assume_multiple %add3A, 8 : i32
    "tpu.region"() ({
      %run_scoped3A = tpu.sem_alloc : memref<!tpu.dma_semaphore, #tpu.memory_space<semaphore_mem>>
      %dma_start3A = arith.constant 0 : i32
      %dma_start3A_183 = tpu.memref_slice %arg8[%multiple_of3A_22, %dma_start3A] : memref<400384x16xf32, #tpu.memory_space<hbm>> -> memref<3128x16xf32, #tpu.memory_space<hbm>>
      %dma_start3A_184 = arith.constant 0 : i32
      %dma_start3A_185 = tpu.memref_slice %arg8[%multiple_of3A_22, %dma_start3A_184] : memref<400384x16xf32, #tpu.memory_space<hbm>> -> memref<3128x16xf32, #tpu.memory_space<hbm>>
      tpu.enqueue_dma source(%arg17 : memref<3128x16xf32, #tpu.memory_space<vmem>>) target(%dma_start3A_185 : memref<3128x16xf32, #tpu.memory_space<hbm>>) target_semaphore(%run_scoped3A : memref<!tpu.dma_semaphore, #tpu.memory_space<semaphore_mem>>)
      %dma_wait3A = arith.constant 0 : i32
      %dma_wait3A_186 = tpu.memref_slice %arg8[%multiple_of3A_22, %dma_wait3A] : memref<400384x16xf32, #tpu.memory_space<hbm>> -> memref<3128x16xf32, #tpu.memory_space<hbm>>
      %dma_wait3A_187 = arith.constant 0 : i32
      %dma_wait3A_188 = tpu.memref_slice %arg8[%multiple_of3A_22, %dma_wait3A_187] : memref<400384x16xf32, #tpu.memory_space<hbm>> -> memref<3128x16xf32, #tpu.memory_space<hbm>>
      tpu.wait_dma2 semaphore(%run_scoped3A : memref<!tpu.dma_semaphore, #tpu.memory_space<semaphore_mem>>) src(%arg17 : memref<3128x16xf32, #tpu.memory_space<vmem>>) dst(%dma_wait3A_188 : memref<3128x16xf32, #tpu.memory_space<hbm>>)
      tpu.yield
    }) : () -> ()
    %parallel_loop3A_23 = arith.constant 0 : i32
    %parallel_loop3A_24 = arith.constant 3128 : i32
    %parallel_loop3A_25 = arith.constant 1 : i32
    scf.for %parallel_loop3A_183 = %parallel_loop3A_23 to %parallel_loop3A_24 step %parallel_loop3A_25  : i32 {
      %parallel_loop3A_184 = arith.index_cast %parallel_loop3A_183 : i32 to index
      %parallel_loop3A_185 = arith.constant 0 : index
      %parallel_loop3A_186 = tpu.vector_load %arg17[%parallel_loop3A_184, %parallel_loop3A_185] {strides = array<i32>} : memref<3128x16xf32, #tpu.memory_space<vmem>>, vector<1x16xf32>,
      %parallel_loop3A_187 = vector.shape_cast %parallel_loop3A_186 : vector<1x16xf32> to vector<16xf32>
      %parallel_loop3A_188 = vector.shape_cast %broadcast_in_dim3A_4 : vector<16xf32> to vector<1x16xf32>
      tpu.vector_store %arg17[%parallel_loop3A_184, %parallel_loop3A_185], %parallel_loop3A_188 {strides = array<i32>} : memref<3128x16xf32, #tpu.memory_space<vmem>>, vector<1x16xf32>,
    } {sc.loop_unroll_factor = 8 : i64, sc.parallel_access}
    "tpu.region"() ({
      %run_scoped3A = tpu.sem_alloc : memref<!tpu.dma_semaphore, #tpu.memory_space<semaphore_mem>>
      %dma_start3A = arith.constant 0 : i32
      %dma_start3A_183 = tpu.memref_slice %arg9[%multiple_of3A, %dma_start3A] : memref<50048x16xf32, #tpu.memory_space<vmem_shared>> -> memref<3128x16xf32, #tpu.memory_space<vmem_shared>>
      %dma_start3A_184 = arith.constant 0 : i32
      %dma_start3A_185 = tpu.memref_slice %arg9[%multiple_of3A, %dma_start3A_184] : memref<50048x16xf32, #tpu.memory_space<vmem_shared>> -> memref<3128x16xf32, #tpu.memory_space<vmem_shared>>
      tpu.enqueue_dma source(%arg17 : memref<3128x16xf32, #tpu.memory_space<vmem>>) target(%dma_start3A_185 : memref<3128x16xf32, #tpu.memory_space<vmem_shared>>) target_semaphore(%run_scoped3A : memref<!tpu.dma_semaphore, #tpu.memory_space<semaphore_mem>>)
      %dma_wait3A = arith.constant 0 : i32
      %dma_wait3A_186 = tpu.memref_slice %arg9[%multiple_of3A, %dma_wait3A] : memref<50048x16xf32, #tpu.memory_space<vmem_shared>> -> memref<3128x16xf32, #tpu.memory_space<vmem_shared>>
      %dma_wait3A_187 = arith.constant 0 : i32
      %dma_wait3A_188 = tpu.memref_slice %arg9[%multiple_of3A, %dma_wait3A_187] : memref<50048x16xf32, #tpu.memory_space<vmem_shared>> -> memref<3128x16xf32, #tpu.memory_space<vmem_shared>>
      tpu.wait_dma2 semaphore(%run_scoped3A : memref<!tpu.dma_semaphore, #tpu.memory_space<semaphore_mem>>) src(%arg17 : memref<3128x16xf32, #tpu.memory_space<vmem>>) dst(%dma_wait3A_188 : memref<3128x16xf32, #tpu.memory_space<vmem_shared>>)
      tpu.yield
    }) : () -> ()
    %barrier3A = arith.constant 0 : index
    tpu.barrier barrier_id(%barrier3A)
    %scan3A = arith.constant 0 : i32
    %scan3A_26 = arith.constant 0 : i32
    %scan3A_27 = arith.constant 98 : i32
    %scan3A_28 = arith.addi %scan3A_26, %scan3A_27 : i32
    %scan3A_29 = arith.constant 1 : i32
    %scan3A_30 = scf.for %scan3A_183 = %scan3A_26 to %scan3A_28 step %scan3A_29 iter_args(%scan3A_184 = %scan3A) -> (i32)  : i32 {
      %mul3A_185 = arith.constant 512 : i32
      %mul3A_186 = arith.muli %scan3A_183, %mul3A_185 : i32
      %add3A_187 = arith.addi %multiple_of3A_3, %mul3A_186 : i32
      %multiple_of3A_188 = tpu.assume_multiple %add3A_187, 8 : i32
      %dma_start3A = tpu.memref_slice %arg5[%multiple_of3A_188] : memref<802816xi32, #tpu.memory_space<hbm>> -> memref<512xi32, #tpu.memory_space<hbm>>
      %dma_start3A_189 = tpu.memref_slice %arg5[%multiple_of3A_188] : memref<802816xi32, #tpu.memory_space<hbm>> -> memref<512xi32, #tpu.memory_space<hbm>>
      tpu.enqueue_dma source(%dma_start3A_189 : memref<512xi32, #tpu.memory_space<hbm>>) target(%arg12 : memref<512xi32, #tpu.memory_space<vmem>>) target_semaphore(%arg21 : memref<!tpu.dma_semaphore, #tpu.memory_space<semaphore_mem>>)
      %add3A_190 = arith.constant 0 : i32
      %add3A_191 = arith.addi %add3A_190, %multiple_of3A_188 : i32
      %dma_start3A_192 = tpu.memref_slice %arg6[%add3A_191] : memref<2408448xi32, #tpu.memory_space<hbm>> -> memref<512xi32, #tpu.memory_space<hbm>>
      %dma_start3A_193 = tpu.memref_slice %arg6[%add3A_191] : memref<2408448xi32, #tpu.memory_space<hbm>> -> memref<512xi32, #tpu.memory_space<hbm>>
      tpu.enqueue_dma source(%dma_start3A_193 : memref<512xi32, #tpu.memory_space<hbm>>) target(%arg14 : memref<512xi32, #tpu.memory_space<vmem>>) target_semaphore(%arg21 : memref<!tpu.dma_semaphore, #tpu.memory_space<semaphore_mem>>)
      %jit3A_194 = arith.constant 64 : i32
      %div3A_195 = arith.divsi %multiple_of3A_188, %jit3A_194 : i32
      %sign3A = arith.constant 0 : i32
      %sign3A_196 = arith.cmpi sgt, %multiple_of3A_188, %sign3A : i32
      %sign3A_197 = arith.extui %sign3A_196 : i1 to i32
      %sign3A_198 = arith.constant 0 : i32
      %sign3A_199 = arith.cmpi slt, %multiple_of3A_188, %sign3A_198 : i32
      %sign3A_200 = arith.extui %sign3A_199 : i1 to i32
      %sign3A_201 = arith.subi %sign3A_197, %sign3A_200 : i32
      %sign3A_202 = arith.constant 0 : i32
      %sign3A_203 = arith.cmpi sgt, %jit3A_194, %sign3A_202 : i32
      %sign3A_204 = arith.extui %sign3A_203 : i1 to i32
      %sign3A_205 = arith.constant 0 : i32
      %sign3A_206 = arith.cmpi slt, %jit3A_194, %sign3A_205 : i32
      %sign3A_207 = arith.extui %sign3A_206 : i1 to i32
      %sign3A_208 = arith.subi %sign3A_204, %sign3A_207 : i32
      %ne3A = arith.cmpi ne, %sign3A_201, %sign3A_208 : i32
      %rem3A = arith.remsi %multiple_of3A_188, %jit3A_194 : i32
      %ne3A_209 = arith.constant 0 : i32
      %ne3A_210 = arith.cmpi ne, %rem3A, %ne3A_209 : i32
      %and3A = arith.andi %ne3A, %ne3A_210 : i1
      %sub3A = arith.constant 1 : i32
      %sub3A_211 = arith.subi %div3A_195, %sub3A : i32
      %select_n3A_212 = arith.select %and3A, %sub3A_211, %div3A_195 : i32
      %multiple_of3A_213 = tpu.assume_multiple %select_n3A_212, 8 : i32
      %dma_start3A_214 = arith.constant 0 : i32
      %dma_start3A_215 = tpu.memref_slice %arg7[%multiple_of3A_213, %dma_start3A_214] : memref<12544x64xi32, #tpu.memory_space<hbm>> -> memref<8x64xi32, #tpu.memory_space<hbm>>
      %dma_start3A_216 = arith.constant 0 : i32
      %dma_start3A_217 = tpu.memref_slice %arg7[%multiple_of3A_213, %dma_start3A_216] : memref<12544x64xi32, #tpu.memory_space<hbm>> -> memref<8x64xi32, #tpu.memory_space<hbm>>
      tpu.enqueue_dma source(%dma_start3A_217 : memref<8x64xi32, #tpu.memory_space<hbm>>) target(%arg13 : memref<8x64xi32, #tpu.memory_space<vmem>>) target_semaphore(%arg21 : memref<!tpu.dma_semaphore, #tpu.memory_space<semaphore_mem>>)
      %dma_wait3A = tpu.memref_slice %arg5[%multiple_of3A_188] : memref<802816xi32, #tpu.memory_space<hbm>> -> memref<512xi32, #tpu.memory_space<hbm>>
      %dma_wait3A_218 = tpu.memref_slice %arg5[%multiple_of3A_188] : memref<802816xi32, #tpu.memory_space<hbm>> -> memref<512xi32, #tpu.memory_space<hbm>>
      tpu.wait_dma2 semaphore(%arg21 : memref<!tpu.dma_semaphore, #tpu.memory_space<semaphore_mem>>) src(%dma_wait3A_218 : memref<512xi32, #tpu.memory_space<hbm>>) dst(%arg12 : memref<512xi32, #tpu.memory_space<vmem>>)
      %dma_wait3A_219 = tpu.memref_slice %arg6[%add3A_191] : memref<2408448xi32, #tpu.memory_space<hbm>> -> memref<512xi32, #tpu.memory_space<hbm>>
      %dma_wait3A_220 = tpu.memref_slice %arg6[%add3A_191] : memref<2408448xi32, #tpu.memory_space<hbm>> -> memref<512xi32, #tpu.memory_space<hbm>>
      tpu.wait_dma2 semaphore(%arg21 : memref<!tpu.dma_semaphore, #tpu.memory_space<semaphore_mem>>) src(%dma_wait3A_220 : memref<512xi32, #tpu.memory_space<hbm>>) dst(%arg14 : memref<512xi32, #tpu.memory_space<vmem>>)
      %dma_wait3A_221 = arith.constant 0 : i32
      %dma_wait3A_222 = tpu.memref_slice %arg7[%multiple_of3A_213, %dma_wait3A_221] : memref<12544x64xi32, #tpu.memory_space<hbm>> -> memref<8x64xi32, #tpu.memory_space<hbm>>
      %dma_wait3A_223 = arith.constant 0 : i32
      %dma_wait3A_224 = tpu.memref_slice %arg7[%multiple_of3A_213, %dma_wait3A_223] : memref<12544x64xi32, #tpu.memory_space<hbm>> -> memref<8x64xi32, #tpu.memory_space<hbm>>
      tpu.wait_dma2 semaphore(%arg21 : memref<!tpu.dma_semaphore, #tpu.memory_space<semaphore_mem>>) src(%dma_wait3A_224 : memref<8x64xi32, #tpu.memory_space<hbm>>) dst(%arg13 : memref<8x64xi32, #tpu.memory_space<vmem>>)
      %mul3A_225 = arith.constant 4 : i32
      %mul3A_226 = arith.muli %arg0, %mul3A_225 : i32
      %add3A_227 = arith.constant 0 : i32
      %add3A_228 = arith.addi %mul3A_226, %add3A_227 : i32
      %mul3A_229 = arith.constant 50048 : i32
      %mul3A_230 = arith.muli %add3A_228, %mul3A_229 : i32
      %parallel_loop3A_231 = arith.constant 0 : i32
      %parallel_loop3A_232 = arith.constant 32 : i32
      %parallel_loop3A_233 = arith.constant 1 : i32
      scf.for %parallel_loop3A_462 = %parallel_loop3A_231 to %parallel_loop3A_232 step %parallel_loop3A_233  : i32 {
        %parallel_loop3A_463 = arith.constant 16 : i32
        %parallel_loop3A_464 = arith.muli %parallel_loop3A_462, %parallel_loop3A_463 : i32
        %parallel_loop3A_465 = tpu.assume_multiple %parallel_loop3A_464, 8 : i32
        %parallel_loop3A_466 = arith.index_cast %parallel_loop3A_465 : i32 to index
        %parallel_loop3A_467 = tpu.vector_load %arg12[%parallel_loop3A_466] {strides = array<i32>} : memref<512xi32, #tpu.memory_space<vmem>>, vector<16xi32>,
        %parallel_loop3A_468 = vector.shape_cast %parallel_loop3A_467 : vector<16xi32> to vector<16xi32>
        %parallel_loop3A_469 = vector.broadcast %mul3A_230 : i32 to vector<16xi32>
        %parallel_loop3A_470 = arith.addi %parallel_loop3A_468, %parallel_loop3A_469 : vector<16xi32>
        %parallel_loop3A_471 = arith.index_cast %parallel_loop3A_465 : i32 to index
        %parallel_loop3A_472 = tpu.vector_load %arg12[%parallel_loop3A_471] {strides = array<i32>} : memref<512xi32, #tpu.memory_space<vmem>>, vector<16xi32>,
        %parallel_loop3A_473 = vector.shape_cast %parallel_loop3A_472 : vector<16xi32> to vector<16xi32>
        %parallel_loop3A_474 = vector.shape_cast %parallel_loop3A_470 : vector<16xi32> to vector<16xi32>
        tpu.vector_store %arg12[%parallel_loop3A_471], %parallel_loop3A_474 {strides = array<i32>} : memref<512xi32, #tpu.memory_space<vmem>>, vector<16xi32>,
      } {sc.loop_unroll_factor = 4 : i64, sc.parallel_access}
      %dma_start3A_234 = arith.constant 0 : i32
      %dma_start3A_235 = arith.constant 0 : i32
      %dma_start3A_236 = tpu.memref_slice %arg15[%dma_start3A_234, %dma_start3A_235] : memref<512x16xf32, #tpu.memory_space<vmem>> -> memref<128x16xf32, #tpu.memory_space<vmem>>
      %dma_start3A_237 = arith.constant 0 : i32
      %dma_start3A_238 = tpu.memref_slice %arg12[%dma_start3A_237] : memref<512xi32, #tpu.memory_space<vmem>> -> memref<128xi32, #tpu.memory_space<vmem>>
      %dma_start3A_239 = arith.constant 0 : i32
      %dma_start3A_240 = arith.constant 0 : i32
      %dma_start3A_241 = tpu.memref_slice %arg8[%dma_start3A_239, %dma_start3A_240] : memref<400384x16xf32, #tpu.memory_space<hbm>> -> memref<400384x16xf32, #tpu.memory_space<hbm>>
      tpu.enqueue_indirect_dma source(%dma_start3A_241 : memref<400384x16xf32, #tpu.memory_space<hbm>>) target(%dma_start3A_236 : memref<128x16xf32, #tpu.memory_space<vmem>>) offsets(%dma_start3A_238 : memref<128xi32, #tpu.memory_space<vmem>>) semaphore(%arg22 : memref<!tpu.dma_semaphore, #tpu.memory_space<semaphore_mem>>)
      %dma_start3A_242 = arith.constant 128 : i32
      %dma_start3A_243 = arith.constant 0 : i32
      %dma_start3A_244 = tpu.memref_slice %arg15[%dma_start3A_242, %dma_start3A_243] : memref<512x16xf32, #tpu.memory_space<vmem>> -> memref<128x16xf32, #tpu.memory_space<vmem>>
      %dma_start3A_245 = arith.constant 128 : i32
      %dma_start3A_246 = tpu.memref_slice %arg12[%dma_start3A_245] : memref<512xi32, #tpu.memory_space<vmem>> -> memref<128xi32, #tpu.memory_space<vmem>>
      %dma_start3A_247 = arith.constant 0 : i32
      %dma_start3A_248 = arith.constant 0 : i32
      %dma_start3A_249 = tpu.memref_slice %arg8[%dma_start3A_247, %dma_start3A_248] : memref<400384x16xf32, #tpu.memory_space<hbm>> -> memref<400384x16xf32, #tpu.memory_space<hbm>>
      tpu.enqueue_indirect_dma source(%dma_start3A_249 : memref<400384x16xf32, #tpu.memory_space<hbm>>) target(%dma_start3A_244 : memref<128x16xf32, #tpu.memory_space<vmem>>) offsets(%dma_start3A_246 : memref<128xi32, #tpu.memory_space<vmem>>) semaphore(%arg22 : memref<!tpu.dma_semaphore, #tpu.memory_space<semaphore_mem>>)
      %dma_start3A_250 = arith.constant 256 : i32
      %dma_start3A_251 = arith.constant 0 : i32
      %dma_start3A_252 = tpu.memref_slice %arg15[%dma_start3A_250, %dma_start3A_251] : memref<512x16xf32, #tpu.memory_space<vmem>> -> memref<128x16xf32, #tpu.memory_space<vmem>>
      %dma_start3A_253 = arith.constant 256 : i32
      %dma_start3A_254 = tpu.memref_slice %arg12[%dma_start3A_253] : memref<512xi32, #tpu.memory_space<vmem>> -> memref<128xi32, #tpu.memory_space<vmem>>
      %dma_start3A_255 = arith.constant 0 : i32
      %dma_start3A_256 = arith.constant 0 : i32
      %dma_start3A_257 = tpu.memref_slice %arg8[%dma_start3A_255, %dma_start3A_256] : memref<400384x16xf32, #tpu.memory_space<hbm>> -> memref<400384x16xf32, #tpu.memory_space<hbm>>
      tpu.enqueue_indirect_dma source(%dma_start3A_257 : memref<400384x16xf32, #tpu.memory_space<hbm>>) target(%dma_start3A_252 : memref<128x16xf32, #tpu.memory_space<vmem>>) offsets(%dma_start3A_254 : memref<128xi32, #tpu.memory_space<vmem>>) semaphore(%arg22 : memref<!tpu.dma_semaphore, #tpu.memory_space<semaphore_mem>>)
      %dma_start3A_258 = arith.constant 384 : i32
      %dma_start3A_259 = arith.constant 0 : i32
      %dma_start3A_260 = tpu.memref_slice %arg15[%dma_start3A_258, %dma_start3A_259] : memref<512x16xf32, #tpu.memory_space<vmem>> -> memref<128x16xf32, #tpu.memory_space<vmem>>
      %dma_start3A_261 = arith.constant 384 : i32
      %dma_start3A_262 = tpu.memref_slice %arg12[%dma_start3A_261] : memref<512xi32, #tpu.memory_space<vmem>> -> memref<128xi32, #tpu.memory_space<vmem>>
      %dma_start3A_263 = arith.constant 0 : i32
      %dma_start3A_264 = arith.constant 0 : i32
      %dma_start3A_265 = tpu.memref_slice %arg8[%dma_start3A_263, %dma_start3A_264] : memref<400384x16xf32, #tpu.memory_space<hbm>> -> memref<400384x16xf32, #tpu.memory_space<hbm>>
      tpu.enqueue_indirect_dma source(%dma_start3A_265 : memref<400384x16xf32, #tpu.memory_space<hbm>>) target(%dma_start3A_260 : memref<128x16xf32, #tpu.memory_space<vmem>>) offsets(%dma_start3A_262 : memref<128xi32, #tpu.memory_space<vmem>>) semaphore(%arg22 : memref<!tpu.dma_semaphore, #tpu.memory_space<semaphore_mem>>)
      "tpu.region"() ({
        %run_scoped3A = tpu.sem_alloc : memref<!tpu.dma_semaphore, #tpu.memory_space<semaphore_mem>>
        %dma_start3A_462 = arith.constant 0 : i32
        %dma_start3A_463 = arith.constant 0 : i32
        %dma_start3A_464 = tpu.memref_slice %arg16[%dma_start3A_462, %dma_start3A_463] : memref<512x16xf32, #tpu.memory_space<vmem>> -> memref<128x16xf32, #tpu.memory_space<vmem>>
        %dma_start3A_465 = arith.constant 0 : i32
        %dma_start3A_466 = tpu.memref_slice %arg14[%dma_start3A_465] : memref<512xi32, #tpu.memory_space<vmem>> -> memref<128xi32, #tpu.memory_space<vmem>>
        %dma_start3A_467 = arith.constant 0 : i32
        %dma_start3A_468 = arith.constant 0 : i32
        %dma_start3A_469 = tpu.memref_slice %arg10[%dma_start3A_467, %dma_start3A_468] : memref<300x16xf32, #tpu.memory_space<vmem_shared>> -> memref<300x16xf32, #tpu.memory_space<vmem_shared>>
        tpu.enqueue_indirect_dma source(%dma_start3A_469 : memref<300x16xf32, #tpu.memory_space<vmem_shared>>) target(%dma_start3A_464 : memref<128x16xf32, #tpu.memory_space<vmem>>) offsets(%dma_start3A_466 : memref<128xi32, #tpu.memory_space<vmem>>) semaphore(%run_scoped3A : memref<!tpu.dma_semaphore, #tpu.memory_space<semaphore_mem>>)
        %dma_wait3A_470 = arith.constant 0 : i32
        %dma_wait3A_471 = arith.constant 0 : i32
        %dma_wait3A_472 = tpu.memref_slice %arg16[%dma_wait3A_470, %dma_wait3A_471] : memref<512x16xf32, #tpu.memory_space<vmem>> -> memref<128x16xf32, #tpu.memory_space<vmem>>
        %dma_wait3A_473 = arith.constant 0 : i32
        %dma_wait3A_474 = tpu.memref_slice %arg14[%dma_wait3A_473] : memref<512xi32, #tpu.memory_space<vmem>> -> memref<128xi32, #tpu.memory_space<vmem>>
        %dma_wait3A_475 = arith.constant 0 : i32
        %dma_wait3A_476 = arith.constant 0 : i32
        %dma_wait3A_477 = tpu.memref_slice %arg10[%dma_wait3A_475, %dma_wait3A_476] : memref<300x16xf32, #tpu.memory_space<vmem_shared>> -> memref<300x16xf32, #tpu.memory_space<vmem_shared>>
        tpu.wait_indirect_dma semaphore(%run_scoped3A : memref<!tpu.dma_semaphore, #tpu.memory_space<semaphore_mem>>) src(%dma_wait3A_477 : memref<300x16xf32, #tpu.memory_space<vmem_shared>>) dst(%dma_wait3A_472 : memref<128x16xf32, #tpu.memory_space<vmem>>)
        tpu.yield
      }) : () -> ()
      "tpu.region"() ({
        %run_scoped3A = tpu.sem_alloc : memref<!tpu.dma_semaphore, #tpu.memory_space<semaphore_mem>>
        %dma_start3A_462 = arith.constant 128 : i32
        %dma_start3A_463 = arith.constant 0 : i32
        %dma_start3A_464 = tpu.memref_slice %arg16[%dma_start3A_462, %dma_start3A_463] : memref<512x16xf32, #tpu.memory_space<vmem>> -> memref<128x16xf32, #tpu.memory_space<vmem>>
        %dma_start3A_465 = arith.constant 128 : i32
        %dma_start3A_466 = tpu.memref_slice %arg14[%dma_start3A_465] : memref<512xi32, #tpu.memory_space<vmem>> -> memref<128xi32, #tpu.memory_space<vmem>>
        %dma_start3A_467 = arith.constant 0 : i32
        %dma_start3A_468 = arith.constant 0 : i32
        %dma_start3A_469 = tpu.memref_slice %arg10[%dma_start3A_467, %dma_start3A_468] : memref<300x16xf32, #tpu.memory_space<vmem_shared>> -> memref<300x16xf32, #tpu.memory_space<vmem_shared>>
        tpu.enqueue_indirect_dma source(%dma_start3A_469 : memref<300x16xf32, #tpu.memory_space<vmem_shared>>) target(%dma_start3A_464 : memref<128x16xf32, #tpu.memory_space<vmem>>) offsets(%dma_start3A_466 : memref<128xi32, #tpu.memory_space<vmem>>) semaphore(%run_scoped3A : memref<!tpu.dma_semaphore, #tpu.memory_space<semaphore_mem>>)
        %dma_wait3A_470 = arith.constant 128 : i32
        %dma_wait3A_471 = arith.constant 0 : i32
        %dma_wait3A_472 = tpu.memref_slice %arg16[%dma_wait3A_470, %dma_wait3A_471] : memref<512x16xf32, #tpu.memory_space<vmem>> -> memref<128x16xf32, #tpu.memory_space<vmem>>
        %dma_wait3A_473 = arith.constant 128 : i32
        %dma_wait3A_474 = tpu.memref_slice %arg14[%dma_wait3A_473] : memref<512xi32, #tpu.memory_space<vmem>> -> memref<128xi32, #tpu.memory_space<vmem>>
        %dma_wait3A_475 = arith.constant 0 : i32
        %dma_wait3A_476 = arith.constant 0 : i32
        %dma_wait3A_477 = tpu.memref_slice %arg10[%dma_wait3A_475, %dma_wait3A_476] : memref<300x16xf32, #tpu.memory_space<vmem_shared>> -> memref<300x16xf32, #tpu.memory_space<vmem_shared>>
        tpu.wait_indirect_dma semaphore(%run_scoped3A : memref<!tpu.dma_semaphore, #tpu.memory_space<semaphore_mem>>) src(%dma_wait3A_477 : memref<300x16xf32, #tpu.memory_space<vmem_shared>>) dst(%dma_wait3A_472 : memref<128x16xf32, #tpu.memory_space<vmem>>)
        tpu.yield
      }) : () -> ()
      "tpu.region"() ({
        %run_scoped3A = tpu.sem_alloc : memref<!tpu.dma_semaphore, #tpu.memory_space<semaphore_mem>>
        %dma_start3A_462 = arith.constant 256 : i32
        %dma_start3A_463 = arith.constant 0 : i32
        %dma_start3A_464 = tpu.memref_slice %arg16[%dma_start3A_462, %dma_start3A_463] : memref<512x16xf32, #tpu.memory_space<vmem>> -> memref<128x16xf32, #tpu.memory_space<vmem>>
        %dma_start3A_465 = arith.constant 256 : i32
        %dma_start3A_466 = tpu.memref_slice %arg14[%dma_start3A_465] : memref<512xi32, #tpu.memory_space<vmem>> -> memref<128xi32, #tpu.memory_space<vmem>>
        %dma_start3A_467 = arith.constant 0 : i32
        %dma_start3A_468 = arith.constant 0 : i32
        %dma_start3A_469 = tpu.memref_slice %arg10[%dma_start3A_467, %dma_start3A_468] : memref<300x16xf32, #tpu.memory_space<vmem_shared>> -> memref<300x16xf32, #tpu.memory_space<vmem_shared>>
        tpu.enqueue_indirect_dma source(%dma_start3A_469 : memref<300x16xf32, #tpu.memory_space<vmem_shared>>) target(%dma_start3A_464 : memref<128x16xf32, #tpu.memory_space<vmem>>) offsets(%dma_start3A_466 : memref<128xi32, #tpu.memory_space<vmem>>) semaphore(%run_scoped3A : memref<!tpu.dma_semaphore, #tpu.memory_space<semaphore_mem>>)
        %dma_wait3A_470 = arith.constant 256 : i32
        %dma_wait3A_471 = arith.constant 0 : i32
        %dma_wait3A_472 = tpu.memref_slice %arg16[%dma_wait3A_470, %dma_wait3A_471] : memref<512x16xf32, #tpu.memory_space<vmem>> -> memref<128x16xf32, #tpu.memory_space<vmem>>
        %dma_wait3A_473 = arith.constant 256 : i32
        %dma_wait3A_474 = tpu.memref_slice %arg14[%dma_wait3A_473] : memref<512xi32, #tpu.memory_space<vmem>> -> memref<128xi32, #tpu.memory_space<vmem>>
        %dma_wait3A_475 = arith.constant 0 : i32
        %dma_wait3A_476 = arith.constant 0 : i32
        %dma_wait3A_477 = tpu.memref_slice %arg10[%dma_wait3A_475, %dma_wait3A_476] : memref<300x16xf32, #tpu.memory_space<vmem_shared>> -> memref<300x16xf32, #tpu.memory_space<vmem_shared>>
        tpu.wait_indirect_dma semaphore(%run_scoped3A : memref<!tpu.dma_semaphore, #tpu.memory_space<semaphore_mem>>) src(%dma_wait3A_477 : memref<300x16xf32, #tpu.memory_space<vmem_shared>>) dst(%dma_wait3A_472 : memref<128x16xf32, #tpu.memory_space<vmem>>)
        tpu.yield
      }) : () -> ()
      "tpu.region"() ({
        %run_scoped3A = tpu.sem_alloc : memref<!tpu.dma_semaphore, #tpu.memory_space<semaphore_mem>>
        %dma_start3A_462 = arith.constant 384 : i32
        %dma_start3A_463 = arith.constant 0 : i32
        %dma_start3A_464 = tpu.memref_slice %arg16[%dma_start3A_462, %dma_start3A_463] : memref<512x16xf32, #tpu.memory_space<vmem>> -> memref<128x16xf32, #tpu.memory_space<vmem>>
        %dma_start3A_465 = arith.constant 384 : i32
        %dma_start3A_466 = tpu.memref_slice %arg14[%dma_start3A_465] : memref<512xi32, #tpu.memory_space<vmem>> -> memref<128xi32, #tpu.memory_space<vmem>>
        %dma_start3A_467 = arith.constant 0 : i32
        %dma_start3A_468 = arith.constant 0 : i32
        %dma_start3A_469 = tpu.memref_slice %arg10[%dma_start3A_467, %dma_start3A_468] : memref<300x16xf32, #tpu.memory_space<vmem_shared>> -> memref<300x16xf32, #tpu.memory_space<vmem_shared>>
        tpu.enqueue_indirect_dma source(%dma_start3A_469 : memref<300x16xf32, #tpu.memory_space<vmem_shared>>) target(%dma_start3A_464 : memref<128x16xf32, #tpu.memory_space<vmem>>) offsets(%dma_start3A_466 : memref<128xi32, #tpu.memory_space<vmem>>) semaphore(%run_scoped3A : memref<!tpu.dma_semaphore, #tpu.memory_space<semaphore_mem>>)
        %dma_wait3A_470 = arith.constant 384 : i32
        %dma_wait3A_471 = arith.constant 0 : i32
        %dma_wait3A_472 = tpu.memref_slice %arg16[%dma_wait3A_470, %dma_wait3A_471] : memref<512x16xf32, #tpu.memory_space<vmem>> -> memref<128x16xf32, #tpu.memory_space<vmem>>
        %dma_wait3A_473 = arith.constant 384 : i32
        %dma_wait3A_474 = tpu.memref_slice %arg14[%dma_wait3A_473] : memref<512xi32, #tpu.memory_space<vmem>> -> memref<128xi32, #tpu.memory_space<vmem>>
        %dma_wait3A_475 = arith.constant 0 : i32
        %dma_wait3A_476 = arith.constant 0 : i32
        %dma_wait3A_477 = tpu.memref_slice %arg10[%dma_wait3A_475, %dma_wait3A_476] : memref<300x16xf32, #tpu.memory_space<vmem_shared>> -> memref<300x16xf32, #tpu.memory_space<vmem_shared>>
        tpu.wait_indirect_dma semaphore(%run_scoped3A : memref<!tpu.dma_semaphore, #tpu.memory_space<semaphore_mem>>) src(%dma_wait3A_477 : memref<300x16xf32, #tpu.memory_space<vmem_shared>>) dst(%dma_wait3A_472 : memref<128x16xf32, #tpu.memory_space<vmem>>)
        tpu.yield
      }) : () -> ()
      %dma_wait3A_266 = arith.constant 0 : i32
      %dma_wait3A_267 = arith.constant 0 : i32
      %dma_wait3A_268 = tpu.memref_slice %arg15[%dma_wait3A_266, %dma_wait3A_267] : memref<512x16xf32, #tpu.memory_space<vmem>> -> memref<128x16xf32, #tpu.memory_space<vmem>>
      %dma_wait3A_269 = arith.constant 0 : i32
      %dma_wait3A_270 = tpu.memref_slice %arg12[%dma_wait3A_269] : memref<512xi32, #tpu.memory_space<vmem>> -> memref<128xi32, #tpu.memory_space<vmem>>
      %dma_wait3A_271 = arith.constant 0 : i32
      %dma_wait3A_272 = arith.constant 0 : i32
      %dma_wait3A_273 = tpu.memref_slice %arg8[%dma_wait3A_271, %dma_wait3A_272] : memref<400384x16xf32, #tpu.memory_space<hbm>> -> memref<400384x16xf32, #tpu.memory_space<hbm>>
      tpu.wait_indirect_dma semaphore(%arg22 : memref<!tpu.dma_semaphore, #tpu.memory_space<semaphore_mem>>) src(%dma_wait3A_273 : memref<400384x16xf32, #tpu.memory_space<hbm>>) dst(%dma_wait3A_268 : memref<128x16xf32, #tpu.memory_space<vmem>>)
      %dma_wait3A_274 = arith.constant 128 : i32
      %dma_wait3A_275 = arith.constant 0 : i32
      %dma_wait3A_276 = tpu.memref_slice %arg15[%dma_wait3A_274, %dma_wait3A_275] : memref<512x16xf32, #tpu.memory_space<vmem>> -> memref<128x16xf32, #tpu.memory_space<vmem>>
      %dma_wait3A_277 = arith.constant 128 : i32
      %dma_wait3A_278 = tpu.memref_slice %arg12[%dma_wait3A_277] : memref<512xi32, #tpu.memory_space<vmem>> -> memref<128xi32, #tpu.memory_space<vmem>>
      %dma_wait3A_279 = arith.constant 0 : i32
      %dma_wait3A_280 = arith.constant 0 : i32
      %dma_wait3A_281 = tpu.memref_slice %arg8[%dma_wait3A_279, %dma_wait3A_280] : memref<400384x16xf32, #tpu.memory_space<hbm>> -> memref<400384x16xf32, #tpu.memory_space<hbm>>
      tpu.wait_indirect_dma semaphore(%arg22 : memref<!tpu.dma_semaphore, #tpu.memory_space<semaphore_mem>>) src(%dma_wait3A_281 : memref<400384x16xf32, #tpu.memory_space<hbm>>) dst(%dma_wait3A_276 : memref<128x16xf32, #tpu.memory_space<vmem>>)
      %dma_wait3A_282 = arith.constant 256 : i32
      %dma_wait3A_283 = arith.constant 0 : i32
      %dma_wait3A_284 = tpu.memref_slice %arg15[%dma_wait3A_282, %dma_wait3A_283] : memref<512x16xf32, #tpu.memory_space<vmem>> -> memref<128x16xf32, #tpu.memory_space<vmem>>
      %dma_wait3A_285 = arith.constant 256 : i32
      %dma_wait3A_286 = tpu.memref_slice %arg12[%dma_wait3A_285] : memref<512xi32, #tpu.memory_space<vmem>> -> memref<128xi32, #tpu.memory_space<vmem>>
      %dma_wait3A_287 = arith.constant 0 : i32
      %dma_wait3A_288 = arith.constant 0 : i32
      %dma_wait3A_289 = tpu.memref_slice %arg8[%dma_wait3A_287, %dma_wait3A_288] : memref<400384x16xf32, #tpu.memory_space<hbm>> -> memref<400384x16xf32, #tpu.memory_space<hbm>>
      tpu.wait_indirect_dma semaphore(%arg22 : memref<!tpu.dma_semaphore, #tpu.memory_space<semaphore_mem>>) src(%dma_wait3A_289 : memref<400384x16xf32, #tpu.memory_space<hbm>>) dst(%dma_wait3A_284 : memref<128x16xf32, #tpu.memory_space<vmem>>)
      %dma_wait3A_290 = arith.constant 384 : i32
      %dma_wait3A_291 = arith.constant 0 : i32
      %dma_wait3A_292 = tpu.memref_slice %arg15[%dma_wait3A_290, %dma_wait3A_291] : memref<512x16xf32, #tpu.memory_space<vmem>> -> memref<128x16xf32, #tpu.memory_space<vmem>>
      %dma_wait3A_293 = arith.constant 384 : i32
      %dma_wait3A_294 = tpu.memref_slice %arg12[%dma_wait3A_293] : memref<512xi32, #tpu.memory_space<vmem>> -> memref<128xi32, #tpu.memory_space<vmem>>
      %dma_wait3A_295 = arith.constant 0 : i32
      %dma_wait3A_296 = arith.constant 0 : i32
      %dma_wait3A_297 = tpu.memref_slice %arg8[%dma_wait3A_295, %dma_wait3A_296] : memref<400384x16xf32, #tpu.memory_space<hbm>> -> memref<400384x16xf32, #tpu.memory_space<hbm>>
      tpu.wait_indirect_dma semaphore(%arg22 : memref<!tpu.dma_semaphore, #tpu.memory_space<semaphore_mem>>) src(%dma_wait3A_297 : memref<400384x16xf32, #tpu.memory_space<hbm>>) dst(%dma_wait3A_292 : memref<128x16xf32, #tpu.memory_space<vmem>>)
      %parallel_loop3A_298 = arith.constant 0 : i32
      %parallel_loop3A_299 = arith.constant 512 : i32
      %parallel_loop3A_300 = arith.constant 1 : i32
      scf.for %parallel_loop3A_462 = %parallel_loop3A_298 to %parallel_loop3A_299 step %parallel_loop3A_300  : i32 {
        %parallel_loop3A_463 = arith.index_cast %parallel_loop3A_462 : i32 to index
        %parallel_loop3A_464 = arith.constant 0 : index
        %parallel_loop3A_465 = tpu.vector_load %arg15[%parallel_loop3A_463, %parallel_loop3A_464] {strides = array<i32>} : memref<512x16xf32, #tpu.memory_space<vmem>>, vector<1x16xf32>,
        %parallel_loop3A_466 = vector.shape_cast %parallel_loop3A_465 : vector<1x16xf32> to vector<16xf32>
        %parallel_loop3A_467 = arith.index_cast %parallel_loop3A_462 : i32 to index
        %parallel_loop3A_468 = arith.constant 0 : index
        %parallel_loop3A_469 = tpu.vector_load %arg16[%parallel_loop3A_467, %parallel_loop3A_468] {strides = array<i32>} : memref<512x16xf32, #tpu.memory_space<vmem>>, vector<1x16xf32>,
        %parallel_loop3A_470 = vector.shape_cast %parallel_loop3A_469 : vector<1x16xf32> to vector<16xf32>
        %parallel_loop3A_471 = arith.mulf %parallel_loop3A_466, %parallel_loop3A_470 : vector<16xf32>
        %parallel_loop3A_472 = arith.index_cast %parallel_loop3A_462 : i32 to index
        %parallel_loop3A_473 = arith.constant 0 : index
        %parallel_loop3A_474 = tpu.vector_load %arg15[%parallel_loop3A_472, %parallel_loop3A_473] {strides = array<i32>} : memref<512x16xf32, #tpu.memory_space<vmem>>, vector<1x16xf32>,
        %parallel_loop3A_475 = vector.shape_cast %parallel_loop3A_474 : vector<1x16xf32> to vector<16xf32>
        %parallel_loop3A_476 = vector.shape_cast %parallel_loop3A_471 : vector<16xf32> to vector<1x16xf32>
        tpu.vector_store %arg15[%parallel_loop3A_472, %parallel_loop3A_473], %parallel_loop3A_476 {strides = array<i32>} : memref<512x16xf32, #tpu.memory_space<vmem>>, vector<1x16xf32>,
      } {sc.loop_unroll_factor = 8 : i64, sc.parallel_access}
      %dma_start3A_301 = arith.constant 0 : i32
      %dma_start3A_302 = arith.constant 0 : i32
      %dma_start3A_303 = arith.constant 0 : i32
      %dma_start3A_304 = tpu.memref_slice %arg15[%dma_start3A_302, %dma_start3A_303] : memref<512x16xf32, #tpu.memory_space<vmem>> -> memref<64x16xf32, #tpu.memory_space<vmem>>
      %dma_start3A_305 = arith.constant 0 : i32
      %dma_start3A_306 = tpu.memref_slice %arg13[%dma_start3A_301, %dma_start3A_305] : memref<8x64xi32, #tpu.memory_space<vmem>> -> memref<1x64xi32, #tpu.memory_space<vmem>>
      %dma_start3A_307 = tpu.memref_squeeze %dma_start3A_306 : memref<1x64xi32, #tpu.memory_space<vmem>> -> memref<64xi32, #tpu.memory_space<vmem>>
      %dma_start3A_308 = arith.constant 0 : i32
      %dma_start3A_309 = arith.constant 0 : i32
      %dma_start3A_310 = tpu.memref_slice %arg9[%dma_start3A_308, %dma_start3A_309] : memref<50048x16xf32, #tpu.memory_space<vmem_shared>> -> memref<50048x16xf32, #tpu.memory_space<vmem_shared>>
      tpu.enqueue_indirect_dma source(%dma_start3A_304 : memref<64x16xf32, #tpu.memory_space<vmem>>) target(%dma_start3A_310 : memref<50048x16xf32, #tpu.memory_space<vmem_shared>>) offsets(%dma_start3A_307 : memref<64xi32, #tpu.memory_space<vmem>>) semaphore(%arg23 : memref<!tpu.dma_semaphore, #tpu.memory_space<semaphore_mem>>) {add = true}
      %dma_start3A_311 = arith.constant 1 : i32
      %dma_start3A_312 = arith.constant 64 : i32
      %dma_start3A_313 = arith.constant 0 : i32
      %dma_start3A_314 = tpu.memref_slice %arg15[%dma_start3A_312, %dma_start3A_313] : memref<512x16xf32, #tpu.memory_space<vmem>> -> memref<64x16xf32, #tpu.memory_space<vmem>>
      %dma_start3A_315 = arith.constant 0 : i32
      %dma_start3A_316 = tpu.memref_slice %arg13[%dma_start3A_311, %dma_start3A_315] : memref<8x64xi32, #tpu.memory_space<vmem>> -> memref<1x64xi32, #tpu.memory_space<vmem>>
      %dma_start3A_317 = tpu.memref_squeeze %dma_start3A_316 : memref<1x64xi32, #tpu.memory_space<vmem>> -> memref<64xi32, #tpu.memory_space<vmem>>
      %dma_start3A_318 = arith.constant 0 : i32
      %dma_start3A_319 = arith.constant 0 : i32
      %dma_start3A_320 = tpu.memref_slice %arg9[%dma_start3A_318, %dma_start3A_319] : memref<50048x16xf32, #tpu.memory_space<vmem_shared>> -> memref<50048x16xf32, #tpu.memory_space<vmem_shared>>
      tpu.enqueue_indirect_dma source(%dma_start3A_314 : memref<64x16xf32, #tpu.memory_space<vmem>>) target(%dma_start3A_320 : memref<50048x16xf32, #tpu.memory_space<vmem_shared>>) offsets(%dma_start3A_317 : memref<64xi32, #tpu.memory_space<vmem>>) semaphore(%arg23 : memref<!tpu.dma_semaphore, #tpu.memory_space<semaphore_mem>>) {add = true}
      %dma_start3A_321 = arith.constant 2 : i32
      %dma_start3A_322 = arith.constant 128 : i32
      %dma_start3A_323 = arith.constant 0 : i32
      %dma_start3A_324 = tpu.memref_slice %arg15[%dma_start3A_322, %dma_start3A_323] : memref<512x16xf32, #tpu.memory_space<vmem>> -> memref<64x16xf32, #tpu.memory_space<vmem>>
      %dma_start3A_325 = arith.constant 0 : i32
      %dma_start3A_326 = tpu.memref_slice %arg13[%dma_start3A_321, %dma_start3A_325] : memref<8x64xi32, #tpu.memory_space<vmem>> -> memref<1x64xi32, #tpu.memory_space<vmem>>
      %dma_start3A_327 = tpu.memref_squeeze %dma_start3A_326 : memref<1x64xi32, #tpu.memory_space<vmem>> -> memref<64xi32, #tpu.memory_space<vmem>>
      %dma_start3A_328 = arith.constant 0 : i32
      %dma_start3A_329 = arith.constant 0 : i32
      %dma_start3A_330 = tpu.memref_slice %arg9[%dma_start3A_328, %dma_start3A_329] : memref<50048x16xf32, #tpu.memory_space<vmem_shared>> -> memref<50048x16xf32, #tpu.memory_space<vmem_shared>>
      tpu.enqueue_indirect_dma source(%dma_start3A_324 : memref<64x16xf32, #tpu.memory_space<vmem>>) target(%dma_start3A_330 : memref<50048x16xf32, #tpu.memory_space<vmem_shared>>) offsets(%dma_start3A_327 : memref<64xi32, #tpu.memory_space<vmem>>) semaphore(%arg23 : memref<!tpu.dma_semaphore, #tpu.memory_space<semaphore_mem>>) {add = true}
      %dma_start3A_331 = arith.constant 3 : i32
      %dma_start3A_332 = arith.constant 192 : i32
      %dma_start3A_333 = arith.constant 0 : i32
      %dma_start3A_334 = tpu.memref_slice %arg15[%dma_start3A_332, %dma_start3A_333] : memref<512x16xf32, #tpu.memory_space<vmem>> -> memref<64x16xf32, #tpu.memory_space<vmem>>
      %dma_start3A_335 = arith.constant 0 : i32
      %dma_start3A_336 = tpu.memref_slice %arg13[%dma_start3A_331, %dma_start3A_335] : memref<8x64xi32, #tpu.memory_space<vmem>> -> memref<1x64xi32, #tpu.memory_space<vmem>>
      %dma_start3A_337 = tpu.memref_squeeze %dma_start3A_336 : memref<1x64xi32, #tpu.memory_space<vmem>> -> memref<64xi32, #tpu.memory_space<vmem>>
      %dma_start3A_338 = arith.constant 0 : i32
      %dma_start3A_339 = arith.constant 0 : i32
      %dma_start3A_340 = tpu.memref_slice %arg9[%dma_start3A_338, %dma_start3A_339] : memref<50048x16xf32, #tpu.memory_space<vmem_shared>> -> memref<50048x16xf32, #tpu.memory_space<vmem_shared>>
      tpu.enqueue_indirect_dma source(%dma_start3A_334 : memref<64x16xf32, #tpu.memory_space<vmem>>) target(%dma_start3A_340 : memref<50048x16xf32, #tpu.memory_space<vmem_shared>>) offsets(%dma_start3A_337 : memref<64xi32, #tpu.memory_space<vmem>>) semaphore(%arg23 : memref<!tpu.dma_semaphore, #tpu.memory_space<semaphore_mem>>) {add = true}
      %dma_start3A_341 = arith.constant 4 : i32
      %dma_start3A_342 = arith.constant 256 : i32
      %dma_start3A_343 = arith.constant 0 : i32
      %dma_start3A_344 = tpu.memref_slice %arg15[%dma_start3A_342, %dma_start3A_343] : memref<512x16xf32, #tpu.memory_space<vmem>> -> memref<64x16xf32, #tpu.memory_space<vmem>>
      %dma_start3A_345 = arith.constant 0 : i32
      %dma_start3A_346 = tpu.memref_slice %arg13[%dma_start3A_341, %dma_start3A_345] : memref<8x64xi32, #tpu.memory_space<vmem>> -> memref<1x64xi32, #tpu.memory_space<vmem>>
      %dma_start3A_347 = tpu.memref_squeeze %dma_start3A_346 : memref<1x64xi32, #tpu.memory_space<vmem>> -> memref<64xi32, #tpu.memory_space<vmem>>
      %dma_start3A_348 = arith.constant 0 : i32
      %dma_start3A_349 = arith.constant 0 : i32
      %dma_start3A_350 = tpu.memref_slice %arg9[%dma_start3A_348, %dma_start3A_349] : memref<50048x16xf32, #tpu.memory_space<vmem_shared>> -> memref<50048x16xf32, #tpu.memory_space<vmem_shared>>
      tpu.enqueue_indirect_dma source(%dma_start3A_344 : memref<64x16xf32, #tpu.memory_space<vmem>>) target(%dma_start3A_350 : memref<50048x16xf32, #tpu.memory_space<vmem_shared>>) offsets(%dma_start3A_347 : memref<64xi32, #tpu.memory_space<vmem>>) semaphore(%arg23 : memref<!tpu.dma_semaphore, #tpu.memory_space<semaphore_mem>>) {add = true}
      %dma_start3A_351 = arith.constant 5 : i32
      %dma_start3A_352 = arith.constant 320 : i32
      %dma_start3A_353 = arith.constant 0 : i32
      %dma_start3A_354 = tpu.memref_slice %arg15[%dma_start3A_352, %dma_start3A_353] : memref<512x16xf32, #tpu.memory_space<vmem>> -> memref<64x16xf32, #tpu.memory_space<vmem>>
      %dma_start3A_355 = arith.constant 0 : i32
      %dma_start3A_356 = tpu.memref_slice %arg13[%dma_start3A_351, %dma_start3A_355] : memref<8x64xi32, #tpu.memory_space<vmem>> -> memref<1x64xi32, #tpu.memory_space<vmem>>
      %dma_start3A_357 = tpu.memref_squeeze %dma_start3A_356 : memref<1x64xi32, #tpu.memory_space<vmem>> -> memref<64xi32, #tpu.memory_space<vmem>>
      %dma_start3A_358 = arith.constant 0 : i32
      %dma_start3A_359 = arith.constant 0 : i32
      %dma_start3A_360 = tpu.memref_slice %arg9[%dma_start3A_358, %dma_start3A_359] : memref<50048x16xf32, #tpu.memory_space<vmem_shared>> -> memref<50048x16xf32, #tpu.memory_space<vmem_shared>>
      tpu.enqueue_indirect_dma source(%dma_start3A_354 : memref<64x16xf32, #tpu.memory_space<vmem>>) target(%dma_start3A_360 : memref<50048x16xf32, #tpu.memory_space<vmem_shared>>) offsets(%dma_start3A_357 : memref<64xi32, #tpu.memory_space<vmem>>) semaphore(%arg23 : memref<!tpu.dma_semaphore, #tpu.memory_space<semaphore_mem>>) {add = true}
      %dma_start3A_361 = arith.constant 6 : i32
      %dma_start3A_362 = arith.constant 384 : i32
      %dma_start3A_363 = arith.constant 0 : i32
      %dma_start3A_364 = tpu.memref_slice %arg15[%dma_start3A_362, %dma_start3A_363] : memref<512x16xf32, #tpu.memory_space<vmem>> -> memref<64x16xf32, #tpu.memory_space<vmem>>
      %dma_start3A_365 = arith.constant 0 : i32
      %dma_start3A_366 = tpu.memref_slice %arg13[%dma_start3A_361, %dma_start3A_365] : memref<8x64xi32, #tpu.memory_space<vmem>> -> memref<1x64xi32, #tpu.memory_space<vmem>>
      %dma_start3A_367 = tpu.memref_squeeze %dma_start3A_366 : memref<1x64xi32, #tpu.memory_space<vmem>> -> memref<64xi32, #tpu.memory_space<vmem>>
      %dma_start3A_368 = arith.constant 0 : i32
      %dma_start3A_369 = arith.constant 0 : i32
      %dma_start3A_370 = tpu.memref_slice %arg9[%dma_start3A_368, %dma_start3A_369] : memref<50048x16xf32, #tpu.memory_space<vmem_shared>> -> memref<50048x16xf32, #tpu.memory_space<vmem_shared>>
      tpu.enqueue_indirect_dma source(%dma_start3A_364 : memref<64x16xf32, #tpu.memory_space<vmem>>) target(%dma_start3A_370 : memref<50048x16xf32, #tpu.memory_space<vmem_shared>>) offsets(%dma_start3A_367 : memref<64xi32, #tpu.memory_space<vmem>>) semaphore(%arg23 : memref<!tpu.dma_semaphore, #tpu.memory_space<semaphore_mem>>) {add = true}
      %dma_start3A_371 = arith.constant 7 : i32
      %dma_start3A_372 = arith.constant 448 : i32
      %dma_start3A_373 = arith.constant 0 : i32
      %dma_start3A_374 = tpu.memref_slice %arg15[%dma_start3A_372, %dma_start3A_373] : memref<512x16xf32, #tpu.memory_space<vmem>> -> memref<64x16xf32, #tpu.memory_space<vmem>>
      %dma_start3A_375 = arith.constant 0 : i32
      %dma_start3A_376 = tpu.memref_slice %arg13[%dma_start3A_371, %dma_start3A_375] : memref<8x64xi32, #tpu.memory_space<vmem>> -> memref<1x64xi32, #tpu.memory_space<vmem>>
      %dma_start3A_377 = tpu.memref_squeeze %dma_start3A_376 : memref<1x64xi32, #tpu.memory_space<vmem>> -> memref<64xi32, #tpu.memory_space<vmem>>
      %dma_start3A_378 = arith.constant 0 : i32
      %dma_start3A_379 = arith.constant 0 : i32
      %dma_start3A_380 = tpu.memref_slice %arg9[%dma_start3A_378, %dma_start3A_379] : memref<50048x16xf32, #tpu.memory_space<vmem_shared>> -> memref<50048x16xf32, #tpu.memory_space<vmem_shared>>
      tpu.enqueue_indirect_dma source(%dma_start3A_374 : memref<64x16xf32, #tpu.memory_space<vmem>>) target(%dma_start3A_380 : memref<50048x16xf32, #tpu.memory_space<vmem_shared>>) offsets(%dma_start3A_377 : memref<64xi32, #tpu.memory_space<vmem>>) semaphore(%arg23 : memref<!tpu.dma_semaphore, #tpu.memory_space<semaphore_mem>>) {add = true}
      %dma_wait3A_381 = arith.constant 0 : i32
      %dma_wait3A_382 = arith.constant 0 : i32
      %dma_wait3A_383 = arith.constant 0 : i32
      %dma_wait3A_384 = tpu.memref_slice %arg15[%dma_wait3A_382, %dma_wait3A_383] : memref<512x16xf32, #tpu.memory_space<vmem>> -> memref<64x16xf32, #tpu.memory_space<vmem>>
      %dma_wait3A_385 = arith.constant 0 : i32
      %dma_wait3A_386 = tpu.memref_slice %arg13[%dma_wait3A_381, %dma_wait3A_385] : memref<8x64xi32, #tpu.memory_space<vmem>> -> memref<1x64xi32, #tpu.memory_space<vmem>>
      %dma_wait3A_387 = tpu.memref_squeeze %dma_wait3A_386 : memref<1x64xi32, #tpu.memory_space<vmem>> -> memref<64xi32, #tpu.memory_space<vmem>>
      %dma_wait3A_388 = arith.constant 0 : i32
      %dma_wait3A_389 = arith.constant 0 : i32
      %dma_wait3A_390 = tpu.memref_slice %arg9[%dma_wait3A_388, %dma_wait3A_389] : memref<50048x16xf32, #tpu.memory_space<vmem_shared>> -> memref<50048x16xf32, #tpu.memory_space<vmem_shared>>
      tpu.wait_indirect_dma semaphore(%arg23 : memref<!tpu.dma_semaphore, #tpu.memory_space<semaphore_mem>>) src(%dma_wait3A_384 : memref<64x16xf32, #tpu.memory_space<vmem>>) dst(%dma_wait3A_390 : memref<50048x16xf32, #tpu.memory_space<vmem_shared>>)
      %dma_wait3A_391 = arith.constant 1 : i32
      %dma_wait3A_392 = arith.constant 64 : i32
      %dma_wait3A_393 = arith.constant 0 : i32
      %dma_wait3A_394 = tpu.memref_slice %arg15[%dma_wait3A_392, %dma_wait3A_393] : memref<512x16xf32, #tpu.memory_space<vmem>> -> memref<64x16xf32, #tpu.memory_space<vmem>>
      %dma_wait3A_395 = arith.constant 0 : i32
      %dma_wait3A_396 = tpu.memref_slice %arg13[%dma_wait3A_391, %dma_wait3A_395] : memref<8x64xi32, #tpu.memory_space<vmem>> -> memref<1x64xi32, #tpu.memory_space<vmem>>
      %dma_wait3A_397 = tpu.memref_squeeze %dma_wait3A_396 : memref<1x64xi32, #tpu.memory_space<vmem>> -> memref<64xi32, #tpu.memory_space<vmem>>
      %dma_wait3A_398 = arith.constant 0 : i32
      %dma_wait3A_399 = arith.constant 0 : i32
      %dma_wait3A_400 = tpu.memref_slice %arg9[%dma_wait3A_398, %dma_wait3A_399] : memref<50048x16xf32, #tpu.memory_space<vmem_shared>> -> memref<50048x16xf32, #tpu.memory_space<vmem_shared>>
      tpu.wait_indirect_dma semaphore(%arg23 : memref<!tpu.dma_semaphore, #tpu.memory_space<semaphore_mem>>) src(%dma_wait3A_394 : memref<64x16xf32, #tpu.memory_space<vmem>>) dst(%dma_wait3A_400 : memref<50048x16xf32, #tpu.memory_space<vmem_shared>>)
      %dma_wait3A_401 = arith.constant 2 : i32
      %dma_wait3A_402 = arith.constant 128 : i32
      %dma_wait3A_403 = arith.constant 0 : i32
      %dma_wait3A_404 = tpu.memref_slice %arg15[%dma_wait3A_402, %dma_wait3A_403] : memref<512x16xf32, #tpu.memory_space<vmem>> -> memref<64x16xf32, #tpu.memory_space<vmem>>
      %dma_wait3A_405 = arith.constant 0 : i32
      %dma_wait3A_406 = tpu.memref_slice %arg13[%dma_wait3A_401, %dma_wait3A_405] : memref<8x64xi32, #tpu.memory_space<vmem>> -> memref<1x64xi32, #tpu.memory_space<vmem>>
      %dma_wait3A_407 = tpu.memref_squeeze %dma_wait3A_406 : memref<1x64xi32, #tpu.memory_space<vmem>> -> memref<64xi32, #tpu.memory_space<vmem>>
      %dma_wait3A_408 = arith.constant 0 : i32
      %dma_wait3A_409 = arith.constant 0 : i32
      %dma_wait3A_410 = tpu.memref_slice %arg9[%dma_wait3A_408, %dma_wait3A_409] : memref<50048x16xf32, #tpu.memory_space<vmem_shared>> -> memref<50048x16xf32, #tpu.memory_space<vmem_shared>>
      tpu.wait_indirect_dma semaphore(%arg23 : memref<!tpu.dma_semaphore, #tpu.memory_space<semaphore_mem>>) src(%dma_wait3A_404 : memref<64x16xf32, #tpu.memory_space<vmem>>) dst(%dma_wait3A_410 : memref<50048x16xf32, #tpu.memory_space<vmem_shared>>)
      %dma_wait3A_411 = arith.constant 3 : i32
      %dma_wait3A_412 = arith.constant 192 : i32
      %dma_wait3A_413 = arith.constant 0 : i32
      %dma_wait3A_414 = tpu.memref_slice %arg15[%dma_wait3A_412, %dma_wait3A_413] : memref<512x16xf32, #tpu.memory_space<vmem>> -> memref<64x16xf32, #tpu.memory_space<vmem>>
      %dma_wait3A_415 = arith.constant 0 : i32
      %dma_wait3A_416 = tpu.memref_slice %arg13[%dma_wait3A_411, %dma_wait3A_415] : memref<8x64xi32, #tpu.memory_space<vmem>> -> memref<1x64xi32, #tpu.memory_space<vmem>>
      %dma_wait3A_417 = tpu.memref_squeeze %dma_wait3A_416 : memref<1x64xi32, #tpu.memory_space<vmem>> -> memref<64xi32, #tpu.memory_space<vmem>>
      %dma_wait3A_418 = arith.constant 0 : i32
      %dma_wait3A_419 = arith.constant 0 : i32
      %dma_wait3A_420 = tpu.memref_slice %arg9[%dma_wait3A_418, %dma_wait3A_419] : memref<50048x16xf32, #tpu.memory_space<vmem_shared>> -> memref<50048x16xf32, #tpu.memory_space<vmem_shared>>
      tpu.wait_indirect_dma semaphore(%arg23 : memref<!tpu.dma_semaphore, #tpu.memory_space<semaphore_mem>>) src(%dma_wait3A_414 : memref<64x16xf32, #tpu.memory_space<vmem>>) dst(%dma_wait3A_420 : memref<50048x16xf32, #tpu.memory_space<vmem_shared>>)
      %dma_wait3A_421 = arith.constant 4 : i32
      %dma_wait3A_422 = arith.constant 256 : i32
      %dma_wait3A_423 = arith.constant 0 : i32
      %dma_wait3A_424 = tpu.memref_slice %arg15[%dma_wait3A_422, %dma_wait3A_423] : memref<512x16xf32, #tpu.memory_space<vmem>> -> memref<64x16xf32, #tpu.memory_space<vmem>>
      %dma_wait3A_425 = arith.constant 0 : i32
      %dma_wait3A_426 = tpu.memref_slice %arg13[%dma_wait3A_421, %dma_wait3A_425] : memref<8x64xi32, #tpu.memory_space<vmem>> -> memref<1x64xi32, #tpu.memory_space<vmem>>
      %dma_wait3A_427 = tpu.memref_squeeze %dma_wait3A_426 : memref<1x64xi32, #tpu.memory_space<vmem>> -> memref<64xi32, #tpu.memory_space<vmem>>
      %dma_wait3A_428 = arith.constant 0 : i32
      %dma_wait3A_429 = arith.constant 0 : i32
      %dma_wait3A_430 = tpu.memref_slice %arg9[%dma_wait3A_428, %dma_wait3A_429] : memref<50048x16xf32, #tpu.memory_space<vmem_shared>> -> memref<50048x16xf32, #tpu.memory_space<vmem_shared>>
      tpu.wait_indirect_dma semaphore(%arg23 : memref<!tpu.dma_semaphore, #tpu.memory_space<semaphore_mem>>) src(%dma_wait3A_424 : memref<64x16xf32, #tpu.memory_space<vmem>>) dst(%dma_wait3A_430 : memref<50048x16xf32, #tpu.memory_space<vmem_shared>>)
      %dma_wait3A_431 = arith.constant 5 : i32
      %dma_wait3A_432 = arith.constant 320 : i32
      %dma_wait3A_433 = arith.constant 0 : i32
      %dma_wait3A_434 = tpu.memref_slice %arg15[%dma_wait3A_432, %dma_wait3A_433] : memref<512x16xf32, #tpu.memory_space<vmem>> -> memref<64x16xf32, #tpu.memory_space<vmem>>
      %dma_wait3A_435 = arith.constant 0 : i32
      %dma_wait3A_436 = tpu.memref_slice %arg13[%dma_wait3A_431, %dma_wait3A_435] : memref<8x64xi32, #tpu.memory_space<vmem>> -> memref<1x64xi32, #tpu.memory_space<vmem>>
      %dma_wait3A_437 = tpu.memref_squeeze %dma_wait3A_436 : memref<1x64xi32, #tpu.memory_space<vmem>> -> memref<64xi32, #tpu.memory_space<vmem>>
      %dma_wait3A_438 = arith.constant 0 : i32
      %dma_wait3A_439 = arith.constant 0 : i32
      %dma_wait3A_440 = tpu.memref_slice %arg9[%dma_wait3A_438, %dma_wait3A_439] : memref<50048x16xf32, #tpu.memory_space<vmem_shared>> -> memref<50048x16xf32, #tpu.memory_space<vmem_shared>>
      tpu.wait_indirect_dma semaphore(%arg23 : memref<!tpu.dma_semaphore, #tpu.memory_space<semaphore_mem>>) src(%dma_wait3A_434 : memref<64x16xf32, #tpu.memory_space<vmem>>) dst(%dma_wait3A_440 : memref<50048x16xf32, #tpu.memory_space<vmem_shared>>)
      %dma_wait3A_441 = arith.constant 6 : i32
      %dma_wait3A_442 = arith.constant 384 : i32
      %dma_wait3A_443 = arith.constant 0 : i32
      %dma_wait3A_444 = tpu.memref_slice %arg15[%dma_wait3A_442, %dma_wait3A_443] : memref<512x16xf32, #tpu.memory_space<vmem>> -> memref<64x16xf32, #tpu.memory_space<vmem>>
      %dma_wait3A_445 = arith.constant 0 : i32
      %dma_wait3A_446 = tpu.memref_slice %arg13[%dma_wait3A_441, %dma_wait3A_445] : memref<8x64xi32, #tpu.memory_space<vmem>> -> memref<1x64xi32, #tpu.memory_space<vmem>>
      %dma_wait3A_447 = tpu.memref_squeeze %dma_wait3A_446 : memref<1x64xi32, #tpu.memory_space<vmem>> -> memref<64xi32, #tpu.memory_space<vmem>>
      %dma_wait3A_448 = arith.constant 0 : i32
      %dma_wait3A_449 = arith.constant 0 : i32
      %dma_wait3A_450 = tpu.memref_slice %arg9[%dma_wait3A_448, %dma_wait3A_449] : memref<50048x16xf32, #tpu.memory_space<vmem_shared>> -> memref<50048x16xf32, #tpu.memory_space<vmem_shared>>
      tpu.wait_indirect_dma semaphore(%arg23 : memref<!tpu.dma_semaphore, #tpu.memory_space<semaphore_mem>>) src(%dma_wait3A_444 : memref<64x16xf32, #tpu.memory_space<vmem>>) dst(%dma_wait3A_450 : memref<50048x16xf32, #tpu.memory_space<vmem_shared>>)
      %dma_wait3A_451 = arith.constant 7 : i32
      %dma_wait3A_452 = arith.constant 448 : i32
      %dma_wait3A_453 = arith.constant 0 : i32
      %dma_wait3A_454 = tpu.memref_slice %arg15[%dma_wait3A_452, %dma_wait3A_453] : memref<512x16xf32, #tpu.memory_space<vmem>> -> memref<64x16xf32, #tpu.memory_space<vmem>>
      %dma_wait3A_455 = arith.constant 0 : i32
      %dma_wait3A_456 = tpu.memref_slice %arg13[%dma_wait3A_451, %dma_wait3A_455] : memref<8x64xi32, #tpu.memory_space<vmem>> -> memref<1x64xi32, #tpu.memory_space<vmem>>
      %dma_wait3A_457 = tpu.memref_squeeze %dma_wait3A_456 : memref<1x64xi32, #tpu.memory_space<vmem>> -> memref<64xi32, #tpu.memory_space<vmem>>
      %dma_wait3A_458 = arith.constant 0 : i32
      %dma_wait3A_459 = arith.constant 0 : i32
      %dma_wait3A_460 = tpu.memref_slice %arg9[%dma_wait3A_458, %dma_wait3A_459] : memref<50048x16xf32, #tpu.memory_space<vmem_shared>> -> memref<50048x16xf32, #tpu.memory_space<vmem_shared>>
      tpu.wait_indirect_dma semaphore(%arg23 : memref<!tpu.dma_semaphore, #tpu.memory_space<semaphore_mem>>) src(%dma_wait3A_454 : memref<64x16xf32, #tpu.memory_space<vmem>>) dst(%dma_wait3A_460 : memref<50048x16xf32, #tpu.memory_space<vmem_shared>>)
      %scan3A_461 = arith.constant 0 : i32
      scf.yield %scan3A_461 : i32
    }
    %scan3A_31 = arith.constant 98 : i32
    %barrier3A_32 = arith.constant 0 : index
    tpu.barrier barrier_id(%barrier3A_32)
    "tpu.region"() ({
      %run_scoped3A = tpu.sem_alloc : memref<!tpu.dma_semaphore, #tpu.memory_space<semaphore_mem>>
      %dma_start3A = arith.constant 0 : i32
      %dma_start3A_183 = tpu.memref_slice %arg9[%multiple_of3A, %dma_start3A] : memref<50048x16xf32, #tpu.memory_space<vmem_shared>> -> memref<3128x16xf32, #tpu.memory_space<vmem_shared>>
      %dma_start3A_184 = arith.constant 0 : i32
      %dma_start3A_185 = tpu.memref_slice %arg9[%multiple_of3A, %dma_start3A_184] : memref<50048x16xf32, #tpu.memory_space<vmem_shared>> -> memref<3128x16xf32, #tpu.memory_space<vmem_shared>>
      tpu.enqueue_dma source(%dma_start3A_185 : memref<3128x16xf32, #tpu.memory_space<vmem_shared>>) target(%arg17 : memref<3128x16xf32, #tpu.memory_space<vmem>>) target_semaphore(%run_scoped3A : memref<!tpu.dma_semaphore, #tpu.memory_space<semaphore_mem>>)
      %dma_wait3A = arith.constant 0 : i32
      %dma_wait3A_186 = tpu.memref_slice %arg9[%multiple_of3A, %dma_wait3A] : memref<50048x16xf32, #tpu.memory_space<vmem_shared>> -> memref<3128x16xf32, #tpu.memory_space<vmem_shared>>
      %dma_wait3A_187 = arith.constant 0 : i32
      %dma_wait3A_188 = tpu.memref_slice %arg9[%multiple_of3A, %dma_wait3A_187] : memref<50048x16xf32, #tpu.memory_space<vmem_shared>> -> memref<3128x16xf32, #tpu.memory_space<vmem_shared>>
      tpu.wait_dma2 semaphore(%run_scoped3A : memref<!tpu.dma_semaphore, #tpu.memory_space<semaphore_mem>>) src(%dma_wait3A_188 : memref<3128x16xf32, #tpu.memory_space<vmem_shared>>) dst(%arg17 : memref<3128x16xf32, #tpu.memory_space<vmem>>)
      tpu.yield
    }) : () -> ()
    %parallel_loop3A_33 = arith.constant 0 : i32
    %parallel_loop3A_34 = arith.constant 3128 : i32
    %parallel_loop3A_35 = arith.constant 1 : i32
    %parallel_loop3A_36 = scf.for %parallel_loop3A_183 = %parallel_loop3A_33 to %parallel_loop3A_34 step %parallel_loop3A_35 iter_args(%parallel_loop3A_184 = %broadcast_in_dim3A_4) -> (vector<16xf32>)  : i32 {
      %parallel_loop3A_185 = arith.index_cast %parallel_loop3A_183 : i32 to index
      %parallel_loop3A_186 = arith.constant 0 : index
      %parallel_loop3A_187 = tpu.vector_load %arg17[%parallel_loop3A_185, %parallel_loop3A_186] {strides = array<i32>} : memref<3128x16xf32, #tpu.memory_space<vmem>>, vector<1x16xf32>,
      %parallel_loop3A_188 = vector.shape_cast %parallel_loop3A_187 : vector<1x16xf32> to vector<16xf32>
      %parallel_loop3A_189 = arith.constant 0.000000e+00 : f32
      %parallel_loop3A_190 = vector.broadcast %parallel_loop3A_189 : f32 to vector<16xf32>
      %parallel_loop3A_191 = arith.maximumf %parallel_loop3A_188, %parallel_loop3A_190 : vector<16xf32>
      %parallel_loop3A_192 = arith.constant 1.000000e+00 : f32
      %parallel_loop3A_193 = vector.broadcast %parallel_loop3A_192 : f32 to vector<16xf32>
      %parallel_loop3A_194 = arith.minimumf %parallel_loop3A_191, %parallel_loop3A_193 : vector<16xf32>
      %parallel_loop3A_195 = arith.index_cast %parallel_loop3A_183 : i32 to index
      %parallel_loop3A_196 = arith.constant 0 : index
      %parallel_loop3A_197 = tpu.vector_load %arg17[%parallel_loop3A_195, %parallel_loop3A_196] {strides = array<i32>} : memref<3128x16xf32, #tpu.memory_space<vmem>>, vector<1x16xf32>,
      %parallel_loop3A_198 = vector.shape_cast %parallel_loop3A_197 : vector<1x16xf32> to vector<16xf32>
      %parallel_loop3A_199 = vector.shape_cast %parallel_loop3A_194 : vector<16xf32> to vector<1x16xf32>
      tpu.vector_store %arg17[%parallel_loop3A_195, %parallel_loop3A_196], %parallel_loop3A_199 {strides = array<i32>} : memref<3128x16xf32, #tpu.memory_space<vmem>>, vector<1x16xf32>,
      %parallel_loop3A_200 = arith.maximumf %parallel_loop3A_184, %parallel_loop3A_194 : vector<16xf32>
      scf.yield %parallel_loop3A_200 : vector<16xf32>
    } {sc.loop_unroll_factor = 8 : i64, sc.parallel_access}
    %swap3A = arith.constant 0 : i32
    %swap3A_37 = arith.index_cast %swap3A : i32 to index
    %swap3A_38 = arith.constant 0 : index
    %swap3A_39 = tpu.vector_load %arg18[%swap3A_37, %swap3A_38] {strides = array<i32>} : memref<8x16xf32, #tpu.memory_space<vmem>>, vector<1x16xf32>,
    %swap3A_40 = vector.shape_cast %swap3A_39 : vector<1x16xf32> to vector<16xf32>
    %swap3A_41 = vector.shape_cast %parallel_loop3A_36 : vector<16xf32> to vector<1x16xf32>
    tpu.vector_store %arg18[%swap3A_37, %swap3A_38], %swap3A_41 {strides = array<i32>} : memref<8x16xf32, #tpu.memory_space<vmem>>, vector<1x16xf32>,
    %mul3A_42 = arith.constant 8 : i32
    %mul3A_43 = arith.muli %arg1, %mul3A_42 : i32
    %multiple_of3A_44 = tpu.assume_multiple %mul3A_43, 8 : i32
    "tpu.region"() ({
      %run_scoped3A = tpu.sem_alloc : memref<!tpu.dma_semaphore, #tpu.memory_space<semaphore_mem>>
      %dma_start3A = arith.constant 0 : i32
      %dma_start3A_183 = tpu.memref_slice %arg11[%multiple_of3A_44, %dma_start3A] : memref<128x16xf32, #tpu.memory_space<vmem_shared>> -> memref<8x16xf32, #tpu.memory_space<vmem_shared>>
      %dma_start3A_184 = arith.constant 0 : i32
      %dma_start3A_185 = tpu.memref_slice %arg11[%multiple_of3A_44, %dma_start3A_184] : memref<128x16xf32, #tpu.memory_space<vmem_shared>> -> memref<8x16xf32, #tpu.memory_space<vmem_shared>>
      tpu.enqueue_dma source(%arg18 : memref<8x16xf32, #tpu.memory_space<vmem>>) target(%dma_start3A_185 : memref<8x16xf32, #tpu.memory_space<vmem_shared>>) target_semaphore(%run_scoped3A : memref<!tpu.dma_semaphore, #tpu.memory_space<semaphore_mem>>)
      %dma_wait3A = arith.constant 0 : i32
      %dma_wait3A_186 = tpu.memref_slice %arg11[%multiple_of3A_44, %dma_wait3A] : memref<128x16xf32, #tpu.memory_space<vmem_shared>> -> memref<8x16xf32, #tpu.memory_space<vmem_shared>>
      %dma_wait3A_187 = arith.constant 0 : i32
      %dma_wait3A_188 = tpu.memref_slice %arg11[%multiple_of3A_44, %dma_wait3A_187] : memref<128x16xf32, #tpu.memory_space<vmem_shared>> -> memref<8x16xf32, #tpu.memory_space<vmem_shared>>
      tpu.wait_dma2 semaphore(%run_scoped3A : memref<!tpu.dma_semaphore, #tpu.memory_space<semaphore_mem>>) src(%arg18 : memref<8x16xf32, #tpu.memory_space<vmem>>) dst(%dma_wait3A_188 : memref<8x16xf32, #tpu.memory_space<vmem_shared>>)
      tpu.yield
    }) : () -> ()
    %barrier3A_45 = arith.constant 0 : index
    tpu.barrier barrier_id(%barrier3A_45)
    "tpu.region"() ({
      %run_scoped3A = tpu.sem_alloc : memref<!tpu.dma_semaphore, #tpu.memory_space<semaphore_mem>>
      tpu.enqueue_dma source(%arg11 : memref<128x16xf32, #tpu.memory_space<vmem_shared>>) target(%arg20 : memref<128x16xf32, #tpu.memory_space<vmem>>) target_semaphore(%run_scoped3A : memref<!tpu.dma_semaphore, #tpu.memory_space<semaphore_mem>>)
      tpu.wait_dma2 semaphore(%run_scoped3A : memref<!tpu.dma_semaphore, #tpu.memory_space<semaphore_mem>>) src(%arg11 : memref<128x16xf32, #tpu.memory_space<vmem_shared>>) dst(%arg20 : memref<128x16xf32, #tpu.memory_space<vmem>>)
      tpu.yield
    }) : () -> ()
    %scan3A_46 = arith.constant 0 : i32
    %scan3A_47 = arith.constant 16 : i32
    %scan3A_48 = arith.addi %scan3A_46, %scan3A_47 : i32
    %scan3A_49 = arith.constant 1 : i32
    %scan3A_50 = scf.for %scan3A_183 = %scan3A_46 to %scan3A_48 step %scan3A_49 iter_args(%scan3A_184 = %broadcast_in_dim3A_4) -> (vector<16xf32>)  : i32 {
      %mul3A_185 = arith.constant 8 : i32
      %mul3A_186 = arith.muli %scan3A_183, %mul3A_185 : i32
      %get3A_187 = arith.index_cast %mul3A_186 : i32 to index
      %get3A_188 = arith.constant 0 : index
      %get3A_189 = tpu.vector_load %arg20[%get3A_187, %get3A_188] {strides = array<i32>} : memref<128x16xf32, #tpu.memory_space<vmem>>, vector<1x16xf32>,
      %get3A_190 = vector.shape_cast %get3A_189 : vector<1x16xf32> to vector<16xf32>
      %max3A = arith.maximumf %scan3A_184, %get3A_190 : vector<16xf32>
      scf.yield %max3A : vector<16xf32>
    }
    %scan3A_51 = arith.constant 16 : i32
    %gt3A_52 = arith.constant 0.000000e+00 : f32
    %gt3A_53 = vector.broadcast %gt3A_52 : f32 to vector<16xf32>
    %gt3A_54 = arith.cmpf ogt, %scan3A_50, %gt3A_53 : vector<16xf32>
    %jit3A_55 = arith.constant 1.000000e+00 : f32
    %broadcast_in_dim3A_56 = vector.broadcast %jit3A_55 : f32 to vector<16xf32>
    %select_n3A_57 = arith.select %gt3A_54, %scan3A_50, %broadcast_in_dim3A_56 : vector<16xi1>, vector<16xf32>
    %div3A_58 = arith.constant 1.000000e+00 : f32
    %div3A_59 = vector.broadcast %div3A_58 : f32 to vector<16xf32>
    %div3A_60 = arith.divf %div3A_59, %select_n3A_57 : vector<16xf32>
    %parallel_loop3A_61 = arith.constant 0 : i32
    %parallel_loop3A_62 = arith.constant 3128 : i32
    %parallel_loop3A_63 = arith.constant 1 : i32
    scf.for %parallel_loop3A_183 = %parallel_loop3A_61 to %parallel_loop3A_62 step %parallel_loop3A_63  : i32 {
      %parallel_loop3A_184 = arith.index_cast %parallel_loop3A_183 : i32 to index
      %parallel_loop3A_185 = arith.constant 0 : index
      %parallel_loop3A_186 = tpu.vector_load %arg17[%parallel_loop3A_184, %parallel_loop3A_185] {strides = array<i32>} : memref<3128x16xf32, #tpu.memory_space<vmem>>, vector<1x16xf32>,
      %parallel_loop3A_187 = vector.shape_cast %parallel_loop3A_186 : vector<1x16xf32> to vector<16xf32>
      %parallel_loop3A_188 = arith.mulf %parallel_loop3A_187, %div3A_60 : vector<16xf32>
      %parallel_loop3A_189 = arith.index_cast %parallel_loop3A_183 : i32 to index
      %parallel_loop3A_190 = arith.constant 0 : index
      %parallel_loop3A_191 = tpu.vector_load %arg17[%parallel_loop3A_189, %parallel_loop3A_190] {strides = array<i32>} : memref<3128x16xf32, #tpu.memory_space<vmem>>, vector<1x16xf32>,
      %parallel_loop3A_192 = vector.shape_cast %parallel_loop3A_191 : vector<1x16xf32> to vector<16xf32>
      %parallel_loop3A_193 = vector.shape_cast %parallel_loop3A_188 : vector<16xf32> to vector<1x16xf32>
      tpu.vector_store %arg17[%parallel_loop3A_189, %parallel_loop3A_190], %parallel_loop3A_193 {strides = array<i32>} : memref<3128x16xf32, #tpu.memory_space<vmem>>, vector<1x16xf32>,
    } {sc.loop_unroll_factor = 8 : i64, sc.parallel_access}
    %mul3A_64 = arith.constant 4 : i32
    %mul3A_65 = arith.muli %arg0, %mul3A_64 : i32
    %add3A_66 = arith.constant 1 : i32
    %add3A_67 = arith.addi %mul3A_65, %add3A_66 : i32
    %add3A_68 = arith.constant 0 : i32
    %add3A_69 = arith.addi %add3A_67, %add3A_68 : i32
    %mul3A_70 = arith.constant 50048 : i32
    %mul3A_71 = arith.muli %add3A_69, %mul3A_70 : i32
    %add3A_72 = arith.addi %mul3A_71, %multiple_of3A : i32
    %multiple_of3A_73 = tpu.assume_multiple %add3A_72, 8 : i32
    "tpu.region"() ({
      %run_scoped3A = tpu.sem_alloc : memref<!tpu.dma_semaphore, #tpu.memory_space<semaphore_mem>>
      %dma_start3A = arith.constant 0 : i32
      %dma_start3A_183 = tpu.memref_slice %arg8[%multiple_of3A_73, %dma_start3A] : memref<400384x16xf32, #tpu.memory_space<hbm>> -> memref<3128x16xf32, #tpu.memory_space<hbm>>
      %dma_start3A_184 = arith.constant 0 : i32
      %dma_start3A_185 = tpu.memref_slice %arg8[%multiple_of3A_73, %dma_start3A_184] : memref<400384x16xf32, #tpu.memory_space<hbm>> -> memref<3128x16xf32, #tpu.memory_space<hbm>>
      tpu.enqueue_dma source(%arg17 : memref<3128x16xf32, #tpu.memory_space<vmem>>) target(%dma_start3A_185 : memref<3128x16xf32, #tpu.memory_space<hbm>>) target_semaphore(%run_scoped3A : memref<!tpu.dma_semaphore, #tpu.memory_space<semaphore_mem>>)
      %dma_wait3A = arith.constant 0 : i32
      %dma_wait3A_186 = tpu.memref_slice %arg8[%multiple_of3A_73, %dma_wait3A] : memref<400384x16xf32, #tpu.memory_space<hbm>> -> memref<3128x16xf32, #tpu.memory_space<hbm>>
      %dma_wait3A_187 = arith.constant 0 : i32
      %dma_wait3A_188 = tpu.memref_slice %arg8[%multiple_of3A_73, %dma_wait3A_187] : memref<400384x16xf32, #tpu.memory_space<hbm>> -> memref<3128x16xf32, #tpu.memory_space<hbm>>
      tpu.wait_dma2 semaphore(%run_scoped3A : memref<!tpu.dma_semaphore, #tpu.memory_space<semaphore_mem>>) src(%arg17 : memref<3128x16xf32, #tpu.memory_space<vmem>>) dst(%dma_wait3A_188 : memref<3128x16xf32, #tpu.memory_space<hbm>>)
      tpu.yield
    }) : () -> ()
    %parallel_loop3A_74 = arith.constant 0 : i32
    %parallel_loop3A_75 = arith.constant 3128 : i32
    %parallel_loop3A_76 = arith.constant 1 : i32
    scf.for %parallel_loop3A_183 = %parallel_loop3A_74 to %parallel_loop3A_75 step %parallel_loop3A_76  : i32 {
      %parallel_loop3A_184 = arith.index_cast %parallel_loop3A_183 : i32 to index
      %parallel_loop3A_185 = arith.constant 0 : index
      %parallel_loop3A_186 = tpu.vector_load %arg17[%parallel_loop3A_184, %parallel_loop3A_185] {strides = array<i32>} : memref<3128x16xf32, #tpu.memory_space<vmem>>, vector<1x16xf32>,
      %parallel_loop3A_187 = vector.shape_cast %parallel_loop3A_186 : vector<1x16xf32> to vector<16xf32>
      %parallel_loop3A_188 = vector.shape_cast %broadcast_in_dim3A_4 : vector<16xf32> to vector<1x16xf32>
      tpu.vector_store %arg17[%parallel_loop3A_184, %parallel_loop3A_185], %parallel_loop3A_188 {strides = array<i32>} : memref<3128x16xf32, #tpu.memory_space<vmem>>, vector<1x16xf32>,
    } {sc.loop_unroll_factor = 8 : i64, sc.parallel_access}
    "tpu.region"() ({
      %run_scoped3A = tpu.sem_alloc : memref<!tpu.dma_semaphore, #tpu.memory_space<semaphore_mem>>
      %dma_start3A = arith.constant 0 : i32
      %dma_start3A_183 = tpu.memref_slice %arg9[%multiple_of3A, %dma_start3A] : memref<50048x16xf32, #tpu.memory_space<vmem_shared>> -> memref<3128x16xf32, #tpu.memory_space<vmem_shared>>
      %dma_start3A_184 = arith.constant 0 : i32
      %dma_start3A_185 = tpu.memref_slice %arg9[%multiple_of3A, %dma_start3A_184] : memref<50048x16xf32, #tpu.memory_space<vmem_shared>> -> memref<3128x16xf32, #tpu.memory_space<vmem_shared>>
      tpu.enqueue_dma source(%arg17 : memref<3128x16xf32, #tpu.memory_space<vmem>>) target(%dma_start3A_185 : memref<3128x16xf32, #tpu.memory_space<vmem_shared>>) target_semaphore(%run_scoped3A : memref<!tpu.dma_semaphore, #tpu.memory_space<semaphore_mem>>)
      %dma_wait3A = arith.constant 0 : i32
      %dma_wait3A_186 = tpu.memref_slice %arg9[%multiple_of3A, %dma_wait3A] : memref<50048x16xf32, #tpu.memory_space<vmem_shared>> -> memref<3128x16xf32, #tpu.memory_space<vmem_shared>>
      %dma_wait3A_187 = arith.constant 0 : i32
      %dma_wait3A_188 = tpu.memref_slice %arg9[%multiple_of3A, %dma_wait3A_187] : memref<50048x16xf32, #tpu.memory_space<vmem_shared>> -> memref<3128x16xf32, #tpu.memory_space<vmem_shared>>
      tpu.wait_dma2 semaphore(%run_scoped3A : memref<!tpu.dma_semaphore, #tpu.memory_space<semaphore_mem>>) src(%arg17 : memref<3128x16xf32, #tpu.memory_space<vmem>>) dst(%dma_wait3A_188 : memref<3128x16xf32, #tpu.memory_space<vmem_shared>>)
      tpu.yield
    }) : () -> ()
    %barrier3A_77 = arith.constant 0 : index
    tpu.barrier barrier_id(%barrier3A_77)
    %scan3A_78 = arith.constant 0 : i32
    %scan3A_79 = arith.constant 0 : i32
    %scan3A_80 = arith.constant 98 : i32
    %scan3A_81 = arith.addi %scan3A_79, %scan3A_80 : i32
    %scan3A_82 = arith.constant 1 : i32
    %scan3A_83 = scf.for %scan3A_183 = %scan3A_79 to %scan3A_81 step %scan3A_82 iter_args(%scan3A_184 = %scan3A_78) -> (i32)  : i32 {
      %mul3A_185 = arith.constant 512 : i32
      %mul3A_186 = arith.muli %scan3A_183, %mul3A_185 : i32
      %add3A_187 = arith.addi %multiple_of3A_3, %mul3A_186 : i32
      %multiple_of3A_188 = tpu.assume_multiple %add3A_187, 8 : i32
      %dma_start3A = tpu.memref_slice %arg5[%multiple_of3A_188] : memref<802816xi32, #tpu.memory_space<hbm>> -> memref<512xi32, #tpu.memory_space<hbm>>
      %dma_start3A_189 = tpu.memref_slice %arg5[%multiple_of3A_188] : memref<802816xi32, #tpu.memory_space<hbm>> -> memref<512xi32, #tpu.memory_space<hbm>>
      tpu.enqueue_dma source(%dma_start3A_189 : memref<512xi32, #tpu.memory_space<hbm>>) target(%arg12 : memref<512xi32, #tpu.memory_space<vmem>>) target_semaphore(%arg21 : memref<!tpu.dma_semaphore, #tpu.memory_space<semaphore_mem>>)
      %add3A_190 = arith.constant 802816 : i32
      %add3A_191 = arith.addi %add3A_190, %multiple_of3A_188 : i32
      %dma_start3A_192 = tpu.memref_slice %arg6[%add3A_191] : memref<2408448xi32, #tpu.memory_space<hbm>> -> memref<512xi32, #tpu.memory_space<hbm>>
      %dma_start3A_193 = tpu.memref_slice %arg6[%add3A_191] : memref<2408448xi32, #tpu.memory_space<hbm>> -> memref<512xi32, #tpu.memory_space<hbm>>
      tpu.enqueue_dma source(%dma_start3A_193 : memref<512xi32, #tpu.memory_space<hbm>>) target(%arg14 : memref<512xi32, #tpu.memory_space<vmem>>) target_semaphore(%arg21 : memref<!tpu.dma_semaphore, #tpu.memory_space<semaphore_mem>>)
      %jit3A_194 = arith.constant 64 : i32
      %div3A_195 = arith.divsi %multiple_of3A_188, %jit3A_194 : i32
      %sign3A = arith.constant 0 : i32
      %sign3A_196 = arith.cmpi sgt, %multiple_of3A_188, %sign3A : i32
      %sign3A_197 = arith.extui %sign3A_196 : i1 to i32
      %sign3A_198 = arith.constant 0 : i32
      %sign3A_199 = arith.cmpi slt, %multiple_of3A_188, %sign3A_198 : i32
      %sign3A_200 = arith.extui %sign3A_199 : i1 to i32
      %sign3A_201 = arith.subi %sign3A_197, %sign3A_200 : i32
      %sign3A_202 = arith.constant 0 : i32
      %sign3A_203 = arith.cmpi sgt, %jit3A_194, %sign3A_202 : i32
      %sign3A_204 = arith.extui %sign3A_203 : i1 to i32
      %sign3A_205 = arith.constant 0 : i32
      %sign3A_206 = arith.cmpi slt, %jit3A_194, %sign3A_205 : i32
      %sign3A_207 = arith.extui %sign3A_206 : i1 to i32
      %sign3A_208 = arith.subi %sign3A_204, %sign3A_207 : i32
      %ne3A = arith.cmpi ne, %sign3A_201, %sign3A_208 : i32
      %rem3A = arith.remsi %multiple_of3A_188, %jit3A_194 : i32
      %ne3A_209 = arith.constant 0 : i32
      %ne3A_210 = arith.cmpi ne, %rem3A, %ne3A_209 : i32
      %and3A = arith.andi %ne3A, %ne3A_210 : i1
      %sub3A = arith.constant 1 : i32
      %sub3A_211 = arith.subi %div3A_195, %sub3A : i32
      %select_n3A_212 = arith.select %and3A, %sub3A_211, %div3A_195 : i32
      %multiple_of3A_213 = tpu.assume_multiple %select_n3A_212, 8 : i32
      %dma_start3A_214 = arith.constant 0 : i32
      %dma_start3A_215 = tpu.memref_slice %arg7[%multiple_of3A_213, %dma_start3A_214] : memref<12544x64xi32, #tpu.memory_space<hbm>> -> memref<8x64xi32, #tpu.memory_space<hbm>>
      %dma_start3A_216 = arith.constant 0 : i32
      %dma_start3A_217 = tpu.memref_slice %arg7[%multiple_of3A_213, %dma_start3A_216] : memref<12544x64xi32, #tpu.memory_space<hbm>> -> memref<8x64xi32, #tpu.memory_space<hbm>>
      tpu.enqueue_dma source(%dma_start3A_217 : memref<8x64xi32, #tpu.memory_space<hbm>>) target(%arg13 : memref<8x64xi32, #tpu.memory_space<vmem>>) target_semaphore(%arg21 : memref<!tpu.dma_semaphore, #tpu.memory_space<semaphore_mem>>)
      %dma_wait3A = tpu.memref_slice %arg5[%multiple_of3A_188] : memref<802816xi32, #tpu.memory_space<hbm>> -> memref<512xi32, #tpu.memory_space<hbm>>
      %dma_wait3A_218 = tpu.memref_slice %arg5[%multiple_of3A_188] : memref<802816xi32, #tpu.memory_space<hbm>> -> memref<512xi32, #tpu.memory_space<hbm>>
      tpu.wait_dma2 semaphore(%arg21 : memref<!tpu.dma_semaphore, #tpu.memory_space<semaphore_mem>>) src(%dma_wait3A_218 : memref<512xi32, #tpu.memory_space<hbm>>) dst(%arg12 : memref<512xi32, #tpu.memory_space<vmem>>)
      %dma_wait3A_219 = tpu.memref_slice %arg6[%add3A_191] : memref<2408448xi32, #tpu.memory_space<hbm>> -> memref<512xi32, #tpu.memory_space<hbm>>
      %dma_wait3A_220 = tpu.memref_slice %arg6[%add3A_191] : memref<2408448xi32, #tpu.memory_space<hbm>> -> memref<512xi32, #tpu.memory_space<hbm>>
      tpu.wait_dma2 semaphore(%arg21 : memref<!tpu.dma_semaphore, #tpu.memory_space<semaphore_mem>>) src(%dma_wait3A_220 : memref<512xi32, #tpu.memory_space<hbm>>) dst(%arg14 : memref<512xi32, #tpu.memory_space<vmem>>)
      %dma_wait3A_221 = arith.constant 0 : i32
      %dma_wait3A_222 = tpu.memref_slice %arg7[%multiple_of3A_213, %dma_wait3A_221] : memref<12544x64xi32, #tpu.memory_space<hbm>> -> memref<8x64xi32, #tpu.memory_space<hbm>>
      %dma_wait3A_223 = arith.constant 0 : i32
      %dma_wait3A_224 = tpu.memref_slice %arg7[%multiple_of3A_213, %dma_wait3A_223] : memref<12544x64xi32, #tpu.memory_space<hbm>> -> memref<8x64xi32, #tpu.memory_space<hbm>>
      tpu.wait_dma2 semaphore(%arg21 : memref<!tpu.dma_semaphore, #tpu.memory_space<semaphore_mem>>) src(%dma_wait3A_224 : memref<8x64xi32, #tpu.memory_space<hbm>>) dst(%arg13 : memref<8x64xi32, #tpu.memory_space<vmem>>)
      %mul3A_225 = arith.constant 4 : i32
      %mul3A_226 = arith.muli %arg0, %mul3A_225 : i32
      %add3A_227 = arith.constant 1 : i32
      %add3A_228 = arith.addi %mul3A_226, %add3A_227 : i32
      %mul3A_229 = arith.constant 50048 : i32
      %mul3A_230 = arith.muli %add3A_228, %mul3A_229 : i32
      %parallel_loop3A_231 = arith.constant 0 : i32
      %parallel_loop3A_232 = arith.constant 32 : i32
      %parallel_loop3A_233 = arith.constant 1 : i32
      scf.for %parallel_loop3A_462 = %parallel_loop3A_231 to %parallel_loop3A_232 step %parallel_loop3A_233  : i32 {
        %parallel_loop3A_463 = arith.constant 16 : i32
        %parallel_loop3A_464 = arith.muli %parallel_loop3A_462, %parallel_loop3A_463 : i32
        %parallel_loop3A_465 = tpu.assume_multiple %parallel_loop3A_464, 8 : i32
        %parallel_loop3A_466 = arith.index_cast %parallel_loop3A_465 : i32 to index
        %parallel_loop3A_467 = tpu.vector_load %arg12[%parallel_loop3A_466] {strides = array<i32>} : memref<512xi32, #tpu.memory_space<vmem>>, vector<16xi32>,
        %parallel_loop3A_468 = vector.shape_cast %parallel_loop3A_467 : vector<16xi32> to vector<16xi32>
        %parallel_loop3A_469 = vector.broadcast %mul3A_230 : i32 to vector<16xi32>
        %parallel_loop3A_470 = arith.addi %parallel_loop3A_468, %parallel_loop3A_469 : vector<16xi32>
        %parallel_loop3A_471 = arith.index_cast %parallel_loop3A_465 : i32 to index
        %parallel_loop3A_472 = tpu.vector_load %arg12[%parallel_loop3A_471] {strides = array<i32>} : memref<512xi32, #tpu.memory_space<vmem>>, vector<16xi32>,
        %parallel_loop3A_473 = vector.shape_cast %parallel_loop3A_472 : vector<16xi32> to vector<16xi32>
        %parallel_loop3A_474 = vector.shape_cast %parallel_loop3A_470 : vector<16xi32> to vector<16xi32>
        tpu.vector_store %arg12[%parallel_loop3A_471], %parallel_loop3A_474 {strides = array<i32>} : memref<512xi32, #tpu.memory_space<vmem>>, vector<16xi32>,
      } {sc.loop_unroll_factor = 4 : i64, sc.parallel_access}
      %dma_start3A_234 = arith.constant 0 : i32
      %dma_start3A_235 = arith.constant 0 : i32
      %dma_start3A_236 = tpu.memref_slice %arg15[%dma_start3A_234, %dma_start3A_235] : memref<512x16xf32, #tpu.memory_space<vmem>> -> memref<128x16xf32, #tpu.memory_space<vmem>>
      %dma_start3A_237 = arith.constant 0 : i32
      %dma_start3A_238 = tpu.memref_slice %arg12[%dma_start3A_237] : memref<512xi32, #tpu.memory_space<vmem>> -> memref<128xi32, #tpu.memory_space<vmem>>
      %dma_start3A_239 = arith.constant 0 : i32
      %dma_start3A_240 = arith.constant 0 : i32
      %dma_start3A_241 = tpu.memref_slice %arg8[%dma_start3A_239, %dma_start3A_240] : memref<400384x16xf32, #tpu.memory_space<hbm>> -> memref<400384x16xf32, #tpu.memory_space<hbm>>
      tpu.enqueue_indirect_dma source(%dma_start3A_241 : memref<400384x16xf32, #tpu.memory_space<hbm>>) target(%dma_start3A_236 : memref<128x16xf32, #tpu.memory_space<vmem>>) offsets(%dma_start3A_238 : memref<128xi32, #tpu.memory_space<vmem>>) semaphore(%arg22 : memref<!tpu.dma_semaphore, #tpu.memory_space<semaphore_mem>>)
      %dma_start3A_242 = arith.constant 128 : i32
      %dma_start3A_243 = arith.constant 0 : i32
      %dma_start3A_244 = tpu.memref_slice %arg15[%dma_start3A_242, %dma_start3A_243] : memref<512x16xf32, #tpu.memory_space<vmem>> -> memref<128x16xf32, #tpu.memory_space<vmem>>
      %dma_start3A_245 = arith.constant 128 : i32
      %dma_start3A_246 = tpu.memref_slice %arg12[%dma_start3A_245] : memref<512xi32, #tpu.memory_space<vmem>> -> memref<128xi32, #tpu.memory_space<vmem>>
      %dma_start3A_247 = arith.constant 0 : i32
      %dma_start3A_248 = arith.constant 0 : i32
      %dma_start3A_249 = tpu.memref_slice %arg8[%dma_start3A_247, %dma_start3A_248] : memref<400384x16xf32, #tpu.memory_space<hbm>> -> memref<400384x16xf32, #tpu.memory_space<hbm>>
      tpu.enqueue_indirect_dma source(%dma_start3A_249 : memref<400384x16xf32, #tpu.memory_space<hbm>>) target(%dma_start3A_244 : memref<128x16xf32, #tpu.memory_space<vmem>>) offsets(%dma_start3A_246 : memref<128xi32, #tpu.memory_space<vmem>>) semaphore(%arg22 : memref<!tpu.dma_semaphore, #tpu.memory_space<semaphore_mem>>)
      %dma_start3A_250 = arith.constant 256 : i32
      %dma_start3A_251 = arith.constant 0 : i32
      %dma_start3A_252 = tpu.memref_slice %arg15[%dma_start3A_250, %dma_start3A_251] : memref<512x16xf32, #tpu.memory_space<vmem>> -> memref<128x16xf32, #tpu.memory_space<vmem>>
      %dma_start3A_253 = arith.constant 256 : i32
      %dma_start3A_254 = tpu.memref_slice %arg12[%dma_start3A_253] : memref<512xi32, #tpu.memory_space<vmem>> -> memref<128xi32, #tpu.memory_space<vmem>>
      %dma_start3A_255 = arith.constant 0 : i32
      %dma_start3A_256 = arith.constant 0 : i32
      %dma_start3A_257 = tpu.memref_slice %arg8[%dma_start3A_255, %dma_start3A_256] : memref<400384x16xf32, #tpu.memory_space<hbm>> -> memref<400384x16xf32, #tpu.memory_space<hbm>>
      tpu.enqueue_indirect_dma source(%dma_start3A_257 : memref<400384x16xf32, #tpu.memory_space<hbm>>) target(%dma_start3A_252 : memref<128x16xf32, #tpu.memory_space<vmem>>) offsets(%dma_start3A_254 : memref<128xi32, #tpu.memory_space<vmem>>) semaphore(%arg22 : memref<!tpu.dma_semaphore, #tpu.memory_space<semaphore_mem>>)
      %dma_start3A_258 = arith.constant 384 : i32
      %dma_start3A_259 = arith.constant 0 : i32
      %dma_start3A_260 = tpu.memref_slice %arg15[%dma_start3A_258, %dma_start3A_259] : memref<512x16xf32, #tpu.memory_space<vmem>> -> memref<128x16xf32, #tpu.memory_space<vmem>>
      %dma_start3A_261 = arith.constant 384 : i32
      %dma_start3A_262 = tpu.memref_slice %arg12[%dma_start3A_261] : memref<512xi32, #tpu.memory_space<vmem>> -> memref<128xi32, #tpu.memory_space<vmem>>
      %dma_start3A_263 = arith.constant 0 : i32
      %dma_start3A_264 = arith.constant 0 : i32
      %dma_start3A_265 = tpu.memref_slice %arg8[%dma_start3A_263, %dma_start3A_264] : memref<400384x16xf32, #tpu.memory_space<hbm>> -> memref<400384x16xf32, #tpu.memory_space<hbm>>
      tpu.enqueue_indirect_dma source(%dma_start3A_265 : memref<400384x16xf32, #tpu.memory_space<hbm>>) target(%dma_start3A_260 : memref<128x16xf32, #tpu.memory_space<vmem>>) offsets(%dma_start3A_262 : memref<128xi32, #tpu.memory_space<vmem>>) semaphore(%arg22 : memref<!tpu.dma_semaphore, #tpu.memory_space<semaphore_mem>>)
      "tpu.region"() ({
        %run_scoped3A = tpu.sem_alloc : memref<!tpu.dma_semaphore, #tpu.memory_space<semaphore_mem>>
        %dma_start3A_462 = arith.constant 0 : i32
        %dma_start3A_463 = arith.constant 0 : i32
        %dma_start3A_464 = tpu.memref_slice %arg16[%dma_start3A_462, %dma_start3A_463] : memref<512x16xf32, #tpu.memory_space<vmem>> -> memref<128x16xf32, #tpu.memory_space<vmem>>
        %dma_start3A_465 = arith.constant 0 : i32
        %dma_start3A_466 = tpu.memref_slice %arg14[%dma_start3A_465] : memref<512xi32, #tpu.memory_space<vmem>> -> memref<128xi32, #tpu.memory_space<vmem>>
        %dma_start3A_467 = arith.constant 0 : i32
        %dma_start3A_468 = arith.constant 0 : i32
        %dma_start3A_469 = tpu.memref_slice %arg10[%dma_start3A_467, %dma_start3A_468] : memref<300x16xf32, #tpu.memory_space<vmem_shared>> -> memref<300x16xf32, #tpu.memory_space<vmem_shared>>
        tpu.enqueue_indirect_dma source(%dma_start3A_469 : memref<300x16xf32, #tpu.memory_space<vmem_shared>>) target(%dma_start3A_464 : memref<128x16xf32, #tpu.memory_space<vmem>>) offsets(%dma_start3A_466 : memref<128xi32, #tpu.memory_space<vmem>>) semaphore(%run_scoped3A : memref<!tpu.dma_semaphore, #tpu.memory_space<semaphore_mem>>)
        %dma_wait3A_470 = arith.constant 0 : i32
        %dma_wait3A_471 = arith.constant 0 : i32
        %dma_wait3A_472 = tpu.memref_slice %arg16[%dma_wait3A_470, %dma_wait3A_471] : memref<512x16xf32, #tpu.memory_space<vmem>> -> memref<128x16xf32, #tpu.memory_space<vmem>>
        %dma_wait3A_473 = arith.constant 0 : i32
        %dma_wait3A_474 = tpu.memref_slice %arg14[%dma_wait3A_473] : memref<512xi32, #tpu.memory_space<vmem>> -> memref<128xi32, #tpu.memory_space<vmem>>
        %dma_wait3A_475 = arith.constant 0 : i32
        %dma_wait3A_476 = arith.constant 0 : i32
        %dma_wait3A_477 = tpu.memref_slice %arg10[%dma_wait3A_475, %dma_wait3A_476] : memref<300x16xf32, #tpu.memory_space<vmem_shared>> -> memref<300x16xf32, #tpu.memory_space<vmem_shared>>
        tpu.wait_indirect_dma semaphore(%run_scoped3A : memref<!tpu.dma_semaphore, #tpu.memory_space<semaphore_mem>>) src(%dma_wait3A_477 : memref<300x16xf32, #tpu.memory_space<vmem_shared>>) dst(%dma_wait3A_472 : memref<128x16xf32, #tpu.memory_space<vmem>>)
        tpu.yield
      }) : () -> ()
      "tpu.region"() ({
        %run_scoped3A = tpu.sem_alloc : memref<!tpu.dma_semaphore, #tpu.memory_space<semaphore_mem>>
        %dma_start3A_462 = arith.constant 128 : i32
        %dma_start3A_463 = arith.constant 0 : i32
        %dma_start3A_464 = tpu.memref_slice %arg16[%dma_start3A_462, %dma_start3A_463] : memref<512x16xf32, #tpu.memory_space<vmem>> -> memref<128x16xf32, #tpu.memory_space<vmem>>
        %dma_start3A_465 = arith.constant 128 : i32
        %dma_start3A_466 = tpu.memref_slice %arg14[%dma_start3A_465] : memref<512xi32, #tpu.memory_space<vmem>> -> memref<128xi32, #tpu.memory_space<vmem>>
        %dma_start3A_467 = arith.constant 0 : i32
        %dma_start3A_468 = arith.constant 0 : i32
        %dma_start3A_469 = tpu.memref_slice %arg10[%dma_start3A_467, %dma_start3A_468] : memref<300x16xf32, #tpu.memory_space<vmem_shared>> -> memref<300x16xf32, #tpu.memory_space<vmem_shared>>
        tpu.enqueue_indirect_dma source(%dma_start3A_469 : memref<300x16xf32, #tpu.memory_space<vmem_shared>>) target(%dma_start3A_464 : memref<128x16xf32, #tpu.memory_space<vmem>>) offsets(%dma_start3A_466 : memref<128xi32, #tpu.memory_space<vmem>>) semaphore(%run_scoped3A : memref<!tpu.dma_semaphore, #tpu.memory_space<semaphore_mem>>)
        %dma_wait3A_470 = arith.constant 128 : i32
        %dma_wait3A_471 = arith.constant 0 : i32
        %dma_wait3A_472 = tpu.memref_slice %arg16[%dma_wait3A_470, %dma_wait3A_471] : memref<512x16xf32, #tpu.memory_space<vmem>> -> memref<128x16xf32, #tpu.memory_space<vmem>>
        %dma_wait3A_473 = arith.constant 128 : i32
        %dma_wait3A_474 = tpu.memref_slice %arg14[%dma_wait3A_473] : memref<512xi32, #tpu.memory_space<vmem>> -> memref<128xi32, #tpu.memory_space<vmem>>
        %dma_wait3A_475 = arith.constant 0 : i32
        %dma_wait3A_476 = arith.constant 0 : i32
        %dma_wait3A_477 = tpu.memref_slice %arg10[%dma_wait3A_475, %dma_wait3A_476] : memref<300x16xf32, #tpu.memory_space<vmem_shared>> -> memref<300x16xf32, #tpu.memory_space<vmem_shared>>
        tpu.wait_indirect_dma semaphore(%run_scoped3A : memref<!tpu.dma_semaphore, #tpu.memory_space<semaphore_mem>>) src(%dma_wait3A_477 : memref<300x16xf32, #tpu.memory_space<vmem_shared>>) dst(%dma_wait3A_472 : memref<128x16xf32, #tpu.memory_space<vmem>>)
        tpu.yield
      }) : () -> ()
      "tpu.region"() ({
        %run_scoped3A = tpu.sem_alloc : memref<!tpu.dma_semaphore, #tpu.memory_space<semaphore_mem>>
        %dma_start3A_462 = arith.constant 256 : i32
        %dma_start3A_463 = arith.constant 0 : i32
        %dma_start3A_464 = tpu.memref_slice %arg16[%dma_start3A_462, %dma_start3A_463] : memref<512x16xf32, #tpu.memory_space<vmem>> -> memref<128x16xf32, #tpu.memory_space<vmem>>
        %dma_start3A_465 = arith.constant 256 : i32
        %dma_start3A_466 = tpu.memref_slice %arg14[%dma_start3A_465] : memref<512xi32, #tpu.memory_space<vmem>> -> memref<128xi32, #tpu.memory_space<vmem>>
        %dma_start3A_467 = arith.constant 0 : i32
        %dma_start3A_468 = arith.constant 0 : i32
        %dma_start3A_469 = tpu.memref_slice %arg10[%dma_start3A_467, %dma_start3A_468] : memref<300x16xf32, #tpu.memory_space<vmem_shared>> -> memref<300x16xf32, #tpu.memory_space<vmem_shared>>
        tpu.enqueue_indirect_dma source(%dma_start3A_469 : memref<300x16xf32, #tpu.memory_space<vmem_shared>>) target(%dma_start3A_464 : memref<128x16xf32, #tpu.memory_space<vmem>>) offsets(%dma_start3A_466 : memref<128xi32, #tpu.memory_space<vmem>>) semaphore(%run_scoped3A : memref<!tpu.dma_semaphore, #tpu.memory_space<semaphore_mem>>)
        %dma_wait3A_470 = arith.constant 256 : i32
        %dma_wait3A_471 = arith.constant 0 : i32
        %dma_wait3A_472 = tpu.memref_slice %arg16[%dma_wait3A_470, %dma_wait3A_471] : memref<512x16xf32, #tpu.memory_space<vmem>> -> memref<128x16xf32, #tpu.memory_space<vmem>>
        %dma_wait3A_473 = arith.constant 256 : i32
        %dma_wait3A_474 = tpu.memref_slice %arg14[%dma_wait3A_473] : memref<512xi32, #tpu.memory_space<vmem>> -> memref<128xi32, #tpu.memory_space<vmem>>
        %dma_wait3A_475 = arith.constant 0 : i32
        %dma_wait3A_476 = arith.constant 0 : i32
        %dma_wait3A_477 = tpu.memref_slice %arg10[%dma_wait3A_475, %dma_wait3A_476] : memref<300x16xf32, #tpu.memory_space<vmem_shared>> -> memref<300x16xf32, #tpu.memory_space<vmem_shared>>
        tpu.wait_indirect_dma semaphore(%run_scoped3A : memref<!tpu.dma_semaphore, #tpu.memory_space<semaphore_mem>>) src(%dma_wait3A_477 : memref<300x16xf32, #tpu.memory_space<vmem_shared>>) dst(%dma_wait3A_472 : memref<128x16xf32, #tpu.memory_space<vmem>>)
        tpu.yield
      }) : () -> ()
      "tpu.region"() ({
        %run_scoped3A = tpu.sem_alloc : memref<!tpu.dma_semaphore, #tpu.memory_space<semaphore_mem>>
        %dma_start3A_462 = arith.constant 384 : i32
        %dma_start3A_463 = arith.constant 0 : i32
        %dma_start3A_464 = tpu.memref_slice %arg16[%dma_start3A_462, %dma_start3A_463] : memref<512x16xf32, #tpu.memory_space<vmem>> -> memref<128x16xf32, #tpu.memory_space<vmem>>
        %dma_start3A_465 = arith.constant 384 : i32
        %dma_start3A_466 = tpu.memref_slice %arg14[%dma_start3A_465] : memref<512xi32, #tpu.memory_space<vmem>> -> memref<128xi32, #tpu.memory_space<vmem>>
        %dma_start3A_467 = arith.constant 0 : i32
        %dma_start3A_468 = arith.constant 0 : i32
        %dma_start3A_469 = tpu.memref_slice %arg10[%dma_start3A_467, %dma_start3A_468] : memref<300x16xf32, #tpu.memory_space<vmem_shared>> -> memref<300x16xf32, #tpu.memory_space<vmem_shared>>
        tpu.enqueue_indirect_dma source(%dma_start3A_469 : memref<300x16xf32, #tpu.memory_space<vmem_shared>>) target(%dma_start3A_464 : memref<128x16xf32, #tpu.memory_space<vmem>>) offsets(%dma_start3A_466 : memref<128xi32, #tpu.memory_space<vmem>>) semaphore(%run_scoped3A : memref<!tpu.dma_semaphore, #tpu.memory_space<semaphore_mem>>)
        %dma_wait3A_470 = arith.constant 384 : i32
        %dma_wait3A_471 = arith.constant 0 : i32
        %dma_wait3A_472 = tpu.memref_slice %arg16[%dma_wait3A_470, %dma_wait3A_471] : memref<512x16xf32, #tpu.memory_space<vmem>> -> memref<128x16xf32, #tpu.memory_space<vmem>>
        %dma_wait3A_473 = arith.constant 384 : i32
        %dma_wait3A_474 = tpu.memref_slice %arg14[%dma_wait3A_473] : memref<512xi32, #tpu.memory_space<vmem>> -> memref<128xi32, #tpu.memory_space<vmem>>
        %dma_wait3A_475 = arith.constant 0 : i32
        %dma_wait3A_476 = arith.constant 0 : i32
        %dma_wait3A_477 = tpu.memref_slice %arg10[%dma_wait3A_475, %dma_wait3A_476] : memref<300x16xf32, #tpu.memory_space<vmem_shared>> -> memref<300x16xf32, #tpu.memory_space<vmem_shared>>
        tpu.wait_indirect_dma semaphore(%run_scoped3A : memref<!tpu.dma_semaphore, #tpu.memory_space<semaphore_mem>>) src(%dma_wait3A_477 : memref<300x16xf32, #tpu.memory_space<vmem_shared>>) dst(%dma_wait3A_472 : memref<128x16xf32, #tpu.memory_space<vmem>>)
        tpu.yield
      }) : () -> ()
      %dma_wait3A_266 = arith.constant 0 : i32
      %dma_wait3A_267 = arith.constant 0 : i32
      %dma_wait3A_268 = tpu.memref_slice %arg15[%dma_wait3A_266, %dma_wait3A_267] : memref<512x16xf32, #tpu.memory_space<vmem>> -> memref<128x16xf32, #tpu.memory_space<vmem>>
      %dma_wait3A_269 = arith.constant 0 : i32
      %dma_wait3A_270 = tpu.memref_slice %arg12[%dma_wait3A_269] : memref<512xi32, #tpu.memory_space<vmem>> -> memref<128xi32, #tpu.memory_space<vmem>>
      %dma_wait3A_271 = arith.constant 0 : i32
      %dma_wait3A_272 = arith.constant 0 : i32
      %dma_wait3A_273 = tpu.memref_slice %arg8[%dma_wait3A_271, %dma_wait3A_272] : memref<400384x16xf32, #tpu.memory_space<hbm>> -> memref<400384x16xf32, #tpu.memory_space<hbm>>
      tpu.wait_indirect_dma semaphore(%arg22 : memref<!tpu.dma_semaphore, #tpu.memory_space<semaphore_mem>>) src(%dma_wait3A_273 : memref<400384x16xf32, #tpu.memory_space<hbm>>) dst(%dma_wait3A_268 : memref<128x16xf32, #tpu.memory_space<vmem>>)
      %dma_wait3A_274 = arith.constant 128 : i32
      %dma_wait3A_275 = arith.constant 0 : i32
      %dma_wait3A_276 = tpu.memref_slice %arg15[%dma_wait3A_274, %dma_wait3A_275] : memref<512x16xf32, #tpu.memory_space<vmem>> -> memref<128x16xf32, #tpu.memory_space<vmem>>
      %dma_wait3A_277 = arith.constant 128 : i32
      %dma_wait3A_278 = tpu.memref_slice %arg12[%dma_wait3A_277] : memref<512xi32, #tpu.memory_space<vmem>> -> memref<128xi32, #tpu.memory_space<vmem>>
      %dma_wait3A_279 = arith.constant 0 : i32
      %dma_wait3A_280 = arith.constant 0 : i32
      %dma_wait3A_281 = tpu.memref_slice %arg8[%dma_wait3A_279, %dma_wait3A_280] : memref<400384x16xf32, #tpu.memory_space<hbm>> -> memref<400384x16xf32, #tpu.memory_space<hbm>>
      tpu.wait_indirect_dma semaphore(%arg22 : memref<!tpu.dma_semaphore, #tpu.memory_space<semaphore_mem>>) src(%dma_wait3A_281 : memref<400384x16xf32, #tpu.memory_space<hbm>>) dst(%dma_wait3A_276 : memref<128x16xf32, #tpu.memory_space<vmem>>)
      %dma_wait3A_282 = arith.constant 256 : i32
      %dma_wait3A_283 = arith.constant 0 : i32
      %dma_wait3A_284 = tpu.memref_slice %arg15[%dma_wait3A_282, %dma_wait3A_283] : memref<512x16xf32, #tpu.memory_space<vmem>> -> memref<128x16xf32, #tpu.memory_space<vmem>>
      %dma_wait3A_285 = arith.constant 256 : i32
      %dma_wait3A_286 = tpu.memref_slice %arg12[%dma_wait3A_285] : memref<512xi32, #tpu.memory_space<vmem>> -> memref<128xi32, #tpu.memory_space<vmem>>
      %dma_wait3A_287 = arith.constant 0 : i32
      %dma_wait3A_288 = arith.constant 0 : i32
      %dma_wait3A_289 = tpu.memref_slice %arg8[%dma_wait3A_287, %dma_wait3A_288] : memref<400384x16xf32, #tpu.memory_space<hbm>> -> memref<400384x16xf32, #tpu.memory_space<hbm>>
      tpu.wait_indirect_dma semaphore(%arg22 : memref<!tpu.dma_semaphore, #tpu.memory_space<semaphore_mem>>) src(%dma_wait3A_289 : memref<400384x16xf32, #tpu.memory_space<hbm>>) dst(%dma_wait3A_284 : memref<128x16xf32, #tpu.memory_space<vmem>>)
      %dma_wait3A_290 = arith.constant 384 : i32
      %dma_wait3A_291 = arith.constant 0 : i32
      %dma_wait3A_292 = tpu.memref_slice %arg15[%dma_wait3A_290, %dma_wait3A_291] : memref<512x16xf32, #tpu.memory_space<vmem>> -> memref<128x16xf32, #tpu.memory_space<vmem>>
      %dma_wait3A_293 = arith.constant 384 : i32
      %dma_wait3A_294 = tpu.memref_slice %arg12[%dma_wait3A_293] : memref<512xi32, #tpu.memory_space<vmem>> -> memref<128xi32, #tpu.memory_space<vmem>>
      %dma_wait3A_295 = arith.constant 0 : i32
      %dma_wait3A_296 = arith.constant 0 : i32
      %dma_wait3A_297 = tpu.memref_slice %arg8[%dma_wait3A_295, %dma_wait3A_296] : memref<400384x16xf32, #tpu.memory_space<hbm>> -> memref<400384x16xf32, #tpu.memory_space<hbm>>
      tpu.wait_indirect_dma semaphore(%arg22 : memref<!tpu.dma_semaphore, #tpu.memory_space<semaphore_mem>>) src(%dma_wait3A_297 : memref<400384x16xf32, #tpu.memory_space<hbm>>) dst(%dma_wait3A_292 : memref<128x16xf32, #tpu.memory_space<vmem>>)
      %parallel_loop3A_298 = arith.constant 0 : i32
      %parallel_loop3A_299 = arith.constant 512 : i32
      %parallel_loop3A_300 = arith.constant 1 : i32
      scf.for %parallel_loop3A_462 = %parallel_loop3A_298 to %parallel_loop3A_299 step %parallel_loop3A_300  : i32 {
        %parallel_loop3A_463 = arith.index_cast %parallel_loop3A_462 : i32 to index
        %parallel_loop3A_464 = arith.constant 0 : index
        %parallel_loop3A_465 = tpu.vector_load %arg15[%parallel_loop3A_463, %parallel_loop3A_464] {strides = array<i32>} : memref<512x16xf32, #tpu.memory_space<vmem>>, vector<1x16xf32>,
        %parallel_loop3A_466 = vector.shape_cast %parallel_loop3A_465 : vector<1x16xf32> to vector<16xf32>
        %parallel_loop3A_467 = arith.index_cast %parallel_loop3A_462 : i32 to index
        %parallel_loop3A_468 = arith.constant 0 : index
        %parallel_loop3A_469 = tpu.vector_load %arg16[%parallel_loop3A_467, %parallel_loop3A_468] {strides = array<i32>} : memref<512x16xf32, #tpu.memory_space<vmem>>, vector<1x16xf32>,
        %parallel_loop3A_470 = vector.shape_cast %parallel_loop3A_469 : vector<1x16xf32> to vector<16xf32>
        %parallel_loop3A_471 = arith.mulf %parallel_loop3A_466, %parallel_loop3A_470 : vector<16xf32>
        %parallel_loop3A_472 = arith.index_cast %parallel_loop3A_462 : i32 to index
        %parallel_loop3A_473 = arith.constant 0 : index
        %parallel_loop3A_474 = tpu.vector_load %arg15[%parallel_loop3A_472, %parallel_loop3A_473] {strides = array<i32>} : memref<512x16xf32, #tpu.memory_space<vmem>>, vector<1x16xf32>,
        %parallel_loop3A_475 = vector.shape_cast %parallel_loop3A_474 : vector<1x16xf32> to vector<16xf32>
        %parallel_loop3A_476 = vector.shape_cast %parallel_loop3A_471 : vector<16xf32> to vector<1x16xf32>
        tpu.vector_store %arg15[%parallel_loop3A_472, %parallel_loop3A_473], %parallel_loop3A_476 {strides = array<i32>} : memref<512x16xf32, #tpu.memory_space<vmem>>, vector<1x16xf32>,
      } {sc.loop_unroll_factor = 8 : i64, sc.parallel_access}
      %dma_start3A_301 = arith.constant 0 : i32
      %dma_start3A_302 = arith.constant 0 : i32
      %dma_start3A_303 = arith.constant 0 : i32
      %dma_start3A_304 = tpu.memref_slice %arg15[%dma_start3A_302, %dma_start3A_303] : memref<512x16xf32, #tpu.memory_space<vmem>> -> memref<64x16xf32, #tpu.memory_space<vmem>>
      %dma_start3A_305 = arith.constant 0 : i32
      %dma_start3A_306 = tpu.memref_slice %arg13[%dma_start3A_301, %dma_start3A_305] : memref<8x64xi32, #tpu.memory_space<vmem>> -> memref<1x64xi32, #tpu.memory_space<vmem>>
      %dma_start3A_307 = tpu.memref_squeeze %dma_start3A_306 : memref<1x64xi32, #tpu.memory_space<vmem>> -> memref<64xi32, #tpu.memory_space<vmem>>
      %dma_start3A_308 = arith.constant 0 : i32
      %dma_start3A_309 = arith.constant 0 : i32
      %dma_start3A_310 = tpu.memref_slice %arg9[%dma_start3A_308, %dma_start3A_309] : memref<50048x16xf32, #tpu.memory_space<vmem_shared>> -> memref<50048x16xf32, #tpu.memory_space<vmem_shared>>
      tpu.enqueue_indirect_dma source(%dma_start3A_304 : memref<64x16xf32, #tpu.memory_space<vmem>>) target(%dma_start3A_310 : memref<50048x16xf32, #tpu.memory_space<vmem_shared>>) offsets(%dma_start3A_307 : memref<64xi32, #tpu.memory_space<vmem>>) semaphore(%arg23 : memref<!tpu.dma_semaphore, #tpu.memory_space<semaphore_mem>>) {add = true}
      %dma_start3A_311 = arith.constant 1 : i32
      %dma_start3A_312 = arith.constant 64 : i32
      %dma_start3A_313 = arith.constant 0 : i32
      %dma_start3A_314 = tpu.memref_slice %arg15[%dma_start3A_312, %dma_start3A_313] : memref<512x16xf32, #tpu.memory_space<vmem>> -> memref<64x16xf32, #tpu.memory_space<vmem>>
      %dma_start3A_315 = arith.constant 0 : i32
      %dma_start3A_316 = tpu.memref_slice %arg13[%dma_start3A_311, %dma_start3A_315] : memref<8x64xi32, #tpu.memory_space<vmem>> -> memref<1x64xi32, #tpu.memory_space<vmem>>
      %dma_start3A_317 = tpu.memref_squeeze %dma_start3A_316 : memref<1x64xi32, #tpu.memory_space<vmem>> -> memref<64xi32, #tpu.memory_space<vmem>>
      %dma_start3A_318 = arith.constant 0 : i32
      %dma_start3A_319 = arith.constant 0 : i32
      %dma_start3A_320 = tpu.memref_slice %arg9[%dma_start3A_318, %dma_start3A_319] : memref<50048x16xf32, #tpu.memory_space<vmem_shared>> -> memref<50048x16xf32, #tpu.memory_space<vmem_shared>>
      tpu.enqueue_indirect_dma source(%dma_start3A_314 : memref<64x16xf32, #tpu.memory_space<vmem>>) target(%dma_start3A_320 : memref<50048x16xf32, #tpu.memory_space<vmem_shared>>) offsets(%dma_start3A_317 : memref<64xi32, #tpu.memory_space<vmem>>) semaphore(%arg23 : memref<!tpu.dma_semaphore, #tpu.memory_space<semaphore_mem>>) {add = true}
      %dma_start3A_321 = arith.constant 2 : i32
      %dma_start3A_322 = arith.constant 128 : i32
      %dma_start3A_323 = arith.constant 0 : i32
      %dma_start3A_324 = tpu.memref_slice %arg15[%dma_start3A_322, %dma_start3A_323] : memref<512x16xf32, #tpu.memory_space<vmem>> -> memref<64x16xf32, #tpu.memory_space<vmem>>
      %dma_start3A_325 = arith.constant 0 : i32
      %dma_start3A_326 = tpu.memref_slice %arg13[%dma_start3A_321, %dma_start3A_325] : memref<8x64xi32, #tpu.memory_space<vmem>> -> memref<1x64xi32, #tpu.memory_space<vmem>>
      %dma_start3A_327 = tpu.memref_squeeze %dma_start3A_326 : memref<1x64xi32, #tpu.memory_space<vmem>> -> memref<64xi32, #tpu.memory_space<vmem>>
      %dma_start3A_328 = arith.constant 0 : i32
      %dma_start3A_329 = arith.constant 0 : i32
      %dma_start3A_330 = tpu.memref_slice %arg9[%dma_start3A_328, %dma_start3A_329] : memref<50048x16xf32, #tpu.memory_space<vmem_shared>> -> memref<50048x16xf32, #tpu.memory_space<vmem_shared>>
      tpu.enqueue_indirect_dma source(%dma_start3A_324 : memref<64x16xf32, #tpu.memory_space<vmem>>) target(%dma_start3A_330 : memref<50048x16xf32, #tpu.memory_space<vmem_shared>>) offsets(%dma_start3A_327 : memref<64xi32, #tpu.memory_space<vmem>>) semaphore(%arg23 : memref<!tpu.dma_semaphore, #tpu.memory_space<semaphore_mem>>) {add = true}
      %dma_start3A_331 = arith.constant 3 : i32
      %dma_start3A_332 = arith.constant 192 : i32
      %dma_start3A_333 = arith.constant 0 : i32
      %dma_start3A_334 = tpu.memref_slice %arg15[%dma_start3A_332, %dma_start3A_333] : memref<512x16xf32, #tpu.memory_space<vmem>> -> memref<64x16xf32, #tpu.memory_space<vmem>>
      %dma_start3A_335 = arith.constant 0 : i32
      %dma_start3A_336 = tpu.memref_slice %arg13[%dma_start3A_331, %dma_start3A_335] : memref<8x64xi32, #tpu.memory_space<vmem>> -> memref<1x64xi32, #tpu.memory_space<vmem>>
      %dma_start3A_337 = tpu.memref_squeeze %dma_start3A_336 : memref<1x64xi32, #tpu.memory_space<vmem>> -> memref<64xi32, #tpu.memory_space<vmem>>
      %dma_start3A_338 = arith.constant 0 : i32
      %dma_start3A_339 = arith.constant 0 : i32
      %dma_start3A_340 = tpu.memref_slice %arg9[%dma_start3A_338, %dma_start3A_339] : memref<50048x16xf32, #tpu.memory_space<vmem_shared>> -> memref<50048x16xf32, #tpu.memory_space<vmem_shared>>
      tpu.enqueue_indirect_dma source(%dma_start3A_334 : memref<64x16xf32, #tpu.memory_space<vmem>>) target(%dma_start3A_340 : memref<50048x16xf32, #tpu.memory_space<vmem_shared>>) offsets(%dma_start3A_337 : memref<64xi32, #tpu.memory_space<vmem>>) semaphore(%arg23 : memref<!tpu.dma_semaphore, #tpu.memory_space<semaphore_mem>>) {add = true}
      %dma_start3A_341 = arith.constant 4 : i32
      %dma_start3A_342 = arith.constant 256 : i32
      %dma_start3A_343 = arith.constant 0 : i32
      %dma_start3A_344 = tpu.memref_slice %arg15[%dma_start3A_342, %dma_start3A_343] : memref<512x16xf32, #tpu.memory_space<vmem>> -> memref<64x16xf32, #tpu.memory_space<vmem>>
      %dma_start3A_345 = arith.constant 0 : i32
      %dma_start3A_346 = tpu.memref_slice %arg13[%dma_start3A_341, %dma_start3A_345] : memref<8x64xi32, #tpu.memory_space<vmem>> -> memref<1x64xi32, #tpu.memory_space<vmem>>
      %dma_start3A_347 = tpu.memref_squeeze %dma_start3A_346 : memref<1x64xi32, #tpu.memory_space<vmem>> -> memref<64xi32, #tpu.memory_space<vmem>>
      %dma_start3A_348 = arith.constant 0 : i32
      %dma_start3A_349 = arith.constant 0 : i32
      %dma_start3A_350 = tpu.memref_slice %arg9[%dma_start3A_348, %dma_start3A_349] : memref<50048x16xf32, #tpu.memory_space<vmem_shared>> -> memref<50048x16xf32, #tpu.memory_space<vmem_shared>>
      tpu.enqueue_indirect_dma source(%dma_start3A_344 : memref<64x16xf32, #tpu.memory_space<vmem>>) target(%dma_start3A_350 : memref<50048x16xf32, #tpu.memory_space<vmem_shared>>) offsets(%dma_start3A_347 : memref<64xi32, #tpu.memory_space<vmem>>) semaphore(%arg23 : memref<!tpu.dma_semaphore, #tpu.memory_space<semaphore_mem>>) {add = true}
      %dma_start3A_351 = arith.constant 5 : i32
      %dma_start3A_352 = arith.constant 320 : i32
      %dma_start3A_353 = arith.constant 0 : i32
      %dma_start3A_354 = tpu.memref_slice %arg15[%dma_start3A_352, %dma_start3A_353] : memref<512x16xf32, #tpu.memory_space<vmem>> -> memref<64x16xf32, #tpu.memory_space<vmem>>
      %dma_start3A_355 = arith.constant 0 : i32
      %dma_start3A_356 = tpu.memref_slice %arg13[%dma_start3A_351, %dma_start3A_355] : memref<8x64xi32, #tpu.memory_space<vmem>> -> memref<1x64xi32, #tpu.memory_space<vmem>>
      %dma_start3A_357 = tpu.memref_squeeze %dma_start3A_356 : memref<1x64xi32, #tpu.memory_space<vmem>> -> memref<64xi32, #tpu.memory_space<vmem>>
      %dma_start3A_358 = arith.constant 0 : i32
      %dma_start3A_359 = arith.constant 0 : i32
      %dma_start3A_360 = tpu.memref_slice %arg9[%dma_start3A_358, %dma_start3A_359] : memref<50048x16xf32, #tpu.memory_space<vmem_shared>> -> memref<50048x16xf32, #tpu.memory_space<vmem_shared>>
      tpu.enqueue_indirect_dma source(%dma_start3A_354 : memref<64x16xf32, #tpu.memory_space<vmem>>) target(%dma_start3A_360 : memref<50048x16xf32, #tpu.memory_space<vmem_shared>>) offsets(%dma_start3A_357 : memref<64xi32, #tpu.memory_space<vmem>>) semaphore(%arg23 : memref<!tpu.dma_semaphore, #tpu.memory_space<semaphore_mem>>) {add = true}
      %dma_start3A_361 = arith.constant 6 : i32
      %dma_start3A_362 = arith.constant 384 : i32
      %dma_start3A_363 = arith.constant 0 : i32
      %dma_start3A_364 = tpu.memref_slice %arg15[%dma_start3A_362, %dma_start3A_363] : memref<512x16xf32, #tpu.memory_space<vmem>> -> memref<64x16xf32, #tpu.memory_space<vmem>>
      %dma_start3A_365 = arith.constant 0 : i32
      %dma_start3A_366 = tpu.memref_slice %arg13[%dma_start3A_361, %dma_start3A_365] : memref<8x64xi32, #tpu.memory_space<vmem>> -> memref<1x64xi32, #tpu.memory_space<vmem>>
      %dma_start3A_367 = tpu.memref_squeeze %dma_start3A_366 : memref<1x64xi32, #tpu.memory_space<vmem>> -> memref<64xi32, #tpu.memory_space<vmem>>
      %dma_start3A_368 = arith.constant 0 : i32
      %dma_start3A_369 = arith.constant 0 : i32
      %dma_start3A_370 = tpu.memref_slice %arg9[%dma_start3A_368, %dma_start3A_369] : memref<50048x16xf32, #tpu.memory_space<vmem_shared>> -> memref<50048x16xf32, #tpu.memory_space<vmem_shared>>
      tpu.enqueue_indirect_dma source(%dma_start3A_364 : memref<64x16xf32, #tpu.memory_space<vmem>>) target(%dma_start3A_370 : memref<50048x16xf32, #tpu.memory_space<vmem_shared>>) offsets(%dma_start3A_367 : memref<64xi32, #tpu.memory_space<vmem>>) semaphore(%arg23 : memref<!tpu.dma_semaphore, #tpu.memory_space<semaphore_mem>>) {add = true}
      %dma_start3A_371 = arith.constant 7 : i32
      %dma_start3A_372 = arith.constant 448 : i32
      %dma_start3A_373 = arith.constant 0 : i32
      %dma_start3A_374 = tpu.memref_slice %arg15[%dma_start3A_372, %dma_start3A_373] : memref<512x16xf32, #tpu.memory_space<vmem>> -> memref<64x16xf32, #tpu.memory_space<vmem>>
      %dma_start3A_375 = arith.constant 0 : i32
      %dma_start3A_376 = tpu.memref_slice %arg13[%dma_start3A_371, %dma_start3A_375] : memref<8x64xi32, #tpu.memory_space<vmem>> -> memref<1x64xi32, #tpu.memory_space<vmem>>
      %dma_start3A_377 = tpu.memref_squeeze %dma_start3A_376 : memref<1x64xi32, #tpu.memory_space<vmem>> -> memref<64xi32, #tpu.memory_space<vmem>>
      %dma_start3A_378 = arith.constant 0 : i32
      %dma_start3A_379 = arith.constant 0 : i32
      %dma_start3A_380 = tpu.memref_slice %arg9[%dma_start3A_378, %dma_start3A_379] : memref<50048x16xf32, #tpu.memory_space<vmem_shared>> -> memref<50048x16xf32, #tpu.memory_space<vmem_shared>>
      tpu.enqueue_indirect_dma source(%dma_start3A_374 : memref<64x16xf32, #tpu.memory_space<vmem>>) target(%dma_start3A_380 : memref<50048x16xf32, #tpu.memory_space<vmem_shared>>) offsets(%dma_start3A_377 : memref<64xi32, #tpu.memory_space<vmem>>) semaphore(%arg23 : memref<!tpu.dma_semaphore, #tpu.memory_space<semaphore_mem>>) {add = true}
      %dma_wait3A_381 = arith.constant 0 : i32
      %dma_wait3A_382 = arith.constant 0 : i32
      %dma_wait3A_383 = arith.constant 0 : i32
      %dma_wait3A_384 = tpu.memref_slice %arg15[%dma_wait3A_382, %dma_wait3A_383] : memref<512x16xf32, #tpu.memory_space<vmem>> -> memref<64x16xf32, #tpu.memory_space<vmem>>
      %dma_wait3A_385 = arith.constant 0 : i32
      %dma_wait3A_386 = tpu.memref_slice %arg13[%dma_wait3A_381, %dma_wait3A_385] : memref<8x64xi32, #tpu.memory_space<vmem>> -> memref<1x64xi32, #tpu.memory_space<vmem>>
      %dma_wait3A_387 = tpu.memref_squeeze %dma_wait3A_386 : memref<1x64xi32, #tpu.memory_space<vmem>> -> memref<64xi32, #tpu.memory_space<vmem>>
      %dma_wait3A_388 = arith.constant 0 : i32
      %dma_wait3A_389 = arith.constant 0 : i32
      %dma_wait3A_390 = tpu.memref_slice %arg9[%dma_wait3A_388, %dma_wait3A_389] : memref<50048x16xf32, #tpu.memory_space<vmem_shared>> -> memref<50048x16xf32, #tpu.memory_space<vmem_shared>>
      tpu.wait_indirect_dma semaphore(%arg23 : memref<!tpu.dma_semaphore, #tpu.memory_space<semaphore_mem>>) src(%dma_wait3A_384 : memref<64x16xf32, #tpu.memory_space<vmem>>) dst(%dma_wait3A_390 : memref<50048x16xf32, #tpu.memory_space<vmem_shared>>)
      %dma_wait3A_391 = arith.constant 1 : i32
      %dma_wait3A_392 = arith.constant 64 : i32
      %dma_wait3A_393 = arith.constant 0 : i32
      %dma_wait3A_394 = tpu.memref_slice %arg15[%dma_wait3A_392, %dma_wait3A_393] : memref<512x16xf32, #tpu.memory_space<vmem>> -> memref<64x16xf32, #tpu.memory_space<vmem>>
      %dma_wait3A_395 = arith.constant 0 : i32
      %dma_wait3A_396 = tpu.memref_slice %arg13[%dma_wait3A_391, %dma_wait3A_395] : memref<8x64xi32, #tpu.memory_space<vmem>> -> memref<1x64xi32, #tpu.memory_space<vmem>>
      %dma_wait3A_397 = tpu.memref_squeeze %dma_wait3A_396 : memref<1x64xi32, #tpu.memory_space<vmem>> -> memref<64xi32, #tpu.memory_space<vmem>>
      %dma_wait3A_398 = arith.constant 0 : i32
      %dma_wait3A_399 = arith.constant 0 : i32
      %dma_wait3A_400 = tpu.memref_slice %arg9[%dma_wait3A_398, %dma_wait3A_399] : memref<50048x16xf32, #tpu.memory_space<vmem_shared>> -> memref<50048x16xf32, #tpu.memory_space<vmem_shared>>
      tpu.wait_indirect_dma semaphore(%arg23 : memref<!tpu.dma_semaphore, #tpu.memory_space<semaphore_mem>>) src(%dma_wait3A_394 : memref<64x16xf32, #tpu.memory_space<vmem>>) dst(%dma_wait3A_400 : memref<50048x16xf32, #tpu.memory_space<vmem_shared>>)
      %dma_wait3A_401 = arith.constant 2 : i32
      %dma_wait3A_402 = arith.constant 128 : i32
      %dma_wait3A_403 = arith.constant 0 : i32
      %dma_wait3A_404 = tpu.memref_slice %arg15[%dma_wait3A_402, %dma_wait3A_403] : memref<512x16xf32, #tpu.memory_space<vmem>> -> memref<64x16xf32, #tpu.memory_space<vmem>>
      %dma_wait3A_405 = arith.constant 0 : i32
      %dma_wait3A_406 = tpu.memref_slice %arg13[%dma_wait3A_401, %dma_wait3A_405] : memref<8x64xi32, #tpu.memory_space<vmem>> -> memref<1x64xi32, #tpu.memory_space<vmem>>
      %dma_wait3A_407 = tpu.memref_squeeze %dma_wait3A_406 : memref<1x64xi32, #tpu.memory_space<vmem>> -> memref<64xi32, #tpu.memory_space<vmem>>
      %dma_wait3A_408 = arith.constant 0 : i32
      %dma_wait3A_409 = arith.constant 0 : i32
      %dma_wait3A_410 = tpu.memref_slice %arg9[%dma_wait3A_408, %dma_wait3A_409] : memref<50048x16xf32, #tpu.memory_space<vmem_shared>> -> memref<50048x16xf32, #tpu.memory_space<vmem_shared>>
      tpu.wait_indirect_dma semaphore(%arg23 : memref<!tpu.dma_semaphore, #tpu.memory_space<semaphore_mem>>) src(%dma_wait3A_404 : memref<64x16xf32, #tpu.memory_space<vmem>>) dst(%dma_wait3A_410 : memref<50048x16xf32, #tpu.memory_space<vmem_shared>>)
      %dma_wait3A_411 = arith.constant 3 : i32
      %dma_wait3A_412 = arith.constant 192 : i32
      %dma_wait3A_413 = arith.constant 0 : i32
      %dma_wait3A_414 = tpu.memref_slice %arg15[%dma_wait3A_412, %dma_wait3A_413] : memref<512x16xf32, #tpu.memory_space<vmem>> -> memref<64x16xf32, #tpu.memory_space<vmem>>
      %dma_wait3A_415 = arith.constant 0 : i32
      %dma_wait3A_416 = tpu.memref_slice %arg13[%dma_wait3A_411, %dma_wait3A_415] : memref<8x64xi32, #tpu.memory_space<vmem>> -> memref<1x64xi32, #tpu.memory_space<vmem>>
      %dma_wait3A_417 = tpu.memref_squeeze %dma_wait3A_416 : memref<1x64xi32, #tpu.memory_space<vmem>> -> memref<64xi32, #tpu.memory_space<vmem>>
      %dma_wait3A_418 = arith.constant 0 : i32
      %dma_wait3A_419 = arith.constant 0 : i32
      %dma_wait3A_420 = tpu.memref_slice %arg9[%dma_wait3A_418, %dma_wait3A_419] : memref<50048x16xf32, #tpu.memory_space<vmem_shared>> -> memref<50048x16xf32, #tpu.memory_space<vmem_shared>>
      tpu.wait_indirect_dma semaphore(%arg23 : memref<!tpu.dma_semaphore, #tpu.memory_space<semaphore_mem>>) src(%dma_wait3A_414 : memref<64x16xf32, #tpu.memory_space<vmem>>) dst(%dma_wait3A_420 : memref<50048x16xf32, #tpu.memory_space<vmem_shared>>)
      %dma_wait3A_421 = arith.constant 4 : i32
      %dma_wait3A_422 = arith.constant 256 : i32
      %dma_wait3A_423 = arith.constant 0 : i32
      %dma_wait3A_424 = tpu.memref_slice %arg15[%dma_wait3A_422, %dma_wait3A_423] : memref<512x16xf32, #tpu.memory_space<vmem>> -> memref<64x16xf32, #tpu.memory_space<vmem>>
      %dma_wait3A_425 = arith.constant 0 : i32
      %dma_wait3A_426 = tpu.memref_slice %arg13[%dma_wait3A_421, %dma_wait3A_425] : memref<8x64xi32, #tpu.memory_space<vmem>> -> memref<1x64xi32, #tpu.memory_space<vmem>>
      %dma_wait3A_427 = tpu.memref_squeeze %dma_wait3A_426 : memref<1x64xi32, #tpu.memory_space<vmem>> -> memref<64xi32, #tpu.memory_space<vmem>>
      %dma_wait3A_428 = arith.constant 0 : i32
      %dma_wait3A_429 = arith.constant 0 : i32
      %dma_wait3A_430 = tpu.memref_slice %arg9[%dma_wait3A_428, %dma_wait3A_429] : memref<50048x16xf32, #tpu.memory_space<vmem_shared>> -> memref<50048x16xf32, #tpu.memory_space<vmem_shared>>
      tpu.wait_indirect_dma semaphore(%arg23 : memref<!tpu.dma_semaphore, #tpu.memory_space<semaphore_mem>>) src(%dma_wait3A_424 : memref<64x16xf32, #tpu.memory_space<vmem>>) dst(%dma_wait3A_430 : memref<50048x16xf32, #tpu.memory_space<vmem_shared>>)
      %dma_wait3A_431 = arith.constant 5 : i32
      %dma_wait3A_432 = arith.constant 320 : i32
      %dma_wait3A_433 = arith.constant 0 : i32
      %dma_wait3A_434 = tpu.memref_slice %arg15[%dma_wait3A_432, %dma_wait3A_433] : memref<512x16xf32, #tpu.memory_space<vmem>> -> memref<64x16xf32, #tpu.memory_space<vmem>>
      %dma_wait3A_435 = arith.constant 0 : i32
      %dma_wait3A_436 = tpu.memref_slice %arg13[%dma_wait3A_431, %dma_wait3A_435] : memref<8x64xi32, #tpu.memory_space<vmem>> -> memref<1x64xi32, #tpu.memory_space<vmem>>
      %dma_wait3A_437 = tpu.memref_squeeze %dma_wait3A_436 : memref<1x64xi32, #tpu.memory_space<vmem>> -> memref<64xi32, #tpu.memory_space<vmem>>
      %dma_wait3A_438 = arith.constant 0 : i32
      %dma_wait3A_439 = arith.constant 0 : i32
      %dma_wait3A_440 = tpu.memref_slice %arg9[%dma_wait3A_438, %dma_wait3A_439] : memref<50048x16xf32, #tpu.memory_space<vmem_shared>> -> memref<50048x16xf32, #tpu.memory_space<vmem_shared>>
      tpu.wait_indirect_dma semaphore(%arg23 : memref<!tpu.dma_semaphore, #tpu.memory_space<semaphore_mem>>) src(%dma_wait3A_434 : memref<64x16xf32, #tpu.memory_space<vmem>>) dst(%dma_wait3A_440 : memref<50048x16xf32, #tpu.memory_space<vmem_shared>>)
      %dma_wait3A_441 = arith.constant 6 : i32
      %dma_wait3A_442 = arith.constant 384 : i32
      %dma_wait3A_443 = arith.constant 0 : i32
      %dma_wait3A_444 = tpu.memref_slice %arg15[%dma_wait3A_442, %dma_wait3A_443] : memref<512x16xf32, #tpu.memory_space<vmem>> -> memref<64x16xf32, #tpu.memory_space<vmem>>
      %dma_wait3A_445 = arith.constant 0 : i32
      %dma_wait3A_446 = tpu.memref_slice %arg13[%dma_wait3A_441, %dma_wait3A_445] : memref<8x64xi32, #tpu.memory_space<vmem>> -> memref<1x64xi32, #tpu.memory_space<vmem>>
      %dma_wait3A_447 = tpu.memref_squeeze %dma_wait3A_446 : memref<1x64xi32, #tpu.memory_space<vmem>> -> memref<64xi32, #tpu.memory_space<vmem>>
      %dma_wait3A_448 = arith.constant 0 : i32
      %dma_wait3A_449 = arith.constant 0 : i32
      %dma_wait3A_450 = tpu.memref_slice %arg9[%dma_wait3A_448, %dma_wait3A_449] : memref<50048x16xf32, #tpu.memory_space<vmem_shared>> -> memref<50048x16xf32, #tpu.memory_space<vmem_shared>>
      tpu.wait_indirect_dma semaphore(%arg23 : memref<!tpu.dma_semaphore, #tpu.memory_space<semaphore_mem>>) src(%dma_wait3A_444 : memref<64x16xf32, #tpu.memory_space<vmem>>) dst(%dma_wait3A_450 : memref<50048x16xf32, #tpu.memory_space<vmem_shared>>)
      %dma_wait3A_451 = arith.constant 7 : i32
      %dma_wait3A_452 = arith.constant 448 : i32
      %dma_wait3A_453 = arith.constant 0 : i32
      %dma_wait3A_454 = tpu.memref_slice %arg15[%dma_wait3A_452, %dma_wait3A_453] : memref<512x16xf32, #tpu.memory_space<vmem>> -> memref<64x16xf32, #tpu.memory_space<vmem>>
      %dma_wait3A_455 = arith.constant 0 : i32
      %dma_wait3A_456 = tpu.memref_slice %arg13[%dma_wait3A_451, %dma_wait3A_455] : memref<8x64xi32, #tpu.memory_space<vmem>> -> memref<1x64xi32, #tpu.memory_space<vmem>>
      %dma_wait3A_457 = tpu.memref_squeeze %dma_wait3A_456 : memref<1x64xi32, #tpu.memory_space<vmem>> -> memref<64xi32, #tpu.memory_space<vmem>>
      %dma_wait3A_458 = arith.constant 0 : i32
      %dma_wait3A_459 = arith.constant 0 : i32
      %dma_wait3A_460 = tpu.memref_slice %arg9[%dma_wait3A_458, %dma_wait3A_459] : memref<50048x16xf32, #tpu.memory_space<vmem_shared>> -> memref<50048x16xf32, #tpu.memory_space<vmem_shared>>
      tpu.wait_indirect_dma semaphore(%arg23 : memref<!tpu.dma_semaphore, #tpu.memory_space<semaphore_mem>>) src(%dma_wait3A_454 : memref<64x16xf32, #tpu.memory_space<vmem>>) dst(%dma_wait3A_460 : memref<50048x16xf32, #tpu.memory_space<vmem_shared>>)
      %scan3A_461 = arith.constant 0 : i32
      scf.yield %scan3A_461 : i32
    }
    %scan3A_84 = arith.constant 98 : i32
    %barrier3A_85 = arith.constant 0 : index
    tpu.barrier barrier_id(%barrier3A_85)
    "tpu.region"() ({
      %run_scoped3A = tpu.sem_alloc : memref<!tpu.dma_semaphore, #tpu.memory_space<semaphore_mem>>
      %dma_start3A = arith.constant 0 : i32
      %dma_start3A_183 = tpu.memref_slice %arg9[%multiple_of3A, %dma_start3A] : memref<50048x16xf32, #tpu.memory_space<vmem_shared>> -> memref<3128x16xf32, #tpu.memory_space<vmem_shared>>
      %dma_start3A_184 = arith.constant 0 : i32
      %dma_start3A_185 = tpu.memref_slice %arg9[%multiple_of3A, %dma_start3A_184] : memref<50048x16xf32, #tpu.memory_space<vmem_shared>> -> memref<3128x16xf32, #tpu.memory_space<vmem_shared>>
      tpu.enqueue_dma source(%dma_start3A_185 : memref<3128x16xf32, #tpu.memory_space<vmem_shared>>) target(%arg17 : memref<3128x16xf32, #tpu.memory_space<vmem>>) target_semaphore(%run_scoped3A : memref<!tpu.dma_semaphore, #tpu.memory_space<semaphore_mem>>)
      %dma_wait3A = arith.constant 0 : i32
      %dma_wait3A_186 = tpu.memref_slice %arg9[%multiple_of3A, %dma_wait3A] : memref<50048x16xf32, #tpu.memory_space<vmem_shared>> -> memref<3128x16xf32, #tpu.memory_space<vmem_shared>>
      %dma_wait3A_187 = arith.constant 0 : i32
      %dma_wait3A_188 = tpu.memref_slice %arg9[%multiple_of3A, %dma_wait3A_187] : memref<50048x16xf32, #tpu.memory_space<vmem_shared>> -> memref<3128x16xf32, #tpu.memory_space<vmem_shared>>
      tpu.wait_dma2 semaphore(%run_scoped3A : memref<!tpu.dma_semaphore, #tpu.memory_space<semaphore_mem>>) src(%dma_wait3A_188 : memref<3128x16xf32, #tpu.memory_space<vmem_shared>>) dst(%arg17 : memref<3128x16xf32, #tpu.memory_space<vmem>>)
      tpu.yield
    }) : () -> ()
    %parallel_loop3A_86 = arith.constant 0 : i32
    %parallel_loop3A_87 = arith.constant 3128 : i32
    %parallel_loop3A_88 = arith.constant 1 : i32
    %parallel_loop3A_89 = scf.for %parallel_loop3A_183 = %parallel_loop3A_86 to %parallel_loop3A_87 step %parallel_loop3A_88 iter_args(%parallel_loop3A_184 = %broadcast_in_dim3A_4) -> (vector<16xf32>)  : i32 {
      %parallel_loop3A_185 = arith.index_cast %parallel_loop3A_183 : i32 to index
      %parallel_loop3A_186 = arith.constant 0 : index
      %parallel_loop3A_187 = tpu.vector_load %arg17[%parallel_loop3A_185, %parallel_loop3A_186] {strides = array<i32>} : memref<3128x16xf32, #tpu.memory_space<vmem>>, vector<1x16xf32>,
      %parallel_loop3A_188 = vector.shape_cast %parallel_loop3A_187 : vector<1x16xf32> to vector<16xf32>
      %parallel_loop3A_189 = arith.constant 0.000000e+00 : f32
      %parallel_loop3A_190 = vector.broadcast %parallel_loop3A_189 : f32 to vector<16xf32>
      %parallel_loop3A_191 = arith.maximumf %parallel_loop3A_188, %parallel_loop3A_190 : vector<16xf32>
      %parallel_loop3A_192 = arith.constant 1.000000e+00 : f32
      %parallel_loop3A_193 = vector.broadcast %parallel_loop3A_192 : f32 to vector<16xf32>
      %parallel_loop3A_194 = arith.minimumf %parallel_loop3A_191, %parallel_loop3A_193 : vector<16xf32>
      %parallel_loop3A_195 = arith.index_cast %parallel_loop3A_183 : i32 to index
      %parallel_loop3A_196 = arith.constant 0 : index
      %parallel_loop3A_197 = tpu.vector_load %arg17[%parallel_loop3A_195, %parallel_loop3A_196] {strides = array<i32>} : memref<3128x16xf32, #tpu.memory_space<vmem>>, vector<1x16xf32>,
      %parallel_loop3A_198 = vector.shape_cast %parallel_loop3A_197 : vector<1x16xf32> to vector<16xf32>
      %parallel_loop3A_199 = vector.shape_cast %parallel_loop3A_194 : vector<16xf32> to vector<1x16xf32>
      tpu.vector_store %arg17[%parallel_loop3A_195, %parallel_loop3A_196], %parallel_loop3A_199 {strides = array<i32>} : memref<3128x16xf32, #tpu.memory_space<vmem>>, vector<1x16xf32>,
      %parallel_loop3A_200 = arith.maximumf %parallel_loop3A_184, %parallel_loop3A_194 : vector<16xf32>
      scf.yield %parallel_loop3A_200 : vector<16xf32>
    } {sc.loop_unroll_factor = 8 : i64, sc.parallel_access}
    %swap3A_90 = arith.constant 0 : i32
    %swap3A_91 = arith.index_cast %swap3A_90 : i32 to index
    %swap3A_92 = arith.constant 0 : index
    %swap3A_93 = tpu.vector_load %arg18[%swap3A_91, %swap3A_92] {strides = array<i32>} : memref<8x16xf32, #tpu.memory_space<vmem>>, vector<1x16xf32>,
    %swap3A_94 = vector.shape_cast %swap3A_93 : vector<1x16xf32> to vector<16xf32>
    %swap3A_95 = vector.shape_cast %parallel_loop3A_89 : vector<16xf32> to vector<1x16xf32>
    tpu.vector_store %arg18[%swap3A_91, %swap3A_92], %swap3A_95 {strides = array<i32>} : memref<8x16xf32, #tpu.memory_space<vmem>>, vector<1x16xf32>,
    %mul3A_96 = arith.constant 8 : i32
    %mul3A_97 = arith.muli %arg1, %mul3A_96 : i32
    %multiple_of3A_98 = tpu.assume_multiple %mul3A_97, 8 : i32
    "tpu.region"() ({
      %run_scoped3A = tpu.sem_alloc : memref<!tpu.dma_semaphore, #tpu.memory_space<semaphore_mem>>
      %dma_start3A = arith.constant 0 : i32
      %dma_start3A_183 = tpu.memref_slice %arg11[%multiple_of3A_98, %dma_start3A] : memref<128x16xf32, #tpu.memory_space<vmem_shared>> -> memref<8x16xf32, #tpu.memory_space<vmem_shared>>
      %dma_start3A_184 = arith.constant 0 : i32
      %dma_start3A_185 = tpu.memref_slice %arg11[%multiple_of3A_98, %dma_start3A_184] : memref<128x16xf32, #tpu.memory_space<vmem_shared>> -> memref<8x16xf32, #tpu.memory_space<vmem_shared>>
      tpu.enqueue_dma source(%arg18 : memref<8x16xf32, #tpu.memory_space<vmem>>) target(%dma_start3A_185 : memref<8x16xf32, #tpu.memory_space<vmem_shared>>) target_semaphore(%run_scoped3A : memref<!tpu.dma_semaphore, #tpu.memory_space<semaphore_mem>>)
      %dma_wait3A = arith.constant 0 : i32
      %dma_wait3A_186 = tpu.memref_slice %arg11[%multiple_of3A_98, %dma_wait3A] : memref<128x16xf32, #tpu.memory_space<vmem_shared>> -> memref<8x16xf32, #tpu.memory_space<vmem_shared>>
      %dma_wait3A_187 = arith.constant 0 : i32
      %dma_wait3A_188 = tpu.memref_slice %arg11[%multiple_of3A_98, %dma_wait3A_187] : memref<128x16xf32, #tpu.memory_space<vmem_shared>> -> memref<8x16xf32, #tpu.memory_space<vmem_shared>>
      tpu.wait_dma2 semaphore(%run_scoped3A : memref<!tpu.dma_semaphore, #tpu.memory_space<semaphore_mem>>) src(%arg18 : memref<8x16xf32, #tpu.memory_space<vmem>>) dst(%dma_wait3A_188 : memref<8x16xf32, #tpu.memory_space<vmem_shared>>)
      tpu.yield
    }) : () -> ()
    %barrier3A_99 = arith.constant 0 : index
    tpu.barrier barrier_id(%barrier3A_99)
    "tpu.region"() ({
      %run_scoped3A = tpu.sem_alloc : memref<!tpu.dma_semaphore, #tpu.memory_space<semaphore_mem>>
      tpu.enqueue_dma source(%arg11 : memref<128x16xf32, #tpu.memory_space<vmem_shared>>) target(%arg20 : memref<128x16xf32, #tpu.memory_space<vmem>>) target_semaphore(%run_scoped3A : memref<!tpu.dma_semaphore, #tpu.memory_space<semaphore_mem>>)
      tpu.wait_dma2 semaphore(%run_scoped3A : memref<!tpu.dma_semaphore, #tpu.memory_space<semaphore_mem>>) src(%arg11 : memref<128x16xf32, #tpu.memory_space<vmem_shared>>) dst(%arg20 : memref<128x16xf32, #tpu.memory_space<vmem>>)
      tpu.yield
    }) : () -> ()
    %scan3A_100 = arith.constant 0 : i32
    %scan3A_101 = arith.constant 16 : i32
    %scan3A_102 = arith.addi %scan3A_100, %scan3A_101 : i32
    %scan3A_103 = arith.constant 1 : i32
    %scan3A_104 = scf.for %scan3A_183 = %scan3A_100 to %scan3A_102 step %scan3A_103 iter_args(%scan3A_184 = %broadcast_in_dim3A_4) -> (vector<16xf32>)  : i32 {
      %mul3A_185 = arith.constant 8 : i32
      %mul3A_186 = arith.muli %scan3A_183, %mul3A_185 : i32
      %get3A_187 = arith.index_cast %mul3A_186 : i32 to index
      %get3A_188 = arith.constant 0 : index
      %get3A_189 = tpu.vector_load %arg20[%get3A_187, %get3A_188] {strides = array<i32>} : memref<128x16xf32, #tpu.memory_space<vmem>>, vector<1x16xf32>,
      %get3A_190 = vector.shape_cast %get3A_189 : vector<1x16xf32> to vector<16xf32>
      %max3A = arith.maximumf %scan3A_184, %get3A_190 : vector<16xf32>
      scf.yield %max3A : vector<16xf32>
    }
    %scan3A_105 = arith.constant 16 : i32
    %gt3A_106 = arith.constant 0.000000e+00 : f32
    %gt3A_107 = vector.broadcast %gt3A_106 : f32 to vector<16xf32>
    %gt3A_108 = arith.cmpf ogt, %scan3A_104, %gt3A_107 : vector<16xf32>
    %jit3A_109 = arith.constant 1.000000e+00 : f32
    %broadcast_in_dim3A_110 = vector.broadcast %jit3A_109 : f32 to vector<16xf32>
    %select_n3A_111 = arith.select %gt3A_108, %scan3A_104, %broadcast_in_dim3A_110 : vector<16xi1>, vector<16xf32>
    %div3A_112 = arith.constant 1.000000e+00 : f32
    %div3A_113 = vector.broadcast %div3A_112 : f32 to vector<16xf32>
    %div3A_114 = arith.divf %div3A_113, %select_n3A_111 : vector<16xf32>
    %parallel_loop3A_115 = arith.constant 0 : i32
    %parallel_loop3A_116 = arith.constant 3128 : i32
    %parallel_loop3A_117 = arith.constant 1 : i32
    scf.for %parallel_loop3A_183 = %parallel_loop3A_115 to %parallel_loop3A_116 step %parallel_loop3A_117  : i32 {
      %parallel_loop3A_184 = arith.index_cast %parallel_loop3A_183 : i32 to index
      %parallel_loop3A_185 = arith.constant 0 : index
      %parallel_loop3A_186 = tpu.vector_load %arg17[%parallel_loop3A_184, %parallel_loop3A_185] {strides = array<i32>} : memref<3128x16xf32, #tpu.memory_space<vmem>>, vector<1x16xf32>,
      %parallel_loop3A_187 = vector.shape_cast %parallel_loop3A_186 : vector<1x16xf32> to vector<16xf32>
      %parallel_loop3A_188 = arith.mulf %parallel_loop3A_187, %div3A_114 : vector<16xf32>
      %parallel_loop3A_189 = arith.index_cast %parallel_loop3A_183 : i32 to index
      %parallel_loop3A_190 = arith.constant 0 : index
      %parallel_loop3A_191 = tpu.vector_load %arg17[%parallel_loop3A_189, %parallel_loop3A_190] {strides = array<i32>} : memref<3128x16xf32, #tpu.memory_space<vmem>>, vector<1x16xf32>,
      %parallel_loop3A_192 = vector.shape_cast %parallel_loop3A_191 : vector<1x16xf32> to vector<16xf32>
      %parallel_loop3A_193 = vector.shape_cast %parallel_loop3A_188 : vector<16xf32> to vector<1x16xf32>
      tpu.vector_store %arg17[%parallel_loop3A_189, %parallel_loop3A_190], %parallel_loop3A_193 {strides = array<i32>} : memref<3128x16xf32, #tpu.memory_space<vmem>>, vector<1x16xf32>,
    } {sc.loop_unroll_factor = 8 : i64, sc.parallel_access}
    %mul3A_118 = arith.constant 4 : i32
    %mul3A_119 = arith.muli %arg0, %mul3A_118 : i32
    %add3A_120 = arith.constant 1 : i32
    %add3A_121 = arith.addi %mul3A_119, %add3A_120 : i32
    %add3A_122 = arith.constant 1 : i32
    %add3A_123 = arith.addi %add3A_121, %add3A_122 : i32
    %mul3A_124 = arith.constant 50048 : i32
    %mul3A_125 = arith.muli %add3A_123, %mul3A_124 : i32
    %add3A_126 = arith.addi %mul3A_125, %multiple_of3A : i32
    %multiple_of3A_127 = tpu.assume_multiple %add3A_126, 8 : i32
    "tpu.region"() ({
      %run_scoped3A = tpu.sem_alloc : memref<!tpu.dma_semaphore, #tpu.memory_space<semaphore_mem>>
      %dma_start3A = arith.constant 0 : i32
      %dma_start3A_183 = tpu.memref_slice %arg8[%multiple_of3A_127, %dma_start3A] : memref<400384x16xf32, #tpu.memory_space<hbm>> -> memref<3128x16xf32, #tpu.memory_space<hbm>>
      %dma_start3A_184 = arith.constant 0 : i32
      %dma_start3A_185 = tpu.memref_slice %arg8[%multiple_of3A_127, %dma_start3A_184] : memref<400384x16xf32, #tpu.memory_space<hbm>> -> memref<3128x16xf32, #tpu.memory_space<hbm>>
      tpu.enqueue_dma source(%arg17 : memref<3128x16xf32, #tpu.memory_space<vmem>>) target(%dma_start3A_185 : memref<3128x16xf32, #tpu.memory_space<hbm>>) target_semaphore(%run_scoped3A : memref<!tpu.dma_semaphore, #tpu.memory_space<semaphore_mem>>)
      %dma_wait3A = arith.constant 0 : i32
      %dma_wait3A_186 = tpu.memref_slice %arg8[%multiple_of3A_127, %dma_wait3A] : memref<400384x16xf32, #tpu.memory_space<hbm>> -> memref<3128x16xf32, #tpu.memory_space<hbm>>
      %dma_wait3A_187 = arith.constant 0 : i32
      %dma_wait3A_188 = tpu.memref_slice %arg8[%multiple_of3A_127, %dma_wait3A_187] : memref<400384x16xf32, #tpu.memory_space<hbm>> -> memref<3128x16xf32, #tpu.memory_space<hbm>>
      tpu.wait_dma2 semaphore(%run_scoped3A : memref<!tpu.dma_semaphore, #tpu.memory_space<semaphore_mem>>) src(%arg17 : memref<3128x16xf32, #tpu.memory_space<vmem>>) dst(%dma_wait3A_188 : memref<3128x16xf32, #tpu.memory_space<hbm>>)
      tpu.yield
    }) : () -> ()
    %parallel_loop3A_128 = arith.constant 0 : i32
    %parallel_loop3A_129 = arith.constant 3128 : i32
    %parallel_loop3A_130 = arith.constant 1 : i32
    scf.for %parallel_loop3A_183 = %parallel_loop3A_128 to %parallel_loop3A_129 step %parallel_loop3A_130  : i32 {
      %parallel_loop3A_184 = arith.index_cast %parallel_loop3A_183 : i32 to index
      %parallel_loop3A_185 = arith.constant 0 : index
      %parallel_loop3A_186 = tpu.vector_load %arg17[%parallel_loop3A_184, %parallel_loop3A_185] {strides = array<i32>} : memref<3128x16xf32, #tpu.memory_space<vmem>>, vector<1x16xf32>,
      %parallel_loop3A_187 = vector.shape_cast %parallel_loop3A_186 : vector<1x16xf32> to vector<16xf32>
      %parallel_loop3A_188 = vector.shape_cast %broadcast_in_dim3A_4 : vector<16xf32> to vector<1x16xf32>
      tpu.vector_store %arg17[%parallel_loop3A_184, %parallel_loop3A_185], %parallel_loop3A_188 {strides = array<i32>} : memref<3128x16xf32, #tpu.memory_space<vmem>>, vector<1x16xf32>,
    } {sc.loop_unroll_factor = 8 : i64, sc.parallel_access}
    "tpu.region"() ({
      %run_scoped3A = tpu.sem_alloc : memref<!tpu.dma_semaphore, #tpu.memory_space<semaphore_mem>>
      %dma_start3A = arith.constant 0 : i32
      %dma_start3A_183 = tpu.memref_slice %arg9[%multiple_of3A, %dma_start3A] : memref<50048x16xf32, #tpu.memory_space<vmem_shared>> -> memref<3128x16xf32, #tpu.memory_space<vmem_shared>>
      %dma_start3A_184 = arith.constant 0 : i32
      %dma_start3A_185 = tpu.memref_slice %arg9[%multiple_of3A, %dma_start3A_184] : memref<50048x16xf32, #tpu.memory_space<vmem_shared>> -> memref<3128x16xf32, #tpu.memory_space<vmem_shared>>
      tpu.enqueue_dma source(%arg17 : memref<3128x16xf32, #tpu.memory_space<vmem>>) target(%dma_start3A_185 : memref<3128x16xf32, #tpu.memory_space<vmem_shared>>) target_semaphore(%run_scoped3A : memref<!tpu.dma_semaphore, #tpu.memory_space<semaphore_mem>>)
      %dma_wait3A = arith.constant 0 : i32
      %dma_wait3A_186 = tpu.memref_slice %arg9[%multiple_of3A, %dma_wait3A] : memref<50048x16xf32, #tpu.memory_space<vmem_shared>> -> memref<3128x16xf32, #tpu.memory_space<vmem_shared>>
      %dma_wait3A_187 = arith.constant 0 : i32
      %dma_wait3A_188 = tpu.memref_slice %arg9[%multiple_of3A, %dma_wait3A_187] : memref<50048x16xf32, #tpu.memory_space<vmem_shared>> -> memref<3128x16xf32, #tpu.memory_space<vmem_shared>>
      tpu.wait_dma2 semaphore(%run_scoped3A : memref<!tpu.dma_semaphore, #tpu.memory_space<semaphore_mem>>) src(%arg17 : memref<3128x16xf32, #tpu.memory_space<vmem>>) dst(%dma_wait3A_188 : memref<3128x16xf32, #tpu.memory_space<vmem_shared>>)
      tpu.yield
    }) : () -> ()
    %barrier3A_131 = arith.constant 0 : index
    tpu.barrier barrier_id(%barrier3A_131)
    %scan3A_132 = arith.constant 0 : i32
    %scan3A_133 = arith.constant 0 : i32
    %scan3A_134 = arith.constant 98 : i32
    %scan3A_135 = arith.addi %scan3A_133, %scan3A_134 : i32
    %scan3A_136 = arith.constant 1 : i32
    %scan3A_137 = scf.for %scan3A_183 = %scan3A_133 to %scan3A_135 step %scan3A_136 iter_args(%scan3A_184 = %scan3A_132) -> (i32)  : i32 {
      %mul3A_185 = arith.constant 512 : i32
      %mul3A_186 = arith.muli %scan3A_183, %mul3A_185 : i32
      %add3A_187 = arith.addi %multiple_of3A_3, %mul3A_186 : i32
      %multiple_of3A_188 = tpu.assume_multiple %add3A_187, 8 : i32
      %dma_start3A = tpu.memref_slice %arg5[%multiple_of3A_188] : memref<802816xi32, #tpu.memory_space<hbm>> -> memref<512xi32, #tpu.memory_space<hbm>>
      %dma_start3A_189 = tpu.memref_slice %arg5[%multiple_of3A_188] : memref<802816xi32, #tpu.memory_space<hbm>> -> memref<512xi32, #tpu.memory_space<hbm>>
      tpu.enqueue_dma source(%dma_start3A_189 : memref<512xi32, #tpu.memory_space<hbm>>) target(%arg12 : memref<512xi32, #tpu.memory_space<vmem>>) target_semaphore(%arg21 : memref<!tpu.dma_semaphore, #tpu.memory_space<semaphore_mem>>)
      %add3A_190 = arith.constant 1605632 : i32
      %add3A_191 = arith.addi %add3A_190, %multiple_of3A_188 : i32
      %dma_start3A_192 = tpu.memref_slice %arg6[%add3A_191] : memref<2408448xi32, #tpu.memory_space<hbm>> -> memref<512xi32, #tpu.memory_space<hbm>>
      %dma_start3A_193 = tpu.memref_slice %arg6[%add3A_191] : memref<2408448xi32, #tpu.memory_space<hbm>> -> memref<512xi32, #tpu.memory_space<hbm>>
      tpu.enqueue_dma source(%dma_start3A_193 : memref<512xi32, #tpu.memory_space<hbm>>) target(%arg14 : memref<512xi32, #tpu.memory_space<vmem>>) target_semaphore(%arg21 : memref<!tpu.dma_semaphore, #tpu.memory_space<semaphore_mem>>)
      %jit3A_194 = arith.constant 64 : i32
      %div3A_195 = arith.divsi %multiple_of3A_188, %jit3A_194 : i32
      %sign3A = arith.constant 0 : i32
      %sign3A_196 = arith.cmpi sgt, %multiple_of3A_188, %sign3A : i32
      %sign3A_197 = arith.extui %sign3A_196 : i1 to i32
      %sign3A_198 = arith.constant 0 : i32
      %sign3A_199 = arith.cmpi slt, %multiple_of3A_188, %sign3A_198 : i32
      %sign3A_200 = arith.extui %sign3A_199 : i1 to i32
      %sign3A_201 = arith.subi %sign3A_197, %sign3A_200 : i32
      %sign3A_202 = arith.constant 0 : i32
      %sign3A_203 = arith.cmpi sgt, %jit3A_194, %sign3A_202 : i32
      %sign3A_204 = arith.extui %sign3A_203 : i1 to i32
      %sign3A_205 = arith.constant 0 : i32
      %sign3A_206 = arith.cmpi slt, %jit3A_194, %sign3A_205 : i32
      %sign3A_207 = arith.extui %sign3A_206 : i1 to i32
      %sign3A_208 = arith.subi %sign3A_204, %sign3A_207 : i32
      %ne3A = arith.cmpi ne, %sign3A_201, %sign3A_208 : i32
      %rem3A = arith.remsi %multiple_of3A_188, %jit3A_194 : i32
      %ne3A_209 = arith.constant 0 : i32
      %ne3A_210 = arith.cmpi ne, %rem3A, %ne3A_209 : i32
      %and3A = arith.andi %ne3A, %ne3A_210 : i1
      %sub3A = arith.constant 1 : i32
      %sub3A_211 = arith.subi %div3A_195, %sub3A : i32
      %select_n3A_212 = arith.select %and3A, %sub3A_211, %div3A_195 : i32
      %multiple_of3A_213 = tpu.assume_multiple %select_n3A_212, 8 : i32
      %dma_start3A_214 = arith.constant 0 : i32
      %dma_start3A_215 = tpu.memref_slice %arg7[%multiple_of3A_213, %dma_start3A_214] : memref<12544x64xi32, #tpu.memory_space<hbm>> -> memref<8x64xi32, #tpu.memory_space<hbm>>
      %dma_start3A_216 = arith.constant 0 : i32
      %dma_start3A_217 = tpu.memref_slice %arg7[%multiple_of3A_213, %dma_start3A_216] : memref<12544x64xi32, #tpu.memory_space<hbm>> -> memref<8x64xi32, #tpu.memory_space<hbm>>
      tpu.enqueue_dma source(%dma_start3A_217 : memref<8x64xi32, #tpu.memory_space<hbm>>) target(%arg13 : memref<8x64xi32, #tpu.memory_space<vmem>>) target_semaphore(%arg21 : memref<!tpu.dma_semaphore, #tpu.memory_space<semaphore_mem>>)
      %dma_wait3A = tpu.memref_slice %arg5[%multiple_of3A_188] : memref<802816xi32, #tpu.memory_space<hbm>> -> memref<512xi32, #tpu.memory_space<hbm>>
      %dma_wait3A_218 = tpu.memref_slice %arg5[%multiple_of3A_188] : memref<802816xi32, #tpu.memory_space<hbm>> -> memref<512xi32, #tpu.memory_space<hbm>>
      tpu.wait_dma2 semaphore(%arg21 : memref<!tpu.dma_semaphore, #tpu.memory_space<semaphore_mem>>) src(%dma_wait3A_218 : memref<512xi32, #tpu.memory_space<hbm>>) dst(%arg12 : memref<512xi32, #tpu.memory_space<vmem>>)
      %dma_wait3A_219 = tpu.memref_slice %arg6[%add3A_191] : memref<2408448xi32, #tpu.memory_space<hbm>> -> memref<512xi32, #tpu.memory_space<hbm>>
      %dma_wait3A_220 = tpu.memref_slice %arg6[%add3A_191] : memref<2408448xi32, #tpu.memory_space<hbm>> -> memref<512xi32, #tpu.memory_space<hbm>>
      tpu.wait_dma2 semaphore(%arg21 : memref<!tpu.dma_semaphore, #tpu.memory_space<semaphore_mem>>) src(%dma_wait3A_220 : memref<512xi32, #tpu.memory_space<hbm>>) dst(%arg14 : memref<512xi32, #tpu.memory_space<vmem>>)
      %dma_wait3A_221 = arith.constant 0 : i32
      %dma_wait3A_222 = tpu.memref_slice %arg7[%multiple_of3A_213, %dma_wait3A_221] : memref<12544x64xi32, #tpu.memory_space<hbm>> -> memref<8x64xi32, #tpu.memory_space<hbm>>
      %dma_wait3A_223 = arith.constant 0 : i32
      %dma_wait3A_224 = tpu.memref_slice %arg7[%multiple_of3A_213, %dma_wait3A_223] : memref<12544x64xi32, #tpu.memory_space<hbm>> -> memref<8x64xi32, #tpu.memory_space<hbm>>
      tpu.wait_dma2 semaphore(%arg21 : memref<!tpu.dma_semaphore, #tpu.memory_space<semaphore_mem>>) src(%dma_wait3A_224 : memref<8x64xi32, #tpu.memory_space<hbm>>) dst(%arg13 : memref<8x64xi32, #tpu.memory_space<vmem>>)
      %mul3A_225 = arith.constant 4 : i32
      %mul3A_226 = arith.muli %arg0, %mul3A_225 : i32
      %add3A_227 = arith.constant 2 : i32
      %add3A_228 = arith.addi %mul3A_226, %add3A_227 : i32
      %mul3A_229 = arith.constant 50048 : i32
      %mul3A_230 = arith.muli %add3A_228, %mul3A_229 : i32
      %parallel_loop3A_231 = arith.constant 0 : i32
      %parallel_loop3A_232 = arith.constant 32 : i32
      %parallel_loop3A_233 = arith.constant 1 : i32
      scf.for %parallel_loop3A_462 = %parallel_loop3A_231 to %parallel_loop3A_232 step %parallel_loop3A_233  : i32 {
        %parallel_loop3A_463 = arith.constant 16 : i32
        %parallel_loop3A_464 = arith.muli %parallel_loop3A_462, %parallel_loop3A_463 : i32
        %parallel_loop3A_465 = tpu.assume_multiple %parallel_loop3A_464, 8 : i32
        %parallel_loop3A_466 = arith.index_cast %parallel_loop3A_465 : i32 to index
        %parallel_loop3A_467 = tpu.vector_load %arg12[%parallel_loop3A_466] {strides = array<i32>} : memref<512xi32, #tpu.memory_space<vmem>>, vector<16xi32>,
        %parallel_loop3A_468 = vector.shape_cast %parallel_loop3A_467 : vector<16xi32> to vector<16xi32>
        %parallel_loop3A_469 = vector.broadcast %mul3A_230 : i32 to vector<16xi32>
        %parallel_loop3A_470 = arith.addi %parallel_loop3A_468, %parallel_loop3A_469 : vector<16xi32>
        %parallel_loop3A_471 = arith.index_cast %parallel_loop3A_465 : i32 to index
        %parallel_loop3A_472 = tpu.vector_load %arg12[%parallel_loop3A_471] {strides = array<i32>} : memref<512xi32, #tpu.memory_space<vmem>>, vector<16xi32>,
        %parallel_loop3A_473 = vector.shape_cast %parallel_loop3A_472 : vector<16xi32> to vector<16xi32>
        %parallel_loop3A_474 = vector.shape_cast %parallel_loop3A_470 : vector<16xi32> to vector<16xi32>
        tpu.vector_store %arg12[%parallel_loop3A_471], %parallel_loop3A_474 {strides = array<i32>} : memref<512xi32, #tpu.memory_space<vmem>>, vector<16xi32>,
      } {sc.loop_unroll_factor = 4 : i64, sc.parallel_access}
      %dma_start3A_234 = arith.constant 0 : i32
      %dma_start3A_235 = arith.constant 0 : i32
      %dma_start3A_236 = tpu.memref_slice %arg15[%dma_start3A_234, %dma_start3A_235] : memref<512x16xf32, #tpu.memory_space<vmem>> -> memref<128x16xf32, #tpu.memory_space<vmem>>
      %dma_start3A_237 = arith.constant 0 : i32
      %dma_start3A_238 = tpu.memref_slice %arg12[%dma_start3A_237] : memref<512xi32, #tpu.memory_space<vmem>> -> memref<128xi32, #tpu.memory_space<vmem>>
      %dma_start3A_239 = arith.constant 0 : i32
      %dma_start3A_240 = arith.constant 0 : i32
      %dma_start3A_241 = tpu.memref_slice %arg8[%dma_start3A_239, %dma_start3A_240] : memref<400384x16xf32, #tpu.memory_space<hbm>> -> memref<400384x16xf32, #tpu.memory_space<hbm>>
      tpu.enqueue_indirect_dma source(%dma_start3A_241 : memref<400384x16xf32, #tpu.memory_space<hbm>>) target(%dma_start3A_236 : memref<128x16xf32, #tpu.memory_space<vmem>>) offsets(%dma_start3A_238 : memref<128xi32, #tpu.memory_space<vmem>>) semaphore(%arg22 : memref<!tpu.dma_semaphore, #tpu.memory_space<semaphore_mem>>)
      %dma_start3A_242 = arith.constant 128 : i32
      %dma_start3A_243 = arith.constant 0 : i32
      %dma_start3A_244 = tpu.memref_slice %arg15[%dma_start3A_242, %dma_start3A_243] : memref<512x16xf32, #tpu.memory_space<vmem>> -> memref<128x16xf32, #tpu.memory_space<vmem>>
      %dma_start3A_245 = arith.constant 128 : i32
      %dma_start3A_246 = tpu.memref_slice %arg12[%dma_start3A_245] : memref<512xi32, #tpu.memory_space<vmem>> -> memref<128xi32, #tpu.memory_space<vmem>>
      %dma_start3A_247 = arith.constant 0 : i32
      %dma_start3A_248 = arith.constant 0 : i32
      %dma_start3A_249 = tpu.memref_slice %arg8[%dma_start3A_247, %dma_start3A_248] : memref<400384x16xf32, #tpu.memory_space<hbm>> -> memref<400384x16xf32, #tpu.memory_space<hbm>>
      tpu.enqueue_indirect_dma source(%dma_start3A_249 : memref<400384x16xf32, #tpu.memory_space<hbm>>) target(%dma_start3A_244 : memref<128x16xf32, #tpu.memory_space<vmem>>) offsets(%dma_start3A_246 : memref<128xi32, #tpu.memory_space<vmem>>) semaphore(%arg22 : memref<!tpu.dma_semaphore, #tpu.memory_space<semaphore_mem>>)
      %dma_start3A_250 = arith.constant 256 : i32
      %dma_start3A_251 = arith.constant 0 : i32
      %dma_start3A_252 = tpu.memref_slice %arg15[%dma_start3A_250, %dma_start3A_251] : memref<512x16xf32, #tpu.memory_space<vmem>> -> memref<128x16xf32, #tpu.memory_space<vmem>>
      %dma_start3A_253 = arith.constant 256 : i32
      %dma_start3A_254 = tpu.memref_slice %arg12[%dma_start3A_253] : memref<512xi32, #tpu.memory_space<vmem>> -> memref<128xi32, #tpu.memory_space<vmem>>
      %dma_start3A_255 = arith.constant 0 : i32
      %dma_start3A_256 = arith.constant 0 : i32
      %dma_start3A_257 = tpu.memref_slice %arg8[%dma_start3A_255, %dma_start3A_256] : memref<400384x16xf32, #tpu.memory_space<hbm>> -> memref<400384x16xf32, #tpu.memory_space<hbm>>
      tpu.enqueue_indirect_dma source(%dma_start3A_257 : memref<400384x16xf32, #tpu.memory_space<hbm>>) target(%dma_start3A_252 : memref<128x16xf32, #tpu.memory_space<vmem>>) offsets(%dma_start3A_254 : memref<128xi32, #tpu.memory_space<vmem>>) semaphore(%arg22 : memref<!tpu.dma_semaphore, #tpu.memory_space<semaphore_mem>>)
      %dma_start3A_258 = arith.constant 384 : i32
      %dma_start3A_259 = arith.constant 0 : i32
      %dma_start3A_260 = tpu.memref_slice %arg15[%dma_start3A_258, %dma_start3A_259] : memref<512x16xf32, #tpu.memory_space<vmem>> -> memref<128x16xf32, #tpu.memory_space<vmem>>
      %dma_start3A_261 = arith.constant 384 : i32
      %dma_start3A_262 = tpu.memref_slice %arg12[%dma_start3A_261] : memref<512xi32, #tpu.memory_space<vmem>> -> memref<128xi32, #tpu.memory_space<vmem>>
      %dma_start3A_263 = arith.constant 0 : i32
      %dma_start3A_264 = arith.constant 0 : i32
      %dma_start3A_265 = tpu.memref_slice %arg8[%dma_start3A_263, %dma_start3A_264] : memref<400384x16xf32, #tpu.memory_space<hbm>> -> memref<400384x16xf32, #tpu.memory_space<hbm>>
      tpu.enqueue_indirect_dma source(%dma_start3A_265 : memref<400384x16xf32, #tpu.memory_space<hbm>>) target(%dma_start3A_260 : memref<128x16xf32, #tpu.memory_space<vmem>>) offsets(%dma_start3A_262 : memref<128xi32, #tpu.memory_space<vmem>>) semaphore(%arg22 : memref<!tpu.dma_semaphore, #tpu.memory_space<semaphore_mem>>)
      "tpu.region"() ({
        %run_scoped3A = tpu.sem_alloc : memref<!tpu.dma_semaphore, #tpu.memory_space<semaphore_mem>>
        %dma_start3A_462 = arith.constant 0 : i32
        %dma_start3A_463 = arith.constant 0 : i32
        %dma_start3A_464 = tpu.memref_slice %arg16[%dma_start3A_462, %dma_start3A_463] : memref<512x16xf32, #tpu.memory_space<vmem>> -> memref<128x16xf32, #tpu.memory_space<vmem>>
        %dma_start3A_465 = arith.constant 0 : i32
        %dma_start3A_466 = tpu.memref_slice %arg14[%dma_start3A_465] : memref<512xi32, #tpu.memory_space<vmem>> -> memref<128xi32, #tpu.memory_space<vmem>>
        %dma_start3A_467 = arith.constant 0 : i32
        %dma_start3A_468 = arith.constant 0 : i32
        %dma_start3A_469 = tpu.memref_slice %arg10[%dma_start3A_467, %dma_start3A_468] : memref<300x16xf32, #tpu.memory_space<vmem_shared>> -> memref<300x16xf32, #tpu.memory_space<vmem_shared>>
        tpu.enqueue_indirect_dma source(%dma_start3A_469 : memref<300x16xf32, #tpu.memory_space<vmem_shared>>) target(%dma_start3A_464 : memref<128x16xf32, #tpu.memory_space<vmem>>) offsets(%dma_start3A_466 : memref<128xi32, #tpu.memory_space<vmem>>) semaphore(%run_scoped3A : memref<!tpu.dma_semaphore, #tpu.memory_space<semaphore_mem>>)
        %dma_wait3A_470 = arith.constant 0 : i32
        %dma_wait3A_471 = arith.constant 0 : i32
        %dma_wait3A_472 = tpu.memref_slice %arg16[%dma_wait3A_470, %dma_wait3A_471] : memref<512x16xf32, #tpu.memory_space<vmem>> -> memref<128x16xf32, #tpu.memory_space<vmem>>
        %dma_wait3A_473 = arith.constant 0 : i32
        %dma_wait3A_474 = tpu.memref_slice %arg14[%dma_wait3A_473] : memref<512xi32, #tpu.memory_space<vmem>> -> memref<128xi32, #tpu.memory_space<vmem>>
        %dma_wait3A_475 = arith.constant 0 : i32
        %dma_wait3A_476 = arith.constant 0 : i32
        %dma_wait3A_477 = tpu.memref_slice %arg10[%dma_wait3A_475, %dma_wait3A_476] : memref<300x16xf32, #tpu.memory_space<vmem_shared>> -> memref<300x16xf32, #tpu.memory_space<vmem_shared>>
        tpu.wait_indirect_dma semaphore(%run_scoped3A : memref<!tpu.dma_semaphore, #tpu.memory_space<semaphore_mem>>) src(%dma_wait3A_477 : memref<300x16xf32, #tpu.memory_space<vmem_shared>>) dst(%dma_wait3A_472 : memref<128x16xf32, #tpu.memory_space<vmem>>)
        tpu.yield
      }) : () -> ()
      "tpu.region"() ({
        %run_scoped3A = tpu.sem_alloc : memref<!tpu.dma_semaphore, #tpu.memory_space<semaphore_mem>>
        %dma_start3A_462 = arith.constant 128 : i32
        %dma_start3A_463 = arith.constant 0 : i32
        %dma_start3A_464 = tpu.memref_slice %arg16[%dma_start3A_462, %dma_start3A_463] : memref<512x16xf32, #tpu.memory_space<vmem>> -> memref<128x16xf32, #tpu.memory_space<vmem>>
        %dma_start3A_465 = arith.constant 128 : i32
        %dma_start3A_466 = tpu.memref_slice %arg14[%dma_start3A_465] : memref<512xi32, #tpu.memory_space<vmem>> -> memref<128xi32, #tpu.memory_space<vmem>>
        %dma_start3A_467 = arith.constant 0 : i32
        %dma_start3A_468 = arith.constant 0 : i32
        %dma_start3A_469 = tpu.memref_slice %arg10[%dma_start3A_467, %dma_start3A_468] : memref<300x16xf32, #tpu.memory_space<vmem_shared>> -> memref<300x16xf32, #tpu.memory_space<vmem_shared>>
        tpu.enqueue_indirect_dma source(%dma_start3A_469 : memref<300x16xf32, #tpu.memory_space<vmem_shared>>) target(%dma_start3A_464 : memref<128x16xf32, #tpu.memory_space<vmem>>) offsets(%dma_start3A_466 : memref<128xi32, #tpu.memory_space<vmem>>) semaphore(%run_scoped3A : memref<!tpu.dma_semaphore, #tpu.memory_space<semaphore_mem>>)
        %dma_wait3A_470 = arith.constant 128 : i32
        %dma_wait3A_471 = arith.constant 0 : i32
        %dma_wait3A_472 = tpu.memref_slice %arg16[%dma_wait3A_470, %dma_wait3A_471] : memref<512x16xf32, #tpu.memory_space<vmem>> -> memref<128x16xf32, #tpu.memory_space<vmem>>
        %dma_wait3A_473 = arith.constant 128 : i32
        %dma_wait3A_474 = tpu.memref_slice %arg14[%dma_wait3A_473] : memref<512xi32, #tpu.memory_space<vmem>> -> memref<128xi32, #tpu.memory_space<vmem>>
        %dma_wait3A_475 = arith.constant 0 : i32
        %dma_wait3A_476 = arith.constant 0 : i32
        %dma_wait3A_477 = tpu.memref_slice %arg10[%dma_wait3A_475, %dma_wait3A_476] : memref<300x16xf32, #tpu.memory_space<vmem_shared>> -> memref<300x16xf32, #tpu.memory_space<vmem_shared>>
        tpu.wait_indirect_dma semaphore(%run_scoped3A : memref<!tpu.dma_semaphore, #tpu.memory_space<semaphore_mem>>) src(%dma_wait3A_477 : memref<300x16xf32, #tpu.memory_space<vmem_shared>>) dst(%dma_wait3A_472 : memref<128x16xf32, #tpu.memory_space<vmem>>)
        tpu.yield
      }) : () -> ()
      "tpu.region"() ({
        %run_scoped3A = tpu.sem_alloc : memref<!tpu.dma_semaphore, #tpu.memory_space<semaphore_mem>>
        %dma_start3A_462 = arith.constant 256 : i32
        %dma_start3A_463 = arith.constant 0 : i32
        %dma_start3A_464 = tpu.memref_slice %arg16[%dma_start3A_462, %dma_start3A_463] : memref<512x16xf32, #tpu.memory_space<vmem>> -> memref<128x16xf32, #tpu.memory_space<vmem>>
        %dma_start3A_465 = arith.constant 256 : i32
        %dma_start3A_466 = tpu.memref_slice %arg14[%dma_start3A_465] : memref<512xi32, #tpu.memory_space<vmem>> -> memref<128xi32, #tpu.memory_space<vmem>>
        %dma_start3A_467 = arith.constant 0 : i32
        %dma_start3A_468 = arith.constant 0 : i32
        %dma_start3A_469 = tpu.memref_slice %arg10[%dma_start3A_467, %dma_start3A_468] : memref<300x16xf32, #tpu.memory_space<vmem_shared>> -> memref<300x16xf32, #tpu.memory_space<vmem_shared>>
        tpu.enqueue_indirect_dma source(%dma_start3A_469 : memref<300x16xf32, #tpu.memory_space<vmem_shared>>) target(%dma_start3A_464 : memref<128x16xf32, #tpu.memory_space<vmem>>) offsets(%dma_start3A_466 : memref<128xi32, #tpu.memory_space<vmem>>) semaphore(%run_scoped3A : memref<!tpu.dma_semaphore, #tpu.memory_space<semaphore_mem>>)
        %dma_wait3A_470 = arith.constant 256 : i32
        %dma_wait3A_471 = arith.constant 0 : i32
        %dma_wait3A_472 = tpu.memref_slice %arg16[%dma_wait3A_470, %dma_wait3A_471] : memref<512x16xf32, #tpu.memory_space<vmem>> -> memref<128x16xf32, #tpu.memory_space<vmem>>
        %dma_wait3A_473 = arith.constant 256 : i32
        %dma_wait3A_474 = tpu.memref_slice %arg14[%dma_wait3A_473] : memref<512xi32, #tpu.memory_space<vmem>> -> memref<128xi32, #tpu.memory_space<vmem>>
        %dma_wait3A_475 = arith.constant 0 : i32
        %dma_wait3A_476 = arith.constant 0 : i32
        %dma_wait3A_477 = tpu.memref_slice %arg10[%dma_wait3A_475, %dma_wait3A_476] : memref<300x16xf32, #tpu.memory_space<vmem_shared>> -> memref<300x16xf32, #tpu.memory_space<vmem_shared>>
        tpu.wait_indirect_dma semaphore(%run_scoped3A : memref<!tpu.dma_semaphore, #tpu.memory_space<semaphore_mem>>) src(%dma_wait3A_477 : memref<300x16xf32, #tpu.memory_space<vmem_shared>>) dst(%dma_wait3A_472 : memref<128x16xf32, #tpu.memory_space<vmem>>)
        tpu.yield
      }) : () -> ()
      "tpu.region"() ({
        %run_scoped3A = tpu.sem_alloc : memref<!tpu.dma_semaphore, #tpu.memory_space<semaphore_mem>>
        %dma_start3A_462 = arith.constant 384 : i32
        %dma_start3A_463 = arith.constant 0 : i32
        %dma_start3A_464 = tpu.memref_slice %arg16[%dma_start3A_462, %dma_start3A_463] : memref<512x16xf32, #tpu.memory_space<vmem>> -> memref<128x16xf32, #tpu.memory_space<vmem>>
        %dma_start3A_465 = arith.constant 384 : i32
        %dma_start3A_466 = tpu.memref_slice %arg14[%dma_start3A_465] : memref<512xi32, #tpu.memory_space<vmem>> -> memref<128xi32, #tpu.memory_space<vmem>>
        %dma_start3A_467 = arith.constant 0 : i32
        %dma_start3A_468 = arith.constant 0 : i32
        %dma_start3A_469 = tpu.memref_slice %arg10[%dma_start3A_467, %dma_start3A_468] : memref<300x16xf32, #tpu.memory_space<vmem_shared>> -> memref<300x16xf32, #tpu.memory_space<vmem_shared>>
        tpu.enqueue_indirect_dma source(%dma_start3A_469 : memref<300x16xf32, #tpu.memory_space<vmem_shared>>) target(%dma_start3A_464 : memref<128x16xf32, #tpu.memory_space<vmem>>) offsets(%dma_start3A_466 : memref<128xi32, #tpu.memory_space<vmem>>) semaphore(%run_scoped3A : memref<!tpu.dma_semaphore, #tpu.memory_space<semaphore_mem>>)
        %dma_wait3A_470 = arith.constant 384 : i32
        %dma_wait3A_471 = arith.constant 0 : i32
        %dma_wait3A_472 = tpu.memref_slice %arg16[%dma_wait3A_470, %dma_wait3A_471] : memref<512x16xf32, #tpu.memory_space<vmem>> -> memref<128x16xf32, #tpu.memory_space<vmem>>
        %dma_wait3A_473 = arith.constant 384 : i32
        %dma_wait3A_474 = tpu.memref_slice %arg14[%dma_wait3A_473] : memref<512xi32, #tpu.memory_space<vmem>> -> memref<128xi32, #tpu.memory_space<vmem>>
        %dma_wait3A_475 = arith.constant 0 : i32
        %dma_wait3A_476 = arith.constant 0 : i32
        %dma_wait3A_477 = tpu.memref_slice %arg10[%dma_wait3A_475, %dma_wait3A_476] : memref<300x16xf32, #tpu.memory_space<vmem_shared>> -> memref<300x16xf32, #tpu.memory_space<vmem_shared>>
        tpu.wait_indirect_dma semaphore(%run_scoped3A : memref<!tpu.dma_semaphore, #tpu.memory_space<semaphore_mem>>) src(%dma_wait3A_477 : memref<300x16xf32, #tpu.memory_space<vmem_shared>>) dst(%dma_wait3A_472 : memref<128x16xf32, #tpu.memory_space<vmem>>)
        tpu.yield
      }) : () -> ()
      %dma_wait3A_266 = arith.constant 0 : i32
      %dma_wait3A_267 = arith.constant 0 : i32
      %dma_wait3A_268 = tpu.memref_slice %arg15[%dma_wait3A_266, %dma_wait3A_267] : memref<512x16xf32, #tpu.memory_space<vmem>> -> memref<128x16xf32, #tpu.memory_space<vmem>>
      %dma_wait3A_269 = arith.constant 0 : i32
      %dma_wait3A_270 = tpu.memref_slice %arg12[%dma_wait3A_269] : memref<512xi32, #tpu.memory_space<vmem>> -> memref<128xi32, #tpu.memory_space<vmem>>
      %dma_wait3A_271 = arith.constant 0 : i32
      %dma_wait3A_272 = arith.constant 0 : i32
      %dma_wait3A_273 = tpu.memref_slice %arg8[%dma_wait3A_271, %dma_wait3A_272] : memref<400384x16xf32, #tpu.memory_space<hbm>> -> memref<400384x16xf32, #tpu.memory_space<hbm>>
      tpu.wait_indirect_dma semaphore(%arg22 : memref<!tpu.dma_semaphore, #tpu.memory_space<semaphore_mem>>) src(%dma_wait3A_273 : memref<400384x16xf32, #tpu.memory_space<hbm>>) dst(%dma_wait3A_268 : memref<128x16xf32, #tpu.memory_space<vmem>>)
      %dma_wait3A_274 = arith.constant 128 : i32
      %dma_wait3A_275 = arith.constant 0 : i32
      %dma_wait3A_276 = tpu.memref_slice %arg15[%dma_wait3A_274, %dma_wait3A_275] : memref<512x16xf32, #tpu.memory_space<vmem>> -> memref<128x16xf32, #tpu.memory_space<vmem>>
      %dma_wait3A_277 = arith.constant 128 : i32
      %dma_wait3A_278 = tpu.memref_slice %arg12[%dma_wait3A_277] : memref<512xi32, #tpu.memory_space<vmem>> -> memref<128xi32, #tpu.memory_space<vmem>>
      %dma_wait3A_279 = arith.constant 0 : i32
      %dma_wait3A_280 = arith.constant 0 : i32
      %dma_wait3A_281 = tpu.memref_slice %arg8[%dma_wait3A_279, %dma_wait3A_280] : memref<400384x16xf32, #tpu.memory_space<hbm>> -> memref<400384x16xf32, #tpu.memory_space<hbm>>
      tpu.wait_indirect_dma semaphore(%arg22 : memref<!tpu.dma_semaphore, #tpu.memory_space<semaphore_mem>>) src(%dma_wait3A_281 : memref<400384x16xf32, #tpu.memory_space<hbm>>) dst(%dma_wait3A_276 : memref<128x16xf32, #tpu.memory_space<vmem>>)
      %dma_wait3A_282 = arith.constant 256 : i32
      %dma_wait3A_283 = arith.constant 0 : i32
      %dma_wait3A_284 = tpu.memref_slice %arg15[%dma_wait3A_282, %dma_wait3A_283] : memref<512x16xf32, #tpu.memory_space<vmem>> -> memref<128x16xf32, #tpu.memory_space<vmem>>
      %dma_wait3A_285 = arith.constant 256 : i32
      %dma_wait3A_286 = tpu.memref_slice %arg12[%dma_wait3A_285] : memref<512xi32, #tpu.memory_space<vmem>> -> memref<128xi32, #tpu.memory_space<vmem>>
      %dma_wait3A_287 = arith.constant 0 : i32
      %dma_wait3A_288 = arith.constant 0 : i32
      %dma_wait3A_289 = tpu.memref_slice %arg8[%dma_wait3A_287, %dma_wait3A_288] : memref<400384x16xf32, #tpu.memory_space<hbm>> -> memref<400384x16xf32, #tpu.memory_space<hbm>>
      tpu.wait_indirect_dma semaphore(%arg22 : memref<!tpu.dma_semaphore, #tpu.memory_space<semaphore_mem>>) src(%dma_wait3A_289 : memref<400384x16xf32, #tpu.memory_space<hbm>>) dst(%dma_wait3A_284 : memref<128x16xf32, #tpu.memory_space<vmem>>)
      %dma_wait3A_290 = arith.constant 384 : i32
      %dma_wait3A_291 = arith.constant 0 : i32
      %dma_wait3A_292 = tpu.memref_slice %arg15[%dma_wait3A_290, %dma_wait3A_291] : memref<512x16xf32, #tpu.memory_space<vmem>> -> memref<128x16xf32, #tpu.memory_space<vmem>>
      %dma_wait3A_293 = arith.constant 384 : i32
      %dma_wait3A_294 = tpu.memref_slice %arg12[%dma_wait3A_293] : memref<512xi32, #tpu.memory_space<vmem>> -> memref<128xi32, #tpu.memory_space<vmem>>
      %dma_wait3A_295 = arith.constant 0 : i32
      %dma_wait3A_296 = arith.constant 0 : i32
      %dma_wait3A_297 = tpu.memref_slice %arg8[%dma_wait3A_295, %dma_wait3A_296] : memref<400384x16xf32, #tpu.memory_space<hbm>> -> memref<400384x16xf32, #tpu.memory_space<hbm>>
      tpu.wait_indirect_dma semaphore(%arg22 : memref<!tpu.dma_semaphore, #tpu.memory_space<semaphore_mem>>) src(%dma_wait3A_297 : memref<400384x16xf32, #tpu.memory_space<hbm>>) dst(%dma_wait3A_292 : memref<128x16xf32, #tpu.memory_space<vmem>>)
      %parallel_loop3A_298 = arith.constant 0 : i32
      %parallel_loop3A_299 = arith.constant 512 : i32
      %parallel_loop3A_300 = arith.constant 1 : i32
      scf.for %parallel_loop3A_462 = %parallel_loop3A_298 to %parallel_loop3A_299 step %parallel_loop3A_300  : i32 {
        %parallel_loop3A_463 = arith.index_cast %parallel_loop3A_462 : i32 to index
        %parallel_loop3A_464 = arith.constant 0 : index
        %parallel_loop3A_465 = tpu.vector_load %arg15[%parallel_loop3A_463, %parallel_loop3A_464] {strides = array<i32>} : memref<512x16xf32, #tpu.memory_space<vmem>>, vector<1x16xf32>,
        %parallel_loop3A_466 = vector.shape_cast %parallel_loop3A_465 : vector<1x16xf32> to vector<16xf32>
        %parallel_loop3A_467 = arith.index_cast %parallel_loop3A_462 : i32 to index
        %parallel_loop3A_468 = arith.constant 0 : index
        %parallel_loop3A_469 = tpu.vector_load %arg16[%parallel_loop3A_467, %parallel_loop3A_468] {strides = array<i32>} : memref<512x16xf32, #tpu.memory_space<vmem>>, vector<1x16xf32>,
        %parallel_loop3A_470 = vector.shape_cast %parallel_loop3A_469 : vector<1x16xf32> to vector<16xf32>
        %parallel_loop3A_471 = arith.mulf %parallel_loop3A_466, %parallel_loop3A_470 : vector<16xf32>
        %parallel_loop3A_472 = arith.index_cast %parallel_loop3A_462 : i32 to index
        %parallel_loop3A_473 = arith.constant 0 : index
        %parallel_loop3A_474 = tpu.vector_load %arg15[%parallel_loop3A_472, %parallel_loop3A_473] {strides = array<i32>} : memref<512x16xf32, #tpu.memory_space<vmem>>, vector<1x16xf32>,
        %parallel_loop3A_475 = vector.shape_cast %parallel_loop3A_474 : vector<1x16xf32> to vector<16xf32>
        %parallel_loop3A_476 = vector.shape_cast %parallel_loop3A_471 : vector<16xf32> to vector<1x16xf32>
        tpu.vector_store %arg15[%parallel_loop3A_472, %parallel_loop3A_473], %parallel_loop3A_476 {strides = array<i32>} : memref<512x16xf32, #tpu.memory_space<vmem>>, vector<1x16xf32>,
      } {sc.loop_unroll_factor = 8 : i64, sc.parallel_access}
      %dma_start3A_301 = arith.constant 0 : i32
      %dma_start3A_302 = arith.constant 0 : i32
      %dma_start3A_303 = arith.constant 0 : i32
      %dma_start3A_304 = tpu.memref_slice %arg15[%dma_start3A_302, %dma_start3A_303] : memref<512x16xf32, #tpu.memory_space<vmem>> -> memref<64x16xf32, #tpu.memory_space<vmem>>
      %dma_start3A_305 = arith.constant 0 : i32
      %dma_start3A_306 = tpu.memref_slice %arg13[%dma_start3A_301, %dma_start3A_305] : memref<8x64xi32, #tpu.memory_space<vmem>> -> memref<1x64xi32, #tpu.memory_space<vmem>>
      %dma_start3A_307 = tpu.memref_squeeze %dma_start3A_306 : memref<1x64xi32, #tpu.memory_space<vmem>> -> memref<64xi32, #tpu.memory_space<vmem>>
      %dma_start3A_308 = arith.constant 0 : i32
      %dma_start3A_309 = arith.constant 0 : i32
      %dma_start3A_310 = tpu.memref_slice %arg9[%dma_start3A_308, %dma_start3A_309] : memref<50048x16xf32, #tpu.memory_space<vmem_shared>> -> memref<50048x16xf32, #tpu.memory_space<vmem_shared>>
      tpu.enqueue_indirect_dma source(%dma_start3A_304 : memref<64x16xf32, #tpu.memory_space<vmem>>) target(%dma_start3A_310 : memref<50048x16xf32, #tpu.memory_space<vmem_shared>>) offsets(%dma_start3A_307 : memref<64xi32, #tpu.memory_space<vmem>>) semaphore(%arg23 : memref<!tpu.dma_semaphore, #tpu.memory_space<semaphore_mem>>) {add = true}
      %dma_start3A_311 = arith.constant 1 : i32
      %dma_start3A_312 = arith.constant 64 : i32
      %dma_start3A_313 = arith.constant 0 : i32
      %dma_start3A_314 = tpu.memref_slice %arg15[%dma_start3A_312, %dma_start3A_313] : memref<512x16xf32, #tpu.memory_space<vmem>> -> memref<64x16xf32, #tpu.memory_space<vmem>>
      %dma_start3A_315 = arith.constant 0 : i32
      %dma_start3A_316 = tpu.memref_slice %arg13[%dma_start3A_311, %dma_start3A_315] : memref<8x64xi32, #tpu.memory_space<vmem>> -> memref<1x64xi32, #tpu.memory_space<vmem>>
      %dma_start3A_317 = tpu.memref_squeeze %dma_start3A_316 : memref<1x64xi32, #tpu.memory_space<vmem>> -> memref<64xi32, #tpu.memory_space<vmem>>
      %dma_start3A_318 = arith.constant 0 : i32
      %dma_start3A_319 = arith.constant 0 : i32
      %dma_start3A_320 = tpu.memref_slice %arg9[%dma_start3A_318, %dma_start3A_319] : memref<50048x16xf32, #tpu.memory_space<vmem_shared>> -> memref<50048x16xf32, #tpu.memory_space<vmem_shared>>
      tpu.enqueue_indirect_dma source(%dma_start3A_314 : memref<64x16xf32, #tpu.memory_space<vmem>>) target(%dma_start3A_320 : memref<50048x16xf32, #tpu.memory_space<vmem_shared>>) offsets(%dma_start3A_317 : memref<64xi32, #tpu.memory_space<vmem>>) semaphore(%arg23 : memref<!tpu.dma_semaphore, #tpu.memory_space<semaphore_mem>>) {add = true}
      %dma_start3A_321 = arith.constant 2 : i32
      %dma_start3A_322 = arith.constant 128 : i32
      %dma_start3A_323 = arith.constant 0 : i32
      %dma_start3A_324 = tpu.memref_slice %arg15[%dma_start3A_322, %dma_start3A_323] : memref<512x16xf32, #tpu.memory_space<vmem>> -> memref<64x16xf32, #tpu.memory_space<vmem>>
      %dma_start3A_325 = arith.constant 0 : i32
      %dma_start3A_326 = tpu.memref_slice %arg13[%dma_start3A_321, %dma_start3A_325] : memref<8x64xi32, #tpu.memory_space<vmem>> -> memref<1x64xi32, #tpu.memory_space<vmem>>
      %dma_start3A_327 = tpu.memref_squeeze %dma_start3A_326 : memref<1x64xi32, #tpu.memory_space<vmem>> -> memref<64xi32, #tpu.memory_space<vmem>>
      %dma_start3A_328 = arith.constant 0 : i32
      %dma_start3A_329 = arith.constant 0 : i32
      %dma_start3A_330 = tpu.memref_slice %arg9[%dma_start3A_328, %dma_start3A_329] : memref<50048x16xf32, #tpu.memory_space<vmem_shared>> -> memref<50048x16xf32, #tpu.memory_space<vmem_shared>>
      tpu.enqueue_indirect_dma source(%dma_start3A_324 : memref<64x16xf32, #tpu.memory_space<vmem>>) target(%dma_start3A_330 : memref<50048x16xf32, #tpu.memory_space<vmem_shared>>) offsets(%dma_start3A_327 : memref<64xi32, #tpu.memory_space<vmem>>) semaphore(%arg23 : memref<!tpu.dma_semaphore, #tpu.memory_space<semaphore_mem>>) {add = true}
      %dma_start3A_331 = arith.constant 3 : i32
      %dma_start3A_332 = arith.constant 192 : i32
      %dma_start3A_333 = arith.constant 0 : i32
      %dma_start3A_334 = tpu.memref_slice %arg15[%dma_start3A_332, %dma_start3A_333] : memref<512x16xf32, #tpu.memory_space<vmem>> -> memref<64x16xf32, #tpu.memory_space<vmem>>
      %dma_start3A_335 = arith.constant 0 : i32
      %dma_start3A_336 = tpu.memref_slice %arg13[%dma_start3A_331, %dma_start3A_335] : memref<8x64xi32, #tpu.memory_space<vmem>> -> memref<1x64xi32, #tpu.memory_space<vmem>>
      %dma_start3A_337 = tpu.memref_squeeze %dma_start3A_336 : memref<1x64xi32, #tpu.memory_space<vmem>> -> memref<64xi32, #tpu.memory_space<vmem>>
      %dma_start3A_338 = arith.constant 0 : i32
      %dma_start3A_339 = arith.constant 0 : i32
      %dma_start3A_340 = tpu.memref_slice %arg9[%dma_start3A_338, %dma_start3A_339] : memref<50048x16xf32, #tpu.memory_space<vmem_shared>> -> memref<50048x16xf32, #tpu.memory_space<vmem_shared>>
      tpu.enqueue_indirect_dma source(%dma_start3A_334 : memref<64x16xf32, #tpu.memory_space<vmem>>) target(%dma_start3A_340 : memref<50048x16xf32, #tpu.memory_space<vmem_shared>>) offsets(%dma_start3A_337 : memref<64xi32, #tpu.memory_space<vmem>>) semaphore(%arg23 : memref<!tpu.dma_semaphore, #tpu.memory_space<semaphore_mem>>) {add = true}
      %dma_start3A_341 = arith.constant 4 : i32
      %dma_start3A_342 = arith.constant 256 : i32
      %dma_start3A_343 = arith.constant 0 : i32
      %dma_start3A_344 = tpu.memref_slice %arg15[%dma_start3A_342, %dma_start3A_343] : memref<512x16xf32, #tpu.memory_space<vmem>> -> memref<64x16xf32, #tpu.memory_space<vmem>>
      %dma_start3A_345 = arith.constant 0 : i32
      %dma_start3A_346 = tpu.memref_slice %arg13[%dma_start3A_341, %dma_start3A_345] : memref<8x64xi32, #tpu.memory_space<vmem>> -> memref<1x64xi32, #tpu.memory_space<vmem>>
      %dma_start3A_347 = tpu.memref_squeeze %dma_start3A_346 : memref<1x64xi32, #tpu.memory_space<vmem>> -> memref<64xi32, #tpu.memory_space<vmem>>
      %dma_start3A_348 = arith.constant 0 : i32
      %dma_start3A_349 = arith.constant 0 : i32
      %dma_start3A_350 = tpu.memref_slice %arg9[%dma_start3A_348, %dma_start3A_349] : memref<50048x16xf32, #tpu.memory_space<vmem_shared>> -> memref<50048x16xf32, #tpu.memory_space<vmem_shared>>
      tpu.enqueue_indirect_dma source(%dma_start3A_344 : memref<64x16xf32, #tpu.memory_space<vmem>>) target(%dma_start3A_350 : memref<50048x16xf32, #tpu.memory_space<vmem_shared>>) offsets(%dma_start3A_347 : memref<64xi32, #tpu.memory_space<vmem>>) semaphore(%arg23 : memref<!tpu.dma_semaphore, #tpu.memory_space<semaphore_mem>>) {add = true}
      %dma_start3A_351 = arith.constant 5 : i32
      %dma_start3A_352 = arith.constant 320 : i32
      %dma_start3A_353 = arith.constant 0 : i32
      %dma_start3A_354 = tpu.memref_slice %arg15[%dma_start3A_352, %dma_start3A_353] : memref<512x16xf32, #tpu.memory_space<vmem>> -> memref<64x16xf32, #tpu.memory_space<vmem>>
      %dma_start3A_355 = arith.constant 0 : i32
      %dma_start3A_356 = tpu.memref_slice %arg13[%dma_start3A_351, %dma_start3A_355] : memref<8x64xi32, #tpu.memory_space<vmem>> -> memref<1x64xi32, #tpu.memory_space<vmem>>
      %dma_start3A_357 = tpu.memref_squeeze %dma_start3A_356 : memref<1x64xi32, #tpu.memory_space<vmem>> -> memref<64xi32, #tpu.memory_space<vmem>>
      %dma_start3A_358 = arith.constant 0 : i32
      %dma_start3A_359 = arith.constant 0 : i32
      %dma_start3A_360 = tpu.memref_slice %arg9[%dma_start3A_358, %dma_start3A_359] : memref<50048x16xf32, #tpu.memory_space<vmem_shared>> -> memref<50048x16xf32, #tpu.memory_space<vmem_shared>>
      tpu.enqueue_indirect_dma source(%dma_start3A_354 : memref<64x16xf32, #tpu.memory_space<vmem>>) target(%dma_start3A_360 : memref<50048x16xf32, #tpu.memory_space<vmem_shared>>) offsets(%dma_start3A_357 : memref<64xi32, #tpu.memory_space<vmem>>) semaphore(%arg23 : memref<!tpu.dma_semaphore, #tpu.memory_space<semaphore_mem>>) {add = true}
      %dma_start3A_361 = arith.constant 6 : i32
      %dma_start3A_362 = arith.constant 384 : i32
      %dma_start3A_363 = arith.constant 0 : i32
      %dma_start3A_364 = tpu.memref_slice %arg15[%dma_start3A_362, %dma_start3A_363] : memref<512x16xf32, #tpu.memory_space<vmem>> -> memref<64x16xf32, #tpu.memory_space<vmem>>
      %dma_start3A_365 = arith.constant 0 : i32
      %dma_start3A_366 = tpu.memref_slice %arg13[%dma_start3A_361, %dma_start3A_365] : memref<8x64xi32, #tpu.memory_space<vmem>> -> memref<1x64xi32, #tpu.memory_space<vmem>>
      %dma_start3A_367 = tpu.memref_squeeze %dma_start3A_366 : memref<1x64xi32, #tpu.memory_space<vmem>> -> memref<64xi32, #tpu.memory_space<vmem>>
      %dma_start3A_368 = arith.constant 0 : i32
      %dma_start3A_369 = arith.constant 0 : i32
      %dma_start3A_370 = tpu.memref_slice %arg9[%dma_start3A_368, %dma_start3A_369] : memref<50048x16xf32, #tpu.memory_space<vmem_shared>> -> memref<50048x16xf32, #tpu.memory_space<vmem_shared>>
      tpu.enqueue_indirect_dma source(%dma_start3A_364 : memref<64x16xf32, #tpu.memory_space<vmem>>) target(%dma_start3A_370 : memref<50048x16xf32, #tpu.memory_space<vmem_shared>>) offsets(%dma_start3A_367 : memref<64xi32, #tpu.memory_space<vmem>>) semaphore(%arg23 : memref<!tpu.dma_semaphore, #tpu.memory_space<semaphore_mem>>) {add = true}
      %dma_start3A_371 = arith.constant 7 : i32
      %dma_start3A_372 = arith.constant 448 : i32
      %dma_start3A_373 = arith.constant 0 : i32
      %dma_start3A_374 = tpu.memref_slice %arg15[%dma_start3A_372, %dma_start3A_373] : memref<512x16xf32, #tpu.memory_space<vmem>> -> memref<64x16xf32, #tpu.memory_space<vmem>>
      %dma_start3A_375 = arith.constant 0 : i32
      %dma_start3A_376 = tpu.memref_slice %arg13[%dma_start3A_371, %dma_start3A_375] : memref<8x64xi32, #tpu.memory_space<vmem>> -> memref<1x64xi32, #tpu.memory_space<vmem>>
      %dma_start3A_377 = tpu.memref_squeeze %dma_start3A_376 : memref<1x64xi32, #tpu.memory_space<vmem>> -> memref<64xi32, #tpu.memory_space<vmem>>
      %dma_start3A_378 = arith.constant 0 : i32
      %dma_start3A_379 = arith.constant 0 : i32
      %dma_start3A_380 = tpu.memref_slice %arg9[%dma_start3A_378, %dma_start3A_379] : memref<50048x16xf32, #tpu.memory_space<vmem_shared>> -> memref<50048x16xf32, #tpu.memory_space<vmem_shared>>
      tpu.enqueue_indirect_dma source(%dma_start3A_374 : memref<64x16xf32, #tpu.memory_space<vmem>>) target(%dma_start3A_380 : memref<50048x16xf32, #tpu.memory_space<vmem_shared>>) offsets(%dma_start3A_377 : memref<64xi32, #tpu.memory_space<vmem>>) semaphore(%arg23 : memref<!tpu.dma_semaphore, #tpu.memory_space<semaphore_mem>>) {add = true}
      %dma_wait3A_381 = arith.constant 0 : i32
      %dma_wait3A_382 = arith.constant 0 : i32
      %dma_wait3A_383 = arith.constant 0 : i32
      %dma_wait3A_384 = tpu.memref_slice %arg15[%dma_wait3A_382, %dma_wait3A_383] : memref<512x16xf32, #tpu.memory_space<vmem>> -> memref<64x16xf32, #tpu.memory_space<vmem>>
      %dma_wait3A_385 = arith.constant 0 : i32
      %dma_wait3A_386 = tpu.memref_slice %arg13[%dma_wait3A_381, %dma_wait3A_385] : memref<8x64xi32, #tpu.memory_space<vmem>> -> memref<1x64xi32, #tpu.memory_space<vmem>>
      %dma_wait3A_387 = tpu.memref_squeeze %dma_wait3A_386 : memref<1x64xi32, #tpu.memory_space<vmem>> -> memref<64xi32, #tpu.memory_space<vmem>>
      %dma_wait3A_388 = arith.constant 0 : i32
      %dma_wait3A_389 = arith.constant 0 : i32
      %dma_wait3A_390 = tpu.memref_slice %arg9[%dma_wait3A_388, %dma_wait3A_389] : memref<50048x16xf32, #tpu.memory_space<vmem_shared>> -> memref<50048x16xf32, #tpu.memory_space<vmem_shared>>
      tpu.wait_indirect_dma semaphore(%arg23 : memref<!tpu.dma_semaphore, #tpu.memory_space<semaphore_mem>>) src(%dma_wait3A_384 : memref<64x16xf32, #tpu.memory_space<vmem>>) dst(%dma_wait3A_390 : memref<50048x16xf32, #tpu.memory_space<vmem_shared>>)
      %dma_wait3A_391 = arith.constant 1 : i32
      %dma_wait3A_392 = arith.constant 64 : i32
      %dma_wait3A_393 = arith.constant 0 : i32
      %dma_wait3A_394 = tpu.memref_slice %arg15[%dma_wait3A_392, %dma_wait3A_393] : memref<512x16xf32, #tpu.memory_space<vmem>> -> memref<64x16xf32, #tpu.memory_space<vmem>>
      %dma_wait3A_395 = arith.constant 0 : i32
      %dma_wait3A_396 = tpu.memref_slice %arg13[%dma_wait3A_391, %dma_wait3A_395] : memref<8x64xi32, #tpu.memory_space<vmem>> -> memref<1x64xi32, #tpu.memory_space<vmem>>
      %dma_wait3A_397 = tpu.memref_squeeze %dma_wait3A_396 : memref<1x64xi32, #tpu.memory_space<vmem>> -> memref<64xi32, #tpu.memory_space<vmem>>
      %dma_wait3A_398 = arith.constant 0 : i32
      %dma_wait3A_399 = arith.constant 0 : i32
      %dma_wait3A_400 = tpu.memref_slice %arg9[%dma_wait3A_398, %dma_wait3A_399] : memref<50048x16xf32, #tpu.memory_space<vmem_shared>> -> memref<50048x16xf32, #tpu.memory_space<vmem_shared>>
      tpu.wait_indirect_dma semaphore(%arg23 : memref<!tpu.dma_semaphore, #tpu.memory_space<semaphore_mem>>) src(%dma_wait3A_394 : memref<64x16xf32, #tpu.memory_space<vmem>>) dst(%dma_wait3A_400 : memref<50048x16xf32, #tpu.memory_space<vmem_shared>>)
      %dma_wait3A_401 = arith.constant 2 : i32
      %dma_wait3A_402 = arith.constant 128 : i32
      %dma_wait3A_403 = arith.constant 0 : i32
      %dma_wait3A_404 = tpu.memref_slice %arg15[%dma_wait3A_402, %dma_wait3A_403] : memref<512x16xf32, #tpu.memory_space<vmem>> -> memref<64x16xf32, #tpu.memory_space<vmem>>
      %dma_wait3A_405 = arith.constant 0 : i32
      %dma_wait3A_406 = tpu.memref_slice %arg13[%dma_wait3A_401, %dma_wait3A_405] : memref<8x64xi32, #tpu.memory_space<vmem>> -> memref<1x64xi32, #tpu.memory_space<vmem>>
      %dma_wait3A_407 = tpu.memref_squeeze %dma_wait3A_406 : memref<1x64xi32, #tpu.memory_space<vmem>> -> memref<64xi32, #tpu.memory_space<vmem>>
      %dma_wait3A_408 = arith.constant 0 : i32
      %dma_wait3A_409 = arith.constant 0 : i32
      %dma_wait3A_410 = tpu.memref_slice %arg9[%dma_wait3A_408, %dma_wait3A_409] : memref<50048x16xf32, #tpu.memory_space<vmem_shared>> -> memref<50048x16xf32, #tpu.memory_space<vmem_shared>>
      tpu.wait_indirect_dma semaphore(%arg23 : memref<!tpu.dma_semaphore, #tpu.memory_space<semaphore_mem>>) src(%dma_wait3A_404 : memref<64x16xf32, #tpu.memory_space<vmem>>) dst(%dma_wait3A_410 : memref<50048x16xf32, #tpu.memory_space<vmem_shared>>)
      %dma_wait3A_411 = arith.constant 3 : i32
      %dma_wait3A_412 = arith.constant 192 : i32
      %dma_wait3A_413 = arith.constant 0 : i32
      %dma_wait3A_414 = tpu.memref_slice %arg15[%dma_wait3A_412, %dma_wait3A_413] : memref<512x16xf32, #tpu.memory_space<vmem>> -> memref<64x16xf32, #tpu.memory_space<vmem>>
      %dma_wait3A_415 = arith.constant 0 : i32
      %dma_wait3A_416 = tpu.memref_slice %arg13[%dma_wait3A_411, %dma_wait3A_415] : memref<8x64xi32, #tpu.memory_space<vmem>> -> memref<1x64xi32, #tpu.memory_space<vmem>>
      %dma_wait3A_417 = tpu.memref_squeeze %dma_wait3A_416 : memref<1x64xi32, #tpu.memory_space<vmem>> -> memref<64xi32, #tpu.memory_space<vmem>>
      %dma_wait3A_418 = arith.constant 0 : i32
      %dma_wait3A_419 = arith.constant 0 : i32
      %dma_wait3A_420 = tpu.memref_slice %arg9[%dma_wait3A_418, %dma_wait3A_419] : memref<50048x16xf32, #tpu.memory_space<vmem_shared>> -> memref<50048x16xf32, #tpu.memory_space<vmem_shared>>
      tpu.wait_indirect_dma semaphore(%arg23 : memref<!tpu.dma_semaphore, #tpu.memory_space<semaphore_mem>>) src(%dma_wait3A_414 : memref<64x16xf32, #tpu.memory_space<vmem>>) dst(%dma_wait3A_420 : memref<50048x16xf32, #tpu.memory_space<vmem_shared>>)
      %dma_wait3A_421 = arith.constant 4 : i32
      %dma_wait3A_422 = arith.constant 256 : i32
      %dma_wait3A_423 = arith.constant 0 : i32
      %dma_wait3A_424 = tpu.memref_slice %arg15[%dma_wait3A_422, %dma_wait3A_423] : memref<512x16xf32, #tpu.memory_space<vmem>> -> memref<64x16xf32, #tpu.memory_space<vmem>>
      %dma_wait3A_425 = arith.constant 0 : i32
      %dma_wait3A_426 = tpu.memref_slice %arg13[%dma_wait3A_421, %dma_wait3A_425] : memref<8x64xi32, #tpu.memory_space<vmem>> -> memref<1x64xi32, #tpu.memory_space<vmem>>
      %dma_wait3A_427 = tpu.memref_squeeze %dma_wait3A_426 : memref<1x64xi32, #tpu.memory_space<vmem>> -> memref<64xi32, #tpu.memory_space<vmem>>
      %dma_wait3A_428 = arith.constant 0 : i32
      %dma_wait3A_429 = arith.constant 0 : i32
      %dma_wait3A_430 = tpu.memref_slice %arg9[%dma_wait3A_428, %dma_wait3A_429] : memref<50048x16xf32, #tpu.memory_space<vmem_shared>> -> memref<50048x16xf32, #tpu.memory_space<vmem_shared>>
      tpu.wait_indirect_dma semaphore(%arg23 : memref<!tpu.dma_semaphore, #tpu.memory_space<semaphore_mem>>) src(%dma_wait3A_424 : memref<64x16xf32, #tpu.memory_space<vmem>>) dst(%dma_wait3A_430 : memref<50048x16xf32, #tpu.memory_space<vmem_shared>>)
      %dma_wait3A_431 = arith.constant 5 : i32
      %dma_wait3A_432 = arith.constant 320 : i32
      %dma_wait3A_433 = arith.constant 0 : i32
      %dma_wait3A_434 = tpu.memref_slice %arg15[%dma_wait3A_432, %dma_wait3A_433] : memref<512x16xf32, #tpu.memory_space<vmem>> -> memref<64x16xf32, #tpu.memory_space<vmem>>
      %dma_wait3A_435 = arith.constant 0 : i32
      %dma_wait3A_436 = tpu.memref_slice %arg13[%dma_wait3A_431, %dma_wait3A_435] : memref<8x64xi32, #tpu.memory_space<vmem>> -> memref<1x64xi32, #tpu.memory_space<vmem>>
      %dma_wait3A_437 = tpu.memref_squeeze %dma_wait3A_436 : memref<1x64xi32, #tpu.memory_space<vmem>> -> memref<64xi32, #tpu.memory_space<vmem>>
      %dma_wait3A_438 = arith.constant 0 : i32
      %dma_wait3A_439 = arith.constant 0 : i32
      %dma_wait3A_440 = tpu.memref_slice %arg9[%dma_wait3A_438, %dma_wait3A_439] : memref<50048x16xf32, #tpu.memory_space<vmem_shared>> -> memref<50048x16xf32, #tpu.memory_space<vmem_shared>>
      tpu.wait_indirect_dma semaphore(%arg23 : memref<!tpu.dma_semaphore, #tpu.memory_space<semaphore_mem>>) src(%dma_wait3A_434 : memref<64x16xf32, #tpu.memory_space<vmem>>) dst(%dma_wait3A_440 : memref<50048x16xf32, #tpu.memory_space<vmem_shared>>)
      %dma_wait3A_441 = arith.constant 6 : i32
      %dma_wait3A_442 = arith.constant 384 : i32
      %dma_wait3A_443 = arith.constant 0 : i32
      %dma_wait3A_444 = tpu.memref_slice %arg15[%dma_wait3A_442, %dma_wait3A_443] : memref<512x16xf32, #tpu.memory_space<vmem>> -> memref<64x16xf32, #tpu.memory_space<vmem>>
      %dma_wait3A_445 = arith.constant 0 : i32
      %dma_wait3A_446 = tpu.memref_slice %arg13[%dma_wait3A_441, %dma_wait3A_445] : memref<8x64xi32, #tpu.memory_space<vmem>> -> memref<1x64xi32, #tpu.memory_space<vmem>>
      %dma_wait3A_447 = tpu.memref_squeeze %dma_wait3A_446 : memref<1x64xi32, #tpu.memory_space<vmem>> -> memref<64xi32, #tpu.memory_space<vmem>>
      %dma_wait3A_448 = arith.constant 0 : i32
      %dma_wait3A_449 = arith.constant 0 : i32
      %dma_wait3A_450 = tpu.memref_slice %arg9[%dma_wait3A_448, %dma_wait3A_449] : memref<50048x16xf32, #tpu.memory_space<vmem_shared>> -> memref<50048x16xf32, #tpu.memory_space<vmem_shared>>
      tpu.wait_indirect_dma semaphore(%arg23 : memref<!tpu.dma_semaphore, #tpu.memory_space<semaphore_mem>>) src(%dma_wait3A_444 : memref<64x16xf32, #tpu.memory_space<vmem>>) dst(%dma_wait3A_450 : memref<50048x16xf32, #tpu.memory_space<vmem_shared>>)
      %dma_wait3A_451 = arith.constant 7 : i32
      %dma_wait3A_452 = arith.constant 448 : i32
      %dma_wait3A_453 = arith.constant 0 : i32
      %dma_wait3A_454 = tpu.memref_slice %arg15[%dma_wait3A_452, %dma_wait3A_453] : memref<512x16xf32, #tpu.memory_space<vmem>> -> memref<64x16xf32, #tpu.memory_space<vmem>>
      %dma_wait3A_455 = arith.constant 0 : i32
      %dma_wait3A_456 = tpu.memref_slice %arg13[%dma_wait3A_451, %dma_wait3A_455] : memref<8x64xi32, #tpu.memory_space<vmem>> -> memref<1x64xi32, #tpu.memory_space<vmem>>
      %dma_wait3A_457 = tpu.memref_squeeze %dma_wait3A_456 : memref<1x64xi32, #tpu.memory_space<vmem>> -> memref<64xi32, #tpu.memory_space<vmem>>
      %dma_wait3A_458 = arith.constant 0 : i32
      %dma_wait3A_459 = arith.constant 0 : i32
      %dma_wait3A_460 = tpu.memref_slice %arg9[%dma_wait3A_458, %dma_wait3A_459] : memref<50048x16xf32, #tpu.memory_space<vmem_shared>> -> memref<50048x16xf32, #tpu.memory_space<vmem_shared>>
      tpu.wait_indirect_dma semaphore(%arg23 : memref<!tpu.dma_semaphore, #tpu.memory_space<semaphore_mem>>) src(%dma_wait3A_454 : memref<64x16xf32, #tpu.memory_space<vmem>>) dst(%dma_wait3A_460 : memref<50048x16xf32, #tpu.memory_space<vmem_shared>>)
      %scan3A_461 = arith.constant 0 : i32
      scf.yield %scan3A_461 : i32
    }
    %scan3A_138 = arith.constant 98 : i32
    %barrier3A_139 = arith.constant 0 : index
    tpu.barrier barrier_id(%barrier3A_139)
    "tpu.region"() ({
      %run_scoped3A = tpu.sem_alloc : memref<!tpu.dma_semaphore, #tpu.memory_space<semaphore_mem>>
      %dma_start3A = arith.constant 0 : i32
      %dma_start3A_183 = tpu.memref_slice %arg9[%multiple_of3A, %dma_start3A] : memref<50048x16xf32, #tpu.memory_space<vmem_shared>> -> memref<3128x16xf32, #tpu.memory_space<vmem_shared>>
      %dma_start3A_184 = arith.constant 0 : i32
      %dma_start3A_185 = tpu.memref_slice %arg9[%multiple_of3A, %dma_start3A_184] : memref<50048x16xf32, #tpu.memory_space<vmem_shared>> -> memref<3128x16xf32, #tpu.memory_space<vmem_shared>>
      tpu.enqueue_dma source(%dma_start3A_185 : memref<3128x16xf32, #tpu.memory_space<vmem_shared>>) target(%arg17 : memref<3128x16xf32, #tpu.memory_space<vmem>>) target_semaphore(%run_scoped3A : memref<!tpu.dma_semaphore, #tpu.memory_space<semaphore_mem>>)
      %dma_wait3A = arith.constant 0 : i32
      %dma_wait3A_186 = tpu.memref_slice %arg9[%multiple_of3A, %dma_wait3A] : memref<50048x16xf32, #tpu.memory_space<vmem_shared>> -> memref<3128x16xf32, #tpu.memory_space<vmem_shared>>
      %dma_wait3A_187 = arith.constant 0 : i32
      %dma_wait3A_188 = tpu.memref_slice %arg9[%multiple_of3A, %dma_wait3A_187] : memref<50048x16xf32, #tpu.memory_space<vmem_shared>> -> memref<3128x16xf32, #tpu.memory_space<vmem_shared>>
      tpu.wait_dma2 semaphore(%run_scoped3A : memref<!tpu.dma_semaphore, #tpu.memory_space<semaphore_mem>>) src(%dma_wait3A_188 : memref<3128x16xf32, #tpu.memory_space<vmem_shared>>) dst(%arg17 : memref<3128x16xf32, #tpu.memory_space<vmem>>)
      tpu.yield
    }) : () -> ()
    %parallel_loop3A_140 = arith.constant 0 : i32
    %parallel_loop3A_141 = arith.constant 3128 : i32
    %parallel_loop3A_142 = arith.constant 1 : i32
    %parallel_loop3A_143 = scf.for %parallel_loop3A_183 = %parallel_loop3A_140 to %parallel_loop3A_141 step %parallel_loop3A_142 iter_args(%parallel_loop3A_184 = %broadcast_in_dim3A_4) -> (vector<16xf32>)  : i32 {
      %parallel_loop3A_185 = arith.index_cast %parallel_loop3A_183 : i32 to index
      %parallel_loop3A_186 = arith.constant 0 : index
      %parallel_loop3A_187 = tpu.vector_load %arg17[%parallel_loop3A_185, %parallel_loop3A_186] {strides = array<i32>} : memref<3128x16xf32, #tpu.memory_space<vmem>>, vector<1x16xf32>,
      %parallel_loop3A_188 = vector.shape_cast %parallel_loop3A_187 : vector<1x16xf32> to vector<16xf32>
      %parallel_loop3A_189 = arith.constant 0.000000e+00 : f32
      %parallel_loop3A_190 = vector.broadcast %parallel_loop3A_189 : f32 to vector<16xf32>
      %parallel_loop3A_191 = arith.maximumf %parallel_loop3A_188, %parallel_loop3A_190 : vector<16xf32>
      %parallel_loop3A_192 = arith.constant 1.000000e+00 : f32
      %parallel_loop3A_193 = vector.broadcast %parallel_loop3A_192 : f32 to vector<16xf32>
      %parallel_loop3A_194 = arith.minimumf %parallel_loop3A_191, %parallel_loop3A_193 : vector<16xf32>
      %parallel_loop3A_195 = arith.index_cast %parallel_loop3A_183 : i32 to index
      %parallel_loop3A_196 = arith.constant 0 : index
      %parallel_loop3A_197 = tpu.vector_load %arg17[%parallel_loop3A_195, %parallel_loop3A_196] {strides = array<i32>} : memref<3128x16xf32, #tpu.memory_space<vmem>>, vector<1x16xf32>,
      %parallel_loop3A_198 = vector.shape_cast %parallel_loop3A_197 : vector<1x16xf32> to vector<16xf32>
      %parallel_loop3A_199 = vector.shape_cast %parallel_loop3A_194 : vector<16xf32> to vector<1x16xf32>
      tpu.vector_store %arg17[%parallel_loop3A_195, %parallel_loop3A_196], %parallel_loop3A_199 {strides = array<i32>} : memref<3128x16xf32, #tpu.memory_space<vmem>>, vector<1x16xf32>,
      %parallel_loop3A_200 = arith.maximumf %parallel_loop3A_184, %parallel_loop3A_194 : vector<16xf32>
      scf.yield %parallel_loop3A_200 : vector<16xf32>
    } {sc.loop_unroll_factor = 8 : i64, sc.parallel_access}
    %swap3A_144 = arith.constant 0 : i32
    %swap3A_145 = arith.index_cast %swap3A_144 : i32 to index
    %swap3A_146 = arith.constant 0 : index
    %swap3A_147 = tpu.vector_load %arg18[%swap3A_145, %swap3A_146] {strides = array<i32>} : memref<8x16xf32, #tpu.memory_space<vmem>>, vector<1x16xf32>,
    %swap3A_148 = vector.shape_cast %swap3A_147 : vector<1x16xf32> to vector<16xf32>
    %swap3A_149 = vector.shape_cast %parallel_loop3A_143 : vector<16xf32> to vector<1x16xf32>
    tpu.vector_store %arg18[%swap3A_145, %swap3A_146], %swap3A_149 {strides = array<i32>} : memref<8x16xf32, #tpu.memory_space<vmem>>, vector<1x16xf32>,
    %mul3A_150 = arith.constant 8 : i32
    %mul3A_151 = arith.muli %arg1, %mul3A_150 : i32
    %multiple_of3A_152 = tpu.assume_multiple %mul3A_151, 8 : i32
    "tpu.region"() ({
      %run_scoped3A = tpu.sem_alloc : memref<!tpu.dma_semaphore, #tpu.memory_space<semaphore_mem>>
      %dma_start3A = arith.constant 0 : i32
      %dma_start3A_183 = tpu.memref_slice %arg11[%multiple_of3A_152, %dma_start3A] : memref<128x16xf32, #tpu.memory_space<vmem_shared>> -> memref<8x16xf32, #tpu.memory_space<vmem_shared>>
      %dma_start3A_184 = arith.constant 0 : i32
      %dma_start3A_185 = tpu.memref_slice %arg11[%multiple_of3A_152, %dma_start3A_184] : memref<128x16xf32, #tpu.memory_space<vmem_shared>> -> memref<8x16xf32, #tpu.memory_space<vmem_shared>>
      tpu.enqueue_dma source(%arg18 : memref<8x16xf32, #tpu.memory_space<vmem>>) target(%dma_start3A_185 : memref<8x16xf32, #tpu.memory_space<vmem_shared>>) target_semaphore(%run_scoped3A : memref<!tpu.dma_semaphore, #tpu.memory_space<semaphore_mem>>)
      %dma_wait3A = arith.constant 0 : i32
      %dma_wait3A_186 = tpu.memref_slice %arg11[%multiple_of3A_152, %dma_wait3A] : memref<128x16xf32, #tpu.memory_space<vmem_shared>> -> memref<8x16xf32, #tpu.memory_space<vmem_shared>>
      %dma_wait3A_187 = arith.constant 0 : i32
      %dma_wait3A_188 = tpu.memref_slice %arg11[%multiple_of3A_152, %dma_wait3A_187] : memref<128x16xf32, #tpu.memory_space<vmem_shared>> -> memref<8x16xf32, #tpu.memory_space<vmem_shared>>
      tpu.wait_dma2 semaphore(%run_scoped3A : memref<!tpu.dma_semaphore, #tpu.memory_space<semaphore_mem>>) src(%arg18 : memref<8x16xf32, #tpu.memory_space<vmem>>) dst(%dma_wait3A_188 : memref<8x16xf32, #tpu.memory_space<vmem_shared>>)
      tpu.yield
    }) : () -> ()
    %barrier3A_153 = arith.constant 0 : index
    tpu.barrier barrier_id(%barrier3A_153)
    "tpu.region"() ({
      %run_scoped3A = tpu.sem_alloc : memref<!tpu.dma_semaphore, #tpu.memory_space<semaphore_mem>>
      tpu.enqueue_dma source(%arg11 : memref<128x16xf32, #tpu.memory_space<vmem_shared>>) target(%arg20 : memref<128x16xf32, #tpu.memory_space<vmem>>) target_semaphore(%run_scoped3A : memref<!tpu.dma_semaphore, #tpu.memory_space<semaphore_mem>>)
      tpu.wait_dma2 semaphore(%run_scoped3A : memref<!tpu.dma_semaphore, #tpu.memory_space<semaphore_mem>>) src(%arg11 : memref<128x16xf32, #tpu.memory_space<vmem_shared>>) dst(%arg20 : memref<128x16xf32, #tpu.memory_space<vmem>>)
      tpu.yield
    }) : () -> ()
    %scan3A_154 = arith.constant 0 : i32
    %scan3A_155 = arith.constant 16 : i32
    %scan3A_156 = arith.addi %scan3A_154, %scan3A_155 : i32
    %scan3A_157 = arith.constant 1 : i32
    %scan3A_158 = scf.for %scan3A_183 = %scan3A_154 to %scan3A_156 step %scan3A_157 iter_args(%scan3A_184 = %broadcast_in_dim3A_4) -> (vector<16xf32>)  : i32 {
      %mul3A_185 = arith.constant 8 : i32
      %mul3A_186 = arith.muli %scan3A_183, %mul3A_185 : i32
      %get3A_187 = arith.index_cast %mul3A_186 : i32 to index
      %get3A_188 = arith.constant 0 : index
      %get3A_189 = tpu.vector_load %arg20[%get3A_187, %get3A_188] {strides = array<i32>} : memref<128x16xf32, #tpu.memory_space<vmem>>, vector<1x16xf32>,
      %get3A_190 = vector.shape_cast %get3A_189 : vector<1x16xf32> to vector<16xf32>
      %max3A = arith.maximumf %scan3A_184, %get3A_190 : vector<16xf32>
      scf.yield %max3A : vector<16xf32>
    }
    %scan3A_159 = arith.constant 16 : i32
    %gt3A_160 = arith.constant 0.000000e+00 : f32
    %gt3A_161 = vector.broadcast %gt3A_160 : f32 to vector<16xf32>
    %gt3A_162 = arith.cmpf ogt, %scan3A_158, %gt3A_161 : vector<16xf32>
    %jit3A_163 = arith.constant 1.000000e+00 : f32
    %broadcast_in_dim3A_164 = vector.broadcast %jit3A_163 : f32 to vector<16xf32>
    %select_n3A_165 = arith.select %gt3A_162, %scan3A_158, %broadcast_in_dim3A_164 : vector<16xi1>, vector<16xf32>
    %div3A_166 = arith.constant 1.000000e+00 : f32
    %div3A_167 = vector.broadcast %div3A_166 : f32 to vector<16xf32>
    %div3A_168 = arith.divf %div3A_167, %select_n3A_165 : vector<16xf32>
    %parallel_loop3A_169 = arith.constant 0 : i32
    %parallel_loop3A_170 = arith.constant 3128 : i32
    %parallel_loop3A_171 = arith.constant 1 : i32
    scf.for %parallel_loop3A_183 = %parallel_loop3A_169 to %parallel_loop3A_170 step %parallel_loop3A_171  : i32 {
      %parallel_loop3A_184 = arith.index_cast %parallel_loop3A_183 : i32 to index
      %parallel_loop3A_185 = arith.constant 0 : index
      %parallel_loop3A_186 = tpu.vector_load %arg17[%parallel_loop3A_184, %parallel_loop3A_185] {strides = array<i32>} : memref<3128x16xf32, #tpu.memory_space<vmem>>, vector<1x16xf32>,
      %parallel_loop3A_187 = vector.shape_cast %parallel_loop3A_186 : vector<1x16xf32> to vector<16xf32>
      %parallel_loop3A_188 = arith.mulf %parallel_loop3A_187, %div3A_168 : vector<16xf32>
      %parallel_loop3A_189 = arith.index_cast %parallel_loop3A_183 : i32 to index
      %parallel_loop3A_190 = arith.constant 0 : index
      %parallel_loop3A_191 = tpu.vector_load %arg17[%parallel_loop3A_189, %parallel_loop3A_190] {strides = array<i32>} : memref<3128x16xf32, #tpu.memory_space<vmem>>, vector<1x16xf32>,
      %parallel_loop3A_192 = vector.shape_cast %parallel_loop3A_191 : vector<1x16xf32> to vector<16xf32>
      %parallel_loop3A_193 = vector.shape_cast %parallel_loop3A_188 : vector<16xf32> to vector<1x16xf32>
      tpu.vector_store %arg17[%parallel_loop3A_189, %parallel_loop3A_190], %parallel_loop3A_193 {strides = array<i32>} : memref<3128x16xf32, #tpu.memory_space<vmem>>, vector<1x16xf32>,
    } {sc.loop_unroll_factor = 8 : i64, sc.parallel_access}
    %mul3A_172 = arith.constant 4 : i32
    %mul3A_173 = arith.muli %arg0, %mul3A_172 : i32
    %add3A_174 = arith.constant 1 : i32
    %add3A_175 = arith.addi %mul3A_173, %add3A_174 : i32
    %add3A_176 = arith.constant 2 : i32
    %add3A_177 = arith.addi %add3A_175, %add3A_176 : i32
    %mul3A_178 = arith.constant 50048 : i32
    %mul3A_179 = arith.muli %add3A_177, %mul3A_178 : i32
    %add3A_180 = arith.addi %mul3A_179, %multiple_of3A : i32
    %multiple_of3A_181 = tpu.assume_multiple %add3A_180, 8 : i32
    "tpu.region"() ({
      %run_scoped3A = tpu.sem_alloc : memref<!tpu.dma_semaphore, #tpu.memory_space<semaphore_mem>>
      %dma_start3A = arith.constant 0 : i32
      %dma_start3A_183 = tpu.memref_slice %arg8[%multiple_of3A_181, %dma_start3A] : memref<400384x16xf32, #tpu.memory_space<hbm>> -> memref<3128x16xf32, #tpu.memory_space<hbm>>
      %dma_start3A_184 = arith.constant 0 : i32
      %dma_start3A_185 = tpu.memref_slice %arg8[%multiple_of3A_181, %dma_start3A_184] : memref<400384x16xf32, #tpu.memory_space<hbm>> -> memref<3128x16xf32, #tpu.memory_space<hbm>>
      tpu.enqueue_dma source(%arg17 : memref<3128x16xf32, #tpu.memory_space<vmem>>) target(%dma_start3A_185 : memref<3128x16xf32, #tpu.memory_space<hbm>>) target_semaphore(%run_scoped3A : memref<!tpu.dma_semaphore, #tpu.memory_space<semaphore_mem>>)
      %dma_wait3A = arith.constant 0 : i32
      %dma_wait3A_186 = tpu.memref_slice %arg8[%multiple_of3A_181, %dma_wait3A] : memref<400384x16xf32, #tpu.memory_space<hbm>> -> memref<3128x16xf32, #tpu.memory_space<hbm>>
      %dma_wait3A_187 = arith.constant 0 : i32
      %dma_wait3A_188 = tpu.memref_slice %arg8[%multiple_of3A_181, %dma_wait3A_187] : memref<400384x16xf32, #tpu.memory_space<hbm>> -> memref<3128x16xf32, #tpu.memory_space<hbm>>
      tpu.wait_dma2 semaphore(%run_scoped3A : memref<!tpu.dma_semaphore, #tpu.memory_space<semaphore_mem>>) src(%arg17 : memref<3128x16xf32, #tpu.memory_space<vmem>>) dst(%dma_wait3A_188 : memref<3128x16xf32, #tpu.memory_space<hbm>>)
      tpu.yield
    }) : () -> ()
    %barrier3A_182 = arith.constant 0 : index
    tpu.barrier barrier_id(%barrier3A_182)
    return
  }
}

module attributes {stable_mosaic.version = 14 : i64} {
  func.func @_direct_body(%arg0: i32, %arg1: memref<1000x768xf32, #tpu.memory_space<vmem>>, %arg2: memref<768x8xf32, #tpu.memory_space<vmem>>, %arg3: memref<1000x8xf32, #tpu.memory_space<vmem>>, %arg4: memref<1000x16xf32, #tpu.memory_space<vmem>>, %arg5: memref<1x16xf32, #tpu.memory_space<vmem>>) attributes {dimension_semantics = [#tpu.dimension_semantics<arbitrary>], iteration_bounds = array<i64: 50>, scalar_prefetch = 0 : i64, scratch_operands = 0 : i64, tpu.core_type = #tpu.core_type<tc>, window_params = [{transform_indices = @transform_0, window_bounds = array<i64: 1000, 768>}, {pipeline_mode = #tpu.pipeline_mode<synchronous>, transform_indices = @transform_1, window_bounds = array<i64: 768, 8>}, {transform_indices = @transform_2, window_bounds = array<i64: 1000, 8>}, {transform_indices = @transform_3, window_bounds = array<i64: 1000, 16>}, {pipeline_mode = #tpu.pipeline_mode<synchronous>, transform_indices = @transform_4, window_bounds = array<i64: 1, 16>}]} {
    %get3A = arith.constant 0 : index
    %get3A_0 = arith.constant 0 : index
    %get3A_1 = vector.load %arg1[%get3A, %get3A_0] : memref<1000x768xf32, #tpu.memory_space<vmem>>, vector<1000x768xf32>
    %get3A_2 = arith.constant 0 : index
    %get3A_3 = arith.constant 0 : index
    %get3A_4 = vector.load %arg2[%get3A_2, %get3A_3] : memref<768x8xf32, #tpu.memory_space<vmem>>, vector<768x8xf32>
    %dot_general3A = arith.constant dense<0.000000e+00> : vector<1000x8xf32>
    %dot_general3A_5 = tpu.matmul %get3A_1, %get3A_4, %dot_general3A {dimension_numbers = #tpu.dot_dimension_numbers<[1], [0], [0], [1], [0, 0, 1, 1], [], []>, transpose_lhs_hint = false} : vector<1000x768xf32>, vector<768x8xf32>, vector<1000x8xf32> -> vector<1000x8xf32>
    %mul3A = arith.constant 0.0360843912 : f32
    %mul3A_6 = vector.broadcast %mul3A : f32 to vector<1000x8xf32>
    %mul3A_7 = arith.mulf %dot_general3A_5, %mul3A_6 : vector<1000x8xf32>
    %logistic3A = arith.negf %mul3A_7 : vector<1000x8xf32>
    %logistic3A_8 = math.exp %logistic3A : vector<1000x8xf32>
    %logistic3A_9 = arith.constant 1.000000e+00 : f32
    %logistic3A_10 = vector.broadcast %logistic3A_9 : f32 to vector<1000x8xf32>
    %logistic3A_11 = arith.addf %logistic3A_10, %logistic3A_8 : vector<1000x8xf32>
    %logistic3A_12 = arith.divf %logistic3A_10, %logistic3A_11 : vector<1000x8xf32>
    %get3A_13 = arith.constant 0 : index
    %get3A_14 = arith.constant 0 : index
    %get3A_15 = vector.load %arg3[%get3A_13, %get3A_14] : memref<1000x8xf32, #tpu.memory_space<vmem>>, vector<1000x8xf32>
    %mul3A_16 = arith.constant 3.000000e-01 : f32
    %mul3A_17 = vector.broadcast %mul3A_16 : f32 to vector<1000x8xf32>
    %mul3A_18 = arith.mulf %mul3A_17, %logistic3A_12 : vector<1000x8xf32>
    %add3A = arith.constant 1.000000e+00 : f32
    %add3A_19 = vector.broadcast %add3A : f32 to vector<1000x8xf32>
    %add3A_20 = arith.addf %add3A_19, %mul3A_18 : vector<1000x8xf32>
    %mul3A_21 = arith.mulf %get3A_15, %add3A_20 : vector<1000x8xf32>
    %concatenate3A = tpu.concatenate %mul3A_21, %mul3A_21 in 1 : vector<1000x8xf32>, vector<1000x8xf32> -> vector<1000x16xf32>
    %swap3A = arith.constant 0 : index
    %swap3A_22 = arith.constant 0 : index
    %swap3A_23 = vector.load %arg4[%swap3A, %swap3A_22] : memref<1000x16xf32, #tpu.memory_space<vmem>>, vector<1000x16xf32>
    tpu.vector_store %arg4[%swap3A, %swap3A_22], %concatenate3A {strides = array<i32>} : memref<1000x16xf32, #tpu.memory_space<vmem>>, vector<1000x16xf32>,
    %eq3A = arith.constant 0 : i32
    %eq3A_24 = arith.cmpi eq, %arg0, %eq3A : i32
    %convert_element_type3A = arith.extui %eq3A_24 : i1 to i32
    %cond3A = arith.constant 0 : i32
    %cond3A_25 = arith.cmpi ne, %convert_element_type3A, %cond3A : i32
    scf.if %cond3A_25 {
      %broadcast_in_dim3A_34 = arith.constant 0.000000e+00 : f32
      %broadcast_in_dim3A_35 = vector.broadcast %broadcast_in_dim3A_34 : f32 to vector<1x16xf32>
      %swap3A_36 = arith.constant 0 : index
      %swap3A_37 = arith.constant 0 : index
      %swap3A_38 = vector.load %arg5[%swap3A_36, %swap3A_37] : memref<1x16xf32, #tpu.memory_space<vmem>>, vector<1x16xf32>
      tpu.vector_store %arg5[%swap3A_36, %swap3A_37], %broadcast_in_dim3A_35 {strides = array<i32>} : memref<1x16xf32, #tpu.memory_space<vmem>>, vector<1x16xf32>,
    } else {
    }
    %get3A_26 = arith.constant 0 : index
    %get3A_27 = arith.constant 0 : index
    %get3A_28 = vector.load %arg5[%get3A_26, %get3A_27] : memref<1x16xf32, #tpu.memory_space<vmem>>, vector<1x16xf32>
    %reduce_sum3A = arith.constant dense<0.000000e+00> : vector<16xf32>
    %reduce_sum3A_29 = vector.multi_reduction <add>, %concatenate3A, %reduce_sum3A [0] : vector<1000x16xf32> to vector<16xf32>
    %broadcast_in_dim3A = vector.shape_cast %reduce_sum3A_29 : vector<16xf32> to vector<1x16xf32>
    %add3A_30 = arith.addf %get3A_28, %broadcast_in_dim3A : vector<1x16xf32>
    %swap3A_31 = arith.constant 0 : index
    %swap3A_32 = arith.constant 0 : index
    %swap3A_33 = vector.load %arg5[%swap3A_31, %swap3A_32] : memref<1x16xf32, #tpu.memory_space<vmem>>, vector<1x16xf32>
    tpu.vector_store %arg5[%swap3A_31, %swap3A_32], %add3A_30 {strides = array<i32>} : memref<1x16xf32, #tpu.memory_space<vmem>>, vector<1x16xf32>,
    return
  }
  func.func @transform_0(%arg0: i32) -> (i32, i32) {
    %c0_i32 = arith.constant 0 : i32
    %c0_i32_0 = arith.constant 0 : i32
    return %arg0, %c0_i32 : i32, i32
  }
  func.func @transform_1(%arg0: i32) -> (i32, i32) {
    %c0_i32 = arith.constant 0 : i32
    %c0_i32_0 = arith.constant 0 : i32
    %c0_i32_1 = arith.constant 0 : i32
    return %c0_i32, %c0_i32_0 : i32, i32
  }
  func.func @transform_2(%arg0: i32) -> (i32, i32) {
    %c0_i32 = arith.constant 0 : i32
    %c0_i32_0 = arith.constant 0 : i32
    return %arg0, %c0_i32 : i32, i32
  }
  func.func @transform_3(%arg0: i32) -> (i32, i32) {
    %c0_i32 = arith.constant 0 : i32
    %c0_i32_0 = arith.constant 0 : i32
    return %arg0, %c0_i32 : i32, i32
  }
  func.func @transform_4(%arg0: i32) -> (i32, i32) {
    %c0_i32 = arith.constant 0 : i32
    %c0_i32_0 = arith.constant 0 : i32
    %c0_i32_1 = arith.constant 0 : i32
    return %c0_i32, %c0_i32_0 : i32, i32
  }
}

module attributes {stable_mosaic.version = 14 : i64} {
  func.func @_relmix_body(%arg0: i32, %arg1: i32, %arg2: memref<8x768xf32, #tpu.memory_space<vmem>>, %arg3: memref<8x32x768xf32, #tpu.memory_space<vmem>>, %arg4: memref<8x32xf32, #tpu.memory_space<vmem>>, %arg5: memref<768x768xf32, #tpu.memory_space<vmem>>, %arg6: memref<1x768xf32, #tpu.memory_space<vmem>>, %arg7: memref<1x1x768x768xf32, #tpu.memory_space<vmem>>, %arg8: memref<1x1x768xf32, #tpu.memory_space<vmem>>, %arg9: memref<1x768x100xf32, #tpu.memory_space<vmem>>, %arg10: memref<1x1x100xf32, #tpu.memory_space<vmem>>, %arg11: memref<1x100xf32, #tpu.memory_space<vmem>>, %arg12: memref<1x1xf32, #tpu.memory_space<vmem>>, %arg13: memref<768x8xf32, #tpu.memory_space<vmem>>, %arg14: memref<1x1x100x16xf32, #tpu.memory_space<vmem>>) attributes {dimension_semantics = [#tpu.dimension_semantics<arbitrary>, #tpu.dimension_semantics<arbitrary>], iteration_bounds = array<i64: 2, 3>, scalar_prefetch = 0 : i64, scratch_operands = 0 : i64, tpu.core_type = #tpu.core_type<tc>, window_params = [{pipeline_mode = #tpu.pipeline_mode<synchronous>, transform_indices = @transform_0, window_bounds = array<i64: 8, 768>}, {pipeline_mode = #tpu.pipeline_mode<synchronous>, transform_indices = @transform_1, window_bounds = array<i64: 8, 32, 768>}, {pipeline_mode = #tpu.pipeline_mode<synchronous>, transform_indices = @transform_2, window_bounds = array<i64: 8, 32>}, {pipeline_mode = #tpu.pipeline_mode<synchronous>, transform_indices = @transform_3, window_bounds = array<i64: 768, 768>}, {pipeline_mode = #tpu.pipeline_mode<synchronous>, transform_indices = @transform_4, window_bounds = array<i64: 1, 768>}, {transform_indices = @transform_5, window_bounds = array<i64: 1, 1, 768, 768>}, {transform_indices = @transform_6, window_bounds = array<i64: 1, 1, 768>}, {transform_indices = @transform_7, window_bounds = array<i64: 1, 768, 100>}, {transform_indices = @transform_8, window_bounds = array<i64: 1, 1, 100>}, {pipeline_mode = #tpu.pipeline_mode<synchronous>, transform_indices = @transform_9, window_bounds = array<i64: 1, 100>}, {pipeline_mode = #tpu.pipeline_mode<synchronous>, transform_indices = @transform_10, window_bounds = array<i64: 1, 1>}, {pipeline_mode = #tpu.pipeline_mode<synchronous>, transform_indices = @transform_11, window_bounds = array<i64: 768, 8>}, {transform_indices = @transform_12, window_bounds = array<i64: 1, 1, 100, 16>}]} {
    %get3A = arith.constant 0 : index
    %get3A_0 = arith.constant 0 : index
    %get3A_1 = vector.load %arg2[%get3A, %get3A_0] : memref<8x768xf32, #tpu.memory_space<vmem>>, vector<8x768xf32>
    %get3A_2 = arith.constant 0 : index
    %get3A_3 = arith.constant 0 : index
    %get3A_4 = arith.constant 0 : index
    %get3A_5 = vector.load %arg3[%get3A_2, %get3A_3, %get3A_4] : memref<8x32x768xf32, #tpu.memory_space<vmem>>, vector<8x32x768xf32>
    %get3A_6 = arith.constant 0 : index
    %get3A_7 = arith.constant 0 : index
    %get3A_8 = vector.load %arg4[%get3A_6, %get3A_7] : memref<8x32xf32, #tpu.memory_space<vmem>>, vector<8x32xf32>
    %get3A_9 = arith.constant 0 : index
    %get3A_10 = arith.constant 0 : index
    %get3A_11 = vector.load %arg12[%get3A_9, %get3A_10] : memref<1x1xf32, #tpu.memory_space<vmem>>, vector<1x1xf32>
    %get3A_12 = vector.extract %get3A_11[0, 0] : f32 from vector<1x1xf32>
    %get3A_13 = arith.constant 0 : index
    %get3A_14 = arith.constant 0 : index
    %get3A_15 = vector.load %arg5[%get3A_13, %get3A_14] : memref<768x768xf32, #tpu.memory_space<vmem>>, vector<768x768xf32>
    %dot_general3A = arith.constant dense<0.000000e+00> : vector<8x768xf32>
    %dot_general3A_16 = tpu.matmul %get3A_1, %get3A_15, %dot_general3A {dimension_numbers = #tpu.dot_dimension_numbers<[1], [0], [0], [1], [0, 0, 1, 1], [], []>, transpose_lhs_hint = false} : vector<8x768xf32>, vector<768x768xf32>, vector<8x768xf32> -> vector<8x768xf32>
    %get3A_17 = arith.constant 0 : index
    %get3A_18 = arith.constant 0 : index
    %get3A_19 = vector.load %arg6[%get3A_17, %get3A_18] : memref<1x768xf32, #tpu.memory_space<vmem>>, vector<1x768xf32>
    %add3A = vector.broadcast %get3A_19 : vector<1x768xf32> to vector<8x768xf32>
    %add3A_20 = arith.addf %dot_general3A_16, %add3A : vector<8x768xf32>
    %transpose3A = tpu.transpose %add3A_20, [1, 0] : vector<8x768xf32> -> vector<768x8xf32>
    %swap3A = arith.constant 0 : index
    %swap3A_21 = arith.constant 0 : index
    %swap3A_22 = vector.load %arg13[%swap3A, %swap3A_21] : memref<768x8xf32, #tpu.memory_space<vmem>>, vector<768x8xf32>
    tpu.vector_store %arg13[%swap3A, %swap3A_21], %transpose3A {strides = array<i32>} : memref<768x8xf32, #tpu.memory_space<vmem>>, vector<768x8xf32>,
    %get3A_23 = arith.constant 0 : index
    %get3A_24 = arith.constant 0 : index
    %get3A_25 = arith.constant 0 : index
    %get3A_26 = arith.constant 0 : index
    %get3A_27 = vector.load %arg7[%get3A_23, %get3A_24, %get3A_25, %get3A_26] : memref<1x1x768x768xf32, #tpu.memory_space<vmem>>, vector<1x1x768x768xf32>
    %get3A_28 = vector.shape_cast %get3A_27 : vector<1x1x768x768xf32> to vector<768x768xf32>
    %get3A_29 = arith.constant 0 : index
    %get3A_30 = arith.constant 0 : index
    %get3A_31 = arith.constant 0 : index
    %get3A_32 = vector.load %arg8[%get3A_29, %get3A_30, %get3A_31] : memref<1x1x768xf32, #tpu.memory_space<vmem>>, vector<1x1x768xf32>
    %get3A_33 = vector.shape_cast %get3A_32 : vector<1x1x768xf32> to vector<768xf32>
    %dot_general3A_34 = arith.constant dense<0.000000e+00> : vector<8x768xf32>
    %dot_general3A_35 = tpu.matmul %get3A_1, %get3A_28, %dot_general3A_34 {dimension_numbers = #tpu.dot_dimension_numbers<[1], [0], [0], [1], [0, 0, 1, 1], [], []>, transpose_lhs_hint = false} : vector<8x768xf32>, vector<768x768xf32>, vector<8x768xf32> -> vector<8x768xf32>
    %broadcast_in_dim3A = vector.shape_cast %get3A_33 : vector<768xf32> to vector<1x768xf32>
    %add3A_36 = vector.broadcast %broadcast_in_dim3A : vector<1x768xf32> to vector<8x768xf32>
    %add3A_37 = arith.addf %dot_general3A_35, %add3A_36 : vector<8x768xf32>
    %tanh3A = math.tanh %add3A_37 : vector<8x768xf32>
    %broadcast_in_dim3A_38 = vector.shape_cast %tanh3A : vector<8x768xf32> to vector<8x1x768xf32>
    %mul3A = vector.broadcast %broadcast_in_dim3A_38 : vector<8x1x768xf32> to vector<8x32x768xf32>
    %mul3A_39 = arith.mulf %mul3A, %get3A_5 : vector<8x32x768xf32>
    %reduce_sum3A = arith.constant dense<0.000000e+00> : vector<8x32xf32>
    %reduce_sum3A_40 = vector.multi_reduction <add>, %mul3A_39, %reduce_sum3A [2] : vector<8x32x768xf32> to vector<8x32xf32>
    %div3A = vector.broadcast %get3A_12 : f32 to vector<8x32xf32>
    %div3A_41 = arith.divf %reduce_sum3A_40, %div3A : vector<8x32xf32>
    %reduce_max3A = arith.constant dense<0xFF800000> : vector<8xf32>
    %reduce_max3A_42 = vector.multi_reduction <maximumf>, %div3A_41, %reduce_max3A [1] : vector<8x32xf32> to vector<8xf32>
    %max3A = arith.constant 0xFF800000 : f32
    %max3A_43 = vector.broadcast %max3A : f32 to vector<8xf32>
    %max3A_44 = arith.maximumf %max3A_43, %reduce_max3A_42 : vector<8xf32>
    %broadcast_in_dim3A_45 = vector.shape_cast %max3A_44 : vector<8xf32> to vector<8x1xf32>
    %sub3A = vector.broadcast %broadcast_in_dim3A_45 : vector<8x1xf32> to vector<8x32xf32>
    %sub3A_46 = arith.subf %div3A_41, %sub3A : vector<8x32xf32>
    %exp3A = math.exp %sub3A_46 : vector<8x32xf32>
    %reduce_sum3A_47 = arith.constant dense<0.000000e+00> : vector<8xf32>
    %reduce_sum3A_48 = vector.multi_reduction <add>, %exp3A, %reduce_sum3A_47 [1] : vector<8x32xf32> to vector<8xf32>
    %broadcast_in_dim3A_49 = vector.shape_cast %reduce_sum3A_48 : vector<8xf32> to vector<8x1xf32>
    %div3A_50 = vector.broadcast %broadcast_in_dim3A_49 : vector<8x1xf32> to vector<8x32xf32>
    %div3A_51 = arith.divf %exp3A, %div3A_50 : vector<8x32xf32>
    %mul3A_52 = arith.mulf %div3A_51, %get3A_8 : vector<8x32xf32>
    %reduce_sum3A_53 = arith.constant dense<0.000000e+00> : vector<8xf32>
    %reduce_sum3A_54 = vector.multi_reduction <add>, %mul3A_52, %reduce_sum3A_53 [1] : vector<8x32xf32> to vector<8xf32>
    %broadcast_in_dim3A_55 = vector.shape_cast %reduce_sum3A_54 : vector<8xf32> to vector<8x1xf32>
    %add3A_56 = arith.constant 9.99999997E-7 : f32
    %add3A_57 = vector.broadcast %add3A_56 : f32 to vector<8x1xf32>
    %add3A_58 = arith.addf %broadcast_in_dim3A_55, %add3A_57 : vector<8x1xf32>
    %div3A_59 = vector.broadcast %add3A_58 : vector<8x1xf32> to vector<8x32xf32>
    %div3A_60 = arith.divf %mul3A_52, %div3A_59 : vector<8x32xf32>
    %broadcast_in_dim3A_61 = vector.shape_cast %div3A_60 : vector<8x32xf32> to vector<8x32x1xf32>
    %mul3A_62 = vector.broadcast %broadcast_in_dim3A_61 : vector<8x32x1xf32> to vector<8x32x768xf32>
    %mul3A_63 = arith.mulf %mul3A_62, %get3A_5 : vector<8x32x768xf32>
    %reduce_sum3A_64 = arith.constant dense<0.000000e+00> : vector<8x768xf32>
    %reduce_sum3A_65 = vector.multi_reduction <add>, %mul3A_63, %reduce_sum3A_64 [1] : vector<8x32x768xf32> to vector<8x768xf32>
    %get3A_66 = arith.constant 0 : index
    %get3A_67 = arith.constant 0 : index
    %get3A_68 = arith.constant 0 : index
    %get3A_69 = vector.load %arg9[%get3A_66, %get3A_67, %get3A_68] : memref<1x768x100xf32, #tpu.memory_space<vmem>>, vector<1x768x100xf32>
    %get3A_70 = vector.shape_cast %get3A_69 : vector<1x768x100xf32> to vector<768x100xf32>
    %dot_general3A_71 = arith.constant dense<0.000000e+00> : vector<8x100xf32>
    %dot_general3A_72 = tpu.matmul %reduce_sum3A_65, %get3A_70, %dot_general3A_71 {dimension_numbers = #tpu.dot_dimension_numbers<[1], [0], [0], [1], [0, 0, 1, 1], [], []>, transpose_lhs_hint = false} : vector<8x768xf32>, vector<768x100xf32>, vector<8x100xf32> -> vector<8x100xf32>
    %get3A_73 = arith.constant 0 : index
    %get3A_74 = arith.constant 0 : index
    %get3A_75 = arith.constant 0 : index
    %get3A_76 = vector.load %arg10[%get3A_73, %get3A_74, %get3A_75] : memref<1x1x100xf32, #tpu.memory_space<vmem>>, vector<1x1x100xf32>
    %get3A_77 = vector.shape_cast %get3A_76 : vector<1x1x100xf32> to vector<1x100xf32>
    %add3A_78 = vector.broadcast %get3A_77 : vector<1x100xf32> to vector<8x100xf32>
    %add3A_79 = arith.addf %dot_general3A_72, %add3A_78 : vector<8x100xf32>
    %reduce_max3A_80 = arith.constant dense<0xFF800000> : vector<8xf32>
    %reduce_max3A_81 = vector.multi_reduction <maximumf>, %add3A_79, %reduce_max3A_80 [1] : vector<8x100xf32> to vector<8xf32>
    %max3A_82 = arith.constant 0xFF800000 : f32
    %max3A_83 = vector.broadcast %max3A_82 : f32 to vector<8xf32>
    %max3A_84 = arith.maximumf %max3A_83, %reduce_max3A_81 : vector<8xf32>
    %broadcast_in_dim3A_85 = vector.shape_cast %max3A_84 : vector<8xf32> to vector<8x1xf32>
    %sub3A_86 = vector.broadcast %broadcast_in_dim3A_85 : vector<8x1xf32> to vector<8x100xf32>
    %sub3A_87 = arith.subf %add3A_79, %sub3A_86 : vector<8x100xf32>
    %exp3A_88 = math.exp %sub3A_87 : vector<8x100xf32>
    %reduce_sum3A_89 = arith.constant dense<0.000000e+00> : vector<8xf32>
    %reduce_sum3A_90 = vector.multi_reduction <add>, %exp3A_88, %reduce_sum3A_89 [1] : vector<8x100xf32> to vector<8xf32>
    %broadcast_in_dim3A_91 = vector.shape_cast %reduce_sum3A_90 : vector<8xf32> to vector<8x1xf32>
    %div3A_92 = vector.broadcast %broadcast_in_dim3A_91 : vector<8x1xf32> to vector<8x100xf32>
    %div3A_93 = arith.divf %exp3A_88, %div3A_92 : vector<8x100xf32>
    %get3A_94 = arith.constant 0 : index
    %get3A_95 = arith.constant 0 : index
    %get3A_96 = vector.load %arg11[%get3A_94, %get3A_95] : memref<1x100xf32, #tpu.memory_space<vmem>>, vector<1x100xf32>
    %mul3A_97 = vector.broadcast %get3A_96 : vector<1x100xf32> to vector<8x100xf32>
    %mul3A_98 = arith.mulf %div3A_93, %mul3A_97 : vector<8x100xf32>
    %transpose3A_99 = tpu.transpose %mul3A_98, [1, 0] : vector<8x100xf32> -> vector<100x8xf32>
    %concatenate3A = tpu.concatenate %transpose3A_99, %transpose3A_99 in 1 : vector<100x8xf32>, vector<100x8xf32> -> vector<100x16xf32>
    %swap3A_100 = arith.constant 0 : index
    %swap3A_101 = arith.constant 0 : index
    %swap3A_102 = arith.constant 0 : index
    %swap3A_103 = arith.constant 0 : index
    %swap3A_104 = vector.load %arg14[%swap3A_100, %swap3A_101, %swap3A_102, %swap3A_103] : memref<1x1x100x16xf32, #tpu.memory_space<vmem>>, vector<1x1x100x16xf32>
    %swap3A_105 = vector.shape_cast %swap3A_104 : vector<1x1x100x16xf32> to vector<100x16xf32>
    %swap3A_106 = vector.shape_cast %concatenate3A : vector<100x16xf32> to vector<1x1x100x16xf32>
    tpu.vector_store %arg14[%swap3A_100, %swap3A_101, %swap3A_102, %swap3A_103], %swap3A_106 {strides = array<i32>} : memref<1x1x100x16xf32, #tpu.memory_space<vmem>>, vector<1x1x100x16xf32>,
    return
  }
  func.func @transform_0(%arg0: i32, %arg1: i32) -> (i32, i32) {
    %c0_i32 = arith.constant 0 : i32
    %c0_i32_0 = arith.constant 0 : i32
    %c0_i32_1 = arith.constant 0 : i32
    return %c0_i32, %c0_i32_0 : i32, i32
  }
  func.func @transform_1(%arg0: i32, %arg1: i32) -> (i32, i32, i32) {
    %c0_i32 = arith.constant 0 : i32
    %c0_i32_0 = arith.constant 0 : i32
    %c0_i32_1 = arith.constant 0 : i32
    %c0_i32_2 = arith.constant 0 : i32
    return %c0_i32, %c0_i32_0, %c0_i32_1 : i32, i32, i32
  }
  func.func @transform_2(%arg0: i32, %arg1: i32) -> (i32, i32) {
    %c0_i32 = arith.constant 0 : i32
    %c0_i32_0 = arith.constant 0 : i32
    %c0_i32_1 = arith.constant 0 : i32
    return %c0_i32, %c0_i32_0 : i32, i32
  }
  func.func @transform_3(%arg0: i32, %arg1: i32) -> (i32, i32) {
    %c0_i32 = arith.constant 0 : i32
    %c0_i32_0 = arith.constant 0 : i32
    %c0_i32_1 = arith.constant 0 : i32
    return %c0_i32, %c0_i32_0 : i32, i32
  }
  func.func @transform_4(%arg0: i32, %arg1: i32) -> (i32, i32) {
    %c0_i32 = arith.constant 0 : i32
    %c0_i32_0 = arith.constant 0 : i32
    %c0_i32_1 = arith.constant 0 : i32
    return %c0_i32, %c0_i32_0 : i32, i32
  }
  func.func @transform_5(%arg0: i32, %arg1: i32) -> (i32, i32, i32, i32) {
    %c0_i32 = arith.constant 0 : i32
    %c0_i32_0 = arith.constant 0 : i32
    %c0_i32_1 = arith.constant 0 : i32
    return %arg0, %arg1, %c0_i32, %c0_i32_0 : i32, i32, i32, i32
  }
  func.func @transform_6(%arg0: i32, %arg1: i32) -> (i32, i32, i32) {
    %mul3A = arith.constant 3 : i32
    %mul3A_0 = arith.muli %arg0, %mul3A : i32
    %add3A = arith.addi %mul3A_0, %arg1 : i32
    %c0_i32 = arith.constant 0 : i32
    %c0_i32_1 = arith.constant 0 : i32
    %c0_i32_2 = arith.constant 0 : i32
    return %add3A, %c0_i32, %c0_i32_1 : i32, i32, i32
  }
  func.func @transform_7(%arg0: i32, %arg1: i32) -> (i32, i32, i32) {
    %c0_i32 = arith.constant 0 : i32
    %c0_i32_0 = arith.constant 0 : i32
    %c0_i32_1 = arith.constant 0 : i32
    return %arg0, %c0_i32, %c0_i32_0 : i32, i32, i32
  }
  func.func @transform_8(%arg0: i32, %arg1: i32) -> (i32, i32, i32) {
    %c0_i32 = arith.constant 0 : i32
    %c0_i32_0 = arith.constant 0 : i32
    %c0_i32_1 = arith.constant 0 : i32
    return %arg0, %c0_i32, %c0_i32_0 : i32, i32, i32
  }
  func.func @transform_9(%arg0: i32, %arg1: i32) -> (i32, i32) {
    %c0_i32 = arith.constant 0 : i32
    %c0_i32_0 = arith.constant 0 : i32
    %c0_i32_1 = arith.constant 0 : i32
    return %c0_i32, %c0_i32_0 : i32, i32
  }
  func.func @transform_10(%arg0: i32, %arg1: i32) -> (i32, i32) {
    %c0_i32 = arith.constant 0 : i32
    %c0_i32_0 = arith.constant 0 : i32
    %c0_i32_1 = arith.constant 0 : i32
    return %c0_i32, %c0_i32_0 : i32, i32
  }
  func.func @transform_11(%arg0: i32, %arg1: i32) -> (i32, i32) {
    %c0_i32 = arith.constant 0 : i32
    %c0_i32_0 = arith.constant 0 : i32
    %c0_i32_1 = arith.constant 0 : i32
    return %c0_i32, %c0_i32_0 : i32, i32
  }
  func.func @transform_12(%arg0: i32, %arg1: i32) -> (i32, i32, i32, i32) {
    %c0_i32 = arith.constant 0 : i32
    %c0_i32_0 = arith.constant 0 : i32
    %c0_i32_1 = arith.constant 0 : i32
    return %arg0, %arg1, %c0_i32, %c0_i32_0 : i32, i32, i32, i32
  }
}

module attributes {stable_mosaic.version = 14 : i64} {
  func.func @_combine_body(%arg0: i32, %arg1: memref<8x1000x16xf32, #tpu.memory_space<vmem>>, %arg2: memref<8x768xf32, #tpu.memory_space<vmem>>, %arg3: memref<2x768x3xf32, #tpu.memory_space<vmem>>, %arg4: memref<2x3xf32, #tpu.memory_space<vmem>>, %arg5: memref<1000x8xf32, #tpu.memory_space<vmem>>) attributes {dimension_semantics = [#tpu.dimension_semantics<arbitrary>], iteration_bounds = array<i64: 50>, scalar_prefetch = 0 : i64, scratch_operands = 0 : i64, tpu.core_type = #tpu.core_type<tc>, window_params = [{transform_indices = @transform_0, window_bounds = array<i64: 8, 1000, 16>}, {pipeline_mode = #tpu.pipeline_mode<synchronous>, transform_indices = @transform_1, window_bounds = array<i64: 8, 768>}, {pipeline_mode = #tpu.pipeline_mode<synchronous>, transform_indices = @transform_2, window_bounds = array<i64: 2, 768, 3>}, {pipeline_mode = #tpu.pipeline_mode<synchronous>, transform_indices = @transform_3, window_bounds = array<i64: 2, 3>}, {transform_indices = @transform_4, window_bounds = array<i64: 1000, 8>}]} {
    %get3A = arith.constant 0 : index
    %get3A_0 = arith.constant 0 : index
    %get3A_1 = vector.load %arg2[%get3A, %get3A_0] : memref<8x768xf32, #tpu.memory_space<vmem>>, vector<8x768xf32>
    %get3A_2 = arith.constant 0 : index
    %get3A_3 = arith.constant 0 : index
    %get3A_4 = arith.constant 0 : index
    %get3A_5 = vector.load %arg3[%get3A_2, %get3A_3, %get3A_4] : memref<2x768x3xf32, #tpu.memory_space<vmem>>, vector<1x768x3xf32>
    %get3A_6 = vector.shape_cast %get3A_5 : vector<1x768x3xf32> to vector<768x3xf32>
    %dot_general3A = arith.constant dense<0.000000e+00> : vector<8x3xf32>
    %dot_general3A_7 = tpu.matmul %get3A_1, %get3A_6, %dot_general3A {dimension_numbers = #tpu.dot_dimension_numbers<[1], [0], [0], [1], [0, 0, 1, 1], [], []>, transpose_lhs_hint = false} : vector<8x768xf32>, vector<768x3xf32>, vector<8x3xf32> -> vector<8x3xf32>
    %get3A_8 = arith.constant 0 : index
    %get3A_9 = arith.constant 0 : index
    %get3A_10 = vector.load %arg4[%get3A_8, %get3A_9] : memref<2x3xf32, #tpu.memory_space<vmem>>, vector<1x3xf32>
    %get3A_11 = vector.shape_cast %get3A_10 : vector<1x3xf32> to vector<3xf32>
    %broadcast_in_dim3A = vector.shape_cast %get3A_11 : vector<3xf32> to vector<1x3xf32>
    %add3A = vector.broadcast %broadcast_in_dim3A : vector<1x3xf32> to vector<8x3xf32>
    %add3A_12 = arith.addf %dot_general3A_7, %add3A : vector<8x3xf32>
    %reduce_max3A = arith.constant dense<0xFF800000> : vector<8xf32>
    %reduce_max3A_13 = vector.multi_reduction <maximumf>, %add3A_12, %reduce_max3A [1] : vector<8x3xf32> to vector<8xf32>
    %max3A = arith.constant 0xFF800000 : f32
    %max3A_14 = vector.broadcast %max3A : f32 to vector<8xf32>
    %max3A_15 = arith.maximumf %max3A_14, %reduce_max3A_13 : vector<8xf32>
    %broadcast_in_dim3A_16 = vector.shape_cast %max3A_15 : vector<8xf32> to vector<8x1xf32>
    %sub3A = vector.broadcast %broadcast_in_dim3A_16 : vector<8x1xf32> to vector<8x3xf32>
    %sub3A_17 = arith.subf %add3A_12, %sub3A : vector<8x3xf32>
    %exp3A = math.exp %sub3A_17 : vector<8x3xf32>
    %reduce_sum3A = arith.constant dense<0.000000e+00> : vector<8xf32>
    %reduce_sum3A_18 = vector.multi_reduction <add>, %exp3A, %reduce_sum3A [1] : vector<8x3xf32> to vector<8xf32>
    %broadcast_in_dim3A_19 = vector.shape_cast %reduce_sum3A_18 : vector<8xf32> to vector<8x1xf32>
    %div3A = vector.broadcast %broadcast_in_dim3A_19 : vector<8x1xf32> to vector<8x3xf32>
    %div3A_20 = arith.divf %exp3A, %div3A : vector<8x3xf32>
    %get3A_21 = arith.constant 1 : index
    %get3A_22 = arith.constant 0 : index
    %get3A_23 = arith.constant 0 : index
    %get3A_24 = vector.load %arg3[%get3A_21, %get3A_22, %get3A_23] : memref<2x768x3xf32, #tpu.memory_space<vmem>>, vector<1x768x3xf32>
    %get3A_25 = vector.shape_cast %get3A_24 : vector<1x768x3xf32> to vector<768x3xf32>
    %dot_general3A_26 = arith.constant dense<0.000000e+00> : vector<8x3xf32>
    %dot_general3A_27 = tpu.matmul %get3A_1, %get3A_25, %dot_general3A_26 {dimension_numbers = #tpu.dot_dimension_numbers<[1], [0], [0], [1], [0, 0, 1, 1], [], []>, transpose_lhs_hint = false} : vector<8x768xf32>, vector<768x3xf32>, vector<8x3xf32> -> vector<8x3xf32>
    %get3A_28 = arith.constant 1 : index
    %get3A_29 = arith.constant 0 : index
    %get3A_30 = vector.load %arg4[%get3A_28, %get3A_29] : memref<2x3xf32, #tpu.memory_space<vmem>>, vector<1x3xf32>
    %get3A_31 = vector.shape_cast %get3A_30 : vector<1x3xf32> to vector<3xf32>
    %broadcast_in_dim3A_32 = vector.shape_cast %get3A_31 : vector<3xf32> to vector<1x3xf32>
    %add3A_33 = vector.broadcast %broadcast_in_dim3A_32 : vector<1x3xf32> to vector<8x3xf32>
    %add3A_34 = arith.addf %dot_general3A_27, %add3A_33 : vector<8x3xf32>
    %reduce_max3A_35 = arith.constant dense<0xFF800000> : vector<8xf32>
    %reduce_max3A_36 = vector.multi_reduction <maximumf>, %add3A_34, %reduce_max3A_35 [1] : vector<8x3xf32> to vector<8xf32>
    %max3A_37 = arith.constant 0xFF800000 : f32
    %max3A_38 = vector.broadcast %max3A_37 : f32 to vector<8xf32>
    %max3A_39 = arith.maximumf %max3A_38, %reduce_max3A_36 : vector<8xf32>
    %broadcast_in_dim3A_40 = vector.shape_cast %max3A_39 : vector<8xf32> to vector<8x1xf32>
    %sub3A_41 = vector.broadcast %broadcast_in_dim3A_40 : vector<8x1xf32> to vector<8x3xf32>
    %sub3A_42 = arith.subf %add3A_34, %sub3A_41 : vector<8x3xf32>
    %exp3A_43 = math.exp %sub3A_42 : vector<8x3xf32>
    %reduce_sum3A_44 = arith.constant dense<0.000000e+00> : vector<8xf32>
    %reduce_sum3A_45 = vector.multi_reduction <add>, %exp3A_43, %reduce_sum3A_44 [1] : vector<8x3xf32> to vector<8xf32>
    %broadcast_in_dim3A_46 = vector.shape_cast %reduce_sum3A_45 : vector<8xf32> to vector<8x1xf32>
    %div3A_47 = vector.broadcast %broadcast_in_dim3A_46 : vector<8x1xf32> to vector<8x3xf32>
    %div3A_48 = arith.divf %exp3A_43, %div3A_47 : vector<8x3xf32>
    %transpose3A = tpu.transpose %div3A_20, [1, 0] : vector<8x3xf32> -> vector<3x8xf32>
    %transpose3A_49 = tpu.transpose %div3A_48, [1, 0] : vector<8x3xf32> -> vector<3x8xf32>
    %concatenate3A = tpu.concatenate %transpose3A, %transpose3A_49 in 0 : vector<3x8xf32>, vector<3x8xf32> -> vector<6x8xf32>
    %mul3A = arith.constant 5.000000e-01 : f32
    %mul3A_50 = vector.broadcast %mul3A : f32 to vector<6x8xf32>
    %mul3A_51 = arith.mulf %mul3A_50, %concatenate3A : vector<6x8xf32>
    %get3A_52 = arith.constant 0 : index
    %get3A_53 = arith.constant 0 : index
    %get3A_54 = arith.constant 0 : index
    %get3A_55 = vector.load %arg1[%get3A_52, %get3A_53, %get3A_54] : memref<8x1000x16xf32, #tpu.memory_space<vmem>>, vector<8x1000x16xf32>
    %slice3A = vector.extract_strided_slice %get3A_55 {offsets = [1, 0, 0], sizes = [3, 1000, 16], strides = [1, 1, 1]} : vector<8x1000x16xf32> to vector<3x1000x16xf32>
    %slice3A_56 = vector.extract_strided_slice %get3A_55 {offsets = [5, 0, 0], sizes = [3, 1000, 16], strides = [1, 1, 1]} : vector<8x1000x16xf32> to vector<3x1000x16xf32>
    %concatenate3A_57 = tpu.concatenate %slice3A, %slice3A_56 in 0 : vector<3x1000x16xf32>, vector<3x1000x16xf32> -> vector<6x1000x16xf32>
    %slice3A_58 = vector.extract_strided_slice %concatenate3A_57 {offsets = [0, 0, 0], sizes = [6, 1000, 8], strides = [1, 1, 1]} : vector<6x1000x16xf32> to vector<6x1000x8xf32>
    %broadcast_in_dim3A_59 = vector.shape_cast %mul3A_51 : vector<6x8xf32> to vector<6x1x8xf32>
    %mul3A_60 = vector.broadcast %broadcast_in_dim3A_59 : vector<6x1x8xf32> to vector<6x1000x8xf32>
    %mul3A_61 = arith.mulf %slice3A_58, %mul3A_60 : vector<6x1000x8xf32>
    %reduce_sum3A_62 = arith.constant dense<0.000000e+00> : vector<1000x8xf32>
    %reduce_sum3A_63 = vector.multi_reduction <add>, %mul3A_61, %reduce_sum3A_62 [0] : vector<6x1000x8xf32> to vector<1000x8xf32>
    %swap3A = arith.constant 0 : index
    %swap3A_64 = arith.constant 0 : index
    %swap3A_65 = vector.load %arg5[%swap3A, %swap3A_64] : memref<1000x8xf32, #tpu.memory_space<vmem>>, vector<1000x8xf32>
    tpu.vector_store %arg5[%swap3A, %swap3A_64], %reduce_sum3A_63 {strides = array<i32>} : memref<1000x8xf32, #tpu.memory_space<vmem>>, vector<1000x8xf32>,
    return
  }
  func.func @transform_0(%arg0: i32) -> (i32, i32, i32) {
    %c0_i32 = arith.constant 0 : i32
    %c0_i32_0 = arith.constant 0 : i32
    %c0_i32_1 = arith.constant 0 : i32
    return %c0_i32, %arg0, %c0_i32_0 : i32, i32, i32
  }
  func.func @transform_1(%arg0: i32) -> (i32, i32) {
    %c0_i32 = arith.constant 0 : i32
    %c0_i32_0 = arith.constant 0 : i32
    %c0_i32_1 = arith.constant 0 : i32
    return %c0_i32, %c0_i32_0 : i32, i32
  }
  func.func @transform_2(%arg0: i32) -> (i32, i32, i32) {
    %c0_i32 = arith.constant 0 : i32
    %c0_i32_0 = arith.constant 0 : i32
    %c0_i32_1 = arith.constant 0 : i32
    %c0_i32_2 = arith.constant 0 : i32
    return %c0_i32, %c0_i32_0, %c0_i32_1 : i32, i32, i32
  }
  func.func @transform_3(%arg0: i32) -> (i32, i32) {
    %c0_i32 = arith.constant 0 : i32
    %c0_i32_0 = arith.constant 0 : i32
    %c0_i32_1 = arith.constant 0 : i32
    return %c0_i32, %c0_i32_0 : i32, i32
  }
  func.func @transform_4(%arg0: i32) -> (i32, i32) {
    %c0_i32 = arith.constant 0 : i32
    %c0_i32_0 = arith.constant 0 : i32
    return %arg0, %c0_i32 : i32, i32
  }
}

</mosaic_0001>

<sc_bundles>
// kernel: kernel.6.cloned.1.call-start
scs
__scs_entry_jumppad:
0x0: {  	(pc) =	sbr.rel $0x88, $3  }
0x1: {  	(tag) =	ssettag $0x0;
	lr =	simm.s32 $0x1  }
0x2: {  	[smem:$0x3F8F] =	sst lr;
	_ =	strace $0xD0000000  }
0x3: {  	_ = 	snop  }
0x4: {  	_ = 	snop  }
0x5: {  	_ = 	snop  }
0x6: {  	_ = 	snop  }
0x7: {  	_ = 	snop  }
__scs_overlays_trampoline_lowered:
0x8: {  	[smem:$0x3F9E] =	sst s0  }
0x9: {  	[smem:$0x3F9F] =	sst s1  }
0xa: {  	[smem:$0x3FA0] =	sst s2  }
0xb: {  	[smem:$0x3FA1] =	sst s3  }
0xc: {  	[smem:$0x3FA2] =	sst s4  }
0xd: {  	[smem:$0x3FA3] =	sst s5  }
0xe: {  	[smem:$0x3FA4] =	sst s6  }
0xf: {  	[smem:$0x3FA5] =	sst s7  }
0x10: {  	[smem:$0x3FA6] =	sst s8  }
0x11: {  	[smem:$0x3FA7] =	sst s9;
	s0 =	simm.s32 @!p0 $0x0  }
0x12: {  	s1 =	sld [smem:$0x3F8D];
	s0 =	simm.s32 @p0 $0x1  }
0x13: {  	[smem:$0x3FA8] =	sst s0;
	s0 =	simm.s32 @!p1 $0x0  }
0x14: {  	s2 =	sld [smem:$0x3F8C];
	s0 =	simm.s32 @p1 $0x1  }
0x15: {  	[smem:$0x3FA9] =	sst s0;
	s0 =	simm.s32 @!p2 $0x0  }
0x16: {  	s3 =	sld [smem:$0x3FDB];
	s0 =	simm.s32 @p2 $0x1  }
0x17: {  	s4 =	simm.s32 $0x1BF5;
	[smem:$0x3FAB] =	sst s0  }
0x18: {  	s0 =	sld [smem:$0x3F8E];
	_ =	swait.ge [sflag:s4], $0x0  }
0x19: {  	s7 =	sld [smem:$0x3F8F]  }
0x1a: {  	s8 =	sadd.s32 $0xFFFFE003, lr  }
0x1b: {  	s9 =	sadd.s32 $0xFFFFFEF7, lr;
	s5 =	simm.s32 $0xFFFFFFFF;
	p2 =	slt.u32 s8, $0xFFFFF086  }
0x1c: {  	p1 =	slt.u32 s9, $0xF7A;
	s5 =	simm.s32 @!p2 $0x0  }
0x1d: {  	s5 =	simm.s32 @p1 $0x1;
	p0 =	seq.s32 s7, s2  }
0x1e: {  	s7 =	smul.u32 @!p0 $0xF7A, s2;
	p2 =	seq.s32 @!p0 s5, $0x0  }
0x1f: {  	s9 =	smul.u32 $0xF7A, s1;
	s8 =	simm.s32 @!p0 $0x1BF5;
	p2 =	por !p2, p0  }
0x20: {  	[sflag:s8] =	ssyncset.s32 @!p0 $0xFFFFF086;
	s6 =	sadd.s32 @!p0 s3, s7;
	s7 =	simm.s32 @!p0 $0x108  }
0x21: {  	s3 =	sadd.s32 s3, s9;
	s6 =	sadd.s32 @!p0 $0x88, s6;
	s7 =	simm.s32 @p2 $0x1082  }
0x22: {  	[simem:s7], [sflag:s8] =	dma.local @!p0 [hbm:s6], $0xF7A  }
0x23: {  	s9 =	sor.u32 $0xD0000000, s2;
	s6 =	simm.s32 $0x108;
	_ =	swait.ge @!p0 [sflag:s8], $0x0  }
0x24: {  	s3 =	sadd.s32 $0x88, s3;
	s6 =	simm.s32 @!p1 $0x1082;
	[sflag:s4] =	ssyncset.s32 $0xFFFFF086  }
0x25: {  	[simem:s6], [sflag:s4] =	dma.local [hbm:s3], $0xF7A  }
0x26: {  	[smem:$0x3F8F] =	sst s1;
	(tag) =	ssettag s2;
	_ =	strace s9  }
0x27: {  	s1 =	sld [smem:$0x3F9F]  }
0x28: {  	s2 =	sld [smem:$0x3FA0]  }
0x29: {  	s4 =	sld [smem:$0x3FA2]  }
0x2a: {  	p0 =	seq.s32 s5, $0x0;
	s5 =	sld [smem:$0x3FA3]  }
0x2b: {  	s6 =	sld [smem:$0x3FA4]  }
0x2c: {  	s7 =	sld [smem:$0x3FA5]  }
0x2d: {  	s3 =	simm.s32 $0x108;
	s8 =	sld [smem:$0x3FA6]  }
0x2e: {  	s3 =	simm.s32 @!p0 $0x1082;
	s9 =	sld [smem:$0x3FA7]  }
0x2f: {  	lr =	sadd.s32 s0, s3;
	s0 =	sld [smem:$0x3F9E]  }
0x30: {  	s3 =	sld [smem:$0x3FA1]  }
0x31: {  	[smem:$0x3FAA] =	sst s10  }
0x32: {  	s10 =	sld [smem:$0x3FA8];
	_ =	sdelay $0x3  }
0x33: {  	p0 =	seq.s32 s10, $0x1;
	s10 =	sld [smem:$0x3FAA];
	_ =	sdelay $0x3  }
0x34: {  	[smem:$0x3FAA] =	sst s10  }
0x35: {  	s10 =	sld [smem:$0x3FA9];
	_ =	sdelay $0x3  }
0x36: {  	p1 =	seq.s32 s10, $0x1;
	s10 =	sld [smem:$0x3FAA];
	_ =	sdelay $0x3  }
0x37: {  	[smem:$0x3FAA] =	sst s10  }
0x38: {  	s10 =	sld [smem:$0x3FAB]  }
0x39: {  	_ = 	snop;
	(pc) =	sbr.ind lr, $3  }
0x3a: {  	_ = 	snop  }
0x3b: {  	_ = 	snop  }
0x3c: {  	p2 =	seq.s32 s10, $0x1;
	s10 =	sld [smem:$0x3FAA]  }
0x3d: {  	_ =	shalt  }
0x3e: {  	_ =	shalt  }
0x3f: {  	_ =	shalt  }
0x40: {  	_ =	shalt  }
0x41: {  	_ =	shalt  }
0x42: {  	_ =	shalt  }
0x43: {  	_ =	shalt  }
0x44: {  	_ =	shalt  }
0x45: {  	_ =	shalt  }
0x46: {  	_ =	shalt  }
0x47: {  	_ =	shalt  }
0x48: {  	_ =	shalt  }
0x49: {  	_ =	shalt  }
0x4a: {  	_ =	shalt  }
0x4b: {  	_ =	shalt  }
0x4c: {  	_ =	shalt  }
0x4d: {  	_ =	shalt  }
0x4e: {  	_ =	shalt  }
0x4f: {  	_ =	shalt  }
0x50: {  	_ =	shalt  }
0x51: {  	_ =	shalt  }
0x52: {  	_ =	shalt  }
0x53: {  	_ =	shalt  }
0x54: {  	_ =	shalt  }
0x55: {  	_ =	shalt  }
0x56: {  	_ =	shalt  }
0x57: {  	_ =	shalt  }
0x58: {  	_ =	shalt  }
0x59: {  	_ =	shalt  }
0x5a: {  	_ =	shalt  }
0x5b: {  	_ =	shalt  }
0x5c: {  	_ =	shalt  }
0x5d: {  	_ =	shalt  }
0x5e: {  	_ =	shalt  }
0x5f: {  	_ =	shalt  }
0x60: {  	_ =	shalt  }
0x61: {  	_ =	shalt  }
0x62: {  	_ =	shalt  }
0x63: {  	_ =	shalt  }
0x64: {  	_ =	shalt  }
0x65: {  	_ =	shalt  }
0x66: {  	_ =	shalt  }
0x67: {  	_ =	shalt  }
0x68: {  	_ =	shalt  }
0x69: {  	_ =	shalt  }
0x6a: {  	_ =	shalt  }
0x6b: {  	_ =	shalt  }
0x6c: {  	_ =	shalt  }
0x6d: {  	_ =	shalt  }
0x6e: {  	_ =	shalt  }
0x6f: {  	_ =	shalt  }
0x70: {  	_ =	shalt  }
0x71: {  	_ =	shalt  }
0x72: {  	_ =	shalt  }
0x73: {  	_ =	shalt  }
0x74: {  	_ =	shalt  }
0x75: {  	_ =	shalt  }
0x76: {  	_ =	shalt  }
0x77: {  	_ =	shalt  }
0x78: {  	_ =	shalt  }
0x79: {  	_ =	shalt  }
0x7a: {  	_ =	shalt  }
0x7b: {  	_ =	shalt  }
0x7c: {  	_ =	shalt  }
0x7d: {  	_ =	shalt  }
0x7e: {  	_ =	shalt  }
0x7f: {  	_ =	shalt  }
0x80: {  	_ =	shalt  }
0x81: {  	_ =	shalt  }
0x82: {  	_ =	shalt  }
0x83: {  	_ =	shalt  }
0x84: {  	_ =	shalt  }
0x85: {  	_ =	shalt  }
0x86: {  	_ =	shalt  }
0x87: {  	_ =	shalt  }
.Lfunc_end0:
.L_simem_size_0:
called_computation_lowered:
.L_overlay_start_0:
0x88: {  	s2 =	sld [smem:$0x3FD9]  }
0x89: {  	s3 =	sld [smem:$0x3FFE];
	_ =	sdelay $0x1  }
0x8a: {  	s1 =	srdreg.scid  }
0x8b: {  	s0 =	sand.u32 $0x1, s1  }
0x8c: {  	s17 =	sshll.u32 s0, $0xA;
	s2 =	sadd.s32 s3, s2  }
0x8d: {  	s2 =	sadd.s32 s2, s17  }
0x8e: {  	[smem:$0x3FB6] =	sst s2  }
0x8f: {  	_ = 	snop  }
0x90: {  	s2 =	sld [smem:$0x3FD0];
	(tm) =	ssettm $0x1  }
0x91: {  	s18 =	sld [smem:$0x3FFB];
	_ =	sdelay $0x3  }
0x92: {  	_ =	strace s18  }
0x93: {  	s3 =	sld [smem:$0x3FFC];
	_ =	sdelay $0x3  }
0x94: {  	_ =	strace s3  }
0x95: {  	s3 =	sld [smem:$0x3FFD];
	_ =	sdelay $0x3  }
0x96: {  	_ =	strace s3  }
0x97: {  	_ =	strace $0x8FFFFFFF  }
0x98: {  	s19 =	sld [smem:$0x3FDB];
	_ =	sdelay $0x1  }
0x99: {  	s4 =	simm.s32 $_scs_section_size  }
0x9a: {  	s5 =	simm.s32 $_size__tile_overlayer_lowered;
	s6 =	simm.s32 $_tile_overlayer_lowered  }
0x9b: {  	s22 =	simm.s32 $0x1BFF;
	s21 =	sshll.u32 s6, $0x1;
	s3 =	sadd.s32 s4, s19  }
0x9c: {  	s7 =	simm.s32 $0x0;
	s20 =	sshll.u32 s5, $0x1;
	s5 =	sadd.s32 s21, s3  }
0x9d: {  	[timem:s7], [sflag:s22] =	dma.local [hbm:s5], s20  }
0x9e: {  	_ =	swait.ge [sflag:s22], s20  }
0x9f: {  	s4 =	ssub.s32 $0x0, s20;
	[sflag:s22] =	ssyncset.done $0x0  }
0xa0: {  	[sflag:s22] =	ssyncadd.s32 s4;
	_ =	sdelay $0x1  }
0xa1: {  	s23 =	simm.s32 $0x1B8B  }
0xa2: {  	_ =	swait.ge [sflag:s23], $0x1  }
0xa3: {  	[sflag:s23] =	ssyncset.done $0x0  }
0xa4: {  	s25 =	simm.s32 $0x1B8E;
	s24 =	sld [smem:$0x3FFE];
	[sflag:s23] =	ssyncadd.s32 $0xFFFFFFFF  }
0xa5: {  	s26 =	simm.s32 $execute0_lowered;
	[smem:$0x3FD2] =	sst s25  }
0xa6: {  	s5 =	sshll.u32 s26, $0x1;
	_ =	strace $0x80000046;
	[dreg:$0x1] =	wrdreg $0xFFFFFFFF  }
0xa7: {  	s28 =	simm.s32 $_size_execute0_lowered;
	s3 =	sadd.s32 s3, s5;
	[dreg:$0x0] =	wrdreg $0x0  }
0xa8: {  	s5 =	sshll.u32 s28, $0x1;
	[dreg:$0x2] =	wrdreg s3  }
0xa9: {  	[dreg:$0x3] =	wrdreg s5  }
0xaa: {  	[dreg:$0x4] =	wrdreg $0xC0  }
0xab: {  	_ =	task [dreg:s7], $0x5FFFF  }
0xac: {  	[dreg:$0x1] =	wrdreg $0xFFFFFFFF  }
0xad: {  	[dreg:$0x0] =	wrdreg $0x60  }
0xae: {  	[dreg:$0x2] =	wrdreg s24  }
0xaf: {  	[dreg:$0x3] =	wrdreg s2  }
0xb0: {  	[dreg:$0x4] =	wrdreg $0xC3800  }
0xb1: {  	[dreg:$0x5] =	wrdreg $0x0  }
0xb2: {  	[dreg:$0x6] =	wrdreg $0xC4B00  }
0xb3: {  	[dreg:$0x7] =	wrdreg $0x9  }
0xb4: {  	_ =	task.clear_ibuf [dreg:s7], $0x8FFFF;
	_ =	strace $0x90000046  }
0xb5: {  	s29 =	simm.s32 $0x9;
	_ =	strace $0x80000048  }
0xb6: {  	_ =	swait.ge [sflag:s29], $0x1  }
0xb7: {  	[sflag:s29] =	ssyncadd.s32 $0xFFFFFFFF  }
0xb8: {  	_ =	strace $0x90000048  }
0xb9: {  	_ =	sfence  }
0xba: {  	s30 =	sld [smem:$0x0];
	_ =	sdelay $0x2  }
0xbb: {  	s31 =	sshll.u32 s1, $0xD;
	s1 =	sshrl.u32 s1, $0x2  }
0xbc: {  	s3 =	sand.u32 $0x4000, s31;
	s1 =	sadd.s32 s1, s30  }
0xbd: {  	s0 =	sor.u32 s3, s0;
	s1 =	sshll.u32 s1, $0x11  }
0xbe: {  	s0 =	sor.u32 s1, s0  }
0xbf: {  	s0 =	sadd.s32 $0x8F2B, s0  }
0xc0: {  	[sflag:s0] =	ssyncadd.remote.s32 $0x1  }
0xc1: {  	_ =	sfence.sel $0xFFFF  }
0xc2: {  	[dreg:$0x0] =	wrdreg $0xFFFFFFFF;
	(pc) =	sbr.abs _section_cstart, $3  }
0xc3: {  	[dreg:$0x1] =	wrdreg $0xFFFFFFFF  }
0xc4: {  	_ =	task.clear_ibuf [dreg:s7], $0x2FFFF;
	_ =	strace $0x9FFFFFFF  }
0xc5: {  	(tm) =	ssettm $0x7FFFFFFF  }
tec
execute0_lowered:
.L_overlay_start_1:
0x0: {  	(tag) =	ssettag $0x1  }
0x1: {  	s0 =	rddreg [dreg:$0x0]  }
0x2: {  	s3 =	rddreg [dreg:$0x1]  }
0x3: {  	s1 =	rddreg [dreg:$0x2]  }
0x4: {  	s2 =	rddreg [dreg:$0x3];
	s5 =	stileid.u32  }
0x5: {  	s18 =	rddreg [dreg:$0x4];
	s4 =	simm.s32 $0x0;
	s24 =	srdreg.scid  }
0x6: {  	s31 =	simm.s32 $0x10B30;
	s28 =	simm.s32 $0x1;
	s29 =	simm.s32 $0x80  }
0x7: {  	s30 =	simm.s32 $0xCB30;
	s19 =	simm.s32 $0xDF30;
	s11 =	smul.u32 $0xC380, s5  }
0x8: {  	[smem:$0x7FF] =	sst s4;
	s7 =	sadd.s32 $0x3200, s0;
	s10 =	sand.u32 $0x1, s24  }
0x9: {  	s13 =	smul.u32 $0xC38, s5;
	s8 =	sadd.s32 $0x65400, s0;
	s9 =	sadd.s32 $0x96400, s0  }
0xa: {  	s20 =	sshll.u32 s5, $0x7;
	p0 =	sne.s32 s5, $0x0;
	s14 =	smul.u32 $0x30E00, s10  }
0xb: {  	_ =	strace $0x80000047;
	[dreg:$0x6] =	wrdreg s7;
	s16 =	smul.u32 $0x258, s10  }
0xc: {  	s7 =	sadd.s32 $0x1BC00, s0;
	s25 =	ssub.s32 $0x2, s10;
	s10 =	smul.u32 $0xC400, s5  }
0xd: {  	s5 =	simm.s32 $0xDB30;
	s6 =	sshrl.u32 s11, $0x3;
	s15 =	sshrl.u32 s25, $0x1  }
0xe: {  	s21 =	sadd.s32 s11, s2;
	s12 =	sadd.s32 s6, s0;
	s6 =	sadd.s32 $0x7DC00, s0  }
0xf: {  	s17 =	sadd.s32 s13, s14;
	s0 =	ssub.s32 s25, s15;
	s3 =	sadd.s32 s3, s16  }
0x10: {  	s16 =	sadd.s32 $0xC380, s14;
	[dreg:$0xa] =	wrdreg s21;
	s26 =	sshll.u32 s17, $0x1  }
0x11: {  	[dreg:$0x7] =	wrdreg s3;
	s12 =	sadd.s32 $0x3400, s12;
	s17 =	sadd.s32 $0x18700, s14  }
0x12: {  	s22 =	sadd.s32 s13, s16;
	s3 =	sadd.s32 s20, s18;
	s0 =	smax.u32 s0, $0x1  }
0x13: {  	v0 =	vmov s14;
	s18 =	simm.s32 $0xC870;
	s20 =	simm.s32 $0xC8B0;
	s14 =	simm.s32 $0x3  }
0x14: {  	v1 =	vmov s16;
	s16 =	simm.s32 $0x0;
	[dreg:$0x8] =	wrdreg s12;
	s15 =	sadd.s32 s9, s26  }
0x15: {  	s13 =	sadd.s32 s13, s17;
	[dreg:$0xb] =	wrdreg s3;
	s23 =	sshll.u32 s22, $0x1  }
0x16: {  	[dreg:$0xf] =	wrdreg s0;
	s0 =	sshrl.u32 @!p0 s1, $0x3;
	s22 =	simm.s32 $0x4  }
0x17: {  	s12 =	simm.s32 $0xE330;
	s24 =	sshll.u32 s13, $0x1;
	[dreg:$0x9] =	wrdreg s15  }
0x18: {  	s3 =	sadd.s32 s9, s23;
	s26 =	sadd.s32 $0x49500, s15;
	[dreg:$0x10] =	wrdreg s0  }
0x19: {  	s0 =	simm.s32 $0xD330;
	s15 =	simm.s32 $0x2;
	s23 =	simm.s32 $0x40  }
0x1a: {  	s13 =	simm.s32 $0xC8F0;
	[dreg:$0xc] =	wrdreg s3;
	s25 =	sadd.s32 s9, s24  }
0x1b: {  	[dreg:$0xe] =	wrdreg s26;
	s24 =	simm.s32 $0xC530;
	s26 =	simm.s32 $0xC730  }
0x1c: {  	v3 =	vimm.f32 $0.0e+00;
	v2 =	vmov s17;
	s3 =	simm.s32 $0xE730;
	[dreg:$0xd] =	wrdreg s25;
	s25 =	simm.s32 $0xC930  }
.LBB2_1:
0x1d: {  	[dreg:$0x11] =	wrdreg s16  }
0x1e: {  	s16 =	rddreg [dreg:$0x7]  }
0x1f: {  	s11 =	simm.s32 @!p0 $0x1C04;
	s17 =	rddreg [dreg:$0x10]  }
0x20: {  	[spmem:s17], [sflag:s11] =	dma.local @!p0 [hbm:s16], $0x258  }
0x21: {  	s11 =	simm.s32 @!p0 $0x4  }
0x22: {  	_ =	swait.ge @!p0 [sflag:s11], $0x258  }
0x23: {  	[sflag:s11] =	ssyncset.done @!p0 $0x0  }
0x24: {  	s17 =	simm.s32 $0x1CF30;
	s16 =	rddreg [dreg:$0x6];
	[sflag:s11] =	ssyncadd.s32 @!p0 $0xFFFFFDA8  }
0x25: {  	[tilespmem:s17], [sflag:$0x4] =	stream.linear.gather [hbm4b:s16+s4], $0x10, $0x38;
	[tilespmem:$0x1D740] =	vst v63  }
0x26: {  	_ =	swait.ge [sflag:s22], $0x10  }
0x27: {  	[sflag:s22] =	ssyncset.done $0x0  }
0x28: {  	[sflag:s22] =	ssyncadd.s32 $0xFFFFFFF0  }
0x29: {  	v4 =	vld [tilespmem:$0x1CF30];
	_ =	sdelay $0x4  }
0x2a: {  	vm0 =	vgt.f32 v4, $0.0e+00  }
0x2b: {  	v4 =	vnsel vm0, $0x3F800000, v4  }
0x2c: {  	(erf) = vrcp.f32 v4;
	_ =	sdelay $0x7  }
0x2d: {  	s17 =	rddreg [dreg:$0x8]  }
0x2e: {  	[tilespmem:s31], [sflag:$0x4] =	stream.linear.gather [hbm4b:s17+s4], $0xC380, $0x38;
	v4 =	vpop (erf);
	[tilespmem:$0x1D740] =	vst v63  }
0x2f: {  	_ =	swait.ge [sflag:s22], $0xC380  }
0x30: {  	[sflag:s22] =	ssyncset.done $0x0  }
0x31: {  	s11 =	simm.s32 $0x10B70;
	[sflag:s22] =	ssyncadd.s32 $0xFFFF3C80  }
0x32: {  	v7 =	vld [tilespmem:s11+$0x30]  }
0x33: {  	v9 =	vld [tilespmem:s11+$0xFFFFFFD0]  }
0x34: {  	v11 =	vld [tilespmem:s11+$0xFFFFFFE0]  }
0x35: {  	v8 =	vld [tilespmem:s11+$0xFFFFFFF0]  }
0x36: {  	v6 =	vld [tilespmem:s11+$0x0]  }
0x37: {  	v5 =	vld [tilespmem:s11+$0x10];
	v12 =	vmul.f32 v7, v4  }
0x38: {  	v7 =	vld [tilespmem:s11+$0x20];
	v10 =	vmul.f32 v9, v4  }
0x39: {  	s16 =	simm.s32 $0x0;
	s17 =	simm.s32 $0x10BF0;
	v9 =	vld [tilespmem:s11+$0xFFFFFFC0];
	v11 =	vmul.f32 v11, v4;
	[tilespmem:s11+$0x30] =	vst v12  }
.LBB2_2:
0x3a: {  	v12 =	vld [tilespmem:s17+$0x30];
	s16 =	sadd.s32 $0x8, s16;
	[tilespmem:s11+$0xFFFFFFD0] =	vst v10;
	v8 =	vmul.f32 v8, v4  }
0x3b: {  	v10 =	vld [tilespmem:s17+$0xFFFFFFD0];
	p1 =	slt.u32 s16, $0xC30;
	[tilespmem:s11+$0xFFFFFFE0] =	vst v11;
	v6 =	vmul.f32 v6, v4  }
0x3c: {  	v11 =	vld [tilespmem:s17+$0xFFFFFFE0];
	[tilespmem:s11+$0xFFFFFFF0] =	vst v8;
	v5 =	vmul.f32 v5, v4  }
.Ltmp0:
0x3d: {  	v8 =	vld [tilespmem:s17+$0xFFFFFFF0];
	[tilespmem:s11+$0x0] =	vst v6;
	v7 =	vmul.f32 v7, v4;
	(pc) =	sbr.rel @p1 .LBB2_2-.Ltmp0, $4  }
0x3e: {  	v6 =	vld [tilespmem:s17+$0x0];
	v9 =	vmul.f32 v9, v4;
	[tilespmem:s11+$0x10] =	vst v5  }
0x3f: {  	v5 =	vld [tilespmem:s17+$0x10];
	v12 =	vmul.f32 v12, v4;
	[tilespmem:s11+$0x20] =	vst v7  }
0x40: {  	v10 =	vmul.f32 v10, v4;
	v7 =	vld [tilespmem:s17+$0x20];
	[tilespmem:s11+$0xFFFFFFC0] =	vst v9;
	s11 =	smov.u32 s17  }
0x41: {  	s17 =	sadd.s32 $0x80, s17;
	v9 =	vld [tilespmem:s11+$0xFFFFFFC0];
	v11 =	vmul.f32 v11, v4;
	[tilespmem:s11+$0x30] =	vst v12  }
0x42: {  	[tilespmem:s11+$0xFFFFFFD0] =	vst v10;
	v8 =	vmul.f32 v8, v4  }
0x43: {  	[tilespmem:s11+$0xFFFFFFE0] =	vst v11;
	v6 =	vmul.f32 v6, v4  }
0x44: {  	[tilespmem:s11+$0xFFFFFFF0] =	vst v8;
	v5 =	vmul.f32 v5, v4  }
0x45: {  	[tilespmem:s11+$0x0] =	vst v6;
	v63 =	vmul.f32 v7, v4  }
0x46: {  	v4 =	vmul.f32 v9, v4;
	[tilespmem:s11+$0x10] =	vst v5  }
0x47: {  	[tilespmem:s11+$0x20] =	vst v63  }
0x48: {  	[tilespmem:s11+$0xFFFFFFC0] =	vst v4  }
0x49: {  	s11 =	rddreg [dreg:$0x9]  }
0x4a: {  	[hbm4b:s11+s4] =	stream.linear.scatter [tilespmem:s31], [sflag:$0x4], $0xC380, $0x38;
	[tilespmem:$0x1D740] =	vst v63  }
0x4b: {  	_ =	swait.ge [sflag:s22], $0xC380  }
0x4c: {  	[sflag:s22] =	ssyncset.done $0x0  }
0x4d: {  	s11 =	simm.s32 $0x10B70;
	[sflag:s22] =	ssyncadd.s32 $0xFFFF3C80  }
0x4e: {  	[tilespmem:s11+$0xFFFFFFC0] =	vst v3  }
0x4f: {  	[tilespmem:s11+$0x30] =	vst v3  }
0x50: {  	[tilespmem:s11+$0x20] =	vst v3  }
0x51: {  	[tilespmem:s11+$0x10] =	vst v3  }
0x52: {  	[tilespmem:s11+$0x0] =	vst v3  }
0x53: {  	[tilespmem:s11+$0xFFFFFFF0] =	vst v3  }
0x54: {  	s16 =	simm.s32 $0x0;
	[tilespmem:s11+$0xFFFFFFE0] =	vst v3  }
.LBB2_4:
0x55: {  	s16 =	sadd.s32 $0x8, s16;
	[tilespmem:s11+$0xFFFFFFD0] =	vst v3;
	s11 =	sadd.s32 $0x80, s11  }
0x56: {  	[tilespmem:s11+$0xFFFFFFC0] =	vst v3;
	p1 =	slt.u32 s16, $0xC30  }
0x57: {  	[tilespmem:s11+$0x30] =	vst v3  }
.Ltmp1:
0x58: {  	[tilespmem:s11+$0x20] =	vst v3;
	(pc) =	sbr.rel @p1 .LBB2_4-.Ltmp1, $4  }
0x59: {  	[tilespmem:s11+$0x10] =	vst v3  }
0x5a: {  	[tilespmem:s11+$0x0] =	vst v3  }
0x5b: {  	[tilespmem:s11+$0xFFFFFFF0] =	vst v3  }
0x5c: {  	[tilespmem:s11+$0xFFFFFFE0] =	vst v3  }
0x5d: {  	[tilespmem:s11+$0xFFFFFFD0] =	vst v3  }
0x5e: {  	[spmem:s21] =	stream.linear.scatter [tilespmem:s31], [sflag:$0x4], $0xC380, $0x38;
	[tilespmem:$0x1D740] =	vst v63  }
0x5f: {  	_ =	swait.ge [sflag:s22], $0xC380  }
0x60: {  	[sflag:s22] =	ssyncset.done $0x0  }
0x61: {  	[sflag:s22] =	ssyncadd.s32 $0xFFFF3C80  }
0x62: {  	s31 =	simm.s32 $0x0;
	[bflag:$0x0] =	sbarrier.arrive $0xFFFF  }
.LBB2_6:
0x63: {  	s11 =	sshll.u32 s31, $0x9  }
0x64: {  	s11 =	sadd.s32 s10, s11  }
0x65: {  	s11 =	sshrl.u32 s11, $0x3  }
0x66: {  	s16 =	sadd.s32 s6, s11  }
0x67: {  	[tilespmem:s24], [sflag:$0x1] =	stream.linear.gather [hbm4b:s16+s4], $0x200, $0x38;
	[tilespmem:$0x1D740] =	vst v63  }
0x68: {  	s21 =	sadd.s32 s7, s11  }
0x69: {  	[tilespmem:s25], [sflag:$0x1] =	stream.linear.gather [hbm4b:s21+s4], $0x200, $0x38;
	[tilespmem:$0x1D740] =	vst v63  }
0x6a: {  	s11 =	sadd.s32 s8, s11  }
0x6b: {  	[tilespmem:s26], [sflag:$0x1] =	stream.linear.gather [hbm4b:s11+s4], $0x200, $0x38;
	[tilespmem:$0x1D740] =	vst v63  }
0x6c: {  	_ =	swait.ge [sflag:s28], $0x200  }
0x6d: {  	[sflag:s28] =	ssyncset.done $0x0  }
0x6e: {  	[sflag:s28] =	ssyncadd.s32 $0xFFFFFE00  }
0x6f: {  	_ =	swait.ge [sflag:s28], $0x200  }
0x70: {  	[sflag:s28] =	ssyncset.done $0x0  }
0x71: {  	[sflag:s28] =	ssyncadd.s32 $0xFFFFFE00  }
0x72: {  	_ =	swait.ge [sflag:s28], $0x200  }
0x73: {  	[sflag:s28] =	ssyncset.done $0x0  }
0x74: {  	s16 =	simm.s32 $0xC550;
	[sflag:s28] =	ssyncadd.s32 $0xFFFFFE00  }
0x75: {  	v4 =	vld [tilespmem:s16+$0xFFFFFFE0]  }
0x76: {  	v6 =	vld [tilespmem:s16+$0x0]  }
0x77: {  	v5 =	vld [tilespmem:s16+$0x10]  }
0x78: {  	v7 =	vld [tilespmem:s16+$0xFFFFFFF0];
	_ =	sdelay $0x1  }
0x79: {  	s11 =	simm.s32 $0xC590;
	v8 =	vadd.s32 v0, v4  }
0x7a: {  	v4 =	vld [tilespmem:s11+$0xFFFFFFE0];
	v9 =	vadd.s32 v0, v6;
	[tilespmem:s16+$0xFFFFFFE0] =	vst v8  }
0x7b: {  	v6 =	vld [tilespmem:s11+$0x0];
	v8 =	vadd.s32 v0, v5;
	[tilespmem:s16+$0x0] =	vst v9  }
0x7c: {  	s17 =	simm.s32 $0x4;
	v7 =	vadd.s32 v0, v7;
	v5 =	vld [tilespmem:s11+$0x10];
	[tilespmem:s16+$0x10] =	vst v8  }
.LBB2_7:
0x7d: {  	s17 =	sadd.s32 $0x4, s17  }
0x7e: {  	v8 =	vld [tilespmem:s11+$0xFFFFFFF0];
	[tilespmem:s16+$0xFFFFFFF0] =	vst v7;
	s16 =	smov.u32 s11;
	p1 =	slt.u32 s17, $0x1C  }
.Ltmp2:
0x7f: {  	(pc) =	sbr.rel @p1 .LBB2_7-.Ltmp2, $4  }
0x80: {  	s11 =	sadd.s32 $0x40, s11;
	v7 =	vadd.s32 v0, v4  }
0x81: {  	v4 =	vld [tilespmem:s11+$0xFFFFFFE0];
	[tilespmem:s16+$0xFFFFFFE0] =	vst v7;
	v7 =	vadd.s32 v0, v5  }
0x82: {  	v5 =	vld [tilespmem:s11+$0x10];
	v9 =	vadd.s32 v0, v6;
	[tilespmem:s16+$0x10] =	vst v7  }
0x83: {  	v6 =	vld [tilespmem:s11+$0x0];
	v7 =	vadd.s32 v0, v8;
	[tilespmem:s16+$0x0] =	vst v9  }
0x84: {  	v8 =	vld [tilespmem:s11+$0xFFFFFFF0];
	_ =	sdelay $0x1  }
0x85: {  	[tilespmem:s16+$0xFFFFFFF0] =	vst v7;
	v4 =	vadd.s32 v0, v4  }
0x86: {  	[tilespmem:s11+$0xFFFFFFE0] =	vst v4;
	v4 =	vadd.s32 v0, v5  }
0x87: {  	v5 =	vadd.s32 v0, v6;
	[tilespmem:s11+$0x10] =	vst v4  }
0x88: {  	v4 =	vadd.s32 v0, v8;
	[tilespmem:s11+$0x0] =	vst v5  }
0x89: {  	[tilespmem:s11+$0xFFFFFFF0] =	vst v4  }
0x8a: {  	[tilespmem:s30], [sflag:$0x2] =	stream.indirect.gather [hbm4b:s9+s29], $0x10, s24, s29, $0xb8;
	[tilespmem:$0x1D740] =	vst v63  }
0x8b: {  	s16 =	simm.s32 $0xC5B0  }
0x8c: {  	[tilespmem:s0], [sflag:$0x2] =	stream.indirect.gather [hbm4b:s9+s29], $0x10, s16, s29, $0xb8;
	[tilespmem:$0x1D740] =	vst v63  }
0x8d: {  	s17 =	simm.s32 $0xC630  }
0x8e: {  	[tilespmem:s5], [sflag:$0x2] =	stream.indirect.gather [hbm4b:s9+s29], $0x10, s17, s29, $0xb8;
	[tilespmem:$0x1D740] =	vst v63  }
0x8f: {  	s21 =	simm.s32 $0xC6B0  }
0x90: {  	[tilespmem:s12], [sflag:$0x2] =	stream.indirect.gather [hbm4b:s9+s29], $0x10, s21, s29, $0xb8;
	[tilespmem:$0x1D740] =	vst v63  }
0x91: {  	s16 =	simm.s32 $0xEB30  }
0x92: {  	[tilespmem:s16], [sflag:$0x4] =	stream.indirect.gather [spmem:s1], $0x10, s25, s29, $0xb8;
	[tilespmem:$0x1D740] =	vst v63  }
0x93: {  	_ =	swait.ge [sflag:s22], $0x800  }
0x94: {  	[sflag:s22] =	ssyncset.done $0x0  }
0x95: {  	s17 =	simm.s32 $0xC9B0;
	s21 =	simm.s32 $0xF330;
	[sflag:s22] =	ssyncadd.s32 $0xFFFFF800  }
0x96: {  	[tilespmem:s21], [sflag:$0x4] =	stream.indirect.gather [spmem:s1], $0x10, s17, s29, $0xb8;
	[tilespmem:$0x1D740] =	vst v63  }
0x97: {  	_ =	swait.ge [sflag:s22], $0x800  }
0x98: {  	[sflag:s22] =	ssyncset.done $0x0  }
0x99: {  	s17 =	simm.s32 $0xCA30;
	s21 =	simm.s32 $0xFB30;
	[sflag:s22] =	ssyncadd.s32 $0xFFFFF800  }
0x9a: {  	[tilespmem:s21], [sflag:$0x4] =	stream.indirect.gather [spmem:s1], $0x10, s17, s29, $0xb8;
	[tilespmem:$0x1D740] =	vst v63  }
0x9b: {  	_ =	swait.ge [sflag:s22], $0x800  }
0x9c: {  	[sflag:s22] =	ssyncset.done $0x0  }
0x9d: {  	s17 =	simm.s32 $0xCAB0;
	s21 =	simm.s32 $0x10330;
	[sflag:s22] =	ssyncadd.s32 $0xFFFFF800  }
0x9e: {  	[tilespmem:s21], [sflag:$0x4] =	stream.indirect.gather [spmem:s1], $0x10, s17, s29, $0xb8;
	[tilespmem:$0x1D740] =	vst v63  }
0x9f: {  	_ =	swait.ge [sflag:s22], $0x800  }
0xa0: {  	[sflag:s22] =	ssyncset.done $0x0  }
0xa1: {  	[sflag:s22] =	ssyncadd.s32 $0xFFFFF800  }
0xa2: {  	_ =	swait.ge [sflag:s15], $0x800  }
0xa3: {  	[sflag:s15] =	ssyncset.done $0x0  }
0xa4: {  	[sflag:s15] =	ssyncadd.s32 $0xFFFFF800  }
0xa5: {  	_ =	swait.ge [sflag:s15], $0x800  }
0xa6: {  	[sflag:s15] =	ssyncset.done $0x0  }
0xa7: {  	[sflag:s15] =	ssyncadd.s32 $0xFFFFF800  }
0xa8: {  	_ =	swait.ge [sflag:s15], $0x800  }
0xa9: {  	[sflag:s15] =	ssyncset.done $0x0  }
0xaa: {  	[sflag:s15] =	ssyncadd.s32 $0xFFFFF800  }
0xab: {  	_ =	swait.ge [sflag:s15], $0x800  }
0xac: {  	[sflag:s15] =	ssyncset.done $0x0  }
0xad: {  	s21 =	simm.s32 $0xCB70;
	[sflag:s15] =	ssyncadd.s32 $0xFFFFF800  }
0xae: {  	s11 =	simm.s32 $0xEB70;
	v5 =	vld [tilespmem:s21+$0x30]  }
0xaf: {  	v6 =	vld [tilespmem:s11+$0x30]  }
0xb0: {  	v4 =	vld [tilespmem:s11+$0xFFFFFFC0]  }
0xb1: {  	v7 =	vld [tilespmem:s21+$0xFFFFFFD0]  }
0xb2: {  	v8 =	vld [tilespmem:s11+$0xFFFFFFD0]  }
0xb3: {  	v9 =	vld [tilespmem:s21+$0xFFFFFFE0]  }
0xb4: {  	v10 =	vld [tilespmem:s11+$0xFFFFFFE0]  }
0xb5: {  	v11 =	vld [tilespmem:s21+$0xFFFFFFF0]  }
0xb6: {  	v12 =	vld [tilespmem:s11+$0xFFFFFFF0]  }
0xb7: {  	v13 =	vld [tilespmem:s21+$0x0]  }
0xb8: {  	v14 =	vld [tilespmem:s11+$0x0];
	v6 =	vmul.f32 v6, v5  }
0xb9: {  	v8 =	vmul.f32 v8, v7;
	v5 =	vld [tilespmem:s21+$0x10]  }
0xba: {  	v9 =	vmul.f32 v10, v9;
	v7 =	vld [tilespmem:s11+$0x10];
	[tilespmem:s21+$0x30] =	vst v6  }
0xbb: {  	v10 =	vmul.f32 v12, v11;
	[tilespmem:s21+$0xFFFFFFD0] =	vst v8;
	v6 =	vld [tilespmem:s21+$0x20]  }
0xbc: {  	[tilespmem:s21+$0xFFFFFFE0] =	vst v9;
	v9 =	vld [tilespmem:s11+$0x20]  }
0xbd: {  	s16 =	simm.s32 $0x0;
	s17 =	simm.s32 $0xCBF0;
	v8 =	vld [tilespmem:s21+$0xFFFFFFC0];
	[tilespmem:s21+$0xFFFFFFF0] =	vst v10;
	v10 =	vmul.f32 v14, v13  }
.LBB2_9:
0xbe: {  	v11 =	vld [tilespmem:s17+$0x30];
	s11 =	sadd.s32 $0x80, s11  }
0xbf: {  	s16 =	sadd.s32 $0x8, s16;
	v12 =	vld [tilespmem:s11+$0x30];
	[tilespmem:s21+$0x0] =	vst v10;
	v5 =	vmul.f32 v7, v5  }
0xc0: {  	p1 =	slt.u32 s16, $0x1F8;
	v7 =	vld [tilespmem:s11+$0xFFFFFFC0]  }
0xc1: {  	v10 =	vld [tilespmem:s17+$0xFFFFFFD0];
	[tilespmem:s21+$0x10] =	vst v5;
	v5 =	vmul.f32 v9, v6  }
0xc2: {  	v6 =	vld [tilespmem:s11+$0xFFFFFFD0];
	v13 =	vmul.f32 v4, v8  }
0xc3: {  	v8 =	vld [tilespmem:s17+$0xFFFFFFE0];
	[tilespmem:s21+$0x20] =	vst v5  }
0xc4: {  	v5 =	vld [tilespmem:s11+$0xFFFFFFE0];
	v9 =	vmul.f32 v12, v11;
	[tilespmem:s21+$0xFFFFFFC0] =	vst v13;
	s21 =	smov.u32 s17  }
0xc5: {  	v11 =	vld [tilespmem:s17+$0xFFFFFFF0];
	v4 =	vmov v7  }
0xc6: {  	v12 =	vld [tilespmem:s11+$0xFFFFFFF0];
	[tilespmem:s17+$0x30] =	vst v9  }
0xc7: {  	v6 =	vmul.f32 v6, v10;
	v10 =	vld [tilespmem:s17+$0x0]  }
0xc8: {  	v13 =	vld [tilespmem:s11+$0x0]  }
.Ltmp3:
0xc9: {  	[tilespmem:s17+$0xFFFFFFD0] =	vst v6;
	v6 =	vmul.f32 v5, v8;
	v5 =	vld [tilespmem:s17+$0x10];
	(pc) =	sbr.rel @p1 .LBB2_9-.Ltmp3, $4  }
0xca: {  	v7 =	vld [tilespmem:s11+$0x10]  }
0xcb: {  	[tilespmem:s17+$0xFFFFFFE0] =	vst v6;
	v11 =	vmul.f32 v12, v11;
	v6 =	vld [tilespmem:s17+$0x20]  }
0xcc: {  	v9 =	vld [tilespmem:s11+$0x20]  }
0xcd: {  	s17 =	sadd.s32 $0x80, s17;
	v8 =	vld [tilespmem:s21+$0xFFFFFFC0];
	[tilespmem:s21+$0xFFFFFFF0] =	vst v11;
	v10 =	vmul.f32 v13, v10  }
0xce: {  	_ =	sdelay $0x1  }
0xcf: {  	v5 =	vmul.f32 v7, v5  }
0xd0: {  	[tilespmem:s21+$0x0] =	vst v10;
	v6 =	vmul.f32 v9, v6  }
0xd1: {  	[tilespmem:s21+$0x10] =	vst v5;
	v4 =	vmul.f32 v4, v8  }
0xd2: {  	[tilespmem:s21+$0x20] =	vst v6  }
0xd3: {  	[tilespmem:s21+$0xFFFFFFC0] =	vst v4  }
0xd4: {  	[spmem:s2] =	stream.indirect.scatter.add.f32 [tilespmem:s30], [sflag:$0x3], $0x10, s26, s23, $0xb8;
	[tilespmem:$0x1D740] =	vst v63  }
0xd5: {  	s11 =	simm.s32 $0xC770;
	s16 =	simm.s32 $0xCF30  }
0xd6: {  	[spmem:s2] =	stream.indirect.scatter.add.f32 [tilespmem:s16], [sflag:$0x3], $0x10, s11, s23, $0xb8;
	[tilespmem:$0x1D740] =	vst v63  }
0xd7: {  	s21 =	simm.s32 $0xC7B0  }
0xd8: {  	[spmem:s2] =	stream.indirect.scatter.add.f32 [tilespmem:s0], [sflag:$0x3], $0x10, s21, s23, $0xb8;
	[tilespmem:$0x1D740] =	vst v63  }
0xd9: {  	s17 =	simm.s32 $0xD730;
	s16 =	simm.s32 $0xC7F0  }
0xda: {  	[spmem:s2] =	stream.indirect.scatter.add.f32 [tilespmem:s17], [sflag:$0x3], $0x10, s16, s23, $0xb8;
	[tilespmem:$0x1D740] =	vst v63  }
0xdb: {  	s21 =	simm.s32 $0xC830  }
0xdc: {  	[spmem:s2] =	stream.indirect.scatter.add.f32 [tilespmem:s5], [sflag:$0x3], $0x10, s21, s23, $0xb8;
	[tilespmem:$0x1D740] =	vst v63  }
0xdd: {  	_ = 	snop  }
0xde: {  	[spmem:s2] =	stream.indirect.scatter.add.f32 [tilespmem:s19], [sflag:$0x3], $0x10, s18, s23, $0xb8;
	[tilespmem:$0x1D740] =	vst v63  }
0xdf: {  	_ = 	snop  }
0xe0: {  	[spmem:s2] =	stream.indirect.scatter.add.f32 [tilespmem:s12], [sflag:$0x3], $0x10, s20, s23, $0xb8;
	[tilespmem:$0x1D740] =	vst v63  }
0xe1: {  	_ = 	snop  }
0xe2: {  	[spmem:s2] =	stream.indirect.scatter.add.f32 [tilespmem:s3], [sflag:$0x3], $0x10, s13, s23, $0xb8;
	[tilespmem:$0x1D740] =	vst v63  }
0xe3: {  	_ =	swait.ge [sflag:s14], $0x400  }
0xe4: {  	[sflag:s14] =	ssyncset.done $0x0  }
0xe5: {  	[sflag:s14] =	ssyncadd.s32 $0xFFFFFC00  }
0xe6: {  	_ =	swait.ge [sflag:s14], $0x400  }
0xe7: {  	[sflag:s14] =	ssyncset.done $0x0  }
0xe8: {  	[sflag:s14] =	ssyncadd.s32 $0xFFFFFC00  }
0xe9: {  	_ =	swait.ge [sflag:s14], $0x400  }
0xea: {  	[sflag:s14] =	ssyncset.done $0x0  }
0xeb: {  	[sflag:s14] =	ssyncadd.s32 $0xFFFFFC00  }
0xec: {  	_ =	swait.ge [sflag:s14], $0x400  }
0xed: {  	[sflag:s14] =	ssyncset.done $0x0  }
0xee: {  	[sflag:s14] =	ssyncadd.s32 $0xFFFFFC00  }
0xef: {  	_ =	swait.ge [sflag:s14], $0x400  }
0xf0: {  	[sflag:s14] =	ssyncset.done $0x0  }
0xf1: {  	[sflag:s14] =	ssyncadd.s32 $0xFFFFFC00  }
0xf2: {  	_ =	swait.ge [sflag:s14], $0x400  }
0xf3: {  	[sflag:s14] =	ssyncset.done $0x0  }
0xf4: {  	s31 =	sadd.s32 $0x1, s31;
	[sflag:s14] =	ssyncadd.s32 $0xFFFFFC00  }
0xf5: {  	p1 =	sne.s32 s31, $0x62;
	_ =	swait.ge [sflag:s14], $0x400  }
.Ltmp4:
0xf6: {  	[sflag:s14] =	ssyncset.done $0x0;
	(pc) =	sbr.rel @p1 .LBB2_6-.Ltmp4, $4  }
0xf7: {  	[sflag:s14] =	ssyncadd.s32 $0xFFFFFC00  }
0xf8: {  	_ =	swait.ge [sflag:s14], $0x400  }
0xf9: {  	[sflag:s14] =	ssyncset.done $0x0  }
0xfa: {  	[sflag:s14] =	ssyncadd.s32 $0xFFFFFC00  }
0xfb: {  	[bflag:$0x0] =	sbarrier.arrive $0xFFFF  }
0xfc: {  	s31 =	simm.s32 $0x10B30;
	s21 =	rddreg [dreg:$0xa]  }
0xfd: {  	[tilespmem:s31], [sflag:$0x4] =	stream.linear.gather [spmem:s21], $0xC380, $0x38;
	[tilespmem:$0x1D740] =	vst v63  }
0xfe: {  	_ =	swait.ge [sflag:s22], $0xC380  }
0xff: {  	[sflag:s22] =	ssyncset.done $0x0  }
0x100: {  	v4 =	vimm.f32 $0.0e+00;
	s11 =	simm.s32 $0x0;
	s16 =	simm.s32 $0x40;
	[sflag:s22] =	ssyncadd.s32 $0xFFFF3C80  }
.LBB2_12:
0x101: {  	p1 =	sne.s32 s16, $0x30DC0;
	v5 =	vld [tilespmem:s11+$0x10B30];
	_ =	sdelay $0x2  }
.Ltmp5:
0x102: {  	(pc) =	sbr.rel @p1 .LBB2_12-.Ltmp5, $4  }
0x103: {  	_ = 	snop  }
0x104: {  	v5 =	vmax.f32 v5, $0.0e+00  }
0x105: {  	v5 =	vmin.f32 v5, $1.000000000e+00  }
0x106: {  	[tilespmem:s11+$0x10B30] =	vst v5;
	s11 =	sshra.s32 s16, $0x2;
	s16 =	sadd.s32 $0x40, s16;
	v4 =	vmax.f32 v4, v5  }
0x107: {  	v5 =	vld [tilespmem:s11+$0x10B30];
	_ =	sdelay $0x4  }
0x108: {  	v5 =	vmax.f32 v5, $0.0e+00  }
0x109: {  	v5 =	vmin.f32 v5, $1.000000000e+00  }
0x10a: {  	[tilespmem:s11+$0x10B30] =	vst v5;
	v4 =	vmax.f32 v4, v5  }
0x10b: {  	s17 =	rddreg [dreg:$0xb];
	s16 =	simm.s32 $0x1CEB0;
	[tilespmem:$0x1CEB0] =	vst v4  }
0x10c: {  	[spmem:s17] =	stream.linear.scatter [tilespmem:s16], [sflag:$0x4], $0x80, $0x38;
	[tilespmem:$0x1D740] =	vst v63  }
0x10d: {  	_ =	swait.ge [sflag:s22], $0x80  }
0x10e: {  	[sflag:s22] =	ssyncset.done $0x0  }
0x10f: {  	[sflag:s22] =	ssyncadd.s32 $0xFFFFFF80  }
0x110: {  	[bflag:$0x0] =	sbarrier.arrive $0xFFFF  }
0x111: {  	s17 =	simm.s32 $0x1CF40;
	s16 =	rddreg [dreg:$0x4]  }
0x112: {  	[tilespmem:s17], [sflag:$0x4] =	stream.linear.gather [spmem:s16], $0x800, $0x38;
	[tilespmem:$0x1D740] =	vst v63  }
0x113: {  	_ =	swait.ge [sflag:s22], $0x800  }
0x114: {  	[sflag:s22] =	ssyncset.done $0x0  }
0x115: {  	[sflag:s22] =	ssyncadd.s32 $0xFFFFF800  }
0x116: {  	v4 =	vld [tilespmem:$0x1CF40]  }
0x117: {  	v5 =	vld [tilespmem:$0x1CFC0]  }
0x118: {  	v6 =	vld [tilespmem:$0x1D040]  }
0x119: {  	v7 =	vld [tilespmem:$0x1D0C0]  }
0x11a: {  	v8 =	vld [tilespmem:$0x1D140]  }
0x11b: {  	v9 =	vld [tilespmem:$0x1D1C0];
	v4 =	vmax.f32 v4, $0.0e+00  }
0x11c: {  	v4 =	vmax.f32 v4, v5;
	v5 =	vld [tilespmem:$0x1D240]  }
0x11d: {  	v4 =	vmax.f32 v4, v6;
	v6 =	vld [tilespmem:$0x1D2C0]  }
0x11e: {  	v4 =	vmax.f32 v4, v7;
	v7 =	vld [tilespmem:$0x1D340]  }
0x11f: {  	v4 =	vmax.f32 v4, v8;
	v8 =	vld [tilespmem:$0x1D3C0]  }
0x120: {  	v4 =	vmax.f32 v4, v9;
	v9 =	vld [tilespmem:$0x1D440]  }
0x121: {  	v4 =	vmax.f32 v4, v5;
	v5 =	vld [tilespmem:$0x1D4C0]  }
0x122: {  	v4 =	vmax.f32 v4, v6;
	v6 =	vld [tilespmem:$0x1D540]  }
0x123: {  	v4 =	vmax.f32 v4, v7;
	v7 =	vld [tilespmem:$0x1D5C0]  }
0x124: {  	v4 =	vmax.f32 v4, v8;
	v8 =	vld [tilespmem:$0x1D640]  }
0x125: {  	v4 =	vmax.f32 v4, v9;
	v9 =	vld [tilespmem:$0x1D6C0]  }
0x126: {  	v4 =	vmax.f32 v4, v5  }
0x127: {  	v4 =	vmax.f32 v4, v6  }
0x128: {  	v4 =	vmax.f32 v4, v7  }
0x129: {  	v4 =	vmax.f32 v4, v8  }
0x12a: {  	v4 =	vmax.f32 v4, v9  }
0x12b: {  	vm0 =	vgt.f32 v4, $0.0e+00  }
0x12c: {  	v4 =	vnsel vm0, $0x3F800000, v4  }
0x12d: {  	(erf) = vrcp.f32 v4;
	_ =	sdelay $0x3  }
0x12e: {  	s11 =	simm.s32 $0x10B70  }
0x12f: {  	v7 =	vld [tilespmem:s11+$0x30]  }
0x130: {  	v9 =	vld [tilespmem:s11+$0xFFFFFFD0]  }
0x131: {  	v11 =	vld [tilespmem:s11+$0xFFFFFFE0]  }
0x132: {  	v8 =	vld [tilespmem:s11+$0xFFFFFFF0]  }
0x133: {  	v6 =	vld [tilespmem:s11+$0x0];
	v4 =	vpop (erf)  }
0x134: {  	v5 =	vld [tilespmem:s11+$0x10];
	v12 =	vmul.f32 v7, v4  }
0x135: {  	v7 =	vld [tilespmem:s11+$0x20];
	v10 =	vmul.f32 v9, v4  }
0x136: {  	s16 =	simm.s32 $0x0;
	s17 =	simm.s32 $0x10BF0;
	v9 =	vld [tilespmem:s11+$0xFFFFFFC0];
	v11 =	vmul.f32 v11, v4;
	[tilespmem:s11+$0x30] =	vst v12  }
.LBB2_14:
0x137: {  	v12 =	vld [tilespmem:s17+$0x30];
	s16 =	sadd.s32 $0x8, s16;
	[tilespmem:s11+$0xFFFFFFD0] =	vst v10;
	v8 =	vmul.f32 v8, v4  }
0x138: {  	v10 =	vld [tilespmem:s17+$0xFFFFFFD0];
	p1 =	slt.u32 s16, $0xC30;
	[tilespmem:s11+$0xFFFFFFE0] =	vst v11;
	v6 =	vmul.f32 v6, v4  }
0x139: {  	v11 =	vld [tilespmem:s17+$0xFFFFFFE0];
	[tilespmem:s11+$0xFFFFFFF0] =	vst v8;
	v5 =	vmul.f32 v5, v4  }
.Ltmp6:
0x13a: {  	v8 =	vld [tilespmem:s17+$0xFFFFFFF0];
	[tilespmem:s11+$0x0] =	vst v6;
	v7 =	vmul.f32 v7, v4;
	(pc) =	sbr.rel @p1 .LBB2_14-.Ltmp6, $4  }
0x13b: {  	v6 =	vld [tilespmem:s17+$0x0];
	v9 =	vmul.f32 v9, v4;
	[tilespmem:s11+$0x10] =	vst v5  }
0x13c: {  	v5 =	vld [tilespmem:s17+$0x10];
	v12 =	vmul.f32 v12, v4;
	[tilespmem:s11+$0x20] =	vst v7  }
0x13d: {  	v10 =	vmul.f32 v10, v4;
	v7 =	vld [tilespmem:s17+$0x20];
	[tilespmem:s11+$0xFFFFFFC0] =	vst v9;
	s11 =	smov.u32 s17  }
0x13e: {  	s17 =	sadd.s32 $0x80, s17;
	v9 =	vld [tilespmem:s11+$0xFFFFFFC0];
	v11 =	vmul.f32 v11, v4;
	[tilespmem:s11+$0x30] =	vst v12  }
0x13f: {  	[tilespmem:s11+$0xFFFFFFD0] =	vst v10;
	v8 =	vmul.f32 v8, v4  }
0x140: {  	[tilespmem:s11+$0xFFFFFFE0] =	vst v11;
	v6 =	vmul.f32 v6, v4  }
0x141: {  	[tilespmem:s11+$0xFFFFFFF0] =	vst v8;
	v5 =	vmul.f32 v5, v4  }
0x142: {  	[tilespmem:s11+$0x0] =	vst v6;
	v63 =	vmul.f32 v7, v4  }
0x143: {  	v4 =	vmul.f32 v9, v4;
	[tilespmem:s11+$0x10] =	vst v5  }
0x144: {  	[tilespmem:s11+$0x20] =	vst v63  }
0x145: {  	[tilespmem:s11+$0xFFFFFFC0] =	vst v4  }
0x146: {  	s11 =	rddreg [dreg:$0xc]  }
0x147: {  	[hbm4b:s11+s4] =	stream.linear.scatter [tilespmem:s31], [sflag:$0x4], $0xC380, $0x38;
	[tilespmem:$0x1D740] =	vst v63  }
0x148: {  	_ =	swait.ge [sflag:s22], $0xC380  }
0x149: {  	[sflag:s22] =	ssyncset.done $0x0  }
0x14a: {  	s11 =	simm.s32 $0x10B70;
	[sflag:s22] =	ssyncadd.s32 $0xFFFF3C80  }
0x14b: {  	[tilespmem:s11+$0xFFFFFFC0] =	vst v3  }
0x14c: {  	[tilespmem:s11+$0x30] =	vst v3  }
0x14d: {  	[tilespmem:s11+$0x20] =	vst v3  }
0x14e: {  	[tilespmem:s11+$0x10] =	vst v3  }
0x14f: {  	[tilespmem:s11+$0x0] =	vst v3  }
0x150: {  	[tilespmem:s11+$0xFFFFFFF0] =	vst v3  }
0x151: {  	s16 =	simm.s32 $0x0;
	[tilespmem:s11+$0xFFFFFFE0] =	vst v3  }
.LBB2_16:
0x152: {  	s16 =	sadd.s32 $0x8, s16;
	[tilespmem:s11+$0xFFFFFFD0] =	vst v3;
	s11 =	sadd.s32 $0x80, s11  }
0x153: {  	[tilespmem:s11+$0xFFFFFFC0] =	vst v3;
	p1 =	slt.u32 s16, $0xC30  }
0x154: {  	[tilespmem:s11+$0x30] =	vst v3  }
.Ltmp7:
0x155: {  	[tilespmem:s11+$0x20] =	vst v3;
	(pc) =	sbr.rel @p1 .LBB2_16-.Ltmp7, $4  }
0x156: {  	[tilespmem:s11+$0x10] =	vst v3  }
0x157: {  	[tilespmem:s11+$0x0] =	vst v3  }
0x158: {  	[tilespmem:s11+$0xFFFFFFF0] =	vst v3  }
0x159: {  	[tilespmem:s11+$0xFFFFFFE0] =	vst v3  }
0x15a: {  	[tilespmem:s11+$0xFFFFFFD0] =	vst v3  }
0x15b: {  	[spmem:s21] =	stream.linear.scatter [tilespmem:s31], [sflag:$0x4], $0xC380, $0x38;
	[tilespmem:$0x1D740] =	vst v63  }
0x15c: {  	_ =	swait.ge [sflag:s22], $0xC380  }
0x15d: {  	[sflag:s22] =	ssyncset.done $0x0  }
0x15e: {  	[sflag:s22] =	ssyncadd.s32 $0xFFFF3C80  }
0x15f: {  	s31 =	simm.s32 $0x0;
	[bflag:$0x0] =	sbarrier.arrive $0xFFFF  }
.LBB2_18:
0x160: {  	s11 =	sshll.u32 s31, $0x9  }
0x161: {  	s11 =	sadd.s32 s10, s11  }
0x162: {  	s11 =	sshrl.u32 s11, $0x3  }
0x163: {  	s16 =	sadd.s32 s6, s11;
	s21 =	sadd.s32 s7, s11  }
0x164: {  	[tilespmem:s24], [sflag:$0x1] =	stream.linear.gather [hbm4b:s16+s4], $0x200, $0x38;
	[tilespmem:$0x1D740] =	vst v63  }
0x165: {  	s16 =	sadd.s32 $0x18800, s21  }
0x166: {  	[tilespmem:s25], [sflag:$0x1] =	stream.linear.gather [hbm4b:s16+s4], $0x200, $0x38;
	[tilespmem:$0x1D740] =	vst v63  }
0x167: {  	s11 =	sadd.s32 s8, s11  }
0x168: {  	[tilespmem:s26], [sflag:$0x1] =	stream.linear.gather [hbm4b:s11+s4], $0x200, $0x38;
	[tilespmem:$0x1D740] =	vst v63  }
0x169: {  	_ =	swait.ge [sflag:s28], $0x200  }
0x16a: {  	[sflag:s28] =	ssyncset.done $0x0  }
0x16b: {  	[sflag:s28] =	ssyncadd.s32 $0xFFFFFE00  }
0x16c: {  	_ =	swait.ge [sflag:s28], $0x200  }
0x16d: {  	[sflag:s28] =	ssyncset.done $0x0  }
0x16e: {  	[sflag:s28] =	ssyncadd.s32 $0xFFFFFE00  }
0x16f: {  	_ =	swait.ge [sflag:s28], $0x200  }
0x170: {  	[sflag:s28] =	ssyncset.done $0x0  }
0x171: {  	s16 =	simm.s32 $0xC550;
	[sflag:s28] =	ssyncadd.s32 $0xFFFFFE00  }
0x172: {  	v4 =	vld [tilespmem:s16+$0xFFFFFFE0]  }
0x173: {  	v6 =	vld [tilespmem:s16+$0x0]  }
0x174: {  	v5 =	vld [tilespmem:s16+$0x10]  }
0x175: {  	v7 =	vld [tilespmem:s16+$0xFFFFFFF0];
	_ =	sdelay $0x1  }
0x176: {  	s11 =	simm.s32 $0xC590;
	v8 =	vadd.s32 v1, v4  }
0x177: {  	v4 =	vld [tilespmem:s11+$0xFFFFFFE0];
	v9 =	vadd.s32 v1, v6;
	[tilespmem:s16+$0xFFFFFFE0] =	vst v8  }
0x178: {  	v6 =	vld [tilespmem:s11+$0x0];
	v8 =	vadd.s32 v1, v5;
	[tilespmem:s16+$0x0] =	vst v9  }
0x179: {  	s17 =	simm.s32 $0x4;
	v7 =	vadd.s32 v1, v7;
	v5 =	vld [tilespmem:s11+$0x10];
	[tilespmem:s16+$0x10] =	vst v8  }
.LBB2_19:
0x17a: {  	s17 =	sadd.s32 $0x4, s17  }
0x17b: {  	v8 =	vld [tilespmem:s11+$0xFFFFFFF0];
	[tilespmem:s16+$0xFFFFFFF0] =	vst v7;
	s16 =	smov.u32 s11;
	p1 =	slt.u32 s17, $0x1C  }
.Ltmp8:
0x17c: {  	(pc) =	sbr.rel @p1 .LBB2_19-.Ltmp8, $4  }
0x17d: {  	s11 =	sadd.s32 $0x40, s11;
	v7 =	vadd.s32 v1, v4  }
0x17e: {  	v4 =	vld [tilespmem:s11+$0xFFFFFFE0];
	[tilespmem:s16+$0xFFFFFFE0] =	vst v7;
	v7 =	vadd.s32 v1, v5  }
0x17f: {  	v5 =	vld [tilespmem:s11+$0x10];
	v9 =	vadd.s32 v1, v6;
	[tilespmem:s16+$0x10] =	vst v7  }
0x180: {  	v6 =	vld [tilespmem:s11+$0x0];
	v7 =	vadd.s32 v1, v8;
	[tilespmem:s16+$0x0] =	vst v9  }
0x181: {  	v8 =	vld [tilespmem:s11+$0xFFFFFFF0];
	_ =	sdelay $0x1  }
0x182: {  	[tilespmem:s16+$0xFFFFFFF0] =	vst v7;
	v4 =	vadd.s32 v1, v4  }
0x183: {  	[tilespmem:s11+$0xFFFFFFE0] =	vst v4;
	v4 =	vadd.s32 v1, v5  }
0x184: {  	v5 =	vadd.s32 v1, v6;
	[tilespmem:s11+$0x10] =	vst v4  }
0x185: {  	v4 =	vadd.s32 v1, v8;
	[tilespmem:s11+$0x0] =	vst v5  }
0x186: {  	[tilespmem:s11+$0xFFFFFFF0] =	vst v4  }
0x187: {  	[tilespmem:s30], [sflag:$0x2] =	stream.indirect.gather [hbm4b:s9+s29], $0x10, s24, s29, $0xb8;
	[tilespmem:$0x1D740] =	vst v63  }
0x188: {  	s16 =	simm.s32 $0xC5B0  }
0x189: {  	[tilespmem:s0], [sflag:$0x2] =	stream.indirect.gather [hbm4b:s9+s29], $0x10, s16, s29, $0xb8;
	[tilespmem:$0x1D740] =	vst v63  }
0x18a: {  	s17 =	simm.s32 $0xC630  }
0x18b: {  	[tilespmem:s5], [sflag:$0x2] =	stream.indirect.gather [hbm4b:s9+s29], $0x10, s17, s29, $0xb8;
	[tilespmem:$0x1D740] =	vst v63  }
0x18c: {  	s21 =	simm.s32 $0xC6B0  }
0x18d: {  	[tilespmem:s12], [sflag:$0x2] =	stream.indirect.gather [hbm4b:s9+s29], $0x10, s21, s29, $0xb8;
	[tilespmem:$0x1D740] =	vst v63  }
0x18e: {  	s16 =	simm.s32 $0xEB30  }
0x18f: {  	[tilespmem:s16], [sflag:$0x4] =	stream.indirect.gather [spmem:s1], $0x10, s25, s29, $0xb8;
	[tilespmem:$0x1D740] =	vst v63  }
0x190: {  	_ =	swait.ge [sflag:s22], $0x800  }
0x191: {  	[sflag:s22] =	ssyncset.done $0x0  }
0x192: {  	s17 =	simm.s32 $0xC9B0;
	s21 =	simm.s32 $0xF330;
	[sflag:s22] =	ssyncadd.s32 $0xFFFFF800  }
0x193: {  	[tilespmem:s21], [sflag:$0x4] =	stream.indirect.gather [spmem:s1], $0x10, s17, s29, $0xb8;
	[tilespmem:$0x1D740] =	vst v63  }
0x194: {  	_ =	swait.ge [sflag:s22], $0x800  }
0x195: {  	[sflag:s22] =	ssyncset.done $0x0  }
0x196: {  	s17 =	simm.s32 $0xCA30;
	s21 =	simm.s32 $0xFB30;
	[sflag:s22] =	ssyncadd.s32 $0xFFFFF800  }
0x197: {  	[tilespmem:s21], [sflag:$0x4] =	stream.indirect.gather [spmem:s1], $0x10, s17, s29, $0xb8;
	[tilespmem:$0x1D740] =	vst v63  }
0x198: {  	_ =	swait.ge [sflag:s22], $0x800  }
0x199: {  	[sflag:s22] =	ssyncset.done $0x0  }
0x19a: {  	s17 =	simm.s32 $0xCAB0;
	s21 =	simm.s32 $0x10330;
	[sflag:s22] =	ssyncadd.s32 $0xFFFFF800  }
0x19b: {  	[tilespmem:s21], [sflag:$0x4] =	stream.indirect.gather [spmem:s1], $0x10, s17, s29, $0xb8;
	[tilespmem:$0x1D740] =	vst v63  }
0x19c: {  	_ =	swait.ge [sflag:s22], $0x800  }
0x19d: {  	[sflag:s22] =	ssyncset.done $0x0  }
0x19e: {  	[sflag:s22] =	ssyncadd.s32 $0xFFFFF800  }
0x19f: {  	_ =	swait.ge [sflag:s15], $0x800  }
0x1a0: {  	[sflag:s15] =	ssyncset.done $0x0  }
0x1a1: {  	[sflag:s15] =	ssyncadd.s32 $0xFFFFF800  }
0x1a2: {  	_ =	swait.ge [sflag:s15], $0x800  }
0x1a3: {  	[sflag:s15] =	ssyncset.done $0x0  }
0x1a4: {  	[sflag:s15] =	ssyncadd.s32 $0xFFFFF800  }
0x1a5: {  	_ =	swait.ge [sflag:s15], $0x800  }
0x1a6: {  	[sflag:s15] =	ssyncset.done $0x0  }
0x1a7: {  	[sflag:s15] =	ssyncadd.s32 $0xFFFFF800  }
0x1a8: {  	_ =	swait.ge [sflag:s15], $0x800  }
0x1a9: {  	[sflag:s15] =	ssyncset.done $0x0  }
0x1aa: {  	s21 =	simm.s32 $0xCB70;
	[sflag:s15] =	ssyncadd.s32 $0xFFFFF800  }
0x1ab: {  	s11 =	simm.s32 $0xEB70;
	v5 =	vld [tilespmem:s21+$0x30]  }
0x1ac: {  	v6 =	vld [tilespmem:s11+$0x30]  }
0x1ad: {  	v4 =	vld [tilespmem:s11+$0xFFFFFFC0]  }
0x1ae: {  	v7 =	vld [tilespmem:s21+$0xFFFFFFD0]  }
0x1af: {  	v8 =	vld [tilespmem:s11+$0xFFFFFFD0]  }
0x1b0: {  	v9 =	vld [tilespmem:s21+$0xFFFFFFE0]  }
0x1b1: {  	v10 =	vld [tilespmem:s11+$0xFFFFFFE0]  }
0x1b2: {  	v11 =	vld [tilespmem:s21+$0xFFFFFFF0]  }
0x1b3: {  	v12 =	vld [tilespmem:s11+$0xFFFFFFF0]  }
0x1b4: {  	v13 =	vld [tilespmem:s21+$0x0]  }
0x1b5: {  	v14 =	vld [tilespmem:s11+$0x0];
	v6 =	vmul.f32 v6, v5  }
0x1b6: {  	v8 =	vmul.f32 v8, v7;
	v5 =	vld [tilespmem:s21+$0x10]  }
0x1b7: {  	v9 =	vmul.f32 v10, v9;
	v7 =	vld [tilespmem:s11+$0x10];
	[tilespmem:s21+$0x30] =	vst v6  }
0x1b8: {  	v10 =	vmul.f32 v12, v11;
	[tilespmem:s21+$0xFFFFFFD0] =	vst v8;
	v6 =	vld [tilespmem:s21+$0x20]  }
0x1b9: {  	[tilespmem:s21+$0xFFFFFFE0] =	vst v9;
	v9 =	vld [tilespmem:s11+$0x20]  }
0x1ba: {  	s16 =	simm.s32 $0x0;
	s17 =	simm.s32 $0xCBF0;
	v8 =	vld [tilespmem:s21+$0xFFFFFFC0];
	[tilespmem:s21+$0xFFFFFFF0] =	vst v10;
	v10 =	vmul.f32 v14, v13  }
.LBB2_21:
0x1bb: {  	v11 =	vld [tilespmem:s17+$0x30];
	s11 =	sadd.s32 $0x80, s11  }
0x1bc: {  	s16 =	sadd.s32 $0x8, s16;
	v12 =	vld [tilespmem:s11+$0x30];
	[tilespmem:s21+$0x0] =	vst v10;
	v5 =	vmul.f32 v7, v5  }
0x1bd: {  	p1 =	slt.u32 s16, $0x1F8;
	v7 =	vld [tilespmem:s11+$0xFFFFFFC0]  }
0x1be: {  	v10 =	vld [tilespmem:s17+$0xFFFFFFD0];
	[tilespmem:s21+$0x10] =	vst v5;
	v5 =	vmul.f32 v9, v6  }
0x1bf: {  	v6 =	vld [tilespmem:s11+$0xFFFFFFD0];
	v13 =	vmul.f32 v4, v8  }
0x1c0: {  	v8 =	vld [tilespmem:s17+$0xFFFFFFE0];
	[tilespmem:s21+$0x20] =	vst v5  }
0x1c1: {  	v5 =	vld [tilespmem:s11+$0xFFFFFFE0];
	v9 =	vmul.f32 v12, v11;
	[tilespmem:s21+$0xFFFFFFC0] =	vst v13;
	s21 =	smov.u32 s17  }
0x1c2: {  	v11 =	vld [tilespmem:s17+$0xFFFFFFF0];
	v4 =	vmov v7  }
0x1c3: {  	v12 =	vld [tilespmem:s11+$0xFFFFFFF0];
	[tilespmem:s17+$0x30] =	vst v9  }
0x1c4: {  	v6 =	vmul.f32 v6, v10;
	v10 =	vld [tilespmem:s17+$0x0]  }
0x1c5: {  	v13 =	vld [tilespmem:s11+$0x0]  }
.Ltmp9:
0x1c6: {  	[tilespmem:s17+$0xFFFFFFD0] =	vst v6;
	v6 =	vmul.f32 v5, v8;
	v5 =	vld [tilespmem:s17+$0x10];
	(pc) =	sbr.rel @p1 .LBB2_21-.Ltmp9, $4  }
0x1c7: {  	v7 =	vld [tilespmem:s11+$0x10]  }
0x1c8: {  	[tilespmem:s17+$0xFFFFFFE0] =	vst v6;
	v11 =	vmul.f32 v12, v11;
	v6 =	vld [tilespmem:s17+$0x20]  }
0x1c9: {  	v9 =	vld [tilespmem:s11+$0x20]  }
0x1ca: {  	s17 =	sadd.s32 $0x80, s17;
	v8 =	vld [tilespmem:s21+$0xFFFFFFC0];
	[tilespmem:s21+$0xFFFFFFF0] =	vst v11;
	v10 =	vmul.f32 v13, v10  }
0x1cb: {  	_ =	sdelay $0x1  }
0x1cc: {  	v5 =	vmul.f32 v7, v5  }
0x1cd: {  	[tilespmem:s21+$0x0] =	vst v10;
	v6 =	vmul.f32 v9, v6  }
0x1ce: {  	[tilespmem:s21+$0x10] =	vst v5;
	v4 =	vmul.f32 v4, v8  }
0x1cf: {  	[tilespmem:s21+$0x20] =	vst v6  }
0x1d0: {  	[tilespmem:s21+$0xFFFFFFC0] =	vst v4  }
0x1d1: {  	[spmem:s2] =	stream.indirect.scatter.add.f32 [tilespmem:s30], [sflag:$0x3], $0x10, s26, s23, $0xb8;
	[tilespmem:$0x1D740] =	vst v63  }
0x1d2: {  	s11 =	simm.s32 $0xC770;
	s16 =	simm.s32 $0xCF30  }
0x1d3: {  	[spmem:s2] =	stream.indirect.scatter.add.f32 [tilespmem:s16], [sflag:$0x3], $0x10, s11, s23, $0xb8;
	[tilespmem:$0x1D740] =	vst v63  }
0x1d4: {  	s21 =	simm.s32 $0xC7B0  }
0x1d5: {  	[spmem:s2] =	stream.indirect.scatter.add.f32 [tilespmem:s0], [sflag:$0x3], $0x10, s21, s23, $0xb8;
	[tilespmem:$0x1D740] =	vst v63  }
0x1d6: {  	s17 =	simm.s32 $0xD730;
	s16 =	simm.s32 $0xC7F0  }
0x1d7: {  	[spmem:s2] =	stream.indirect.scatter.add.f32 [tilespmem:s17], [sflag:$0x3], $0x10, s16, s23, $0xb8;
	[tilespmem:$0x1D740] =	vst v63  }
0x1d8: {  	s21 =	simm.s32 $0xC830  }
0x1d9: {  	[spmem:s2] =	stream.indirect.scatter.add.f32 [tilespmem:s5], [sflag:$0x3], $0x10, s21, s23, $0xb8;
	[tilespmem:$0x1D740] =	vst v63  }
0x1da: {  	_ = 	snop  }
0x1db: {  	[spmem:s2] =	stream.indirect.scatter.add.f32 [tilespmem:s19], [sflag:$0x3], $0x10, s18, s23, $0xb8;
	[tilespmem:$0x1D740] =	vst v63  }
0x1dc: {  	_ = 	snop  }
0x1dd: {  	[spmem:s2] =	stream.indirect.scatter.add.f32 [tilespmem:s12], [sflag:$0x3], $0x10, s20, s23, $0xb8;
	[tilespmem:$0x1D740] =	vst v63  }
0x1de: {  	_ = 	snop  }
0x1df: {  	[spmem:s2] =	stream.indirect.scatter.add.f32 [tilespmem:s3], [sflag:$0x3], $0x10, s13, s23, $0xb8;
	[tilespmem:$0x1D740] =	vst v63  }
0x1e0: {  	_ =	swait.ge [sflag:s14], $0x400  }
0x1e1: {  	[sflag:s14] =	ssyncset.done $0x0  }
0x1e2: {  	[sflag:s14] =	ssyncadd.s32 $0xFFFFFC00  }
0x1e3: {  	_ =	swait.ge [sflag:s14], $0x400  }
0x1e4: {  	[sflag:s14] =	ssyncset.done $0x0  }
0x1e5: {  	[sflag:s14] =	ssyncadd.s32 $0xFFFFFC00  }
0x1e6: {  	_ =	swait.ge [sflag:s14], $0x400  }
0x1e7: {  	[sflag:s14] =	ssyncset.done $0x0  }
0x1e8: {  	[sflag:s14] =	ssyncadd.s32 $0xFFFFFC00  }
0x1e9: {  	_ =	swait.ge [sflag:s14], $0x400  }
0x1ea: {  	[sflag:s14] =	ssyncset.done $0x0  }
0x1eb: {  	[sflag:s14] =	ssyncadd.s32 $0xFFFFFC00  }
0x1ec: {  	_ =	swait.ge [sflag:s14], $0x400  }
0x1ed: {  	[sflag:s14] =	ssyncset.done $0x0  }
0x1ee: {  	[sflag:s14] =	ssyncadd.s32 $0xFFFFFC00  }
0x1ef: {  	_ =	swait.ge [sflag:s14], $0x400  }
0x1f0: {  	[sflag:s14] =	ssyncset.done $0x0  }
0x1f1: {  	s31 =	sadd.s32 $0x1, s31;
	[sflag:s14] =	ssyncadd.s32 $0xFFFFFC00  }
0x1f2: {  	p1 =	sne.s32 s31, $0x62;
	_ =	swait.ge [sflag:s14], $0x400  }
.Ltmp10:
0x1f3: {  	[sflag:s14] =	ssyncset.done $0x0;
	(pc) =	sbr.rel @p1 .LBB2_18-.Ltmp10, $4  }
0x1f4: {  	[sflag:s14] =	ssyncadd.s32 $0xFFFFFC00  }
0x1f5: {  	_ =	swait.ge [sflag:s14], $0x400  }
0x1f6: {  	[sflag:s14] =	ssyncset.done $0x0  }
0x1f7: {  	[sflag:s14] =	ssyncadd.s32 $0xFFFFFC00  }
0x1f8: {  	[bflag:$0x0] =	sbarrier.arrive $0xFFFF  }
0x1f9: {  	s31 =	simm.s32 $0x10B30;
	s21 =	rddreg [dreg:$0xa]  }
0x1fa: {  	[tilespmem:s31], [sflag:$0x4] =	stream.linear.gather [spmem:s21], $0xC380, $0x38;
	[tilespmem:$0x1D740] =	vst v63  }
0x1fb: {  	_ =	swait.ge [sflag:s22], $0xC380  }
0x1fc: {  	[sflag:s22] =	ssyncset.done $0x0  }
0x1fd: {  	v4 =	vimm.f32 $0.0e+00;
	s11 =	simm.s32 $0x0;
	s16 =	simm.s32 $0x40;
	[sflag:s22] =	ssyncadd.s32 $0xFFFF3C80  }
.LBB2_24:
0x1fe: {  	p1 =	sne.s32 s16, $0x30DC0;
	v5 =	vld [tilespmem:s11+$0x10B30];
	_ =	sdelay $0x2  }
.Ltmp11:
0x1ff: {  	(pc) =	sbr.rel @p1 .LBB2_24-.Ltmp11, $4  }
0x200: {  	_ = 	snop  }
0x201: {  	v5 =	vmax.f32 v5, $0.0e+00  }
0x202: {  	v5 =	vmin.f32 v5, $1.000000000e+00  }
0x203: {  	[tilespmem:s11+$0x10B30] =	vst v5;
	s11 =	sshra.s32 s16, $0x2;
	s16 =	sadd.s32 $0x40, s16;
	v4 =	vmax.f32 v4, v5  }
0x204: {  	v5 =	vld [tilespmem:s11+$0x10B30];
	_ =	sdelay $0x4  }
0x205: {  	v5 =	vmax.f32 v5, $0.0e+00  }
0x206: {  	v5 =	vmin.f32 v5, $1.000000000e+00  }
0x207: {  	[tilespmem:s11+$0x10B30] =	vst v5;
	v4 =	vmax.f32 v4, v5  }
0x208: {  	s17 =	rddreg [dreg:$0xb];
	s16 =	simm.s32 $0x1CEB0;
	[tilespmem:$0x1CEB0] =	vst v4  }
0x209: {  	[spmem:s17] =	stream.linear.scatter [tilespmem:s16], [sflag:$0x4], $0x80, $0x38;
	[tilespmem:$0x1D740] =	vst v63  }
0x20a: {  	_ =	swait.ge [sflag:s22], $0x80  }
0x20b: {  	[sflag:s22] =	ssyncset.done $0x0  }
0x20c: {  	[sflag:s22] =	ssyncadd.s32 $0xFFFFFF80  }
0x20d: {  	[bflag:$0x0] =	sbarrier.arrive $0xFFFF  }
0x20e: {  	s17 =	simm.s32 $0x1CF40;
	s16 =	rddreg [dreg:$0x4]  }
0x20f: {  	[tilespmem:s17], [sflag:$0x4] =	stream.linear.gather [spmem:s16], $0x800, $0x38;
	[tilespmem:$0x1D740] =	vst v63  }
0x210: {  	_ =	swait.ge [sflag:s22], $0x800  }
0x211: {  	[sflag:s22] =	ssyncset.done $0x0  }
0x212: {  	[sflag:s22] =	ssyncadd.s32 $0xFFFFF800  }
0x213: {  	v4 =	vld [tilespmem:$0x1CF40]  }
0x214: {  	v5 =	vld [tilespmem:$0x1CFC0]  }
0x215: {  	v6 =	vld [tilespmem:$0x1D040]  }
0x216: {  	v7 =	vld [tilespmem:$0x1D0C0]  }
0x217: {  	v8 =	vld [tilespmem:$0x1D140]  }
0x218: {  	v9 =	vld [tilespmem:$0x1D1C0];
	v4 =	vmax.f32 v4, $0.0e+00  }
0x219: {  	v4 =	vmax.f32 v4, v5;
	v5 =	vld [tilespmem:$0x1D240]  }
0x21a: {  	v4 =	vmax.f32 v4, v6;
	v6 =	vld [tilespmem:$0x1D2C0]  }
0x21b: {  	v4 =	vmax.f32 v4, v7;
	v7 =	vld [tilespmem:$0x1D340]  }
0x21c: {  	v4 =	vmax.f32 v4, v8;
	v8 =	vld [tilespmem:$0x1D3C0]  }
0x21d: {  	v4 =	vmax.f32 v4, v9;
	v9 =	vld [tilespmem:$0x1D440]  }
0x21e: {  	v4 =	vmax.f32 v4, v5;
	v5 =	vld [tilespmem:$0x1D4C0]  }
0x21f: {  	v4 =	vmax.f32 v4, v6;
	v6 =	vld [tilespmem:$0x1D540]  }
0x220: {  	v4 =	vmax.f32 v4, v7;
	v7 =	vld [tilespmem:$0x1D5C0]  }
0x221: {  	v4 =	vmax.f32 v4, v8;
	v8 =	vld [tilespmem:$0x1D640]  }
0x222: {  	v4 =	vmax.f32 v4, v9;
	v9 =	vld [tilespmem:$0x1D6C0]  }
0x223: {  	v4 =	vmax.f32 v4, v5  }
0x224: {  	v4 =	vmax.f32 v4, v6  }
0x225: {  	v4 =	vmax.f32 v4, v7  }
0x226: {  	v4 =	vmax.f32 v4, v8  }
0x227: {  	v4 =	vmax.f32 v4, v9  }
0x228: {  	vm0 =	vgt.f32 v4, $0.0e+00  }
0x229: {  	v4 =	vnsel vm0, $0x3F800000, v4  }
0x22a: {  	(erf) = vrcp.f32 v4;
	_ =	sdelay $0x3  }
0x22b: {  	s11 =	simm.s32 $0x10B70  }
0x22c: {  	v7 =	vld [tilespmem:s11+$0x30]  }
0x22d: {  	v9 =	vld [tilespmem:s11+$0xFFFFFFD0]  }
0x22e: {  	v11 =	vld [tilespmem:s11+$0xFFFFFFE0]  }
0x22f: {  	v8 =	vld [tilespmem:s11+$0xFFFFFFF0]  }
0x230: {  	v6 =	vld [tilespmem:s11+$0x0];
	v4 =	vpop (erf)  }
0x231: {  	v5 =	vld [tilespmem:s11+$0x10];
	v12 =	vmul.f32 v7, v4  }
0x232: {  	v7 =	vld [tilespmem:s11+$0x20];
	v10 =	vmul.f32 v9, v4  }
0x233: {  	s16 =	simm.s32 $0x0;
	s17 =	simm.s32 $0x10BF0;
	v9 =	vld [tilespmem:s11+$0xFFFFFFC0];
	v11 =	vmul.f32 v11, v4;
	[tilespmem:s11+$0x30] =	vst v12  }
.LBB2_26:
0x234: {  	v12 =	vld [tilespmem:s17+$0x30];
	s16 =	sadd.s32 $0x8, s16;
	[tilespmem:s11+$0xFFFFFFD0] =	vst v10;
	v8 =	vmul.f32 v8, v4  }
0x235: {  	v10 =	vld [tilespmem:s17+$0xFFFFFFD0];
	p1 =	slt.u32 s16, $0xC30;
	[tilespmem:s11+$0xFFFFFFE0] =	vst v11;
	v6 =	vmul.f32 v6, v4  }
0x236: {  	v11 =	vld [tilespmem:s17+$0xFFFFFFE0];
	[tilespmem:s11+$0xFFFFFFF0] =	vst v8;
	v5 =	vmul.f32 v5, v4  }
.Ltmp12:
0x237: {  	v8 =	vld [tilespmem:s17+$0xFFFFFFF0];
	[tilespmem:s11+$0x0] =	vst v6;
	v7 =	vmul.f32 v7, v4;
	(pc) =	sbr.rel @p1 .LBB2_26-.Ltmp12, $4  }
0x238: {  	v6 =	vld [tilespmem:s17+$0x0];
	v9 =	vmul.f32 v9, v4;
	[tilespmem:s11+$0x10] =	vst v5  }
0x239: {  	v5 =	vld [tilespmem:s17+$0x10];
	v12 =	vmul.f32 v12, v4;
	[tilespmem:s11+$0x20] =	vst v7  }
0x23a: {  	v10 =	vmul.f32 v10, v4;
	v7 =	vld [tilespmem:s17+$0x20];
	[tilespmem:s11+$0xFFFFFFC0] =	vst v9;
	s11 =	smov.u32 s17  }
0x23b: {  	s17 =	sadd.s32 $0x80, s17;
	v9 =	vld [tilespmem:s11+$0xFFFFFFC0];
	v11 =	vmul.f32 v11, v4;
	[tilespmem:s11+$0x30] =	vst v12  }
0x23c: {  	[tilespmem:s11+$0xFFFFFFD0] =	vst v10;
	v8 =	vmul.f32 v8, v4  }
0x23d: {  	[tilespmem:s11+$0xFFFFFFE0] =	vst v11;
	v6 =	vmul.f32 v6, v4  }
0x23e: {  	[tilespmem:s11+$0xFFFFFFF0] =	vst v8;
	v5 =	vmul.f32 v5, v4  }
0x23f: {  	[tilespmem:s11+$0x0] =	vst v6;
	v63 =	vmul.f32 v7, v4  }
0x240: {  	v4 =	vmul.f32 v9, v4;
	[tilespmem:s11+$0x10] =	vst v5  }
0x241: {  	[tilespmem:s11+$0x20] =	vst v63  }
0x242: {  	[tilespmem:s11+$0xFFFFFFC0] =	vst v4  }
0x243: {  	s11 =	rddreg [dreg:$0xd]  }
0x244: {  	[hbm4b:s11+s4] =	stream.linear.scatter [tilespmem:s31], [sflag:$0x4], $0xC380, $0x38;
	[tilespmem:$0x1D740] =	vst v63  }
0x245: {  	_ =	swait.ge [sflag:s22], $0xC380  }
0x246: {  	[sflag:s22] =	ssyncset.done $0x0  }
0x247: {  	s11 =	simm.s32 $0x10B70;
	[sflag:s22] =	ssyncadd.s32 $0xFFFF3C80  }
0x248: {  	[tilespmem:s11+$0xFFFFFFC0] =	vst v3  }
0x249: {  	[tilespmem:s11+$0x30] =	vst v3  }
0x24a: {  	[tilespmem:s11+$0x20] =	vst v3  }
0x24b: {  	[tilespmem:s11+$0x10] =	vst v3  }
0x24c: {  	[tilespmem:s11+$0x0] =	vst v3  }
0x24d: {  	[tilespmem:s11+$0xFFFFFFF0] =	vst v3  }
0x24e: {  	s16 =	simm.s32 $0x0;
	[tilespmem:s11+$0xFFFFFFE0] =	vst v3  }
.LBB2_28:
0x24f: {  	s16 =	sadd.s32 $0x8, s16;
	[tilespmem:s11+$0xFFFFFFD0] =	vst v3;
	s11 =	sadd.s32 $0x80, s11  }
0x250: {  	[tilespmem:s11+$0xFFFFFFC0] =	vst v3;
	p1 =	slt.u32 s16, $0xC30  }
0x251: {  	[tilespmem:s11+$0x30] =	vst v3  }
.Ltmp13:
0x252: {  	[tilespmem:s11+$0x20] =	vst v3;
	(pc) =	sbr.rel @p1 .LBB2_28-.Ltmp13, $4  }
0x253: {  	[tilespmem:s11+$0x10] =	vst v3  }
0x254: {  	[tilespmem:s11+$0x0] =	vst v3  }
0x255: {  	[tilespmem:s11+$0xFFFFFFF0] =	vst v3  }
0x256: {  	[tilespmem:s11+$0xFFFFFFE0] =	vst v3  }
0x257: {  	[tilespmem:s11+$0xFFFFFFD0] =	vst v3  }
0x258: {  	[spmem:s21] =	stream.linear.scatter [tilespmem:s31], [sflag:$0x4], $0xC380, $0x38;
	[tilespmem:$0x1D740] =	vst v63  }
0x259: {  	_ =	swait.ge [sflag:s22], $0xC380  }
0x25a: {  	[sflag:s22] =	ssyncset.done $0x0  }
0x25b: {  	[sflag:s22] =	ssyncadd.s32 $0xFFFF3C80  }
0x25c: {  	s31 =	simm.s32 $0x0;
	[bflag:$0x0] =	sbarrier.arrive $0xFFFF  }
.LBB2_30:
0x25d: {  	s11 =	sshll.u32 s31, $0x9  }
0x25e: {  	s11 =	sadd.s32 s10, s11  }
0x25f: {  	s11 =	sshrl.u32 s11, $0x3  }
0x260: {  	s16 =	sadd.s32 s6, s11;
	s21 =	sadd.s32 s7, s11  }
0x261: {  	[tilespmem:s24], [sflag:$0x1] =	stream.linear.gather [hbm4b:s16+s4], $0x200, $0x38;
	[tilespmem:$0x1D740] =	vst v63  }
0x262: {  	s16 =	sadd.s32 $0x31000, s21  }
0x263: {  	[tilespmem:s25], [sflag:$0x1] =	stream.linear.gather [hbm4b:s16+s4], $0x200, $0x38;
	[tilespmem:$0x1D740] =	vst v63  }
0x264: {  	s11 =	sadd.s32 s8, s11  }
0x265: {  	[tilespmem:s26], [sflag:$0x1] =	stream.linear.gather [hbm4b:s11+s4], $0x200, $0x38;
	[tilespmem:$0x1D740] =	vst v63  }
0x266: {  	_ =	swait.ge [sflag:s28], $0x200  }
0x267: {  	[sflag:s28] =	ssyncset.done $0x0  }
0x268: {  	[sflag:s28] =	ssyncadd.s32 $0xFFFFFE00  }
0x269: {  	_ =	swait.ge [sflag:s28], $0x200  }
0x26a: {  	[sflag:s28] =	ssyncset.done $0x0  }
0x26b: {  	[sflag:s28] =	ssyncadd.s32 $0xFFFFFE00  }
0x26c: {  	_ =	swait.ge [sflag:s28], $0x200  }
0x26d: {  	[sflag:s28] =	ssyncset.done $0x0  }
0x26e: {  	s16 =	simm.s32 $0xC550;
	[sflag:s28] =	ssyncadd.s32 $0xFFFFFE00  }
0x26f: {  	v4 =	vld [tilespmem:s16+$0xFFFFFFE0]  }
0x270: {  	v6 =	vld [tilespmem:s16+$0x0]  }
0x271: {  	v5 =	vld [tilespmem:s16+$0x10]  }
0x272: {  	v7 =	vld [tilespmem:s16+$0xFFFFFFF0];
	_ =	sdelay $0x1  }
0x273: {  	s11 =	simm.s32 $0xC590;
	v8 =	vadd.s32 v2, v4  }
0x274: {  	v4 =	vld [tilespmem:s11+$0xFFFFFFE0];
	v9 =	vadd.s32 v2, v6;
	[tilespmem:s16+$0xFFFFFFE0] =	vst v8  }
0x275: {  	v6 =	vld [tilespmem:s11+$0x0];
	v8 =	vadd.s32 v2, v5;
	[tilespmem:s16+$0x0] =	vst v9  }
0x276: {  	s17 =	simm.s32 $0x4;
	v7 =	vadd.s32 v2, v7;
	v5 =	vld [tilespmem:s11+$0x10];
	[tilespmem:s16+$0x10] =	vst v8  }
.LBB2_31:
0x277: {  	s17 =	sadd.s32 $0x4, s17  }
0x278: {  	v8 =	vld [tilespmem:s11+$0xFFFFFFF0];
	[tilespmem:s16+$0xFFFFFFF0] =	vst v7;
	s16 =	smov.u32 s11;
	p1 =	slt.u32 s17, $0x1C  }
.Ltmp14:
0x279: {  	(pc) =	sbr.rel @p1 .LBB2_31-.Ltmp14, $4  }
0x27a: {  	s11 =	sadd.s32 $0x40, s11;
	v7 =	vadd.s32 v2, v4  }
0x27b: {  	v4 =	vld [tilespmem:s11+$0xFFFFFFE0];
	[tilespmem:s16+$0xFFFFFFE0] =	vst v7;
	v7 =	vadd.s32 v2, v5  }
0x27c: {  	v5 =	vld [tilespmem:s11+$0x10];
	v9 =	vadd.s32 v2, v6;
	[tilespmem:s16+$0x10] =	vst v7  }
0x27d: {  	v6 =	vld [tilespmem:s11+$0x0];
	v7 =	vadd.s32 v2, v8;
	[tilespmem:s16+$0x0] =	vst v9  }
0x27e: {  	v8 =	vld [tilespmem:s11+$0xFFFFFFF0];
	_ =	sdelay $0x1  }
0x27f: {  	[tilespmem:s16+$0xFFFFFFF0] =	vst v7;
	v4 =	vadd.s32 v2, v4  }
0x280: {  	[tilespmem:s11+$0xFFFFFFE0] =	vst v4;
	v4 =	vadd.s32 v2, v5  }
0x281: {  	v5 =	vadd.s32 v2, v6;
	[tilespmem:s11+$0x10] =	vst v4  }
0x282: {  	v4 =	vadd.s32 v2, v8;
	[tilespmem:s11+$0x0] =	vst v5  }
0x283: {  	[tilespmem:s11+$0xFFFFFFF0] =	vst v4  }
0x284: {  	[tilespmem:s30], [sflag:$0x2] =	stream.indirect.gather [hbm4b:s9+s29], $0x10, s24, s29, $0xb8;
	[tilespmem:$0x1D740] =	vst v63  }
0x285: {  	s16 =	simm.s32 $0xC5B0  }
0x286: {  	[tilespmem:s0], [sflag:$0x2] =	stream.indirect.gather [hbm4b:s9+s29], $0x10, s16, s29, $0xb8;
	[tilespmem:$0x1D740] =	vst v63  }
0x287: {  	s17 =	simm.s32 $0xC630  }
0x288: {  	[tilespmem:s5], [sflag:$0x2] =	stream.indirect.gather [hbm4b:s9+s29], $0x10, s17, s29, $0xb8;
	[tilespmem:$0x1D740] =	vst v63  }
0x289: {  	s21 =	simm.s32 $0xC6B0  }
0x28a: {  	[tilespmem:s12], [sflag:$0x2] =	stream.indirect.gather [hbm4b:s9+s29], $0x10, s21, s29, $0xb8;
	[tilespmem:$0x1D740] =	vst v63  }
0x28b: {  	s16 =	simm.s32 $0xEB30  }
0x28c: {  	[tilespmem:s16], [sflag:$0x4] =	stream.indirect.gather [spmem:s1], $0x10, s25, s29, $0xb8;
	[tilespmem:$0x1D740] =	vst v63  }
0x28d: {  	_ =	swait.ge [sflag:s22], $0x800  }
0x28e: {  	[sflag:s22] =	ssyncset.done $0x0  }
0x28f: {  	s17 =	simm.s32 $0xC9B0;
	s21 =	simm.s32 $0xF330;
	[sflag:s22] =	ssyncadd.s32 $0xFFFFF800  }
0x290: {  	[tilespmem:s21], [sflag:$0x4] =	stream.indirect.gather [spmem:s1], $0x10, s17, s29, $0xb8;
	[tilespmem:$0x1D740] =	vst v63  }
0x291: {  	_ =	swait.ge [sflag:s22], $0x800  }
0x292: {  	[sflag:s22] =	ssyncset.done $0x0  }
0x293: {  	s17 =	simm.s32 $0xCA30;
	s21 =	simm.s32 $0xFB30;
	[sflag:s22] =	ssyncadd.s32 $0xFFFFF800  }
0x294: {  	[tilespmem:s21], [sflag:$0x4] =	stream.indirect.gather [spmem:s1], $0x10, s17, s29, $0xb8;
	[tilespmem:$0x1D740] =	vst v63  }
0x295: {  	_ =	swait.ge [sflag:s22], $0x800  }
0x296: {  	[sflag:s22] =	ssyncset.done $0x0  }
0x297: {  	s17 =	simm.s32 $0xCAB0;
	s21 =	simm.s32 $0x10330;
	[sflag:s22] =	ssyncadd.s32 $0xFFFFF800  }
0x298: {  	[tilespmem:s21], [sflag:$0x4] =	stream.indirect.gather [spmem:s1], $0x10, s17, s29, $0xb8;
	[tilespmem:$0x1D740] =	vst v63  }
0x299: {  	_ =	swait.ge [sflag:s22], $0x800  }
0x29a: {  	[sflag:s22] =	ssyncset.done $0x0  }
0x29b: {  	[sflag:s22] =	ssyncadd.s32 $0xFFFFF800  }
0x29c: {  	_ =	swait.ge [sflag:s15], $0x800  }
0x29d: {  	[sflag:s15] =	ssyncset.done $0x0  }
0x29e: {  	[sflag:s15] =	ssyncadd.s32 $0xFFFFF800  }
0x29f: {  	_ =	swait.ge [sflag:s15], $0x800  }
0x2a0: {  	[sflag:s15] =	ssyncset.done $0x0  }
0x2a1: {  	[sflag:s15] =	ssyncadd.s32 $0xFFFFF800  }
0x2a2: {  	_ =	swait.ge [sflag:s15], $0x800  }
0x2a3: {  	[sflag:s15] =	ssyncset.done $0x0  }
0x2a4: {  	[sflag:s15] =	ssyncadd.s32 $0xFFFFF800  }
0x2a5: {  	_ =	swait.ge [sflag:s15], $0x800  }
0x2a6: {  	[sflag:s15] =	ssyncset.done $0x0  }
0x2a7: {  	s21 =	simm.s32 $0xCB70;
	[sflag:s15] =	ssyncadd.s32 $0xFFFFF800  }
0x2a8: {  	s11 =	simm.s32 $0xEB70;
	v5 =	vld [tilespmem:s21+$0x30]  }
0x2a9: {  	v6 =	vld [tilespmem:s11+$0x30]  }
0x2aa: {  	v4 =	vld [tilespmem:s11+$0xFFFFFFC0]  }
0x2ab: {  	v7 =	vld [tilespmem:s21+$0xFFFFFFD0]  }
0x2ac: {  	v8 =	vld [tilespmem:s11+$0xFFFFFFD0]  }
0x2ad: {  	v9 =	vld [tilespmem:s21+$0xFFFFFFE0]  }
0x2ae: {  	v10 =	vld [tilespmem:s11+$0xFFFFFFE0]  }
0x2af: {  	v11 =	vld [tilespmem:s21+$0xFFFFFFF0]  }
0x2b0: {  	v12 =	vld [tilespmem:s11+$0xFFFFFFF0]  }
0x2b1: {  	v13 =	vld [tilespmem:s21+$0x0]  }
0x2b2: {  	v14 =	vld [tilespmem:s11+$0x0];
	v6 =	vmul.f32 v6, v5  }
0x2b3: {  	v8 =	vmul.f32 v8, v7;
	v5 =	vld [tilespmem:s21+$0x10]  }
0x2b4: {  	v9 =	vmul.f32 v10, v9;
	v7 =	vld [tilespmem:s11+$0x10];
	[tilespmem:s21+$0x30] =	vst v6  }
0x2b5: {  	v10 =	vmul.f32 v12, v11;
	[tilespmem:s21+$0xFFFFFFD0] =	vst v8;
	v6 =	vld [tilespmem:s21+$0x20]  }
0x2b6: {  	[tilespmem:s21+$0xFFFFFFE0] =	vst v9;
	v9 =	vld [tilespmem:s11+$0x20]  }
0x2b7: {  	s16 =	simm.s32 $0x0;
	s17 =	simm.s32 $0xCBF0;
	v8 =	vld [tilespmem:s21+$0xFFFFFFC0];
	[tilespmem:s21+$0xFFFFFFF0] =	vst v10;
	v10 =	vmul.f32 v14, v13  }
.LBB2_33:
0x2b8: {  	v11 =	vld [tilespmem:s17+$0x30];
	s11 =	sadd.s32 $0x80, s11  }
0x2b9: {  	s16 =	sadd.s32 $0x8, s16;
	v12 =	vld [tilespmem:s11+$0x30];
	[tilespmem:s21+$0x0] =	vst v10;
	v5 =	vmul.f32 v7, v5  }
0x2ba: {  	p1 =	slt.u32 s16, $0x1F8;
	v7 =	vld [tilespmem:s11+$0xFFFFFFC0]  }
0x2bb: {  	v10 =	vld [tilespmem:s17+$0xFFFFFFD0];
	[tilespmem:s21+$0x10] =	vst v5;
	v5 =	vmul.f32 v9, v6  }
0x2bc: {  	v6 =	vld [tilespmem:s11+$0xFFFFFFD0];
	v13 =	vmul.f32 v4, v8  }
0x2bd: {  	v8 =	vld [tilespmem:s17+$0xFFFFFFE0];
	[tilespmem:s21+$0x20] =	vst v5  }
0x2be: {  	v5 =	vld [tilespmem:s11+$0xFFFFFFE0];
	v9 =	vmul.f32 v12, v11;
	[tilespmem:s21+$0xFFFFFFC0] =	vst v13;
	s21 =	smov.u32 s17  }
0x2bf: {  	v11 =	vld [tilespmem:s17+$0xFFFFFFF0];
	v4 =	vmov v7  }
0x2c0: {  	v12 =	vld [tilespmem:s11+$0xFFFFFFF0];
	[tilespmem:s17+$0x30] =	vst v9  }
0x2c1: {  	v6 =	vmul.f32 v6, v10;
	v10 =	vld [tilespmem:s17+$0x0]  }
0x2c2: {  	v13 =	vld [tilespmem:s11+$0x0]  }
.Ltmp15:
0x2c3: {  	[tilespmem:s17+$0xFFFFFFD0] =	vst v6;
	v6 =	vmul.f32 v5, v8;
	v5 =	vld [tilespmem:s17+$0x10];
	(pc) =	sbr.rel @p1 .LBB2_33-.Ltmp15, $4  }
0x2c4: {  	v7 =	vld [tilespmem:s11+$0x10]  }
0x2c5: {  	[tilespmem:s17+$0xFFFFFFE0] =	vst v6;
	v11 =	vmul.f32 v12, v11;
	v6 =	vld [tilespmem:s17+$0x20]  }
0x2c6: {  	v9 =	vld [tilespmem:s11+$0x20]  }
0x2c7: {  	s17 =	sadd.s32 $0x80, s17;
	v8 =	vld [tilespmem:s21+$0xFFFFFFC0];
	[tilespmem:s21+$0xFFFFFFF0] =	vst v11;
	v10 =	vmul.f32 v13, v10  }
0x2c8: {  	_ =	sdelay $0x1  }
0x2c9: {  	v5 =	vmul.f32 v7, v5  }
0x2ca: {  	[tilespmem:s21+$0x0] =	vst v10;
	v6 =	vmul.f32 v9, v6  }
0x2cb: {  	[tilespmem:s21+$0x10] =	vst v5;
	v4 =	vmul.f32 v4, v8  }
0x2cc: {  	[tilespmem:s21+$0x20] =	vst v6  }
0x2cd: {  	[tilespmem:s21+$0xFFFFFFC0] =	vst v4  }
0x2ce: {  	[spmem:s2] =	stream.indirect.scatter.add.f32 [tilespmem:s30], [sflag:$0x3], $0x10, s26, s23, $0xb8;
	[tilespmem:$0x1D740] =	vst v63  }
0x2cf: {  	s11 =	simm.s32 $0xC770;
	s16 =	simm.s32 $0xCF30  }
0x2d0: {  	[spmem:s2] =	stream.indirect.scatter.add.f32 [tilespmem:s16], [sflag:$0x3], $0x10, s11, s23, $0xb8;
	[tilespmem:$0x1D740] =	vst v63  }
0x2d1: {  	s21 =	simm.s32 $0xC7B0  }
0x2d2: {  	[spmem:s2] =	stream.indirect.scatter.add.f32 [tilespmem:s0], [sflag:$0x3], $0x10, s21, s23, $0xb8;
	[tilespmem:$0x1D740] =	vst v63  }
0x2d3: {  	s17 =	simm.s32 $0xD730;
	s16 =	simm.s32 $0xC7F0  }
0x2d4: {  	[spmem:s2] =	stream.indirect.scatter.add.f32 [tilespmem:s17], [sflag:$0x3], $0x10, s16, s23, $0xb8;
	[tilespmem:$0x1D740] =	vst v63  }
0x2d5: {  	s21 =	simm.s32 $0xC830  }
0x2d6: {  	[spmem:s2] =	stream.indirect.scatter.add.f32 [tilespmem:s5], [sflag:$0x3], $0x10, s21, s23, $0xb8;
	[tilespmem:$0x1D740] =	vst v63  }
0x2d7: {  	_ = 	snop  }
0x2d8: {  	[spmem:s2] =	stream.indirect.scatter.add.f32 [tilespmem:s19], [sflag:$0x3], $0x10, s18, s23, $0xb8;
	[tilespmem:$0x1D740] =	vst v63  }
0x2d9: {  	_ = 	snop  }
0x2da: {  	[spmem:s2] =	stream.indirect.scatter.add.f32 [tilespmem:s12], [sflag:$0x3], $0x10, s20, s23, $0xb8;
	[tilespmem:$0x1D740] =	vst v63  }
0x2db: {  	_ = 	snop  }
0x2dc: {  	[spmem:s2] =	stream.indirect.scatter.add.f32 [tilespmem:s3], [sflag:$0x3], $0x10, s13, s23, $0xb8;
	[tilespmem:$0x1D740] =	vst v63  }
0x2dd: {  	_ =	swait.ge [sflag:s14], $0x400  }
0x2de: {  	[sflag:s14] =	ssyncset.done $0x0  }
0x2df: {  	[sflag:s14] =	ssyncadd.s32 $0xFFFFFC00  }
0x2e0: {  	_ =	swait.ge [sflag:s14], $0x400  }
0x2e1: {  	[sflag:s14] =	ssyncset.done $0x0  }
0x2e2: {  	[sflag:s14] =	ssyncadd.s32 $0xFFFFFC00  }
0x2e3: {  	_ =	swait.ge [sflag:s14], $0x400  }
0x2e4: {  	[sflag:s14] =	ssyncset.done $0x0  }
0x2e5: {  	[sflag:s14] =	ssyncadd.s32 $0xFFFFFC00  }
0x2e6: {  	_ =	swait.ge [sflag:s14], $0x400  }
0x2e7: {  	[sflag:s14] =	ssyncset.done $0x0  }
0x2e8: {  	[sflag:s14] =	ssyncadd.s32 $0xFFFFFC00  }
0x2e9: {  	_ =	swait.ge [sflag:s14], $0x400  }
0x2ea: {  	[sflag:s14] =	ssyncset.done $0x0  }
0x2eb: {  	[sflag:s14] =	ssyncadd.s32 $0xFFFFFC00  }
0x2ec: {  	_ =	swait.ge [sflag:s14], $0x400  }
0x2ed: {  	[sflag:s14] =	ssyncset.done $0x0  }
0x2ee: {  	s31 =	sadd.s32 $0x1, s31;
	[sflag:s14] =	ssyncadd.s32 $0xFFFFFC00  }
0x2ef: {  	p1 =	sne.s32 s31, $0x62;
	_ =	swait.ge [sflag:s14], $0x400  }
.Ltmp16:
0x2f0: {  	[sflag:s14] =	ssyncset.done $0x0;
	(pc) =	sbr.rel @p1 .LBB2_30-.Ltmp16, $4  }
0x2f1: {  	[sflag:s14] =	ssyncadd.s32 $0xFFFFFC00  }
0x2f2: {  	_ =	swait.ge [sflag:s14], $0x400  }
0x2f3: {  	[sflag:s14] =	ssyncset.done $0x0  }
0x2f4: {  	[sflag:s14] =	ssyncadd.s32 $0xFFFFFC00  }
0x2f5: {  	[bflag:$0x0] =	sbarrier.arrive $0xFFFF  }
0x2f6: {  	s31 =	simm.s32 $0x10B30;
	s21 =	rddreg [dreg:$0xa]  }
0x2f7: {  	[tilespmem:s31], [sflag:$0x4] =	stream.linear.gather [spmem:s21], $0xC380, $0x38;
	[tilespmem:$0x1D740] =	vst v63  }
0x2f8: {  	_ =	swait.ge [sflag:s22], $0xC380  }
0x2f9: {  	[sflag:s22] =	ssyncset.done $0x0  }
0x2fa: {  	v4 =	vimm.f32 $0.0e+00;
	s11 =	simm.s32 $0x0;
	s16 =	simm.s32 $0x40;
	[sflag:s22] =	ssyncadd.s32 $0xFFFF3C80  }
.LBB2_36:
0x2fb: {  	p1 =	sne.s32 s16, $0x30DC0;
	v5 =	vld [tilespmem:s11+$0x10B30];
	_ =	sdelay $0x2  }
.Ltmp17:
0x2fc: {  	(pc) =	sbr.rel @p1 .LBB2_36-.Ltmp17, $4  }
0x2fd: {  	_ = 	snop  }
0x2fe: {  	v5 =	vmax.f32 v5, $0.0e+00  }
0x2ff: {  	v5 =	vmin.f32 v5, $1.000000000e+00  }
0x300: {  	[tilespmem:s11+$0x10B30] =	vst v5;
	s11 =	sshra.s32 s16, $0x2;
	s16 =	sadd.s32 $0x40, s16;
	v4 =	vmax.f32 v4, v5  }
0x301: {  	v5 =	vld [tilespmem:s11+$0x10B30];
	_ =	sdelay $0x4  }
0x302: {  	v5 =	vmax.f32 v5, $0.0e+00  }
0x303: {  	v5 =	vmin.f32 v5, $1.000000000e+00  }
0x304: {  	[tilespmem:s11+$0x10B30] =	vst v5;
	v4 =	vmax.f32 v4, v5  }
0x305: {  	s17 =	rddreg [dreg:$0xb];
	s16 =	simm.s32 $0x1CEB0;
	[tilespmem:$0x1CEB0] =	vst v4  }
0x306: {  	[spmem:s17] =	stream.linear.scatter [tilespmem:s16], [sflag:$0x4], $0x80, $0x38;
	[tilespmem:$0x1D740] =	vst v63  }
0x307: {  	_ =	swait.ge [sflag:s22], $0x80  }
0x308: {  	[sflag:s22] =	ssyncset.done $0x0  }
0x309: {  	[sflag:s22] =	ssyncadd.s32 $0xFFFFFF80  }
0x30a: {  	[bflag:$0x0] =	sbarrier.arrive $0xFFFF  }
0x30b: {  	s17 =	simm.s32 $0x1CF40;
	s16 =	rddreg [dreg:$0x4]  }
0x30c: {  	[tilespmem:s17], [sflag:$0x4] =	stream.linear.gather [spmem:s16], $0x800, $0x38;
	[tilespmem:$0x1D740] =	vst v63  }
0x30d: {  	_ =	swait.ge [sflag:s22], $0x800  }
0x30e: {  	[sflag:s22] =	ssyncset.done $0x0  }
0x30f: {  	[sflag:s22] =	ssyncadd.s32 $0xFFFFF800  }
0x310: {  	v4 =	vld [tilespmem:$0x1CF40]  }
0x311: {  	v5 =	vld [tilespmem:$0x1CFC0]  }
0x312: {  	v6 =	vld [tilespmem:$0x1D040]  }
0x313: {  	v7 =	vld [tilespmem:$0x1D0C0]  }
0x314: {  	v8 =	vld [tilespmem:$0x1D140]  }
0x315: {  	v9 =	vld [tilespmem:$0x1D1C0];
	v4 =	vmax.f32 v4, $0.0e+00  }
0x316: {  	v4 =	vmax.f32 v4, v5;
	v5 =	vld [tilespmem:$0x1D240]  }
0x317: {  	v4 =	vmax.f32 v4, v6;
	v6 =	vld [tilespmem:$0x1D2C0]  }
0x318: {  	v4 =	vmax.f32 v4, v7;
	v7 =	vld [tilespmem:$0x1D340]  }
0x319: {  	v4 =	vmax.f32 v4, v8;
	v8 =	vld [tilespmem:$0x1D3C0]  }
0x31a: {  	v4 =	vmax.f32 v4, v9;
	v9 =	vld [tilespmem:$0x1D440]  }
0x31b: {  	v4 =	vmax.f32 v4, v5;
	v5 =	vld [tilespmem:$0x1D4C0]  }
0x31c: {  	v4 =	vmax.f32 v4, v6;
	v6 =	vld [tilespmem:$0x1D540]  }
0x31d: {  	v4 =	vmax.f32 v4, v7;
	v7 =	vld [tilespmem:$0x1D5C0]  }
0x31e: {  	v4 =	vmax.f32 v4, v8;
	v8 =	vld [tilespmem:$0x1D640]  }
0x31f: {  	v4 =	vmax.f32 v4, v9;
	v9 =	vld [tilespmem:$0x1D6C0]  }
0x320: {  	v4 =	vmax.f32 v4, v5  }
0x321: {  	v4 =	vmax.f32 v4, v6  }
0x322: {  	v4 =	vmax.f32 v4, v7  }
0x323: {  	v4 =	vmax.f32 v4, v8  }
0x324: {  	v4 =	vmax.f32 v4, v9  }
0x325: {  	vm0 =	vgt.f32 v4, $0.0e+00  }
0x326: {  	v4 =	vnsel vm0, $0x3F800000, v4  }
0x327: {  	(erf) = vrcp.f32 v4;
	_ =	sdelay $0x3  }
0x328: {  	s11 =	simm.s32 $0x10B70  }
0x329: {  	v7 =	vld [tilespmem:s11+$0x30]  }
0x32a: {  	v9 =	vld [tilespmem:s11+$0xFFFFFFD0]  }
0x32b: {  	v11 =	vld [tilespmem:s11+$0xFFFFFFE0]  }
0x32c: {  	v8 =	vld [tilespmem:s11+$0xFFFFFFF0]  }
0x32d: {  	v6 =	vld [tilespmem:s11+$0x0];
	v4 =	vpop (erf)  }
0x32e: {  	v5 =	vld [tilespmem:s11+$0x10];
	v12 =	vmul.f32 v7, v4  }
0x32f: {  	v7 =	vld [tilespmem:s11+$0x20];
	v10 =	vmul.f32 v9, v4  }
0x330: {  	s16 =	simm.s32 $0x0;
	s17 =	simm.s32 $0x10BF0;
	v9 =	vld [tilespmem:s11+$0xFFFFFFC0];
	v11 =	vmul.f32 v11, v4;
	[tilespmem:s11+$0x30] =	vst v12  }
.LBB2_38:
0x331: {  	v12 =	vld [tilespmem:s17+$0x30];
	s16 =	sadd.s32 $0x8, s16;
	[tilespmem:s11+$0xFFFFFFD0] =	vst v10;
	v8 =	vmul.f32 v8, v4  }
0x332: {  	v10 =	vld [tilespmem:s17+$0xFFFFFFD0];
	p1 =	slt.u32 s16, $0xC30;
	[tilespmem:s11+$0xFFFFFFE0] =	vst v11;
	v6 =	vmul.f32 v6, v4  }
0x333: {  	v11 =	vld [tilespmem:s17+$0xFFFFFFE0];
	[tilespmem:s11+$0xFFFFFFF0] =	vst v8;
	v5 =	vmul.f32 v5, v4  }
.Ltmp18:
0x334: {  	v8 =	vld [tilespmem:s17+$0xFFFFFFF0];
	[tilespmem:s11+$0x0] =	vst v6;
	v7 =	vmul.f32 v7, v4;
	(pc) =	sbr.rel @p1 .LBB2_38-.Ltmp18, $4  }
0x335: {  	v6 =	vld [tilespmem:s17+$0x0];
	v9 =	vmul.f32 v9, v4;
	[tilespmem:s11+$0x10] =	vst v5  }
0x336: {  	v5 =	vld [tilespmem:s17+$0x10];
	v12 =	vmul.f32 v12, v4;
	[tilespmem:s11+$0x20] =	vst v7  }
0x337: {  	v10 =	vmul.f32 v10, v4;
	v7 =	vld [tilespmem:s17+$0x20];
	[tilespmem:s11+$0xFFFFFFC0] =	vst v9;
	s11 =	smov.u32 s17  }
0x338: {  	s17 =	sadd.s32 $0x80, s17;
	v9 =	vld [tilespmem:s11+$0xFFFFFFC0];
	v11 =	vmul.f32 v11, v4;
	[tilespmem:s11+$0x30] =	vst v12  }
0x339: {  	[tilespmem:s11+$0xFFFFFFD0] =	vst v10;
	v8 =	vmul.f32 v8, v4  }
0x33a: {  	[tilespmem:s11+$0xFFFFFFE0] =	vst v11;
	v6 =	vmul.f32 v6, v4  }
0x33b: {  	[tilespmem:s11+$0xFFFFFFF0] =	vst v8;
	v5 =	vmul.f32 v5, v4  }
0x33c: {  	[tilespmem:s11+$0x0] =	vst v6;
	v63 =	vmul.f32 v7, v4  }
0x33d: {  	v4 =	vmul.f32 v9, v4;
	[tilespmem:s11+$0x10] =	vst v5  }
0x33e: {  	[tilespmem:s11+$0x20] =	vst v63  }
0x33f: {  	[tilespmem:s11+$0xFFFFFFC0] =	vst v4  }
0x340: {  	s11 =	rddreg [dreg:$0xe]  }
0x341: {  	[hbm4b:s11+s4] =	stream.linear.scatter [tilespmem:s31], [sflag:$0x4], $0xC380, $0x38;
	[tilespmem:$0x1D740] =	vst v63  }
0x342: {  	_ =	swait.ge [sflag:s22], $0xC380  }
0x343: {  	s16 =	rddreg [dreg:$0x11]  }
0x344: {  	s17 =	rddreg [dreg:$0xf];
	s16 =	sadd.s32 $0x1, s16  }
0x345: {  	p1 =	sne.s32 s16, s17  }
.Ltmp19:
0x346: {  	_ = 	snop;
	(pc) =	sbr.rel @p1 .LBB2_1-.Ltmp19, $3  }
0x347: {  	[sflag:s22] =	ssyncset.done $0x0  }
0x348: {  	[sflag:s22] =	ssyncadd.s32 $0xFFFF3C80  }
0x349: {  	[bflag:$0x0] =	sbarrier.arrive $0xFFFF;
	_ =	sdelay $0x1  }
0x34a: {  	_ =	sfence.sel $0x180000  }
0x34b: {  	[bflag:$0x0] =	sbarrier.arrive $0xFFFF  }
0x34c: {  	_ =	strace $0x90000047  }
0x34d: {  	[bflag:$0x2] =	sbarrier.arrive $0xFFFF  }
0x34e: {  	s0 =	rddreg [dreg:$0x5]  }
0x34f: {  	s0 =	sadd.s32 @!p0 $0x100000, s0  }
0x350: {  	[sflag:s0] =	ssyncadd.tile.s32 @!p0 $0x1;
	_ =	shalt  }
.Lfunc_end2:
_tile_overlayer_lowered:
.L_overlay_start_2:
0x351: {  	(tag) =	ssettag $0x2  }
0x352: {  	s0 =	rddreg [dreg:$0x0];
	s2 =	stileid.u32  }
0x353: {  	s1 =	rddreg [dreg:$0x1];
	p0 =	sne.s32 s2, $0x0  }
0x354: {  	s3 =	rddreg [dreg:$0x2];
	[bflag:$0x3] =	sbarrier.arrive $0xFFFF;
	s2 =	simm.s32 @!p0 $0x1C04  }
0x355: {  	[timem:s3], [sflag:s2] =	dma.local @!p0 [hbm:s0], s1  }
0x356: {  	s0 =	simm.s32 @!p0 $0x4  }
0x357: {  	_ =	swait.ge @!p0 [sflag:s0], s1  }
0x358: {  	s1 =	ssub.s32 @!p0 $0x0, s1;
	[sflag:s0] =	ssyncset.done @!p0 $0x0  }
0x359: {  	[sflag:s0] =	ssyncadd.s32 @!p0 s1  }
0x35a: {  	[bflag:$0x3] =	sbarrier.arrive $0xFFFF  }
0x35b: {  	_ =	shalt  }

</sc_bundles>
